<compile_context>
chip_gen: v7x
topology: tpu7x:2x2x1
jax: 0.10.2.dev20260603
libtpu: 0.0.44.dev20260713+nightly
codegen_flags: <defaults>
</compile_context>

<pallas_src>
import functools

import jax
import jax.numpy as jnp
from jax import lax
from jax.experimental import pallas as pl
from jax.experimental.pallas import tpu as pltpu
from jax.experimental.pallas import tpu_sc as plsc

_B = 4096
_LG = 200
_LT = 400
_V = 1000
_D = 32
_H = 256
_OUT = 64
_W = 1024
_TSCALE = 4096.0

_NC = 2
_NS = 16
_LANES = 16
_NW = _NC * _NS
_RPW = _B // _NW
_R = 16
_NCHUNK = _RPW // _R
_GRP = 19


def _sc_histogram(gid, tid, nrows):
    mesh = plsc.VectorSubcoreMesh(core_axis_name="c", subcore_axis_name="s")
    rpw = nrows // _NW
    nchunk = rpw // _R

    @functools.partial(
        pl.kernel,
        mesh=mesh,
        compiler_params=pltpu.CompilerParams(needs_layout_passes=False),
        out_type=jax.ShapeDtypeStruct((8 * nrows * 128,), jnp.float32),
        scratch_types=[
            pltpu.VMEM((_R, _LG), jnp.int32),
            pltpu.VMEM((_R, _LG), jnp.int32),
            pltpu.VMEM((_R, _LT), jnp.int32),
            pltpu.VMEM((_R, _LT), jnp.int32),
            pltpu.VMEM((_R * _W,), jnp.float32),
            pltpu.VMEM((_R * _W,), jnp.float32),
            pltpu.SemaphoreType.DMA,
            pltpu.SemaphoreType.DMA,
            pltpu.SemaphoreType.DMA,
            pltpu.SemaphoreType.DMA,
            pltpu.SemaphoreType.DMA,
            pltpu.SemaphoreType.DMA,
        ],
    )
    def hist_kernel(gid_hbm, tid_hbm, out_hbm, gid_v0, gid_v1, tid_v0, tid_v1,
                    hist_v0, hist_v1, sg0, sg1, st0, st1, so0, so1):
        gids = (gid_v0, gid_v1)
        tids = (tid_v0, tid_v1)
        hists = (hist_v0, hist_v1)
        sgs = (sg0, sg1)
        sts = (st0, st1)
        sos = (so0, so1)
        wid = lax.axis_index("s") * _NC + lax.axis_index("c")
        base = wid * rpw
        ones = jnp.ones((_LANES,), jnp.float32)
        tval = jnp.full((_LANES,), _TSCALE, jnp.float32)
        lane = lax.iota(jnp.int32, _LANES)
        tailmask = lane >= (16 - _LG % 16)
        zero16 = jnp.zeros((16,), jnp.float32)

        def start_id_load(c, b):
            row0 = base + c * _R
            pltpu.async_copy(gid_hbm.at[pl.ds(row0, _R)], gids[b], sgs[b])
            pltpu.async_copy(tid_hbm.at[pl.ds(row0, _R)], tids[b], sts[b])

        def wait_id(b):
            pltpu.make_async_copy(
                gid_hbm.at[pl.ds(0, _R)], gids[b], sgs[b]).wait()
            pltpu.make_async_copy(
                tid_hbm.at[pl.ds(0, _R)], tids[b], sts[b]).wait()

        start_id_load(0, 0)
        start_id_load(1, 1)

        def outer_body(o, carry):
            for b in range(2):
                c = o * 2 + b
                row0 = base + c * _R
                hist_b = hists[b]
                gid_b = gids[b]
                tid_b = tids[b]

                @pl.when(c >= 2)
                def _wait_out():
                    for s in range(8):
                        pltpu.make_async_copy(
                            hist_b.at[pl.ds(0, _R * 128)],
                            out_hbm.at[pl.ds(0, _R * 128)], sos[b]).wait()

                def zero_body(j, carry2):
                    for k in range(16):
                        hist_b[pl.ds(j * 256 + k * 16, 16)] = zero16
                    return carry2

                lax.fori_loop(0, (_R * _W) // 256, zero_body, 0)

                wait_id(b)

                def row_body(r, carry2):
                    rb = jnp.full((_LANES,), r * 128, jnp.int32)
                    chunks = (
                        [(cc * 16, gid_b, ones, None)
                         for cc in range(_LG // 16)]
                        + [(_LG - 16, gid_b, ones, tailmask)]
                        + [(cc * 16, tid_b, tval, None)
                           for cc in range(_LT // 16)]
                    )
                    for i in range(0, len(chunks), _GRP):
                        grp = chunks[i:i + _GRP]
                        vals = [ref[r, pl.ds(off, 16)]
                                for off, ref, _, _ in grp]
                        idxs = [((v & 896) << 4) + (v & 127) + rb
                                for v in vals]
                        for idx, (_, _, val, msk) in zip(idxs, grp):
                            if msk is None:
                                plsc.addupdate_scatter(hist_b, [idx], val)
                            else:
                                plsc.addupdate_scatter(
                                    hist_b, [idx], val, mask=msk)
                    return carry2

                lax.fori_loop(0, _R, row_body, 0)

                @pl.when(c + 2 < nchunk)
                def _prefetch():
                    start_id_load(c + 2, b)

                for s in range(8):
                    pltpu.async_copy(
                        hist_b.at[pl.ds(s * _R * 128, _R * 128)],
                        out_hbm.at[pl.ds((s * nrows + row0) * 128, _R * 128)],
                        sos[b])
            return carry

        lax.fori_loop(0, nchunk // 2, outer_body, 0)

        for b in range(2):
            for s in range(8):
                pltpu.make_async_copy(
                    hists[b].at[pl.ds(0, _R * 128)],
                    out_hbm.at[pl.ds(0, _R * 128)], sos[b]).wait()

    return hist_kernel(gid, tid)


def _tc_towers(counts2, Tg2, Tt2, Wg1, bg1, Wg2, bg2, Wg3, bg3,
               Wt1, bt1, Wt2, bt2, Wt3, bt3):
    nrows = counts2.shape[1]
    BB = min(2048, nrows)
    NCT = _W // 128

    def body(c_ref, tg_ref, tt_ref, wg1, bg1r, wg2, bg2r, wg3, bg3r,
             wt1, bt1r, wt2, bt2r, wt3, bt3r, out_ref, x_s):
        ct = pl.program_id(1)
        v = c_ref[0]
        tc_cnt = jnp.floor(v * (1.0 / 4096.0))
        gc_cnt = v - tc_cnt * 4096.0
        p = (jnp.dot(gc_cnt.astype(jnp.bfloat16), tg_ref[...],
                     preferred_element_type=jnp.float32)
             + jnp.dot(tc_cnt.astype(jnp.bfloat16), tt_ref[...],
                       preferred_element_type=jnp.float32))

        @pl.when(ct == 0)
        def _init():
            x_s[...] = p

        @pl.when(ct > 0)
        def _acc():
            x_s[...] = x_s[...] + p

        @pl.when(ct == NCT - 1)
        def _finish():
            x = x_s[...]
            g = (x[:, 0:_D]
                 / jnp.maximum(x[:, _D:_D + 1], 1.0)).astype(jnp.bfloat16)
            t = (x[:, 64:64 + _D]
                 / jnp.maximum(x[:, 64 + _D:64 + _D + 1],
                               1.0)).astype(jnp.bfloat16)
            hg = jnp.maximum(
                jnp.dot(g, wg1[...], preferred_element_type=jnp.float32)
                + bg1r[...], 0.0).astype(jnp.bfloat16)
            hg = jnp.maximum(
                jnp.dot(hg, wg2[...], preferred_element_type=jnp.float32)
                + bg2r[...], 0.0).astype(jnp.bfloat16)
            gv = (jnp.dot(hg, wg3[...], preferred_element_type=jnp.float32)
                  + bg3r[...])
            ht = jnp.maximum(
                jnp.dot(t, wt1[...], preferred_element_type=jnp.float32)
                + bt1r[...], 0.0).astype(jnp.bfloat16)
            ht = jnp.maximum(
                jnp.dot(ht, wt2[...], preferred_element_type=jnp.float32)
                + bt2r[...], 0.0).astype(jnp.bfloat16)
            tv = (jnp.dot(ht, wt3[...], preferred_element_type=jnp.float32)
                  + bt3r[...])
            out_ref[...] = jax.nn.sigmoid(jnp.sum(gv * tv, axis=1))

    full = lambda shape: pl.BlockSpec(shape, lambda i, ct: (0,) * len(shape))
    return pl.pallas_call(
        body,
        grid=(nrows // BB, NCT),
        in_specs=[
            pl.BlockSpec((1, BB, 128), lambda i, ct: (ct, i, 0)),
            pl.BlockSpec((128, 128), lambda i, ct: (ct, 0)),
            pl.BlockSpec((128, 128), lambda i, ct: (ct, 0)),
            full((_D, _H)), full((1, _H)),
            full((_H, _H)), full((1, _H)),
            full((_H, _OUT)), full((1, _OUT)),
            full((_D, _H)), full((1, _H)),
            full((_H, _H)), full((1, _H)),
            full((_H, _OUT)), full((1, _OUT)),
        ],
        out_specs=pl.BlockSpec((BB,), lambda i, ct: (i,)),
        out_shape=jax.ShapeDtypeStruct((nrows,), jnp.float32),
        scratch_shapes=[pltpu.VMEM((BB, 128), jnp.float32)],
    )(counts2, Tg2.astype(jnp.bfloat16), Tt2.astype(jnp.bfloat16),
      Wg1.astype(jnp.bfloat16), bg1.reshape(1, _H),
      Wg2.astype(jnp.bfloat16), bg2.reshape(1, _H),
      Wg3.astype(jnp.bfloat16), bg3.reshape(1, _OUT),
      Wt1.astype(jnp.bfloat16), bt1.reshape(1, _H),
      Wt2.astype(jnp.bfloat16), bt2.reshape(1, _H),
      Wt3.astype(jnp.bfloat16), bt3.reshape(1, _OUT))


def kernel(group_ids, tech_ids, Eg, Et, Wg1, bg1, Wg2, bg2, Wg3, bg3,
           Wt1, bt1, Wt2, bt2, Wt3, bt3):
    nsplit = 2
    qr = _B // nsplit
    counts_q = [
        _sc_histogram(group_ids[i * qr:(i + 1) * qr],
                      tech_ids[i * qr:(i + 1) * qr], qr)
        for i in range(nsplit)
    ]

    m = (jnp.arange(_V) != 0).astype(jnp.float32)[:, None]
    z = jnp.zeros((_V, 1), jnp.float32)
    tg = jnp.concatenate(
        [Eg * m, m] + [z] * (128 - _D - 1), axis=1)
    tt = jnp.concatenate(
        [z] * 64 + [Et * m, m] + [z] * (128 - 64 - _D - 1), axis=1)
    Tg = jnp.pad(tg, ((0, _W - _V), (0, 0)))
    Tt = jnp.pad(tt, ((0, _W - _V), (0, 0)))

    outs = [
        _tc_towers(c.reshape(8, c.shape[0] // (8 * 128), 128), Tg, Tt,
                   Wg1, bg1, Wg2, bg2, Wg3, bg3,
                   Wt1, bt1, Wt2, bt2, Wt3, bt3)
        for c in counts_q
    ]
    return jnp.concatenate(outs, axis=0)

# --- scband reference (transcript-rebuilt; emitter-appended) ---
"""Pipeline reference for scband-model1-59837484368527 (READ-ONLY COPY).

The authoritative reference and input builder live on the scoring server;
editing this copy changes nothing except your own understanding.
"""

import jax, jax.numpy as jnp
import numpy as np

B = 4096
LG = 200
LT = 400
V = 1000
D = 32
H = 256
OUT = 64

def _he(key, shape):
    fan_in = shape[0]
    return jax.random.normal(key, shape, dtype=jnp.float32) * np.sqrt(2.0 / fan_in)

def setup_inputs(seed: int = 0):
    key = jax.random.key(seed)
    ks = jax.random.split(key, 18)
    inp = {}
    inp['group_ids'] = jax.random.randint(ks[0], (B, LG), 0, V, dtype=jnp.int32)
    inp['tech_ids'] = jax.random.randint(ks[1], (B, LT), 0, V, dtype=jnp.int32)
    inp['Eg'] = jax.random.normal(ks[2], (V, D), dtype=jnp.float32) * 0.05
    inp['Et'] = jax.random.normal(ks[3], (V, D), dtype=jnp.float32) * 0.05
    inp['Wg1'] = _he(ks[4], (D, H)); inp['bg1'] = jnp.zeros((H,), jnp.float32)
    inp['Wg2'] = _he(ks[5], (H, H)); inp['bg2'] = jnp.zeros((H,), jnp.float32)
    inp['Wg3'] = _he(ks[6], (H, OUT)); inp['bg3'] = jnp.zeros((OUT,), jnp.float32)
    inp['Wt1'] = _he(ks[7], (D, H)); inp['bt1'] = jnp.zeros((H,), jnp.float32)
    inp['Wt2'] = _he(ks[8], (H, H)); inp['bt2'] = jnp.zeros((H,), jnp.float32)
    inp['Wt3'] = _he(ks[9], (H, OUT)); inp['bt3'] = jnp.zeros((OUT,), jnp.float32)
    return inp

def _masked_mean(emb, ids):
    mask = (ids != 0).astype(emb.dtype)[:, :, None]
    s = jnp.sum(emb * mask, axis=1)
    c = jnp.maximum(jnp.sum(mask, axis=1), 1.0)
    return s / c

def _mlp(x, W1, b1, W2, b2, W3, b3):
    h = jax.nn.relu(x @ W1 + b1)
    h = jax.nn.relu(h @ W2 + b2)
    return h @ W3 + b3

def reference(group_ids, tech_ids, Eg, Et, Wg1, bg1, Wg2, bg2, Wg3, bg3, Wt1, bt1, Wt2, bt2, Wt3, bt3):
    # TextVectorization modeled as precomputed padded int ids (0 = pad/mask value)
    ge = jnp.take(Eg, group_ids, axis=0)
    te = jnp.take(Et, tech_ids, axis=0)
    g = _masked_mean(ge, group_ids)
    t = _masked_mean(te, tech_ids)
    gv = _mlp(g, Wg1, bg1, Wg2, bg2, Wg3, bg3)   # group tower (customNN_2, depth=2, width=256, out=64)
    tv = _mlp(t, Wt1, bt1, Wt2, bt2, Wt3, bt3)   # technique tower
    return jax.nn.sigmoid(jnp.sum(gv * tv, axis=-1))

if __name__ == "__main__":
    import jax
    _d = setup_inputs()
    print(jax.jit(kernel)(*tuple(_d.values())))

</pallas_src>

<mosaic_0001>
#map = affine_map<(d0, d1) -> (0, 0)>
#map1 = affine_map<(d0, d1) -> (0)>
module attributes {stable_mosaic.version = 14 : i64} {
  func.func @hist_kernel(%arg0: i32, %arg1: i32, %arg2: memref<2048x200xi32, #tpu.memory_space<hbm>>, %arg3: memref<2048x400xi32, #tpu.memory_space<hbm>>, %arg4: memref<2097152xf32, #tpu.memory_space<hbm>>, %arg5: memref<16x200xi32, #tpu.memory_space<vmem>>, %arg6: memref<16x200xi32, #tpu.memory_space<vmem>>, %arg7: memref<16x400xi32, #tpu.memory_space<vmem>>, %arg8: memref<16x400xi32, #tpu.memory_space<vmem>>, %arg9: memref<16384xf32, #tpu.memory_space<vmem>>, %arg10: memref<16384xf32, #tpu.memory_space<vmem>>, %arg11: memref<!tpu.dma_semaphore, #tpu.memory_space<semaphore_mem>>, %arg12: memref<!tpu.dma_semaphore, #tpu.memory_space<semaphore_mem>>, %arg13: memref<!tpu.dma_semaphore, #tpu.memory_space<semaphore_mem>>, %arg14: memref<!tpu.dma_semaphore, #tpu.memory_space<semaphore_mem>>, %arg15: memref<!tpu.dma_semaphore, #tpu.memory_space<semaphore_mem>>, %arg16: memref<!tpu.dma_semaphore, #tpu.memory_space<semaphore_mem>>) attributes {dimension_semantics = [#tpu.dimension_semantics<core_parallel>, #tpu.dimension_semantics<subcore_parallel>], iteration_bounds = array<i64: 2, 16>, scalar_prefetch = 0 : i64, scratch_operands = 12 : i64, tpu.core_type = #tpu.core_type<sc_vector_subcore>, window_params = [{transform_indices = #map}, {transform_indices = #map}, {transform_indices = #map1}]} {
    %mul3A = arith.constant 2 : i32
    %mul3A_0 = arith.muli %arg1, %mul3A : i32
    %add3A = arith.addi %mul3A_0, %arg0 : i32
    %mul3A_1 = arith.constant 64 : i32
    %mul3A_2 = arith.muli %add3A, %mul3A_1 : i32
    %broadcast_in_dim3A = arith.constant 1.000000e+00 : f32
    %broadcast_in_dim3A_3 = vector.broadcast %broadcast_in_dim3A : f32 to vector<16xf32>
    %broadcast_in_dim3A_4 = arith.constant 4.096000e+03 : f32
    %broadcast_in_dim3A_5 = vector.broadcast %broadcast_in_dim3A_4 : f32 to vector<16xf32>
    %iota3A = tpu.iota {dimensions = array<i32: 0>} : vector<16xi32>
    %ge3A = arith.constant 8 : i32
    %ge3A_6 = vector.broadcast %ge3A : i32 to vector<16xi32>
    %ge3A_7 = arith.cmpi sge, %iota3A, %ge3A_6 : vector<16xi32>
    %broadcast_in_dim3A_8 = arith.constant 0.000000e+00 : f32
    %broadcast_in_dim3A_9 = vector.broadcast %broadcast_in_dim3A_8 : f32 to vector<16xf32>
    %add3A_10 = arith.constant 0 : i32
    %add3A_11 = arith.addi %mul3A_2, %add3A_10 : i32
    %dma_start3A = arith.constant 0 : i32
    %dma_start3A_12 = tpu.memref_slice %arg2[%add3A_11, %dma_start3A] : memref<2048x200xi32, #tpu.memory_space<hbm>> -> memref<16x200xi32, #tpu.memory_space<hbm>>
    %dma_start3A_13 = arith.constant 0 : i32
    %dma_start3A_14 = tpu.memref_slice %arg2[%add3A_11, %dma_start3A_13] : memref<2048x200xi32, #tpu.memory_space<hbm>> -> memref<16x200xi32, #tpu.memory_space<hbm>>
    tpu.enqueue_dma source(%dma_start3A_14 : memref<16x200xi32, #tpu.memory_space<hbm>>) target(%arg5 : memref<16x200xi32, #tpu.memory_space<vmem>>) target_semaphore(%arg11 : memref<!tpu.dma_semaphore, #tpu.memory_space<semaphore_mem>>)
    %dma_start3A_15 = arith.constant 0 : i32
    %dma_start3A_16 = tpu.memref_slice %arg3[%add3A_11, %dma_start3A_15] : memref<2048x400xi32, #tpu.memory_space<hbm>> -> memref<16x400xi32, #tpu.memory_space<hbm>>
    %dma_start3A_17 = arith.constant 0 : i32
    %dma_start3A_18 = tpu.memref_slice %arg3[%add3A_11, %dma_start3A_17] : memref<2048x400xi32, #tpu.memory_space<hbm>> -> memref<16x400xi32, #tpu.memory_space<hbm>>
    tpu.enqueue_dma source(%dma_start3A_18 : memref<16x400xi32, #tpu.memory_space<hbm>>) target(%arg7 : memref<16x400xi32, #tpu.memory_space<vmem>>) target_semaphore(%arg13 : memref<!tpu.dma_semaphore, #tpu.memory_space<semaphore_mem>>)
    %add3A_19 = arith.constant 16 : i32
    %add3A_20 = arith.addi %mul3A_2, %add3A_19 : i32
    %dma_start3A_21 = arith.constant 0 : i32
    %dma_start3A_22 = tpu.memref_slice %arg2[%add3A_20, %dma_start3A_21] : memref<2048x200xi32, #tpu.memory_space<hbm>> -> memref<16x200xi32, #tpu.memory_space<hbm>>
    %dma_start3A_23 = arith.constant 0 : i32
    %dma_start3A_24 = tpu.memref_slice %arg2[%add3A_20, %dma_start3A_23] : memref<2048x200xi32, #tpu.memory_space<hbm>> -> memref<16x200xi32, #tpu.memory_space<hbm>>
    tpu.enqueue_dma source(%dma_start3A_24 : memref<16x200xi32, #tpu.memory_space<hbm>>) target(%arg6 : memref<16x200xi32, #tpu.memory_space<vmem>>) target_semaphore(%arg12 : memref<!tpu.dma_semaphore, #tpu.memory_space<semaphore_mem>>)
    %dma_start3A_25 = arith.constant 0 : i32
    %dma_start3A_26 = tpu.memref_slice %arg3[%add3A_20, %dma_start3A_25] : memref<2048x400xi32, #tpu.memory_space<hbm>> -> memref<16x400xi32, #tpu.memory_space<hbm>>
    %dma_start3A_27 = arith.constant 0 : i32
    %dma_start3A_28 = tpu.memref_slice %arg3[%add3A_20, %dma_start3A_27] : memref<2048x400xi32, #tpu.memory_space<hbm>> -> memref<16x400xi32, #tpu.memory_space<hbm>>
    tpu.enqueue_dma source(%dma_start3A_28 : memref<16x400xi32, #tpu.memory_space<hbm>>) target(%arg8 : memref<16x400xi32, #tpu.memory_space<vmem>>) target_semaphore(%arg14 : memref<!tpu.dma_semaphore, #tpu.memory_space<semaphore_mem>>)
    %scan3A = arith.constant 0 : i32
    %scan3A_29 = arith.constant 0 : i32
    %scan3A_30 = arith.constant 2 : i32
    %scan3A_31 = arith.addi %scan3A_29, %scan3A_30 : i32
    %scan3A_32 = arith.constant 1 : i32
    scf.for %scan3A_161 = %scan3A_29 to %scan3A_31 step %scan3A_32  : i32 {
      %mul3A_162 = arith.constant 2 : i32
      %mul3A_163 = arith.muli %scan3A_161, %mul3A_162 : i32
      %add3A_164 = arith.constant 0 : i32
      %add3A_165 = arith.addi %mul3A_163, %add3A_164 : i32
      %mul3A_166 = arith.constant 16 : i32
      %mul3A_167 = arith.muli %add3A_165, %mul3A_166 : i32
      %add3A_168 = arith.addi %mul3A_2, %mul3A_167 : i32
      %ge3A_169 = arith.constant 2 : i32
      %ge3A_170 = arith.cmpi sge, %add3A_165, %ge3A_169 : i32
      %convert_element_type3A = arith.extui %ge3A_170 : i1 to i32
      %cond3A = arith.constant 0 : i32
      %cond3A_171 = arith.cmpi ne, %convert_element_type3A, %cond3A : i32
      scf.if %cond3A_171 {
        %dma_wait3A_405 = arith.constant 0 : i32
        %dma_wait3A_406 = tpu.memref_slice %arg9[%dma_wait3A_405] : memref<16384xf32, #tpu.memory_space<vmem>> -> memref<2048xf32, #tpu.memory_space<vmem>>
        %dma_wait3A_407 = arith.constant 0 : i32
        %dma_wait3A_408 = tpu.memref_slice %arg4[%dma_wait3A_407] : memref<2097152xf32, #tpu.memory_space<hbm>> -> memref<2048xf32, #tpu.memory_space<hbm>>
        %dma_wait3A_409 = arith.constant 0 : i32
        %dma_wait3A_410 = tpu.memref_slice %arg4[%dma_wait3A_409] : memref<2097152xf32, #tpu.memory_space<hbm>> -> memref<2048xf32, #tpu.memory_space<hbm>>
        %dma_wait3A_411 = arith.constant 0 : i32
        %dma_wait3A_412 = tpu.memref_slice %arg9[%dma_wait3A_411] : memref<16384xf32, #tpu.memory_space<vmem>> -> memref<2048xf32, #tpu.memory_space<vmem>>
        tpu.wait_dma2 semaphore(%arg15 : memref<!tpu.dma_semaphore, #tpu.memory_space<semaphore_mem>>) src(%dma_wait3A_412 : memref<2048xf32, #tpu.memory_space<vmem>>) dst(%dma_wait3A_410 : memref<2048xf32, #tpu.memory_space<hbm>>)
        %dma_wait3A_413 = arith.constant 0 : i32
        %dma_wait3A_414 = tpu.memref_slice %arg9[%dma_wait3A_413] : memref<16384xf32, #tpu.memory_space<vmem>> -> memref<2048xf32, #tpu.memory_space<vmem>>
        %dma_wait3A_415 = arith.constant 0 : i32
        %dma_wait3A_416 = tpu.memref_slice %arg4[%dma_wait3A_415] : memref<2097152xf32, #tpu.memory_space<hbm>> -> memref<2048xf32, #tpu.memory_space<hbm>>
        %dma_wait3A_417 = arith.constant 0 : i32
        %dma_wait3A_418 = tpu.memref_slice %arg4[%dma_wait3A_417] : memref<2097152xf32, #tpu.memory_space<hbm>> -> memref<2048xf32, #tpu.memory_space<hbm>>
        %dma_wait3A_419 = arith.constant 0 : i32
        %dma_wait3A_420 = tpu.memref_slice %arg9[%dma_wait3A_419] : memref<16384xf32, #tpu.memory_space<vmem>> -> memref<2048xf32, #tpu.memory_space<vmem>>
        tpu.wait_dma2 semaphore(%arg15 : memref<!tpu.dma_semaphore, #tpu.memory_space<semaphore_mem>>) src(%dma_wait3A_420 : memref<2048xf32, #tpu.memory_space<vmem>>) dst(%dma_wait3A_418 : memref<2048xf32, #tpu.memory_space<hbm>>)
        %dma_wait3A_421 = arith.constant 0 : i32
        %dma_wait3A_422 = tpu.memref_slice %arg9[%dma_wait3A_421] : memref<16384xf32, #tpu.memory_space<vmem>> -> memref<2048xf32, #tpu.memory_space<vmem>>
        %dma_wait3A_423 = arith.constant 0 : i32
        %dma_wait3A_424 = tpu.memref_slice %arg4[%dma_wait3A_423] : memref<2097152xf32, #tpu.memory_space<hbm>> -> memref<2048xf32, #tpu.memory_space<hbm>>
        %dma_wait3A_425 = arith.constant 0 : i32
        %dma_wait3A_426 = tpu.memref_slice %arg4[%dma_wait3A_425] : memref<2097152xf32, #tpu.memory_space<hbm>> -> memref<2048xf32, #tpu.memory_space<hbm>>
        %dma_wait3A_427 = arith.constant 0 : i32
        %dma_wait3A_428 = tpu.memref_slice %arg9[%dma_wait3A_427] : memref<16384xf32, #tpu.memory_space<vmem>> -> memref<2048xf32, #tpu.memory_space<vmem>>
        tpu.wait_dma2 semaphore(%arg15 : memref<!tpu.dma_semaphore, #tpu.memory_space<semaphore_mem>>) src(%dma_wait3A_428 : memref<2048xf32, #tpu.memory_space<vmem>>) dst(%dma_wait3A_426 : memref<2048xf32, #tpu.memory_space<hbm>>)
        %dma_wait3A_429 = arith.constant 0 : i32
        %dma_wait3A_430 = tpu.memref_slice %arg9[%dma_wait3A_429] : memref<16384xf32, #tpu.memory_space<vmem>> -> memref<2048xf32, #tpu.memory_space<vmem>>
        %dma_wait3A_431 = arith.constant 0 : i32
        %dma_wait3A_432 = tpu.memref_slice %arg4[%dma_wait3A_431] : memref<2097152xf32, #tpu.memory_space<hbm>> -> memref<2048xf32, #tpu.memory_space<hbm>>
        %dma_wait3A_433 = arith.constant 0 : i32
        %dma_wait3A_434 = tpu.memref_slice %arg4[%dma_wait3A_433] : memref<2097152xf32, #tpu.memory_space<hbm>> -> memref<2048xf32, #tpu.memory_space<hbm>>
        %dma_wait3A_435 = arith.constant 0 : i32
        %dma_wait3A_436 = tpu.memref_slice %arg9[%dma_wait3A_435] : memref<16384xf32, #tpu.memory_space<vmem>> -> memref<2048xf32, #tpu.memory_space<vmem>>
        tpu.wait_dma2 semaphore(%arg15 : memref<!tpu.dma_semaphore, #tpu.memory_space<semaphore_mem>>) src(%dma_wait3A_436 : memref<2048xf32, #tpu.memory_space<vmem>>) dst(%dma_wait3A_434 : memref<2048xf32, #tpu.memory_space<hbm>>)
        %dma_wait3A_437 = arith.constant 0 : i32
        %dma_wait3A_438 = tpu.memref_slice %arg9[%dma_wait3A_437] : memref<16384xf32, #tpu.memory_space<vmem>> -> memref<2048xf32, #tpu.memory_space<vmem>>
        %dma_wait3A_439 = arith.constant 0 : i32
        %dma_wait3A_440 = tpu.memref_slice %arg4[%dma_wait3A_439] : memref<2097152xf32, #tpu.memory_space<hbm>> -> memref<2048xf32, #tpu.memory_space<hbm>>
        %dma_wait3A_441 = arith.constant 0 : i32
        %dma_wait3A_442 = tpu.memref_slice %arg4[%dma_wait3A_441] : memref<2097152xf32, #tpu.memory_space<hbm>> -> memref<2048xf32, #tpu.memory_space<hbm>>
        %dma_wait3A_443 = arith.constant 0 : i32
        %dma_wait3A_444 = tpu.memref_slice %arg9[%dma_wait3A_443] : memref<16384xf32, #tpu.memory_space<vmem>> -> memref<2048xf32, #tpu.memory_space<vmem>>
        tpu.wait_dma2 semaphore(%arg15 : memref<!tpu.dma_semaphore, #tpu.memory_space<semaphore_mem>>) src(%dma_wait3A_444 : memref<2048xf32, #tpu.memory_space<vmem>>) dst(%dma_wait3A_442 : memref<2048xf32, #tpu.memory_space<hbm>>)
        %dma_wait3A_445 = arith.constant 0 : i32
        %dma_wait3A_446 = tpu.memref_slice %arg9[%dma_wait3A_445] : memref<16384xf32, #tpu.memory_space<vmem>> -> memref<2048xf32, #tpu.memory_space<vmem>>
        %dma_wait3A_447 = arith.constant 0 : i32
        %dma_wait3A_448 = tpu.memref_slice %arg4[%dma_wait3A_447] : memref<2097152xf32, #tpu.memory_space<hbm>> -> memref<2048xf32, #tpu.memory_space<hbm>>
        %dma_wait3A_449 = arith.constant 0 : i32
        %dma_wait3A_450 = tpu.memref_slice %arg4[%dma_wait3A_449] : memref<2097152xf32, #tpu.memory_space<hbm>> -> memref<2048xf32, #tpu.memory_space<hbm>>
        %dma_wait3A_451 = arith.constant 0 : i32
        %dma_wait3A_452 = tpu.memref_slice %arg9[%dma_wait3A_451] : memref<16384xf32, #tpu.memory_space<vmem>> -> memref<2048xf32, #tpu.memory_space<vmem>>
        tpu.wait_dma2 semaphore(%arg15 : memref<!tpu.dma_semaphore, #tpu.memory_space<semaphore_mem>>) src(%dma_wait3A_452 : memref<2048xf32, #tpu.memory_space<vmem>>) dst(%dma_wait3A_450 : memref<2048xf32, #tpu.memory_space<hbm>>)
        %dma_wait3A_453 = arith.constant 0 : i32
        %dma_wait3A_454 = tpu.memref_slice %arg9[%dma_wait3A_453] : memref<16384xf32, #tpu.memory_space<vmem>> -> memref<2048xf32, #tpu.memory_space<vmem>>
        %dma_wait3A_455 = arith.constant 0 : i32
        %dma_wait3A_456 = tpu.memref_slice %arg4[%dma_wait3A_455] : memref<2097152xf32, #tpu.memory_space<hbm>> -> memref<2048xf32, #tpu.memory_space<hbm>>
        %dma_wait3A_457 = arith.constant 0 : i32
        %dma_wait3A_458 = tpu.memref_slice %arg4[%dma_wait3A_457] : memref<2097152xf32, #tpu.memory_space<hbm>> -> memref<2048xf32, #tpu.memory_space<hbm>>
        %dma_wait3A_459 = arith.constant 0 : i32
        %dma_wait3A_460 = tpu.memref_slice %arg9[%dma_wait3A_459] : memref<16384xf32, #tpu.memory_space<vmem>> -> memref<2048xf32, #tpu.memory_space<vmem>>
        tpu.wait_dma2 semaphore(%arg15 : memref<!tpu.dma_semaphore, #tpu.memory_space<semaphore_mem>>) src(%dma_wait3A_460 : memref<2048xf32, #tpu.memory_space<vmem>>) dst(%dma_wait3A_458 : memref<2048xf32, #tpu.memory_space<hbm>>)
        %dma_wait3A_461 = arith.constant 0 : i32
        %dma_wait3A_462 = tpu.memref_slice %arg9[%dma_wait3A_461] : memref<16384xf32, #tpu.memory_space<vmem>> -> memref<2048xf32, #tpu.memory_space<vmem>>
        %dma_wait3A_463 = arith.constant 0 : i32
        %dma_wait3A_464 = tpu.memref_slice %arg4[%dma_wait3A_463] : memref<2097152xf32, #tpu.memory_space<hbm>> -> memref<2048xf32, #tpu.memory_space<hbm>>
        %dma_wait3A_465 = arith.constant 0 : i32
        %dma_wait3A_466 = tpu.memref_slice %arg4[%dma_wait3A_465] : memref<2097152xf32, #tpu.memory_space<hbm>> -> memref<2048xf32, #tpu.memory_space<hbm>>
        %dma_wait3A_467 = arith.constant 0 : i32
        %dma_wait3A_468 = tpu.memref_slice %arg9[%dma_wait3A_467] : memref<16384xf32, #tpu.memory_space<vmem>> -> memref<2048xf32, #tpu.memory_space<vmem>>
        tpu.wait_dma2 semaphore(%arg15 : memref<!tpu.dma_semaphore, #tpu.memory_space<semaphore_mem>>) src(%dma_wait3A_468 : memref<2048xf32, #tpu.memory_space<vmem>>) dst(%dma_wait3A_466 : memref<2048xf32, #tpu.memory_space<hbm>>)
      } else {
      }
      %scan3A_172 = arith.constant 0 : i32
      %scan3A_173 = arith.constant 0 : i32
      %scan3A_174 = arith.constant 64 : i32
      %scan3A_175 = arith.addi %scan3A_173, %scan3A_174 : i32
      %scan3A_176 = arith.constant 1 : i32
      scf.for %scan3A_405 = %scan3A_173 to %scan3A_175 step %scan3A_176  : i32 {
        %mul3A_406 = arith.constant 256 : i32
        %mul3A_407 = arith.muli %scan3A_405, %mul3A_406 : i32
        %add3A_408 = arith.constant 0 : i32
        %add3A_409 = arith.addi %mul3A_407, %add3A_408 : i32
        %swap3A = arith.index_cast %add3A_409 : i32 to index
        %swap3A_410 = tpu.vector_load %arg9[%swap3A] {strides = array<i32>} : memref<16384xf32, #tpu.memory_space<vmem>>, vector<16xf32>,
        tpu.vector_store %arg9[%swap3A], %broadcast_in_dim3A_9 {strides = array<i32>} : memref<16384xf32, #tpu.memory_space<vmem>>, vector<16xf32>,
        %mul3A_411 = arith.constant 256 : i32
        %mul3A_412 = arith.muli %scan3A_405, %mul3A_411 : i32
        %add3A_413 = arith.constant 16 : i32
        %add3A_414 = arith.addi %mul3A_412, %add3A_413 : i32
        %swap3A_415 = arith.index_cast %add3A_414 : i32 to index
        %swap3A_416 = tpu.vector_load %arg9[%swap3A_415] {strides = array<i32>} : memref<16384xf32, #tpu.memory_space<vmem>>, vector<16xf32>,
        tpu.vector_store %arg9[%swap3A_415], %broadcast_in_dim3A_9 {strides = array<i32>} : memref<16384xf32, #tpu.memory_space<vmem>>, vector<16xf32>,
        %mul3A_417 = arith.constant 256 : i32
        %mul3A_418 = arith.muli %scan3A_405, %mul3A_417 : i32
        %add3A_419 = arith.constant 32 : i32
        %add3A_420 = arith.addi %mul3A_418, %add3A_419 : i32
        %swap3A_421 = arith.index_cast %add3A_420 : i32 to index
        %swap3A_422 = tpu.vector_load %arg9[%swap3A_421] {strides = array<i32>} : memref<16384xf32, #tpu.memory_space<vmem>>, vector<16xf32>,
        tpu.vector_store %arg9[%swap3A_421], %broadcast_in_dim3A_9 {strides = array<i32>} : memref<16384xf32, #tpu.memory_space<vmem>>, vector<16xf32>,
        %mul3A_423 = arith.constant 256 : i32
        %mul3A_424 = arith.muli %scan3A_405, %mul3A_423 : i32
        %add3A_425 = arith.constant 48 : i32
        %add3A_426 = arith.addi %mul3A_424, %add3A_425 : i32
        %swap3A_427 = arith.index_cast %add3A_426 : i32 to index
        %swap3A_428 = tpu.vector_load %arg9[%swap3A_427] {strides = array<i32>} : memref<16384xf32, #tpu.memory_space<vmem>>, vector<16xf32>,
        tpu.vector_store %arg9[%swap3A_427], %broadcast_in_dim3A_9 {strides = array<i32>} : memref<16384xf32, #tpu.memory_space<vmem>>, vector<16xf32>,
        %mul3A_429 = arith.constant 256 : i32
        %mul3A_430 = arith.muli %scan3A_405, %mul3A_429 : i32
        %add3A_431 = arith.constant 64 : i32
        %add3A_432 = arith.addi %mul3A_430, %add3A_431 : i32
        %swap3A_433 = arith.index_cast %add3A_432 : i32 to index
        %swap3A_434 = tpu.vector_load %arg9[%swap3A_433] {strides = array<i32>} : memref<16384xf32, #tpu.memory_space<vmem>>, vector<16xf32>,
        tpu.vector_store %arg9[%swap3A_433], %broadcast_in_dim3A_9 {strides = array<i32>} : memref<16384xf32, #tpu.memory_space<vmem>>, vector<16xf32>,
        %mul3A_435 = arith.constant 256 : i32
        %mul3A_436 = arith.muli %scan3A_405, %mul3A_435 : i32
        %add3A_437 = arith.constant 80 : i32
        %add3A_438 = arith.addi %mul3A_436, %add3A_437 : i32
        %swap3A_439 = arith.index_cast %add3A_438 : i32 to index
        %swap3A_440 = tpu.vector_load %arg9[%swap3A_439] {strides = array<i32>} : memref<16384xf32, #tpu.memory_space<vmem>>, vector<16xf32>,
        tpu.vector_store %arg9[%swap3A_439], %broadcast_in_dim3A_9 {strides = array<i32>} : memref<16384xf32, #tpu.memory_space<vmem>>, vector<16xf32>,
        %mul3A_441 = arith.constant 256 : i32
        %mul3A_442 = arith.muli %scan3A_405, %mul3A_441 : i32
        %add3A_443 = arith.constant 96 : i32
        %add3A_444 = arith.addi %mul3A_442, %add3A_443 : i32
        %swap3A_445 = arith.index_cast %add3A_444 : i32 to index
        %swap3A_446 = tpu.vector_load %arg9[%swap3A_445] {strides = array<i32>} : memref<16384xf32, #tpu.memory_space<vmem>>, vector<16xf32>,
        tpu.vector_store %arg9[%swap3A_445], %broadcast_in_dim3A_9 {strides = array<i32>} : memref<16384xf32, #tpu.memory_space<vmem>>, vector<16xf32>,
        %mul3A_447 = arith.constant 256 : i32
        %mul3A_448 = arith.muli %scan3A_405, %mul3A_447 : i32
        %add3A_449 = arith.constant 112 : i32
        %add3A_450 = arith.addi %mul3A_448, %add3A_449 : i32
        %swap3A_451 = arith.index_cast %add3A_450 : i32 to index
        %swap3A_452 = tpu.vector_load %arg9[%swap3A_451] {strides = array<i32>} : memref<16384xf32, #tpu.memory_space<vmem>>, vector<16xf32>,
        tpu.vector_store %arg9[%swap3A_451], %broadcast_in_dim3A_9 {strides = array<i32>} : memref<16384xf32, #tpu.memory_space<vmem>>, vector<16xf32>,
        %mul3A_453 = arith.constant 256 : i32
        %mul3A_454 = arith.muli %scan3A_405, %mul3A_453 : i32
        %add3A_455 = arith.constant 128 : i32
        %add3A_456 = arith.addi %mul3A_454, %add3A_455 : i32
        %swap3A_457 = arith.index_cast %add3A_456 : i32 to index
        %swap3A_458 = tpu.vector_load %arg9[%swap3A_457] {strides = array<i32>} : memref<16384xf32, #tpu.memory_space<vmem>>, vector<16xf32>,
        tpu.vector_store %arg9[%swap3A_457], %broadcast_in_dim3A_9 {strides = array<i32>} : memref<16384xf32, #tpu.memory_space<vmem>>, vector<16xf32>,
        %mul3A_459 = arith.constant 256 : i32
        %mul3A_460 = arith.muli %scan3A_405, %mul3A_459 : i32
        %add3A_461 = arith.constant 144 : i32
        %add3A_462 = arith.addi %mul3A_460, %add3A_461 : i32
        %swap3A_463 = arith.index_cast %add3A_462 : i32 to index
        %swap3A_464 = tpu.vector_load %arg9[%swap3A_463] {strides = array<i32>} : memref<16384xf32, #tpu.memory_space<vmem>>, vector<16xf32>,
        tpu.vector_store %arg9[%swap3A_463], %broadcast_in_dim3A_9 {strides = array<i32>} : memref<16384xf32, #tpu.memory_space<vmem>>, vector<16xf32>,
        %mul3A_465 = arith.constant 256 : i32
        %mul3A_466 = arith.muli %scan3A_405, %mul3A_465 : i32
        %add3A_467 = arith.constant 160 : i32
        %add3A_468 = arith.addi %mul3A_466, %add3A_467 : i32
        %swap3A_469 = arith.index_cast %add3A_468 : i32 to index
        %swap3A_470 = tpu.vector_load %arg9[%swap3A_469] {strides = array<i32>} : memref<16384xf32, #tpu.memory_space<vmem>>, vector<16xf32>,
        tpu.vector_store %arg9[%swap3A_469], %broadcast_in_dim3A_9 {strides = array<i32>} : memref<16384xf32, #tpu.memory_space<vmem>>, vector<16xf32>,
        %mul3A_471 = arith.constant 256 : i32
        %mul3A_472 = arith.muli %scan3A_405, %mul3A_471 : i32
        %add3A_473 = arith.constant 176 : i32
        %add3A_474 = arith.addi %mul3A_472, %add3A_473 : i32
        %swap3A_475 = arith.index_cast %add3A_474 : i32 to index
        %swap3A_476 = tpu.vector_load %arg9[%swap3A_475] {strides = array<i32>} : memref<16384xf32, #tpu.memory_space<vmem>>, vector<16xf32>,
        tpu.vector_store %arg9[%swap3A_475], %broadcast_in_dim3A_9 {strides = array<i32>} : memref<16384xf32, #tpu.memory_space<vmem>>, vector<16xf32>,
        %mul3A_477 = arith.constant 256 : i32
        %mul3A_478 = arith.muli %scan3A_405, %mul3A_477 : i32
        %add3A_479 = arith.constant 192 : i32
        %add3A_480 = arith.addi %mul3A_478, %add3A_479 : i32
        %swap3A_481 = arith.index_cast %add3A_480 : i32 to index
        %swap3A_482 = tpu.vector_load %arg9[%swap3A_481] {strides = array<i32>} : memref<16384xf32, #tpu.memory_space<vmem>>, vector<16xf32>,
        tpu.vector_store %arg9[%swap3A_481], %broadcast_in_dim3A_9 {strides = array<i32>} : memref<16384xf32, #tpu.memory_space<vmem>>, vector<16xf32>,
        %mul3A_483 = arith.constant 256 : i32
        %mul3A_484 = arith.muli %scan3A_405, %mul3A_483 : i32
        %add3A_485 = arith.constant 208 : i32
        %add3A_486 = arith.addi %mul3A_484, %add3A_485 : i32
        %swap3A_487 = arith.index_cast %add3A_486 : i32 to index
        %swap3A_488 = tpu.vector_load %arg9[%swap3A_487] {strides = array<i32>} : memref<16384xf32, #tpu.memory_space<vmem>>, vector<16xf32>,
        tpu.vector_store %arg9[%swap3A_487], %broadcast_in_dim3A_9 {strides = array<i32>} : memref<16384xf32, #tpu.memory_space<vmem>>, vector<16xf32>,
        %mul3A_489 = arith.constant 256 : i32
        %mul3A_490 = arith.muli %scan3A_405, %mul3A_489 : i32
        %add3A_491 = arith.constant 224 : i32
        %add3A_492 = arith.addi %mul3A_490, %add3A_491 : i32
        %swap3A_493 = arith.index_cast %add3A_492 : i32 to index
        %swap3A_494 = tpu.vector_load %arg9[%swap3A_493] {strides = array<i32>} : memref<16384xf32, #tpu.memory_space<vmem>>, vector<16xf32>,
        tpu.vector_store %arg9[%swap3A_493], %broadcast_in_dim3A_9 {strides = array<i32>} : memref<16384xf32, #tpu.memory_space<vmem>>, vector<16xf32>,
        %mul3A_495 = arith.constant 256 : i32
        %mul3A_496 = arith.muli %scan3A_405, %mul3A_495 : i32
        %add3A_497 = arith.constant 240 : i32
        %add3A_498 = arith.addi %mul3A_496, %add3A_497 : i32
        %swap3A_499 = arith.index_cast %add3A_498 : i32 to index
        %swap3A_500 = tpu.vector_load %arg9[%swap3A_499] {strides = array<i32>} : memref<16384xf32, #tpu.memory_space<vmem>>, vector<16xf32>,
        tpu.vector_store %arg9[%swap3A_499], %broadcast_in_dim3A_9 {strides = array<i32>} : memref<16384xf32, #tpu.memory_space<vmem>>, vector<16xf32>,
      }
      %scan3A_177 = arith.constant 64 : i32
      %dma_wait3A_178 = arith.constant 0 : i32
      %dma_wait3A_179 = arith.constant 0 : i32
      %dma_wait3A_180 = tpu.memref_slice %arg2[%dma_wait3A_178, %dma_wait3A_179] : memref<2048x200xi32, #tpu.memory_space<hbm>> -> memref<16x200xi32, #tpu.memory_space<hbm>>
      %dma_wait3A_181 = arith.constant 0 : i32
      %dma_wait3A_182 = arith.constant 0 : i32
      %dma_wait3A_183 = tpu.memref_slice %arg2[%dma_wait3A_181, %dma_wait3A_182] : memref<2048x200xi32, #tpu.memory_space<hbm>> -> memref<16x200xi32, #tpu.memory_space<hbm>>
      tpu.wait_dma2 semaphore(%arg11 : memref<!tpu.dma_semaphore, #tpu.memory_space<semaphore_mem>>) src(%dma_wait3A_183 : memref<16x200xi32, #tpu.memory_space<hbm>>) dst(%arg5 : memref<16x200xi32, #tpu.memory_space<vmem>>)
      %dma_wait3A_184 = arith.constant 0 : i32
      %dma_wait3A_185 = arith.constant 0 : i32
      %dma_wait3A_186 = tpu.memref_slice %arg3[%dma_wait3A_184, %dma_wait3A_185] : memref<2048x400xi32, #tpu.memory_space<hbm>> -> memref<16x400xi32, #tpu.memory_space<hbm>>
      %dma_wait3A_187 = arith.constant 0 : i32
      %dma_wait3A_188 = arith.constant 0 : i32
      %dma_wait3A_189 = tpu.memref_slice %arg3[%dma_wait3A_187, %dma_wait3A_188] : memref<2048x400xi32, #tpu.memory_space<hbm>> -> memref<16x400xi32, #tpu.memory_space<hbm>>
      tpu.wait_dma2 semaphore(%arg13 : memref<!tpu.dma_semaphore, #tpu.memory_space<semaphore_mem>>) src(%dma_wait3A_189 : memref<16x400xi32, #tpu.memory_space<hbm>>) dst(%arg7 : memref<16x400xi32, #tpu.memory_space<vmem>>)
      %scan3A_190 = arith.constant 0 : i32
      %scan3A_191 = arith.constant 0 : i32
      %scan3A_192 = arith.constant 16 : i32
      %scan3A_193 = arith.addi %scan3A_191, %scan3A_192 : i32
      %scan3A_194 = arith.constant 1 : i32
      scf.for %scan3A_405 = %scan3A_191 to %scan3A_193 step %scan3A_194  : i32 {
        %mul3A_406 = arith.constant 128 : i32
        %mul3A_407 = arith.muli %scan3A_405, %mul3A_406 : i32
        %broadcast_in_dim3A_408 = vector.broadcast %mul3A_407 : i32 to vector<16xi32>
        %get3A = arith.index_cast %scan3A_405 : i32 to index
        %get3A_409 = arith.constant 0 : index
        %get3A_410 = tpu.vector_load %arg5[%get3A, %get3A_409] {strides = array<i32>} : memref<16x200xi32, #tpu.memory_space<vmem>>, vector<16xi32>,
        %get3A_411 = arith.index_cast %scan3A_405 : i32 to index
        %get3A_412 = arith.constant 16 : index
        %get3A_413 = tpu.vector_load %arg5[%get3A_411, %get3A_412] {strides = array<i32>} : memref<16x200xi32, #tpu.memory_space<vmem>>, vector<16xi32>,
        %get3A_414 = arith.index_cast %scan3A_405 : i32 to index
        %get3A_415 = arith.constant 32 : index
        %get3A_416 = tpu.vector_load %arg5[%get3A_414, %get3A_415] {strides = array<i32>} : memref<16x200xi32, #tpu.memory_space<vmem>>, vector<16xi32>,
        %get3A_417 = arith.index_cast %scan3A_405 : i32 to index
        %get3A_418 = arith.constant 48 : index
        %get3A_419 = tpu.vector_load %arg5[%get3A_417, %get3A_418] {strides = array<i32>} : memref<16x200xi32, #tpu.memory_space<vmem>>, vector<16xi32>,
        %get3A_420 = arith.index_cast %scan3A_405 : i32 to index
        %get3A_421 = arith.constant 64 : index
        %get3A_422 = tpu.vector_load %arg5[%get3A_420, %get3A_421] {strides = array<i32>} : memref<16x200xi32, #tpu.memory_space<vmem>>, vector<16xi32>,
        %get3A_423 = arith.index_cast %scan3A_405 : i32 to index
        %get3A_424 = arith.constant 80 : index
        %get3A_425 = tpu.vector_load %arg5[%get3A_423, %get3A_424] {strides = array<i32>} : memref<16x200xi32, #tpu.memory_space<vmem>>, vector<16xi32>,
        %get3A_426 = arith.index_cast %scan3A_405 : i32 to index
        %get3A_427 = arith.constant 96 : index
        %get3A_428 = tpu.vector_load %arg5[%get3A_426, %get3A_427] {strides = array<i32>} : memref<16x200xi32, #tpu.memory_space<vmem>>, vector<16xi32>,
        %get3A_429 = arith.index_cast %scan3A_405 : i32 to index
        %get3A_430 = arith.constant 112 : index
        %get3A_431 = tpu.vector_load %arg5[%get3A_429, %get3A_430] {strides = array<i32>} : memref<16x200xi32, #tpu.memory_space<vmem>>, vector<16xi32>,
        %get3A_432 = arith.index_cast %scan3A_405 : i32 to index
        %get3A_433 = arith.constant 128 : index
        %get3A_434 = tpu.vector_load %arg5[%get3A_432, %get3A_433] {strides = array<i32>} : memref<16x200xi32, #tpu.memory_space<vmem>>, vector<16xi32>,
        %get3A_435 = arith.index_cast %scan3A_405 : i32 to index
        %get3A_436 = arith.constant 144 : index
        %get3A_437 = tpu.vector_load %arg5[%get3A_435, %get3A_436] {strides = array<i32>} : memref<16x200xi32, #tpu.memory_space<vmem>>, vector<16xi32>,
        %get3A_438 = arith.index_cast %scan3A_405 : i32 to index
        %get3A_439 = arith.constant 160 : index
        %get3A_440 = tpu.vector_load %arg5[%get3A_438, %get3A_439] {strides = array<i32>} : memref<16x200xi32, #tpu.memory_space<vmem>>, vector<16xi32>,
        %get3A_441 = arith.index_cast %scan3A_405 : i32 to index
        %get3A_442 = arith.constant 176 : index
        %get3A_443 = tpu.vector_load %arg5[%get3A_441, %get3A_442] {strides = array<i32>} : memref<16x200xi32, #tpu.memory_space<vmem>>, vector<16xi32>,
        %get3A_444 = arith.index_cast %scan3A_405 : i32 to index
        %get3A_445 = arith.constant 184 : index
        %get3A_446 = tpu.vector_load %arg5[%get3A_444, %get3A_445] {strides = array<i32>} : memref<16x200xi32, #tpu.memory_space<vmem>>, vector<16xi32>,
        %get3A_447 = arith.index_cast %scan3A_405 : i32 to index
        %get3A_448 = arith.constant 0 : index
        %get3A_449 = tpu.vector_load %arg7[%get3A_447, %get3A_448] {strides = array<i32>} : memref<16x400xi32, #tpu.memory_space<vmem>>, vector<16xi32>,
        %get3A_450 = arith.index_cast %scan3A_405 : i32 to index
        %get3A_451 = arith.constant 16 : index
        %get3A_452 = tpu.vector_load %arg7[%get3A_450, %get3A_451] {strides = array<i32>} : memref<16x400xi32, #tpu.memory_space<vmem>>, vector<16xi32>,
        %get3A_453 = arith.index_cast %scan3A_405 : i32 to index
        %get3A_454 = arith.constant 32 : index
        %get3A_455 = tpu.vector_load %arg7[%get3A_453, %get3A_454] {strides = array<i32>} : memref<16x400xi32, #tpu.memory_space<vmem>>, vector<16xi32>,
        %get3A_456 = arith.index_cast %scan3A_405 : i32 to index
        %get3A_457 = arith.constant 48 : index
        %get3A_458 = tpu.vector_load %arg7[%get3A_456, %get3A_457] {strides = array<i32>} : memref<16x400xi32, #tpu.memory_space<vmem>>, vector<16xi32>,
        %get3A_459 = arith.index_cast %scan3A_405 : i32 to index
        %get3A_460 = arith.constant 64 : index
        %get3A_461 = tpu.vector_load %arg7[%get3A_459, %get3A_460] {strides = array<i32>} : memref<16x400xi32, #tpu.memory_space<vmem>>, vector<16xi32>,
        %get3A_462 = arith.index_cast %scan3A_405 : i32 to index
        %get3A_463 = arith.constant 80 : index
        %get3A_464 = tpu.vector_load %arg7[%get3A_462, %get3A_463] {strides = array<i32>} : memref<16x400xi32, #tpu.memory_space<vmem>>, vector<16xi32>,
        %and3A = arith.constant 896 : i32
        %and3A_465 = vector.broadcast %and3A : i32 to vector<16xi32>
        %and3A_466 = arith.andi %get3A_410, %and3A_465 : vector<16xi32>
        %shift_left3A = arith.constant 4 : i32
        %shift_left3A_467 = vector.broadcast %shift_left3A : i32 to vector<16xi32>
        %shift_left3A_468 = arith.shli %and3A_466, %shift_left3A_467 : vector<16xi32>
        %and3A_469 = arith.constant 127 : i32
        %and3A_470 = vector.broadcast %and3A_469 : i32 to vector<16xi32>
        %and3A_471 = arith.andi %get3A_410, %and3A_470 : vector<16xi32>
        %add3A_472 = arith.addi %shift_left3A_468, %and3A_471 : vector<16xi32>
        %add3A_473 = arith.addi %add3A_472, %broadcast_in_dim3A_408 : vector<16xi32>
        %and3A_474 = arith.constant 896 : i32
        %and3A_475 = vector.broadcast %and3A_474 : i32 to vector<16xi32>
        %and3A_476 = arith.andi %get3A_413, %and3A_475 : vector<16xi32>
        %shift_left3A_477 = arith.constant 4 : i32
        %shift_left3A_478 = vector.broadcast %shift_left3A_477 : i32 to vector<16xi32>
        %shift_left3A_479 = arith.shli %and3A_476, %shift_left3A_478 : vector<16xi32>
        %and3A_480 = arith.constant 127 : i32
        %and3A_481 = vector.broadcast %and3A_480 : i32 to vector<16xi32>
        %and3A_482 = arith.andi %get3A_413, %and3A_481 : vector<16xi32>
        %add3A_483 = arith.addi %shift_left3A_479, %and3A_482 : vector<16xi32>
        %add3A_484 = arith.addi %add3A_483, %broadcast_in_dim3A_408 : vector<16xi32>
        %and3A_485 = arith.constant 896 : i32
        %and3A_486 = vector.broadcast %and3A_485 : i32 to vector<16xi32>
        %and3A_487 = arith.andi %get3A_416, %and3A_486 : vector<16xi32>
        %shift_left3A_488 = arith.constant 4 : i32
        %shift_left3A_489 = vector.broadcast %shift_left3A_488 : i32 to vector<16xi32>
        %shift_left3A_490 = arith.shli %and3A_487, %shift_left3A_489 : vector<16xi32>
        %and3A_491 = arith.constant 127 : i32
        %and3A_492 = vector.broadcast %and3A_491 : i32 to vector<16xi32>
        %and3A_493 = arith.andi %get3A_416, %and3A_492 : vector<16xi32>
        %add3A_494 = arith.addi %shift_left3A_490, %and3A_493 : vector<16xi32>
        %add3A_495 = arith.addi %add3A_494, %broadcast_in_dim3A_408 : vector<16xi32>
        %and3A_496 = arith.constant 896 : i32
        %and3A_497 = vector.broadcast %and3A_496 : i32 to vector<16xi32>
        %and3A_498 = arith.andi %get3A_419, %and3A_497 : vector<16xi32>
        %shift_left3A_499 = arith.constant 4 : i32
        %shift_left3A_500 = vector.broadcast %shift_left3A_499 : i32 to vector<16xi32>
        %shift_left3A_501 = arith.shli %and3A_498, %shift_left3A_500 : vector<16xi32>
        %and3A_502 = arith.constant 127 : i32
        %and3A_503 = vector.broadcast %and3A_502 : i32 to vector<16xi32>
        %and3A_504 = arith.andi %get3A_419, %and3A_503 : vector<16xi32>
        %add3A_505 = arith.addi %shift_left3A_501, %and3A_504 : vector<16xi32>
        %add3A_506 = arith.addi %add3A_505, %broadcast_in_dim3A_408 : vector<16xi32>
        %and3A_507 = arith.constant 896 : i32
        %and3A_508 = vector.broadcast %and3A_507 : i32 to vector<16xi32>
        %and3A_509 = arith.andi %get3A_422, %and3A_508 : vector<16xi32>
        %shift_left3A_510 = arith.constant 4 : i32
        %shift_left3A_511 = vector.broadcast %shift_left3A_510 : i32 to vector<16xi32>
        %shift_left3A_512 = arith.shli %and3A_509, %shift_left3A_511 : vector<16xi32>
        %and3A_513 = arith.constant 127 : i32
        %and3A_514 = vector.broadcast %and3A_513 : i32 to vector<16xi32>
        %and3A_515 = arith.andi %get3A_422, %and3A_514 : vector<16xi32>
        %add3A_516 = arith.addi %shift_left3A_512, %and3A_515 : vector<16xi32>
        %add3A_517 = arith.addi %add3A_516, %broadcast_in_dim3A_408 : vector<16xi32>
        %and3A_518 = arith.constant 896 : i32
        %and3A_519 = vector.broadcast %and3A_518 : i32 to vector<16xi32>
        %and3A_520 = arith.andi %get3A_425, %and3A_519 : vector<16xi32>
        %shift_left3A_521 = arith.constant 4 : i32
        %shift_left3A_522 = vector.broadcast %shift_left3A_521 : i32 to vector<16xi32>
        %shift_left3A_523 = arith.shli %and3A_520, %shift_left3A_522 : vector<16xi32>
        %and3A_524 = arith.constant 127 : i32
        %and3A_525 = vector.broadcast %and3A_524 : i32 to vector<16xi32>
        %and3A_526 = arith.andi %get3A_425, %and3A_525 : vector<16xi32>
        %add3A_527 = arith.addi %shift_left3A_523, %and3A_526 : vector<16xi32>
        %add3A_528 = arith.addi %add3A_527, %broadcast_in_dim3A_408 : vector<16xi32>
        %and3A_529 = arith.constant 896 : i32
        %and3A_530 = vector.broadcast %and3A_529 : i32 to vector<16xi32>
        %and3A_531 = arith.andi %get3A_428, %and3A_530 : vector<16xi32>
        %shift_left3A_532 = arith.constant 4 : i32
        %shift_left3A_533 = vector.broadcast %shift_left3A_532 : i32 to vector<16xi32>
        %shift_left3A_534 = arith.shli %and3A_531, %shift_left3A_533 : vector<16xi32>
        %and3A_535 = arith.constant 127 : i32
        %and3A_536 = vector.broadcast %and3A_535 : i32 to vector<16xi32>
        %and3A_537 = arith.andi %get3A_428, %and3A_536 : vector<16xi32>
        %add3A_538 = arith.addi %shift_left3A_534, %and3A_537 : vector<16xi32>
        %add3A_539 = arith.addi %add3A_538, %broadcast_in_dim3A_408 : vector<16xi32>
        %and3A_540 = arith.constant 896 : i32
        %and3A_541 = vector.broadcast %and3A_540 : i32 to vector<16xi32>
        %and3A_542 = arith.andi %get3A_431, %and3A_541 : vector<16xi32>
        %shift_left3A_543 = arith.constant 4 : i32
        %shift_left3A_544 = vector.broadcast %shift_left3A_543 : i32 to vector<16xi32>
        %shift_left3A_545 = arith.shli %and3A_542, %shift_left3A_544 : vector<16xi32>
        %and3A_546 = arith.constant 127 : i32
        %and3A_547 = vector.broadcast %and3A_546 : i32 to vector<16xi32>
        %and3A_548 = arith.andi %get3A_431, %and3A_547 : vector<16xi32>
        %add3A_549 = arith.addi %shift_left3A_545, %and3A_548 : vector<16xi32>
        %add3A_550 = arith.addi %add3A_549, %broadcast_in_dim3A_408 : vector<16xi32>
        %and3A_551 = arith.constant 896 : i32
        %and3A_552 = vector.broadcast %and3A_551 : i32 to vector<16xi32>
        %and3A_553 = arith.andi %get3A_434, %and3A_552 : vector<16xi32>
        %shift_left3A_554 = arith.constant 4 : i32
        %shift_left3A_555 = vector.broadcast %shift_left3A_554 : i32 to vector<16xi32>
        %shift_left3A_556 = arith.shli %and3A_553, %shift_left3A_555 : vector<16xi32>
        %and3A_557 = arith.constant 127 : i32
        %and3A_558 = vector.broadcast %and3A_557 : i32 to vector<16xi32>
        %and3A_559 = arith.andi %get3A_434, %and3A_558 : vector<16xi32>
        %add3A_560 = arith.addi %shift_left3A_556, %and3A_559 : vector<16xi32>
        %add3A_561 = arith.addi %add3A_560, %broadcast_in_dim3A_408 : vector<16xi32>
        %and3A_562 = arith.constant 896 : i32
        %and3A_563 = vector.broadcast %and3A_562 : i32 to vector<16xi32>
        %and3A_564 = arith.andi %get3A_437, %and3A_563 : vector<16xi32>
        %shift_left3A_565 = arith.constant 4 : i32
        %shift_left3A_566 = vector.broadcast %shift_left3A_565 : i32 to vector<16xi32>
        %shift_left3A_567 = arith.shli %and3A_564, %shift_left3A_566 : vector<16xi32>
        %and3A_568 = arith.constant 127 : i32
        %and3A_569 = vector.broadcast %and3A_568 : i32 to vector<16xi32>
        %and3A_570 = arith.andi %get3A_437, %and3A_569 : vector<16xi32>
        %add3A_571 = arith.addi %shift_left3A_567, %and3A_570 : vector<16xi32>
        %add3A_572 = arith.addi %add3A_571, %broadcast_in_dim3A_408 : vector<16xi32>
        %and3A_573 = arith.constant 896 : i32
        %and3A_574 = vector.broadcast %and3A_573 : i32 to vector<16xi32>
        %and3A_575 = arith.andi %get3A_440, %and3A_574 : vector<16xi32>
        %shift_left3A_576 = arith.constant 4 : i32
        %shift_left3A_577 = vector.broadcast %shift_left3A_576 : i32 to vector<16xi32>
        %shift_left3A_578 = arith.shli %and3A_575, %shift_left3A_577 : vector<16xi32>
        %and3A_579 = arith.constant 127 : i32
        %and3A_580 = vector.broadcast %and3A_579 : i32 to vector<16xi32>
        %and3A_581 = arith.andi %get3A_440, %and3A_580 : vector<16xi32>
        %add3A_582 = arith.addi %shift_left3A_578, %and3A_581 : vector<16xi32>
        %add3A_583 = arith.addi %add3A_582, %broadcast_in_dim3A_408 : vector<16xi32>
        %and3A_584 = arith.constant 896 : i32
        %and3A_585 = vector.broadcast %and3A_584 : i32 to vector<16xi32>
        %and3A_586 = arith.andi %get3A_443, %and3A_585 : vector<16xi32>
        %shift_left3A_587 = arith.constant 4 : i32
        %shift_left3A_588 = vector.broadcast %shift_left3A_587 : i32 to vector<16xi32>
        %shift_left3A_589 = arith.shli %and3A_586, %shift_left3A_588 : vector<16xi32>
        %and3A_590 = arith.constant 127 : i32
        %and3A_591 = vector.broadcast %and3A_590 : i32 to vector<16xi32>
        %and3A_592 = arith.andi %get3A_443, %and3A_591 : vector<16xi32>
        %add3A_593 = arith.addi %shift_left3A_589, %and3A_592 : vector<16xi32>
        %add3A_594 = arith.addi %add3A_593, %broadcast_in_dim3A_408 : vector<16xi32>
        %and3A_595 = arith.constant 896 : i32
        %and3A_596 = vector.broadcast %and3A_595 : i32 to vector<16xi32>
        %and3A_597 = arith.andi %get3A_446, %and3A_596 : vector<16xi32>
        %shift_left3A_598 = arith.constant 4 : i32
        %shift_left3A_599 = vector.broadcast %shift_left3A_598 : i32 to vector<16xi32>
        %shift_left3A_600 = arith.shli %and3A_597, %shift_left3A_599 : vector<16xi32>
        %and3A_601 = arith.constant 127 : i32
        %and3A_602 = vector.broadcast %and3A_601 : i32 to vector<16xi32>
        %and3A_603 = arith.andi %get3A_446, %and3A_602 : vector<16xi32>
        %add3A_604 = arith.addi %shift_left3A_600, %and3A_603 : vector<16xi32>
        %add3A_605 = arith.addi %add3A_604, %broadcast_in_dim3A_408 : vector<16xi32>
        %and3A_606 = arith.constant 896 : i32
        %and3A_607 = vector.broadcast %and3A_606 : i32 to vector<16xi32>
        %and3A_608 = arith.andi %get3A_449, %and3A_607 : vector<16xi32>
        %shift_left3A_609 = arith.constant 4 : i32
        %shift_left3A_610 = vector.broadcast %shift_left3A_609 : i32 to vector<16xi32>
        %shift_left3A_611 = arith.shli %and3A_608, %shift_left3A_610 : vector<16xi32>
        %and3A_612 = arith.constant 127 : i32
        %and3A_613 = vector.broadcast %and3A_612 : i32 to vector<16xi32>
        %and3A_614 = arith.andi %get3A_449, %and3A_613 : vector<16xi32>
        %add3A_615 = arith.addi %shift_left3A_611, %and3A_614 : vector<16xi32>
        %add3A_616 = arith.addi %add3A_615, %broadcast_in_dim3A_408 : vector<16xi32>
        %and3A_617 = arith.constant 896 : i32
        %and3A_618 = vector.broadcast %and3A_617 : i32 to vector<16xi32>
        %and3A_619 = arith.andi %get3A_452, %and3A_618 : vector<16xi32>
        %shift_left3A_620 = arith.constant 4 : i32
        %shift_left3A_621 = vector.broadcast %shift_left3A_620 : i32 to vector<16xi32>
        %shift_left3A_622 = arith.shli %and3A_619, %shift_left3A_621 : vector<16xi32>
        %and3A_623 = arith.constant 127 : i32
        %and3A_624 = vector.broadcast %and3A_623 : i32 to vector<16xi32>
        %and3A_625 = arith.andi %get3A_452, %and3A_624 : vector<16xi32>
        %add3A_626 = arith.addi %shift_left3A_622, %and3A_625 : vector<16xi32>
        %add3A_627 = arith.addi %add3A_626, %broadcast_in_dim3A_408 : vector<16xi32>
        %and3A_628 = arith.constant 896 : i32
        %and3A_629 = vector.broadcast %and3A_628 : i32 to vector<16xi32>
        %and3A_630 = arith.andi %get3A_455, %and3A_629 : vector<16xi32>
        %shift_left3A_631 = arith.constant 4 : i32
        %shift_left3A_632 = vector.broadcast %shift_left3A_631 : i32 to vector<16xi32>
        %shift_left3A_633 = arith.shli %and3A_630, %shift_left3A_632 : vector<16xi32>
        %and3A_634 = arith.constant 127 : i32
        %and3A_635 = vector.broadcast %and3A_634 : i32 to vector<16xi32>
        %and3A_636 = arith.andi %get3A_455, %and3A_635 : vector<16xi32>
        %add3A_637 = arith.addi %shift_left3A_633, %and3A_636 : vector<16xi32>
        %add3A_638 = arith.addi %add3A_637, %broadcast_in_dim3A_408 : vector<16xi32>
        %and3A_639 = arith.constant 896 : i32
        %and3A_640 = vector.broadcast %and3A_639 : i32 to vector<16xi32>
        %and3A_641 = arith.andi %get3A_458, %and3A_640 : vector<16xi32>
        %shift_left3A_642 = arith.constant 4 : i32
        %shift_left3A_643 = vector.broadcast %shift_left3A_642 : i32 to vector<16xi32>
        %shift_left3A_644 = arith.shli %and3A_641, %shift_left3A_643 : vector<16xi32>
        %and3A_645 = arith.constant 127 : i32
        %and3A_646 = vector.broadcast %and3A_645 : i32 to vector<16xi32>
        %and3A_647 = arith.andi %get3A_458, %and3A_646 : vector<16xi32>
        %add3A_648 = arith.addi %shift_left3A_644, %and3A_647 : vector<16xi32>
        %add3A_649 = arith.addi %add3A_648, %broadcast_in_dim3A_408 : vector<16xi32>
        %and3A_650 = arith.constant 896 : i32
        %and3A_651 = vector.broadcast %and3A_650 : i32 to vector<16xi32>
        %and3A_652 = arith.andi %get3A_461, %and3A_651 : vector<16xi32>
        %shift_left3A_653 = arith.constant 4 : i32
        %shift_left3A_654 = vector.broadcast %shift_left3A_653 : i32 to vector<16xi32>
        %shift_left3A_655 = arith.shli %and3A_652, %shift_left3A_654 : vector<16xi32>
        %and3A_656 = arith.constant 127 : i32
        %and3A_657 = vector.broadcast %and3A_656 : i32 to vector<16xi32>
        %and3A_658 = arith.andi %get3A_461, %and3A_657 : vector<16xi32>
        %add3A_659 = arith.addi %shift_left3A_655, %and3A_658 : vector<16xi32>
        %add3A_660 = arith.addi %add3A_659, %broadcast_in_dim3A_408 : vector<16xi32>
        %and3A_661 = arith.constant 896 : i32
        %and3A_662 = vector.broadcast %and3A_661 : i32 to vector<16xi32>
        %and3A_663 = arith.andi %get3A_464, %and3A_662 : vector<16xi32>
        %shift_left3A_664 = arith.constant 4 : i32
        %shift_left3A_665 = vector.broadcast %shift_left3A_664 : i32 to vector<16xi32>
        %shift_left3A_666 = arith.shli %and3A_663, %shift_left3A_665 : vector<16xi32>
        %and3A_667 = arith.constant 127 : i32
        %and3A_668 = vector.broadcast %and3A_667 : i32 to vector<16xi32>
        %and3A_669 = arith.andi %get3A_464, %and3A_668 : vector<16xi32>
        %add3A_670 = arith.addi %shift_left3A_666, %and3A_669 : vector<16xi32>
        %add3A_671 = arith.addi %add3A_670, %broadcast_in_dim3A_408 : vector<16xi32>
        tpu.vector_store_idx %arg9[%add3A_473], %broadcast_in_dim3A_3 {add = true} : memref<16384xf32, #tpu.memory_space<vmem>>[vector<16xi32>], vector<16xf32>,
        tpu.vector_store_idx %arg9[%add3A_484], %broadcast_in_dim3A_3 {add = true} : memref<16384xf32, #tpu.memory_space<vmem>>[vector<16xi32>], vector<16xf32>,
        tpu.vector_store_idx %arg9[%add3A_495], %broadcast_in_dim3A_3 {add = true} : memref<16384xf32, #tpu.memory_space<vmem>>[vector<16xi32>], vector<16xf32>,
        tpu.vector_store_idx %arg9[%add3A_506], %broadcast_in_dim3A_3 {add = true} : memref<16384xf32, #tpu.memory_space<vmem>>[vector<16xi32>], vector<16xf32>,
        tpu.vector_store_idx %arg9[%add3A_517], %broadcast_in_dim3A_3 {add = true} : memref<16384xf32, #tpu.memory_space<vmem>>[vector<16xi32>], vector<16xf32>,
        tpu.vector_store_idx %arg9[%add3A_528], %broadcast_in_dim3A_3 {add = true} : memref<16384xf32, #tpu.memory_space<vmem>>[vector<16xi32>], vector<16xf32>,
        tpu.vector_store_idx %arg9[%add3A_539], %broadcast_in_dim3A_3 {add = true} : memref<16384xf32, #tpu.memory_space<vmem>>[vector<16xi32>], vector<16xf32>,
        tpu.vector_store_idx %arg9[%add3A_550], %broadcast_in_dim3A_3 {add = true} : memref<16384xf32, #tpu.memory_space<vmem>>[vector<16xi32>], vector<16xf32>,
        tpu.vector_store_idx %arg9[%add3A_561], %broadcast_in_dim3A_3 {add = true} : memref<16384xf32, #tpu.memory_space<vmem>>[vector<16xi32>], vector<16xf32>,
        tpu.vector_store_idx %arg9[%add3A_572], %broadcast_in_dim3A_3 {add = true} : memref<16384xf32, #tpu.memory_space<vmem>>[vector<16xi32>], vector<16xf32>,
        tpu.vector_store_idx %arg9[%add3A_583], %broadcast_in_dim3A_3 {add = true} : memref<16384xf32, #tpu.memory_space<vmem>>[vector<16xi32>], vector<16xf32>,
        tpu.vector_store_idx %arg9[%add3A_594], %broadcast_in_dim3A_3 {add = true} : memref<16384xf32, #tpu.memory_space<vmem>>[vector<16xi32>], vector<16xf32>,
        tpu.vector_store_idx %arg9[%add3A_605], %broadcast_in_dim3A_3 masked %ge3A_7 {add = true} : memref<16384xf32, #tpu.memory_space<vmem>>[vector<16xi32>], vector<16xf32>, vector<16xi1>
        tpu.vector_store_idx %arg9[%add3A_616], %broadcast_in_dim3A_5 {add = true} : memref<16384xf32, #tpu.memory_space<vmem>>[vector<16xi32>], vector<16xf32>,
        tpu.vector_store_idx %arg9[%add3A_627], %broadcast_in_dim3A_5 {add = true} : memref<16384xf32, #tpu.memory_space<vmem>>[vector<16xi32>], vector<16xf32>,
        tpu.vector_store_idx %arg9[%add3A_638], %broadcast_in_dim3A_5 {add = true} : memref<16384xf32, #tpu.memory_space<vmem>>[vector<16xi32>], vector<16xf32>,
        tpu.vector_store_idx %arg9[%add3A_649], %broadcast_in_dim3A_5 {add = true} : memref<16384xf32, #tpu.memory_space<vmem>>[vector<16xi32>], vector<16xf32>,
        tpu.vector_store_idx %arg9[%add3A_660], %broadcast_in_dim3A_5 {add = true} : memref<16384xf32, #tpu.memory_space<vmem>>[vector<16xi32>], vector<16xf32>,
        tpu.vector_store_idx %arg9[%add3A_671], %broadcast_in_dim3A_5 {add = true} : memref<16384xf32, #tpu.memory_space<vmem>>[vector<16xi32>], vector<16xf32>,
        %get3A_672 = arith.index_cast %scan3A_405 : i32 to index
        %get3A_673 = arith.constant 96 : index
        %get3A_674 = tpu.vector_load %arg7[%get3A_672, %get3A_673] {strides = array<i32>} : memref<16x400xi32, #tpu.memory_space<vmem>>, vector<16xi32>,
        %get3A_675 = arith.index_cast %scan3A_405 : i32 to index
        %get3A_676 = arith.constant 112 : index
        %get3A_677 = tpu.vector_load %arg7[%get3A_675, %get3A_676] {strides = array<i32>} : memref<16x400xi32, #tpu.memory_space<vmem>>, vector<16xi32>,
        %get3A_678 = arith.index_cast %scan3A_405 : i32 to index
        %get3A_679 = arith.constant 128 : index
        %get3A_680 = tpu.vector_load %arg7[%get3A_678, %get3A_679] {strides = array<i32>} : memref<16x400xi32, #tpu.memory_space<vmem>>, vector<16xi32>,
        %get3A_681 = arith.index_cast %scan3A_405 : i32 to index
        %get3A_682 = arith.constant 144 : index
        %get3A_683 = tpu.vector_load %arg7[%get3A_681, %get3A_682] {strides = array<i32>} : memref<16x400xi32, #tpu.memory_space<vmem>>, vector<16xi32>,
        %get3A_684 = arith.index_cast %scan3A_405 : i32 to index
        %get3A_685 = arith.constant 160 : index
        %get3A_686 = tpu.vector_load %arg7[%get3A_684, %get3A_685] {strides = array<i32>} : memref<16x400xi32, #tpu.memory_space<vmem>>, vector<16xi32>,
        %get3A_687 = arith.index_cast %scan3A_405 : i32 to index
        %get3A_688 = arith.constant 176 : index
        %get3A_689 = tpu.vector_load %arg7[%get3A_687, %get3A_688] {strides = array<i32>} : memref<16x400xi32, #tpu.memory_space<vmem>>, vector<16xi32>,
        %get3A_690 = arith.index_cast %scan3A_405 : i32 to index
        %get3A_691 = arith.constant 192 : index
        %get3A_692 = tpu.vector_load %arg7[%get3A_690, %get3A_691] {strides = array<i32>} : memref<16x400xi32, #tpu.memory_space<vmem>>, vector<16xi32>,
        %get3A_693 = arith.index_cast %scan3A_405 : i32 to index
        %get3A_694 = arith.constant 208 : index
        %get3A_695 = tpu.vector_load %arg7[%get3A_693, %get3A_694] {strides = array<i32>} : memref<16x400xi32, #tpu.memory_space<vmem>>, vector<16xi32>,
        %get3A_696 = arith.index_cast %scan3A_405 : i32 to index
        %get3A_697 = arith.constant 224 : index
        %get3A_698 = tpu.vector_load %arg7[%get3A_696, %get3A_697] {strides = array<i32>} : memref<16x400xi32, #tpu.memory_space<vmem>>, vector<16xi32>,
        %get3A_699 = arith.index_cast %scan3A_405 : i32 to index
        %get3A_700 = arith.constant 240 : index
        %get3A_701 = tpu.vector_load %arg7[%get3A_699, %get3A_700] {strides = array<i32>} : memref<16x400xi32, #tpu.memory_space<vmem>>, vector<16xi32>,
        %get3A_702 = arith.index_cast %scan3A_405 : i32 to index
        %get3A_703 = arith.constant 256 : index
        %get3A_704 = tpu.vector_load %arg7[%get3A_702, %get3A_703] {strides = array<i32>} : memref<16x400xi32, #tpu.memory_space<vmem>>, vector<16xi32>,
        %get3A_705 = arith.index_cast %scan3A_405 : i32 to index
        %get3A_706 = arith.constant 272 : index
        %get3A_707 = tpu.vector_load %arg7[%get3A_705, %get3A_706] {strides = array<i32>} : memref<16x400xi32, #tpu.memory_space<vmem>>, vector<16xi32>,
        %get3A_708 = arith.index_cast %scan3A_405 : i32 to index
        %get3A_709 = arith.constant 288 : index
        %get3A_710 = tpu.vector_load %arg7[%get3A_708, %get3A_709] {strides = array<i32>} : memref<16x400xi32, #tpu.memory_space<vmem>>, vector<16xi32>,
        %get3A_711 = arith.index_cast %scan3A_405 : i32 to index
        %get3A_712 = arith.constant 304 : index
        %get3A_713 = tpu.vector_load %arg7[%get3A_711, %get3A_712] {strides = array<i32>} : memref<16x400xi32, #tpu.memory_space<vmem>>, vector<16xi32>,
        %get3A_714 = arith.index_cast %scan3A_405 : i32 to index
        %get3A_715 = arith.constant 320 : index
        %get3A_716 = tpu.vector_load %arg7[%get3A_714, %get3A_715] {strides = array<i32>} : memref<16x400xi32, #tpu.memory_space<vmem>>, vector<16xi32>,
        %get3A_717 = arith.index_cast %scan3A_405 : i32 to index
        %get3A_718 = arith.constant 336 : index
        %get3A_719 = tpu.vector_load %arg7[%get3A_717, %get3A_718] {strides = array<i32>} : memref<16x400xi32, #tpu.memory_space<vmem>>, vector<16xi32>,
        %get3A_720 = arith.index_cast %scan3A_405 : i32 to index
        %get3A_721 = arith.constant 352 : index
        %get3A_722 = tpu.vector_load %arg7[%get3A_720, %get3A_721] {strides = array<i32>} : memref<16x400xi32, #tpu.memory_space<vmem>>, vector<16xi32>,
        %get3A_723 = arith.index_cast %scan3A_405 : i32 to index
        %get3A_724 = arith.constant 368 : index
        %get3A_725 = tpu.vector_load %arg7[%get3A_723, %get3A_724] {strides = array<i32>} : memref<16x400xi32, #tpu.memory_space<vmem>>, vector<16xi32>,
        %get3A_726 = arith.index_cast %scan3A_405 : i32 to index
        %get3A_727 = arith.constant 384 : index
        %get3A_728 = tpu.vector_load %arg7[%get3A_726, %get3A_727] {strides = array<i32>} : memref<16x400xi32, #tpu.memory_space<vmem>>, vector<16xi32>,
        %and3A_729 = arith.constant 896 : i32
        %and3A_730 = vector.broadcast %and3A_729 : i32 to vector<16xi32>
        %and3A_731 = arith.andi %get3A_674, %and3A_730 : vector<16xi32>
        %shift_left3A_732 = arith.constant 4 : i32
        %shift_left3A_733 = vector.broadcast %shift_left3A_732 : i32 to vector<16xi32>
        %shift_left3A_734 = arith.shli %and3A_731, %shift_left3A_733 : vector<16xi32>
        %and3A_735 = arith.constant 127 : i32
        %and3A_736 = vector.broadcast %and3A_735 : i32 to vector<16xi32>
        %and3A_737 = arith.andi %get3A_674, %and3A_736 : vector<16xi32>
        %add3A_738 = arith.addi %shift_left3A_734, %and3A_737 : vector<16xi32>
        %add3A_739 = arith.addi %add3A_738, %broadcast_in_dim3A_408 : vector<16xi32>
        %and3A_740 = arith.constant 896 : i32
        %and3A_741 = vector.broadcast %and3A_740 : i32 to vector<16xi32>
        %and3A_742 = arith.andi %get3A_677, %and3A_741 : vector<16xi32>
        %shift_left3A_743 = arith.constant 4 : i32
        %shift_left3A_744 = vector.broadcast %shift_left3A_743 : i32 to vector<16xi32>
        %shift_left3A_745 = arith.shli %and3A_742, %shift_left3A_744 : vector<16xi32>
        %and3A_746 = arith.constant 127 : i32
        %and3A_747 = vector.broadcast %and3A_746 : i32 to vector<16xi32>
        %and3A_748 = arith.andi %get3A_677, %and3A_747 : vector<16xi32>
        %add3A_749 = arith.addi %shift_left3A_745, %and3A_748 : vector<16xi32>
        %add3A_750 = arith.addi %add3A_749, %broadcast_in_dim3A_408 : vector<16xi32>
        %and3A_751 = arith.constant 896 : i32
        %and3A_752 = vector.broadcast %and3A_751 : i32 to vector<16xi32>
        %and3A_753 = arith.andi %get3A_680, %and3A_752 : vector<16xi32>
        %shift_left3A_754 = arith.constant 4 : i32
        %shift_left3A_755 = vector.broadcast %shift_left3A_754 : i32 to vector<16xi32>
        %shift_left3A_756 = arith.shli %and3A_753, %shift_left3A_755 : vector<16xi32>
        %and3A_757 = arith.constant 127 : i32
        %and3A_758 = vector.broadcast %and3A_757 : i32 to vector<16xi32>
        %and3A_759 = arith.andi %get3A_680, %and3A_758 : vector<16xi32>
        %add3A_760 = arith.addi %shift_left3A_756, %and3A_759 : vector<16xi32>
        %add3A_761 = arith.addi %add3A_760, %broadcast_in_dim3A_408 : vector<16xi32>
        %and3A_762 = arith.constant 896 : i32
        %and3A_763 = vector.broadcast %and3A_762 : i32 to vector<16xi32>
        %and3A_764 = arith.andi %get3A_683, %and3A_763 : vector<16xi32>
        %shift_left3A_765 = arith.constant 4 : i32
        %shift_left3A_766 = vector.broadcast %shift_left3A_765 : i32 to vector<16xi32>
        %shift_left3A_767 = arith.shli %and3A_764, %shift_left3A_766 : vector<16xi32>
        %and3A_768 = arith.constant 127 : i32
        %and3A_769 = vector.broadcast %and3A_768 : i32 to vector<16xi32>
        %and3A_770 = arith.andi %get3A_683, %and3A_769 : vector<16xi32>
        %add3A_771 = arith.addi %shift_left3A_767, %and3A_770 : vector<16xi32>
        %add3A_772 = arith.addi %add3A_771, %broadcast_in_dim3A_408 : vector<16xi32>
        %and3A_773 = arith.constant 896 : i32
        %and3A_774 = vector.broadcast %and3A_773 : i32 to vector<16xi32>
        %and3A_775 = arith.andi %get3A_686, %and3A_774 : vector<16xi32>
        %shift_left3A_776 = arith.constant 4 : i32
        %shift_left3A_777 = vector.broadcast %shift_left3A_776 : i32 to vector<16xi32>
        %shift_left3A_778 = arith.shli %and3A_775, %shift_left3A_777 : vector<16xi32>
        %and3A_779 = arith.constant 127 : i32
        %and3A_780 = vector.broadcast %and3A_779 : i32 to vector<16xi32>
        %and3A_781 = arith.andi %get3A_686, %and3A_780 : vector<16xi32>
        %add3A_782 = arith.addi %shift_left3A_778, %and3A_781 : vector<16xi32>
        %add3A_783 = arith.addi %add3A_782, %broadcast_in_dim3A_408 : vector<16xi32>
        %and3A_784 = arith.constant 896 : i32
        %and3A_785 = vector.broadcast %and3A_784 : i32 to vector<16xi32>
        %and3A_786 = arith.andi %get3A_689, %and3A_785 : vector<16xi32>
        %shift_left3A_787 = arith.constant 4 : i32
        %shift_left3A_788 = vector.broadcast %shift_left3A_787 : i32 to vector<16xi32>
        %shift_left3A_789 = arith.shli %and3A_786, %shift_left3A_788 : vector<16xi32>
        %and3A_790 = arith.constant 127 : i32
        %and3A_791 = vector.broadcast %and3A_790 : i32 to vector<16xi32>
        %and3A_792 = arith.andi %get3A_689, %and3A_791 : vector<16xi32>
        %add3A_793 = arith.addi %shift_left3A_789, %and3A_792 : vector<16xi32>
        %add3A_794 = arith.addi %add3A_793, %broadcast_in_dim3A_408 : vector<16xi32>
        %and3A_795 = arith.constant 896 : i32
        %and3A_796 = vector.broadcast %and3A_795 : i32 to vector<16xi32>
        %and3A_797 = arith.andi %get3A_692, %and3A_796 : vector<16xi32>
        %shift_left3A_798 = arith.constant 4 : i32
        %shift_left3A_799 = vector.broadcast %shift_left3A_798 : i32 to vector<16xi32>
        %shift_left3A_800 = arith.shli %and3A_797, %shift_left3A_799 : vector<16xi32>
        %and3A_801 = arith.constant 127 : i32
        %and3A_802 = vector.broadcast %and3A_801 : i32 to vector<16xi32>
        %and3A_803 = arith.andi %get3A_692, %and3A_802 : vector<16xi32>
        %add3A_804 = arith.addi %shift_left3A_800, %and3A_803 : vector<16xi32>
        %add3A_805 = arith.addi %add3A_804, %broadcast_in_dim3A_408 : vector<16xi32>
        %and3A_806 = arith.constant 896 : i32
        %and3A_807 = vector.broadcast %and3A_806 : i32 to vector<16xi32>
        %and3A_808 = arith.andi %get3A_695, %and3A_807 : vector<16xi32>
        %shift_left3A_809 = arith.constant 4 : i32
        %shift_left3A_810 = vector.broadcast %shift_left3A_809 : i32 to vector<16xi32>
        %shift_left3A_811 = arith.shli %and3A_808, %shift_left3A_810 : vector<16xi32>
        %and3A_812 = arith.constant 127 : i32
        %and3A_813 = vector.broadcast %and3A_812 : i32 to vector<16xi32>
        %and3A_814 = arith.andi %get3A_695, %and3A_813 : vector<16xi32>
        %add3A_815 = arith.addi %shift_left3A_811, %and3A_814 : vector<16xi32>
        %add3A_816 = arith.addi %add3A_815, %broadcast_in_dim3A_408 : vector<16xi32>
        %and3A_817 = arith.constant 896 : i32
        %and3A_818 = vector.broadcast %and3A_817 : i32 to vector<16xi32>
        %and3A_819 = arith.andi %get3A_698, %and3A_818 : vector<16xi32>
        %shift_left3A_820 = arith.constant 4 : i32
        %shift_left3A_821 = vector.broadcast %shift_left3A_820 : i32 to vector<16xi32>
        %shift_left3A_822 = arith.shli %and3A_819, %shift_left3A_821 : vector<16xi32>
        %and3A_823 = arith.constant 127 : i32
        %and3A_824 = vector.broadcast %and3A_823 : i32 to vector<16xi32>
        %and3A_825 = arith.andi %get3A_698, %and3A_824 : vector<16xi32>
        %add3A_826 = arith.addi %shift_left3A_822, %and3A_825 : vector<16xi32>
        %add3A_827 = arith.addi %add3A_826, %broadcast_in_dim3A_408 : vector<16xi32>
        %and3A_828 = arith.constant 896 : i32
        %and3A_829 = vector.broadcast %and3A_828 : i32 to vector<16xi32>
        %and3A_830 = arith.andi %get3A_701, %and3A_829 : vector<16xi32>
        %shift_left3A_831 = arith.constant 4 : i32
        %shift_left3A_832 = vector.broadcast %shift_left3A_831 : i32 to vector<16xi32>
        %shift_left3A_833 = arith.shli %and3A_830, %shift_left3A_832 : vector<16xi32>
        %and3A_834 = arith.constant 127 : i32
        %and3A_835 = vector.broadcast %and3A_834 : i32 to vector<16xi32>
        %and3A_836 = arith.andi %get3A_701, %and3A_835 : vector<16xi32>
        %add3A_837 = arith.addi %shift_left3A_833, %and3A_836 : vector<16xi32>
        %add3A_838 = arith.addi %add3A_837, %broadcast_in_dim3A_408 : vector<16xi32>
        %and3A_839 = arith.constant 896 : i32
        %and3A_840 = vector.broadcast %and3A_839 : i32 to vector<16xi32>
        %and3A_841 = arith.andi %get3A_704, %and3A_840 : vector<16xi32>
        %shift_left3A_842 = arith.constant 4 : i32
        %shift_left3A_843 = vector.broadcast %shift_left3A_842 : i32 to vector<16xi32>
        %shift_left3A_844 = arith.shli %and3A_841, %shift_left3A_843 : vector<16xi32>
        %and3A_845 = arith.constant 127 : i32
        %and3A_846 = vector.broadcast %and3A_845 : i32 to vector<16xi32>
        %and3A_847 = arith.andi %get3A_704, %and3A_846 : vector<16xi32>
        %add3A_848 = arith.addi %shift_left3A_844, %and3A_847 : vector<16xi32>
        %add3A_849 = arith.addi %add3A_848, %broadcast_in_dim3A_408 : vector<16xi32>
        %and3A_850 = arith.constant 896 : i32
        %and3A_851 = vector.broadcast %and3A_850 : i32 to vector<16xi32>
        %and3A_852 = arith.andi %get3A_707, %and3A_851 : vector<16xi32>
        %shift_left3A_853 = arith.constant 4 : i32
        %shift_left3A_854 = vector.broadcast %shift_left3A_853 : i32 to vector<16xi32>
        %shift_left3A_855 = arith.shli %and3A_852, %shift_left3A_854 : vector<16xi32>
        %and3A_856 = arith.constant 127 : i32
        %and3A_857 = vector.broadcast %and3A_856 : i32 to vector<16xi32>
        %and3A_858 = arith.andi %get3A_707, %and3A_857 : vector<16xi32>
        %add3A_859 = arith.addi %shift_left3A_855, %and3A_858 : vector<16xi32>
        %add3A_860 = arith.addi %add3A_859, %broadcast_in_dim3A_408 : vector<16xi32>
        %and3A_861 = arith.constant 896 : i32
        %and3A_862 = vector.broadcast %and3A_861 : i32 to vector<16xi32>
        %and3A_863 = arith.andi %get3A_710, %and3A_862 : vector<16xi32>
        %shift_left3A_864 = arith.constant 4 : i32
        %shift_left3A_865 = vector.broadcast %shift_left3A_864 : i32 to vector<16xi32>
        %shift_left3A_866 = arith.shli %and3A_863, %shift_left3A_865 : vector<16xi32>
        %and3A_867 = arith.constant 127 : i32
        %and3A_868 = vector.broadcast %and3A_867 : i32 to vector<16xi32>
        %and3A_869 = arith.andi %get3A_710, %and3A_868 : vector<16xi32>
        %add3A_870 = arith.addi %shift_left3A_866, %and3A_869 : vector<16xi32>
        %add3A_871 = arith.addi %add3A_870, %broadcast_in_dim3A_408 : vector<16xi32>
        %and3A_872 = arith.constant 896 : i32
        %and3A_873 = vector.broadcast %and3A_872 : i32 to vector<16xi32>
        %and3A_874 = arith.andi %get3A_713, %and3A_873 : vector<16xi32>
        %shift_left3A_875 = arith.constant 4 : i32
        %shift_left3A_876 = vector.broadcast %shift_left3A_875 : i32 to vector<16xi32>
        %shift_left3A_877 = arith.shli %and3A_874, %shift_left3A_876 : vector<16xi32>
        %and3A_878 = arith.constant 127 : i32
        %and3A_879 = vector.broadcast %and3A_878 : i32 to vector<16xi32>
        %and3A_880 = arith.andi %get3A_713, %and3A_879 : vector<16xi32>
        %add3A_881 = arith.addi %shift_left3A_877, %and3A_880 : vector<16xi32>
        %add3A_882 = arith.addi %add3A_881, %broadcast_in_dim3A_408 : vector<16xi32>
        %and3A_883 = arith.constant 896 : i32
        %and3A_884 = vector.broadcast %and3A_883 : i32 to vector<16xi32>
        %and3A_885 = arith.andi %get3A_716, %and3A_884 : vector<16xi32>
        %shift_left3A_886 = arith.constant 4 : i32
        %shift_left3A_887 = vector.broadcast %shift_left3A_886 : i32 to vector<16xi32>
        %shift_left3A_888 = arith.shli %and3A_885, %shift_left3A_887 : vector<16xi32>
        %and3A_889 = arith.constant 127 : i32
        %and3A_890 = vector.broadcast %and3A_889 : i32 to vector<16xi32>
        %and3A_891 = arith.andi %get3A_716, %and3A_890 : vector<16xi32>
        %add3A_892 = arith.addi %shift_left3A_888, %and3A_891 : vector<16xi32>
        %add3A_893 = arith.addi %add3A_892, %broadcast_in_dim3A_408 : vector<16xi32>
        %and3A_894 = arith.constant 896 : i32
        %and3A_895 = vector.broadcast %and3A_894 : i32 to vector<16xi32>
        %and3A_896 = arith.andi %get3A_719, %and3A_895 : vector<16xi32>
        %shift_left3A_897 = arith.constant 4 : i32
        %shift_left3A_898 = vector.broadcast %shift_left3A_897 : i32 to vector<16xi32>
        %shift_left3A_899 = arith.shli %and3A_896, %shift_left3A_898 : vector<16xi32>
        %and3A_900 = arith.constant 127 : i32
        %and3A_901 = vector.broadcast %and3A_900 : i32 to vector<16xi32>
        %and3A_902 = arith.andi %get3A_719, %and3A_901 : vector<16xi32>
        %add3A_903 = arith.addi %shift_left3A_899, %and3A_902 : vector<16xi32>
        %add3A_904 = arith.addi %add3A_903, %broadcast_in_dim3A_408 : vector<16xi32>
        %and3A_905 = arith.constant 896 : i32
        %and3A_906 = vector.broadcast %and3A_905 : i32 to vector<16xi32>
        %and3A_907 = arith.andi %get3A_722, %and3A_906 : vector<16xi32>
        %shift_left3A_908 = arith.constant 4 : i32
        %shift_left3A_909 = vector.broadcast %shift_left3A_908 : i32 to vector<16xi32>
        %shift_left3A_910 = arith.shli %and3A_907, %shift_left3A_909 : vector<16xi32>
        %and3A_911 = arith.constant 127 : i32
        %and3A_912 = vector.broadcast %and3A_911 : i32 to vector<16xi32>
        %and3A_913 = arith.andi %get3A_722, %and3A_912 : vector<16xi32>
        %add3A_914 = arith.addi %shift_left3A_910, %and3A_913 : vector<16xi32>
        %add3A_915 = arith.addi %add3A_914, %broadcast_in_dim3A_408 : vector<16xi32>
        %and3A_916 = arith.constant 896 : i32
        %and3A_917 = vector.broadcast %and3A_916 : i32 to vector<16xi32>
        %and3A_918 = arith.andi %get3A_725, %and3A_917 : vector<16xi32>
        %shift_left3A_919 = arith.constant 4 : i32
        %shift_left3A_920 = vector.broadcast %shift_left3A_919 : i32 to vector<16xi32>
        %shift_left3A_921 = arith.shli %and3A_918, %shift_left3A_920 : vector<16xi32>
        %and3A_922 = arith.constant 127 : i32
        %and3A_923 = vector.broadcast %and3A_922 : i32 to vector<16xi32>
        %and3A_924 = arith.andi %get3A_725, %and3A_923 : vector<16xi32>
        %add3A_925 = arith.addi %shift_left3A_921, %and3A_924 : vector<16xi32>
        %add3A_926 = arith.addi %add3A_925, %broadcast_in_dim3A_408 : vector<16xi32>
        %and3A_927 = arith.constant 896 : i32
        %and3A_928 = vector.broadcast %and3A_927 : i32 to vector<16xi32>
        %and3A_929 = arith.andi %get3A_728, %and3A_928 : vector<16xi32>
        %shift_left3A_930 = arith.constant 4 : i32
        %shift_left3A_931 = vector.broadcast %shift_left3A_930 : i32 to vector<16xi32>
        %shift_left3A_932 = arith.shli %and3A_929, %shift_left3A_931 : vector<16xi32>
        %and3A_933 = arith.constant 127 : i32
        %and3A_934 = vector.broadcast %and3A_933 : i32 to vector<16xi32>
        %and3A_935 = arith.andi %get3A_728, %and3A_934 : vector<16xi32>
        %add3A_936 = arith.addi %shift_left3A_932, %and3A_935 : vector<16xi32>
        %add3A_937 = arith.addi %add3A_936, %broadcast_in_dim3A_408 : vector<16xi32>
        tpu.vector_store_idx %arg9[%add3A_739], %broadcast_in_dim3A_5 {add = true} : memref<16384xf32, #tpu.memory_space<vmem>>[vector<16xi32>], vector<16xf32>,
        tpu.vector_store_idx %arg9[%add3A_750], %broadcast_in_dim3A_5 {add = true} : memref<16384xf32, #tpu.memory_space<vmem>>[vector<16xi32>], vector<16xf32>,
        tpu.vector_store_idx %arg9[%add3A_761], %broadcast_in_dim3A_5 {add = true} : memref<16384xf32, #tpu.memory_space<vmem>>[vector<16xi32>], vector<16xf32>,
        tpu.vector_store_idx %arg9[%add3A_772], %broadcast_in_dim3A_5 {add = true} : memref<16384xf32, #tpu.memory_space<vmem>>[vector<16xi32>], vector<16xf32>,
        tpu.vector_store_idx %arg9[%add3A_783], %broadcast_in_dim3A_5 {add = true} : memref<16384xf32, #tpu.memory_space<vmem>>[vector<16xi32>], vector<16xf32>,
        tpu.vector_store_idx %arg9[%add3A_794], %broadcast_in_dim3A_5 {add = true} : memref<16384xf32, #tpu.memory_space<vmem>>[vector<16xi32>], vector<16xf32>,
        tpu.vector_store_idx %arg9[%add3A_805], %broadcast_in_dim3A_5 {add = true} : memref<16384xf32, #tpu.memory_space<vmem>>[vector<16xi32>], vector<16xf32>,
        tpu.vector_store_idx %arg9[%add3A_816], %broadcast_in_dim3A_5 {add = true} : memref<16384xf32, #tpu.memory_space<vmem>>[vector<16xi32>], vector<16xf32>,
        tpu.vector_store_idx %arg9[%add3A_827], %broadcast_in_dim3A_5 {add = true} : memref<16384xf32, #tpu.memory_space<vmem>>[vector<16xi32>], vector<16xf32>,
        tpu.vector_store_idx %arg9[%add3A_838], %broadcast_in_dim3A_5 {add = true} : memref<16384xf32, #tpu.memory_space<vmem>>[vector<16xi32>], vector<16xf32>,
        tpu.vector_store_idx %arg9[%add3A_849], %broadcast_in_dim3A_5 {add = true} : memref<16384xf32, #tpu.memory_space<vmem>>[vector<16xi32>], vector<16xf32>,
        tpu.vector_store_idx %arg9[%add3A_860], %broadcast_in_dim3A_5 {add = true} : memref<16384xf32, #tpu.memory_space<vmem>>[vector<16xi32>], vector<16xf32>,
        tpu.vector_store_idx %arg9[%add3A_871], %broadcast_in_dim3A_5 {add = true} : memref<16384xf32, #tpu.memory_space<vmem>>[vector<16xi32>], vector<16xf32>,
        tpu.vector_store_idx %arg9[%add3A_882], %broadcast_in_dim3A_5 {add = true} : memref<16384xf32, #tpu.memory_space<vmem>>[vector<16xi32>], vector<16xf32>,
        tpu.vector_store_idx %arg9[%add3A_893], %broadcast_in_dim3A_5 {add = true} : memref<16384xf32, #tpu.memory_space<vmem>>[vector<16xi32>], vector<16xf32>,
        tpu.vector_store_idx %arg9[%add3A_904], %broadcast_in_dim3A_5 {add = true} : memref<16384xf32, #tpu.memory_space<vmem>>[vector<16xi32>], vector<16xf32>,
        tpu.vector_store_idx %arg9[%add3A_915], %broadcast_in_dim3A_5 {add = true} : memref<16384xf32, #tpu.memory_space<vmem>>[vector<16xi32>], vector<16xf32>,
        tpu.vector_store_idx %arg9[%add3A_926], %broadcast_in_dim3A_5 {add = true} : memref<16384xf32, #tpu.memory_space<vmem>>[vector<16xi32>], vector<16xf32>,
        tpu.vector_store_idx %arg9[%add3A_937], %broadcast_in_dim3A_5 {add = true} : memref<16384xf32, #tpu.memory_space<vmem>>[vector<16xi32>], vector<16xf32>,
      }
      %scan3A_195 = arith.constant 16 : i32
      %add3A_196 = arith.constant 2 : i32
      %add3A_197 = arith.addi %add3A_165, %add3A_196 : i32
      %lt3A = arith.constant 4 : i32
      %lt3A_198 = arith.cmpi slt, %add3A_197, %lt3A : i32
      %convert_element_type3A_199 = arith.extui %lt3A_198 : i1 to i32
      %cond3A_200 = arith.constant 0 : i32
      %cond3A_201 = arith.cmpi ne, %convert_element_type3A_199, %cond3A_200 : i32
      scf.if %cond3A_201 {
        %add3A_405 = arith.constant 2 : i32
        %add3A_406 = arith.addi %add3A_165, %add3A_405 : i32
        %mul3A_407 = arith.constant 16 : i32
        %mul3A_408 = arith.muli %add3A_406, %mul3A_407 : i32
        %add3A_409 = arith.addi %mul3A_2, %mul3A_408 : i32
        %dma_start3A_410 = arith.constant 0 : i32
        %dma_start3A_411 = tpu.memref_slice %arg2[%add3A_409, %dma_start3A_410] : memref<2048x200xi32, #tpu.memory_space<hbm>> -> memref<16x200xi32, #tpu.memory_space<hbm>>
        %dma_start3A_412 = arith.constant 0 : i32
        %dma_start3A_413 = tpu.memref_slice %arg2[%add3A_409, %dma_start3A_412] : memref<2048x200xi32, #tpu.memory_space<hbm>> -> memref<16x200xi32, #tpu.memory_space<hbm>>
        tpu.enqueue_dma source(%dma_start3A_413 : memref<16x200xi32, #tpu.memory_space<hbm>>) target(%arg5 : memref<16x200xi32, #tpu.memory_space<vmem>>) target_semaphore(%arg11 : memref<!tpu.dma_semaphore, #tpu.memory_space<semaphore_mem>>)
        %dma_start3A_414 = arith.constant 0 : i32
        %dma_start3A_415 = tpu.memref_slice %arg3[%add3A_409, %dma_start3A_414] : memref<2048x400xi32, #tpu.memory_space<hbm>> -> memref<16x400xi32, #tpu.memory_space<hbm>>
        %dma_start3A_416 = arith.constant 0 : i32
        %dma_start3A_417 = tpu.memref_slice %arg3[%add3A_409, %dma_start3A_416] : memref<2048x400xi32, #tpu.memory_space<hbm>> -> memref<16x400xi32, #tpu.memory_space<hbm>>
        tpu.enqueue_dma source(%dma_start3A_417 : memref<16x400xi32, #tpu.memory_space<hbm>>) target(%arg7 : memref<16x400xi32, #tpu.memory_space<vmem>>) target_semaphore(%arg13 : memref<!tpu.dma_semaphore, #tpu.memory_space<semaphore_mem>>)
      } else {
      }
      %add3A_202 = arith.constant 0 : i32
      %add3A_203 = arith.addi %add3A_202, %add3A_168 : i32
      %mul3A_204 = arith.constant 128 : i32
      %mul3A_205 = arith.muli %add3A_203, %mul3A_204 : i32
      %dma_start3A_206 = arith.constant 0 : i32
      %dma_start3A_207 = tpu.memref_slice %arg9[%dma_start3A_206] : memref<16384xf32, #tpu.memory_space<vmem>> -> memref<2048xf32, #tpu.memory_space<vmem>>
      %dma_start3A_208 = tpu.memref_slice %arg4[%mul3A_205] : memref<2097152xf32, #tpu.memory_space<hbm>> -> memref<2048xf32, #tpu.memory_space<hbm>>
      %dma_start3A_209 = tpu.memref_slice %arg4[%mul3A_205] : memref<2097152xf32, #tpu.memory_space<hbm>> -> memref<2048xf32, #tpu.memory_space<hbm>>
      %dma_start3A_210 = arith.constant 0 : i32
      %dma_start3A_211 = tpu.memref_slice %arg9[%dma_start3A_210] : memref<16384xf32, #tpu.memory_space<vmem>> -> memref<2048xf32, #tpu.memory_space<vmem>>
      tpu.enqueue_dma source(%dma_start3A_211 : memref<2048xf32, #tpu.memory_space<vmem>>) target(%dma_start3A_209 : memref<2048xf32, #tpu.memory_space<hbm>>) target_semaphore(%arg15 : memref<!tpu.dma_semaphore, #tpu.memory_space<semaphore_mem>>)
      %add3A_212 = arith.constant 2048 : i32
      %add3A_213 = arith.addi %add3A_212, %add3A_168 : i32
      %mul3A_214 = arith.constant 128 : i32
      %mul3A_215 = arith.muli %add3A_213, %mul3A_214 : i32
      %dma_start3A_216 = arith.constant 2048 : i32
      %dma_start3A_217 = tpu.memref_slice %arg9[%dma_start3A_216] : memref<16384xf32, #tpu.memory_space<vmem>> -> memref<2048xf32, #tpu.memory_space<vmem>>
      %dma_start3A_218 = tpu.memref_slice %arg4[%mul3A_215] : memref<2097152xf32, #tpu.memory_space<hbm>> -> memref<2048xf32, #tpu.memory_space<hbm>>
      %dma_start3A_219 = tpu.memref_slice %arg4[%mul3A_215] : memref<2097152xf32, #tpu.memory_space<hbm>> -> memref<2048xf32, #tpu.memory_space<hbm>>
      %dma_start3A_220 = arith.constant 2048 : i32
      %dma_start3A_221 = tpu.memref_slice %arg9[%dma_start3A_220] : memref<16384xf32, #tpu.memory_space<vmem>> -> memref<2048xf32, #tpu.memory_space<vmem>>
      tpu.enqueue_dma source(%dma_start3A_221 : memref<2048xf32, #tpu.memory_space<vmem>>) target(%dma_start3A_219 : memref<2048xf32, #tpu.memory_space<hbm>>) target_semaphore(%arg15 : memref<!tpu.dma_semaphore, #tpu.memory_space<semaphore_mem>>)
      %add3A_222 = arith.constant 4096 : i32
      %add3A_223 = arith.addi %add3A_222, %add3A_168 : i32
      %mul3A_224 = arith.constant 128 : i32
      %mul3A_225 = arith.muli %add3A_223, %mul3A_224 : i32
      %dma_start3A_226 = arith.constant 4096 : i32
      %dma_start3A_227 = tpu.memref_slice %arg9[%dma_start3A_226] : memref<16384xf32, #tpu.memory_space<vmem>> -> memref<2048xf32, #tpu.memory_space<vmem>>
      %dma_start3A_228 = tpu.memref_slice %arg4[%mul3A_225] : memref<2097152xf32, #tpu.memory_space<hbm>> -> memref<2048xf32, #tpu.memory_space<hbm>>
      %dma_start3A_229 = tpu.memref_slice %arg4[%mul3A_225] : memref<2097152xf32, #tpu.memory_space<hbm>> -> memref<2048xf32, #tpu.memory_space<hbm>>
      %dma_start3A_230 = arith.constant 4096 : i32
      %dma_start3A_231 = tpu.memref_slice %arg9[%dma_start3A_230] : memref<16384xf32, #tpu.memory_space<vmem>> -> memref<2048xf32, #tpu.memory_space<vmem>>
      tpu.enqueue_dma source(%dma_start3A_231 : memref<2048xf32, #tpu.memory_space<vmem>>) target(%dma_start3A_229 : memref<2048xf32, #tpu.memory_space<hbm>>) target_semaphore(%arg15 : memref<!tpu.dma_semaphore, #tpu.memory_space<semaphore_mem>>)
      %add3A_232 = arith.constant 6144 : i32
      %add3A_233 = arith.addi %add3A_232, %add3A_168 : i32
      %mul3A_234 = arith.constant 128 : i32
      %mul3A_235 = arith.muli %add3A_233, %mul3A_234 : i32
      %dma_start3A_236 = arith.constant 6144 : i32
      %dma_start3A_237 = tpu.memref_slice %arg9[%dma_start3A_236] : memref<16384xf32, #tpu.memory_space<vmem>> -> memref<2048xf32, #tpu.memory_space<vmem>>
      %dma_start3A_238 = tpu.memref_slice %arg4[%mul3A_235] : memref<2097152xf32, #tpu.memory_space<hbm>> -> memref<2048xf32, #tpu.memory_space<hbm>>
      %dma_start3A_239 = tpu.memref_slice %arg4[%mul3A_235] : memref<2097152xf32, #tpu.memory_space<hbm>> -> memref<2048xf32, #tpu.memory_space<hbm>>
      %dma_start3A_240 = arith.constant 6144 : i32
      %dma_start3A_241 = tpu.memref_slice %arg9[%dma_start3A_240] : memref<16384xf32, #tpu.memory_space<vmem>> -> memref<2048xf32, #tpu.memory_space<vmem>>
      tpu.enqueue_dma source(%dma_start3A_241 : memref<2048xf32, #tpu.memory_space<vmem>>) target(%dma_start3A_239 : memref<2048xf32, #tpu.memory_space<hbm>>) target_semaphore(%arg15 : memref<!tpu.dma_semaphore, #tpu.memory_space<semaphore_mem>>)
      %add3A_242 = arith.constant 8192 : i32
      %add3A_243 = arith.addi %add3A_242, %add3A_168 : i32
      %mul3A_244 = arith.constant 128 : i32
      %mul3A_245 = arith.muli %add3A_243, %mul3A_244 : i32
      %dma_start3A_246 = arith.constant 8192 : i32
      %dma_start3A_247 = tpu.memref_slice %arg9[%dma_start3A_246] : memref<16384xf32, #tpu.memory_space<vmem>> -> memref<2048xf32, #tpu.memory_space<vmem>>
      %dma_start3A_248 = tpu.memref_slice %arg4[%mul3A_245] : memref<2097152xf32, #tpu.memory_space<hbm>> -> memref<2048xf32, #tpu.memory_space<hbm>>
      %dma_start3A_249 = tpu.memref_slice %arg4[%mul3A_245] : memref<2097152xf32, #tpu.memory_space<hbm>> -> memref<2048xf32, #tpu.memory_space<hbm>>
      %dma_start3A_250 = arith.constant 8192 : i32
      %dma_start3A_251 = tpu.memref_slice %arg9[%dma_start3A_250] : memref<16384xf32, #tpu.memory_space<vmem>> -> memref<2048xf32, #tpu.memory_space<vmem>>
      tpu.enqueue_dma source(%dma_start3A_251 : memref<2048xf32, #tpu.memory_space<vmem>>) target(%dma_start3A_249 : memref<2048xf32, #tpu.memory_space<hbm>>) target_semaphore(%arg15 : memref<!tpu.dma_semaphore, #tpu.memory_space<semaphore_mem>>)
      %add3A_252 = arith.constant 10240 : i32
      %add3A_253 = arith.addi %add3A_252, %add3A_168 : i32
      %mul3A_254 = arith.constant 128 : i32
      %mul3A_255 = arith.muli %add3A_253, %mul3A_254 : i32
      %dma_start3A_256 = arith.constant 10240 : i32
      %dma_start3A_257 = tpu.memref_slice %arg9[%dma_start3A_256] : memref<16384xf32, #tpu.memory_space<vmem>> -> memref<2048xf32, #tpu.memory_space<vmem>>
      %dma_start3A_258 = tpu.memref_slice %arg4[%mul3A_255] : memref<2097152xf32, #tpu.memory_space<hbm>> -> memref<2048xf32, #tpu.memory_space<hbm>>
      %dma_start3A_259 = tpu.memref_slice %arg4[%mul3A_255] : memref<2097152xf32, #tpu.memory_space<hbm>> -> memref<2048xf32, #tpu.memory_space<hbm>>
      %dma_start3A_260 = arith.constant 10240 : i32
      %dma_start3A_261 = tpu.memref_slice %arg9[%dma_start3A_260] : memref<16384xf32, #tpu.memory_space<vmem>> -> memref<2048xf32, #tpu.memory_space<vmem>>
      tpu.enqueue_dma source(%dma_start3A_261 : memref<2048xf32, #tpu.memory_space<vmem>>) target(%dma_start3A_259 : memref<2048xf32, #tpu.memory_space<hbm>>) target_semaphore(%arg15 : memref<!tpu.dma_semaphore, #tpu.memory_space<semaphore_mem>>)
      %add3A_262 = arith.constant 12288 : i32
      %add3A_263 = arith.addi %add3A_262, %add3A_168 : i32
      %mul3A_264 = arith.constant 128 : i32
      %mul3A_265 = arith.muli %add3A_263, %mul3A_264 : i32
      %dma_start3A_266 = arith.constant 12288 : i32
      %dma_start3A_267 = tpu.memref_slice %arg9[%dma_start3A_266] : memref<16384xf32, #tpu.memory_space<vmem>> -> memref<2048xf32, #tpu.memory_space<vmem>>
      %dma_start3A_268 = tpu.memref_slice %arg4[%mul3A_265] : memref<2097152xf32, #tpu.memory_space<hbm>> -> memref<2048xf32, #tpu.memory_space<hbm>>
      %dma_start3A_269 = tpu.memref_slice %arg4[%mul3A_265] : memref<2097152xf32, #tpu.memory_space<hbm>> -> memref<2048xf32, #tpu.memory_space<hbm>>
      %dma_start3A_270 = arith.constant 12288 : i32
      %dma_start3A_271 = tpu.memref_slice %arg9[%dma_start3A_270] : memref<16384xf32, #tpu.memory_space<vmem>> -> memref<2048xf32, #tpu.memory_space<vmem>>
      tpu.enqueue_dma source(%dma_start3A_271 : memref<2048xf32, #tpu.memory_space<vmem>>) target(%dma_start3A_269 : memref<2048xf32, #tpu.memory_space<hbm>>) target_semaphore(%arg15 : memref<!tpu.dma_semaphore, #tpu.memory_space<semaphore_mem>>)
      %add3A_272 = arith.constant 14336 : i32
      %add3A_273 = arith.addi %add3A_272, %add3A_168 : i32
      %mul3A_274 = arith.constant 128 : i32
      %mul3A_275 = arith.muli %add3A_273, %mul3A_274 : i32
      %dma_start3A_276 = arith.constant 14336 : i32
      %dma_start3A_277 = tpu.memref_slice %arg9[%dma_start3A_276] : memref<16384xf32, #tpu.memory_space<vmem>> -> memref<2048xf32, #tpu.memory_space<vmem>>
      %dma_start3A_278 = tpu.memref_slice %arg4[%mul3A_275] : memref<2097152xf32, #tpu.memory_space<hbm>> -> memref<2048xf32, #tpu.memory_space<hbm>>
      %dma_start3A_279 = tpu.memref_slice %arg4[%mul3A_275] : memref<2097152xf32, #tpu.memory_space<hbm>> -> memref<2048xf32, #tpu.memory_space<hbm>>
      %dma_start3A_280 = arith.constant 14336 : i32
      %dma_start3A_281 = tpu.memref_slice %arg9[%dma_start3A_280] : memref<16384xf32, #tpu.memory_space<vmem>> -> memref<2048xf32, #tpu.memory_space<vmem>>
      tpu.enqueue_dma source(%dma_start3A_281 : memref<2048xf32, #tpu.memory_space<vmem>>) target(%dma_start3A_279 : memref<2048xf32, #tpu.memory_space<hbm>>) target_semaphore(%arg15 : memref<!tpu.dma_semaphore, #tpu.memory_space<semaphore_mem>>)
      %mul3A_282 = arith.constant 2 : i32
      %mul3A_283 = arith.muli %scan3A_161, %mul3A_282 : i32
      %add3A_284 = arith.constant 1 : i32
      %add3A_285 = arith.addi %mul3A_283, %add3A_284 : i32
      %mul3A_286 = arith.constant 16 : i32
      %mul3A_287 = arith.muli %add3A_285, %mul3A_286 : i32
      %add3A_288 = arith.addi %mul3A_2, %mul3A_287 : i32
      %ge3A_289 = arith.constant 2 : i32
      %ge3A_290 = arith.cmpi sge, %add3A_285, %ge3A_289 : i32
      %convert_element_type3A_291 = arith.extui %ge3A_290 : i1 to i32
      %cond3A_292 = arith.constant 0 : i32
      %cond3A_293 = arith.cmpi ne, %convert_element_type3A_291, %cond3A_292 : i32
      scf.if %cond3A_293 {
        %dma_wait3A_405 = arith.constant 0 : i32
        %dma_wait3A_406 = tpu.memref_slice %arg10[%dma_wait3A_405] : memref<16384xf32, #tpu.memory_space<vmem>> -> memref<2048xf32, #tpu.memory_space<vmem>>
        %dma_wait3A_407 = arith.constant 0 : i32
        %dma_wait3A_408 = tpu.memref_slice %arg4[%dma_wait3A_407] : memref<2097152xf32, #tpu.memory_space<hbm>> -> memref<2048xf32, #tpu.memory_space<hbm>>
        %dma_wait3A_409 = arith.constant 0 : i32
        %dma_wait3A_410 = tpu.memref_slice %arg4[%dma_wait3A_409] : memref<2097152xf32, #tpu.memory_space<hbm>> -> memref<2048xf32, #tpu.memory_space<hbm>>
        %dma_wait3A_411 = arith.constant 0 : i32
        %dma_wait3A_412 = tpu.memref_slice %arg10[%dma_wait3A_411] : memref<16384xf32, #tpu.memory_space<vmem>> -> memref<2048xf32, #tpu.memory_space<vmem>>
        tpu.wait_dma2 semaphore(%arg16 : memref<!tpu.dma_semaphore, #tpu.memory_space<semaphore_mem>>) src(%dma_wait3A_412 : memref<2048xf32, #tpu.memory_space<vmem>>) dst(%dma_wait3A_410 : memref<2048xf32, #tpu.memory_space<hbm>>)
        %dma_wait3A_413 = arith.constant 0 : i32
        %dma_wait3A_414 = tpu.memref_slice %arg10[%dma_wait3A_413] : memref<16384xf32, #tpu.memory_space<vmem>> -> memref<2048xf32, #tpu.memory_space<vmem>>
        %dma_wait3A_415 = arith.constant 0 : i32
        %dma_wait3A_416 = tpu.memref_slice %arg4[%dma_wait3A_415] : memref<2097152xf32, #tpu.memory_space<hbm>> -> memref<2048xf32, #tpu.memory_space<hbm>>
        %dma_wait3A_417 = arith.constant 0 : i32
        %dma_wait3A_418 = tpu.memref_slice %arg4[%dma_wait3A_417] : memref<2097152xf32, #tpu.memory_space<hbm>> -> memref<2048xf32, #tpu.memory_space<hbm>>
        %dma_wait3A_419 = arith.constant 0 : i32
        %dma_wait3A_420 = tpu.memref_slice %arg10[%dma_wait3A_419] : memref<16384xf32, #tpu.memory_space<vmem>> -> memref<2048xf32, #tpu.memory_space<vmem>>
        tpu.wait_dma2 semaphore(%arg16 : memref<!tpu.dma_semaphore, #tpu.memory_space<semaphore_mem>>) src(%dma_wait3A_420 : memref<2048xf32, #tpu.memory_space<vmem>>) dst(%dma_wait3A_418 : memref<2048xf32, #tpu.memory_space<hbm>>)
        %dma_wait3A_421 = arith.constant 0 : i32
        %dma_wait3A_422 = tpu.memref_slice %arg10[%dma_wait3A_421] : memref<16384xf32, #tpu.memory_space<vmem>> -> memref<2048xf32, #tpu.memory_space<vmem>>
        %dma_wait3A_423 = arith.constant 0 : i32
        %dma_wait3A_424 = tpu.memref_slice %arg4[%dma_wait3A_423] : memref<2097152xf32, #tpu.memory_space<hbm>> -> memref<2048xf32, #tpu.memory_space<hbm>>
        %dma_wait3A_425 = arith.constant 0 : i32
        %dma_wait3A_426 = tpu.memref_slice %arg4[%dma_wait3A_425] : memref<2097152xf32, #tpu.memory_space<hbm>> -> memref<2048xf32, #tpu.memory_space<hbm>>
        %dma_wait3A_427 = arith.constant 0 : i32
        %dma_wait3A_428 = tpu.memref_slice %arg10[%dma_wait3A_427] : memref<16384xf32, #tpu.memory_space<vmem>> -> memref<2048xf32, #tpu.memory_space<vmem>>
        tpu.wait_dma2 semaphore(%arg16 : memref<!tpu.dma_semaphore, #tpu.memory_space<semaphore_mem>>) src(%dma_wait3A_428 : memref<2048xf32, #tpu.memory_space<vmem>>) dst(%dma_wait3A_426 : memref<2048xf32, #tpu.memory_space<hbm>>)
        %dma_wait3A_429 = arith.constant 0 : i32
        %dma_wait3A_430 = tpu.memref_slice %arg10[%dma_wait3A_429] : memref<16384xf32, #tpu.memory_space<vmem>> -> memref<2048xf32, #tpu.memory_space<vmem>>
        %dma_wait3A_431 = arith.constant 0 : i32
        %dma_wait3A_432 = tpu.memref_slice %arg4[%dma_wait3A_431] : memref<2097152xf32, #tpu.memory_space<hbm>> -> memref<2048xf32, #tpu.memory_space<hbm>>
        %dma_wait3A_433 = arith.constant 0 : i32
        %dma_wait3A_434 = tpu.memref_slice %arg4[%dma_wait3A_433] : memref<2097152xf32, #tpu.memory_space<hbm>> -> memref<2048xf32, #tpu.memory_space<hbm>>
        %dma_wait3A_435 = arith.constant 0 : i32
        %dma_wait3A_436 = tpu.memref_slice %arg10[%dma_wait3A_435] : memref<16384xf32, #tpu.memory_space<vmem>> -> memref<2048xf32, #tpu.memory_space<vmem>>
        tpu.wait_dma2 semaphore(%arg16 : memref<!tpu.dma_semaphore, #tpu.memory_space<semaphore_mem>>) src(%dma_wait3A_436 : memref<2048xf32, #tpu.memory_space<vmem>>) dst(%dma_wait3A_434 : memref<2048xf32, #tpu.memory_space<hbm>>)
        %dma_wait3A_437 = arith.constant 0 : i32
        %dma_wait3A_438 = tpu.memref_slice %arg10[%dma_wait3A_437] : memref<16384xf32, #tpu.memory_space<vmem>> -> memref<2048xf32, #tpu.memory_space<vmem>>
        %dma_wait3A_439 = arith.constant 0 : i32
        %dma_wait3A_440 = tpu.memref_slice %arg4[%dma_wait3A_439] : memref<2097152xf32, #tpu.memory_space<hbm>> -> memref<2048xf32, #tpu.memory_space<hbm>>
        %dma_wait3A_441 = arith.constant 0 : i32
        %dma_wait3A_442 = tpu.memref_slice %arg4[%dma_wait3A_441] : memref<2097152xf32, #tpu.memory_space<hbm>> -> memref<2048xf32, #tpu.memory_space<hbm>>
        %dma_wait3A_443 = arith.constant 0 : i32
        %dma_wait3A_444 = tpu.memref_slice %arg10[%dma_wait3A_443] : memref<16384xf32, #tpu.memory_space<vmem>> -> memref<2048xf32, #tpu.memory_space<vmem>>
        tpu.wait_dma2 semaphore(%arg16 : memref<!tpu.dma_semaphore, #tpu.memory_space<semaphore_mem>>) src(%dma_wait3A_444 : memref<2048xf32, #tpu.memory_space<vmem>>) dst(%dma_wait3A_442 : memref<2048xf32, #tpu.memory_space<hbm>>)
        %dma_wait3A_445 = arith.constant 0 : i32
        %dma_wait3A_446 = tpu.memref_slice %arg10[%dma_wait3A_445] : memref<16384xf32, #tpu.memory_space<vmem>> -> memref<2048xf32, #tpu.memory_space<vmem>>
        %dma_wait3A_447 = arith.constant 0 : i32
        %dma_wait3A_448 = tpu.memref_slice %arg4[%dma_wait3A_447] : memref<2097152xf32, #tpu.memory_space<hbm>> -> memref<2048xf32, #tpu.memory_space<hbm>>
        %dma_wait3A_449 = arith.constant 0 : i32
        %dma_wait3A_450 = tpu.memref_slice %arg4[%dma_wait3A_449] : memref<2097152xf32, #tpu.memory_space<hbm>> -> memref<2048xf32, #tpu.memory_space<hbm>>
        %dma_wait3A_451 = arith.constant 0 : i32
        %dma_wait3A_452 = tpu.memref_slice %arg10[%dma_wait3A_451] : memref<16384xf32, #tpu.memory_space<vmem>> -> memref<2048xf32, #tpu.memory_space<vmem>>
        tpu.wait_dma2 semaphore(%arg16 : memref<!tpu.dma_semaphore, #tpu.memory_space<semaphore_mem>>) src(%dma_wait3A_452 : memref<2048xf32, #tpu.memory_space<vmem>>) dst(%dma_wait3A_450 : memref<2048xf32, #tpu.memory_space<hbm>>)
        %dma_wait3A_453 = arith.constant 0 : i32
        %dma_wait3A_454 = tpu.memref_slice %arg10[%dma_wait3A_453] : memref<16384xf32, #tpu.memory_space<vmem>> -> memref<2048xf32, #tpu.memory_space<vmem>>
        %dma_wait3A_455 = arith.constant 0 : i32
        %dma_wait3A_456 = tpu.memref_slice %arg4[%dma_wait3A_455] : memref<2097152xf32, #tpu.memory_space<hbm>> -> memref<2048xf32, #tpu.memory_space<hbm>>
        %dma_wait3A_457 = arith.constant 0 : i32
        %dma_wait3A_458 = tpu.memref_slice %arg4[%dma_wait3A_457] : memref<2097152xf32, #tpu.memory_space<hbm>> -> memref<2048xf32, #tpu.memory_space<hbm>>
        %dma_wait3A_459 = arith.constant 0 : i32
        %dma_wait3A_460 = tpu.memref_slice %arg10[%dma_wait3A_459] : memref<16384xf32, #tpu.memory_space<vmem>> -> memref<2048xf32, #tpu.memory_space<vmem>>
        tpu.wait_dma2 semaphore(%arg16 : memref<!tpu.dma_semaphore, #tpu.memory_space<semaphore_mem>>) src(%dma_wait3A_460 : memref<2048xf32, #tpu.memory_space<vmem>>) dst(%dma_wait3A_458 : memref<2048xf32, #tpu.memory_space<hbm>>)
        %dma_wait3A_461 = arith.constant 0 : i32
        %dma_wait3A_462 = tpu.memref_slice %arg10[%dma_wait3A_461] : memref<16384xf32, #tpu.memory_space<vmem>> -> memref<2048xf32, #tpu.memory_space<vmem>>
        %dma_wait3A_463 = arith.constant 0 : i32
        %dma_wait3A_464 = tpu.memref_slice %arg4[%dma_wait3A_463] : memref<2097152xf32, #tpu.memory_space<hbm>> -> memref<2048xf32, #tpu.memory_space<hbm>>
        %dma_wait3A_465 = arith.constant 0 : i32
        %dma_wait3A_466 = tpu.memref_slice %arg4[%dma_wait3A_465] : memref<2097152xf32, #tpu.memory_space<hbm>> -> memref<2048xf32, #tpu.memory_space<hbm>>
        %dma_wait3A_467 = arith.constant 0 : i32
        %dma_wait3A_468 = tpu.memref_slice %arg10[%dma_wait3A_467] : memref<16384xf32, #tpu.memory_space<vmem>> -> memref<2048xf32, #tpu.memory_space<vmem>>
        tpu.wait_dma2 semaphore(%arg16 : memref<!tpu.dma_semaphore, #tpu.memory_space<semaphore_mem>>) src(%dma_wait3A_468 : memref<2048xf32, #tpu.memory_space<vmem>>) dst(%dma_wait3A_466 : memref<2048xf32, #tpu.memory_space<hbm>>)
      } else {
      }
      %scan3A_294 = arith.constant 0 : i32
      %scan3A_295 = arith.constant 0 : i32
      %scan3A_296 = arith.constant 64 : i32
      %scan3A_297 = arith.addi %scan3A_295, %scan3A_296 : i32
      %scan3A_298 = arith.constant 1 : i32
      scf.for %scan3A_405 = %scan3A_295 to %scan3A_297 step %scan3A_298  : i32 {
        %mul3A_406 = arith.constant 256 : i32
        %mul3A_407 = arith.muli %scan3A_405, %mul3A_406 : i32
        %add3A_408 = arith.constant 0 : i32
        %add3A_409 = arith.addi %mul3A_407, %add3A_408 : i32
        %swap3A = arith.index_cast %add3A_409 : i32 to index
        %swap3A_410 = tpu.vector_load %arg10[%swap3A] {strides = array<i32>} : memref<16384xf32, #tpu.memory_space<vmem>>, vector<16xf32>,
        tpu.vector_store %arg10[%swap3A], %broadcast_in_dim3A_9 {strides = array<i32>} : memref<16384xf32, #tpu.memory_space<vmem>>, vector<16xf32>,
        %mul3A_411 = arith.constant 256 : i32
        %mul3A_412 = arith.muli %scan3A_405, %mul3A_411 : i32
        %add3A_413 = arith.constant 16 : i32
        %add3A_414 = arith.addi %mul3A_412, %add3A_413 : i32
        %swap3A_415 = arith.index_cast %add3A_414 : i32 to index
        %swap3A_416 = tpu.vector_load %arg10[%swap3A_415] {strides = array<i32>} : memref<16384xf32, #tpu.memory_space<vmem>>, vector<16xf32>,
        tpu.vector_store %arg10[%swap3A_415], %broadcast_in_dim3A_9 {strides = array<i32>} : memref<16384xf32, #tpu.memory_space<vmem>>, vector<16xf32>,
        %mul3A_417 = arith.constant 256 : i32
        %mul3A_418 = arith.muli %scan3A_405, %mul3A_417 : i32
        %add3A_419 = arith.constant 32 : i32
        %add3A_420 = arith.addi %mul3A_418, %add3A_419 : i32
        %swap3A_421 = arith.index_cast %add3A_420 : i32 to index
        %swap3A_422 = tpu.vector_load %arg10[%swap3A_421] {strides = array<i32>} : memref<16384xf32, #tpu.memory_space<vmem>>, vector<16xf32>,
        tpu.vector_store %arg10[%swap3A_421], %broadcast_in_dim3A_9 {strides = array<i32>} : memref<16384xf32, #tpu.memory_space<vmem>>, vector<16xf32>,
        %mul3A_423 = arith.constant 256 : i32
        %mul3A_424 = arith.muli %scan3A_405, %mul3A_423 : i32
        %add3A_425 = arith.constant 48 : i32
        %add3A_426 = arith.addi %mul3A_424, %add3A_425 : i32
        %swap3A_427 = arith.index_cast %add3A_426 : i32 to index
        %swap3A_428 = tpu.vector_load %arg10[%swap3A_427] {strides = array<i32>} : memref<16384xf32, #tpu.memory_space<vmem>>, vector<16xf32>,
        tpu.vector_store %arg10[%swap3A_427], %broadcast_in_dim3A_9 {strides = array<i32>} : memref<16384xf32, #tpu.memory_space<vmem>>, vector<16xf32>,
        %mul3A_429 = arith.constant 256 : i32
        %mul3A_430 = arith.muli %scan3A_405, %mul3A_429 : i32
        %add3A_431 = arith.constant 64 : i32
        %add3A_432 = arith.addi %mul3A_430, %add3A_431 : i32
        %swap3A_433 = arith.index_cast %add3A_432 : i32 to index
        %swap3A_434 = tpu.vector_load %arg10[%swap3A_433] {strides = array<i32>} : memref<16384xf32, #tpu.memory_space<vmem>>, vector<16xf32>,
        tpu.vector_store %arg10[%swap3A_433], %broadcast_in_dim3A_9 {strides = array<i32>} : memref<16384xf32, #tpu.memory_space<vmem>>, vector<16xf32>,
        %mul3A_435 = arith.constant 256 : i32
        %mul3A_436 = arith.muli %scan3A_405, %mul3A_435 : i32
        %add3A_437 = arith.constant 80 : i32
        %add3A_438 = arith.addi %mul3A_436, %add3A_437 : i32
        %swap3A_439 = arith.index_cast %add3A_438 : i32 to index
        %swap3A_440 = tpu.vector_load %arg10[%swap3A_439] {strides = array<i32>} : memref<16384xf32, #tpu.memory_space<vmem>>, vector<16xf32>,
        tpu.vector_store %arg10[%swap3A_439], %broadcast_in_dim3A_9 {strides = array<i32>} : memref<16384xf32, #tpu.memory_space<vmem>>, vector<16xf32>,
        %mul3A_441 = arith.constant 256 : i32
        %mul3A_442 = arith.muli %scan3A_405, %mul3A_441 : i32
        %add3A_443 = arith.constant 96 : i32
        %add3A_444 = arith.addi %mul3A_442, %add3A_443 : i32
        %swap3A_445 = arith.index_cast %add3A_444 : i32 to index
        %swap3A_446 = tpu.vector_load %arg10[%swap3A_445] {strides = array<i32>} : memref<16384xf32, #tpu.memory_space<vmem>>, vector<16xf32>,
        tpu.vector_store %arg10[%swap3A_445], %broadcast_in_dim3A_9 {strides = array<i32>} : memref<16384xf32, #tpu.memory_space<vmem>>, vector<16xf32>,
        %mul3A_447 = arith.constant 256 : i32
        %mul3A_448 = arith.muli %scan3A_405, %mul3A_447 : i32
        %add3A_449 = arith.constant 112 : i32
        %add3A_450 = arith.addi %mul3A_448, %add3A_449 : i32
        %swap3A_451 = arith.index_cast %add3A_450 : i32 to index
        %swap3A_452 = tpu.vector_load %arg10[%swap3A_451] {strides = array<i32>} : memref<16384xf32, #tpu.memory_space<vmem>>, vector<16xf32>,
        tpu.vector_store %arg10[%swap3A_451], %broadcast_in_dim3A_9 {strides = array<i32>} : memref<16384xf32, #tpu.memory_space<vmem>>, vector<16xf32>,
        %mul3A_453 = arith.constant 256 : i32
        %mul3A_454 = arith.muli %scan3A_405, %mul3A_453 : i32
        %add3A_455 = arith.constant 128 : i32
        %add3A_456 = arith.addi %mul3A_454, %add3A_455 : i32
        %swap3A_457 = arith.index_cast %add3A_456 : i32 to index
        %swap3A_458 = tpu.vector_load %arg10[%swap3A_457] {strides = array<i32>} : memref<16384xf32, #tpu.memory_space<vmem>>, vector<16xf32>,
        tpu.vector_store %arg10[%swap3A_457], %broadcast_in_dim3A_9 {strides = array<i32>} : memref<16384xf32, #tpu.memory_space<vmem>>, vector<16xf32>,
        %mul3A_459 = arith.constant 256 : i32
        %mul3A_460 = arith.muli %scan3A_405, %mul3A_459 : i32
        %add3A_461 = arith.constant 144 : i32
        %add3A_462 = arith.addi %mul3A_460, %add3A_461 : i32
        %swap3A_463 = arith.index_cast %add3A_462 : i32 to index
        %swap3A_464 = tpu.vector_load %arg10[%swap3A_463] {strides = array<i32>} : memref<16384xf32, #tpu.memory_space<vmem>>, vector<16xf32>,
        tpu.vector_store %arg10[%swap3A_463], %broadcast_in_dim3A_9 {strides = array<i32>} : memref<16384xf32, #tpu.memory_space<vmem>>, vector<16xf32>,
        %mul3A_465 = arith.constant 256 : i32
        %mul3A_466 = arith.muli %scan3A_405, %mul3A_465 : i32
        %add3A_467 = arith.constant 160 : i32
        %add3A_468 = arith.addi %mul3A_466, %add3A_467 : i32
        %swap3A_469 = arith.index_cast %add3A_468 : i32 to index
        %swap3A_470 = tpu.vector_load %arg10[%swap3A_469] {strides = array<i32>} : memref<16384xf32, #tpu.memory_space<vmem>>, vector<16xf32>,
        tpu.vector_store %arg10[%swap3A_469], %broadcast_in_dim3A_9 {strides = array<i32>} : memref<16384xf32, #tpu.memory_space<vmem>>, vector<16xf32>,
        %mul3A_471 = arith.constant 256 : i32
        %mul3A_472 = arith.muli %scan3A_405, %mul3A_471 : i32
        %add3A_473 = arith.constant 176 : i32
        %add3A_474 = arith.addi %mul3A_472, %add3A_473 : i32
        %swap3A_475 = arith.index_cast %add3A_474 : i32 to index
        %swap3A_476 = tpu.vector_load %arg10[%swap3A_475] {strides = array<i32>} : memref<16384xf32, #tpu.memory_space<vmem>>, vector<16xf32>,
        tpu.vector_store %arg10[%swap3A_475], %broadcast_in_dim3A_9 {strides = array<i32>} : memref<16384xf32, #tpu.memory_space<vmem>>, vector<16xf32>,
        %mul3A_477 = arith.constant 256 : i32
        %mul3A_478 = arith.muli %scan3A_405, %mul3A_477 : i32
        %add3A_479 = arith.constant 192 : i32
        %add3A_480 = arith.addi %mul3A_478, %add3A_479 : i32
        %swap3A_481 = arith.index_cast %add3A_480 : i32 to index
        %swap3A_482 = tpu.vector_load %arg10[%swap3A_481] {strides = array<i32>} : memref<16384xf32, #tpu.memory_space<vmem>>, vector<16xf32>,
        tpu.vector_store %arg10[%swap3A_481], %broadcast_in_dim3A_9 {strides = array<i32>} : memref<16384xf32, #tpu.memory_space<vmem>>, vector<16xf32>,
        %mul3A_483 = arith.constant 256 : i32
        %mul3A_484 = arith.muli %scan3A_405, %mul3A_483 : i32
        %add3A_485 = arith.constant 208 : i32
        %add3A_486 = arith.addi %mul3A_484, %add3A_485 : i32
        %swap3A_487 = arith.index_cast %add3A_486 : i32 to index
        %swap3A_488 = tpu.vector_load %arg10[%swap3A_487] {strides = array<i32>} : memref<16384xf32, #tpu.memory_space<vmem>>, vector<16xf32>,
        tpu.vector_store %arg10[%swap3A_487], %broadcast_in_dim3A_9 {strides = array<i32>} : memref<16384xf32, #tpu.memory_space<vmem>>, vector<16xf32>,
        %mul3A_489 = arith.constant 256 : i32
        %mul3A_490 = arith.muli %scan3A_405, %mul3A_489 : i32
        %add3A_491 = arith.constant 224 : i32
        %add3A_492 = arith.addi %mul3A_490, %add3A_491 : i32
        %swap3A_493 = arith.index_cast %add3A_492 : i32 to index
        %swap3A_494 = tpu.vector_load %arg10[%swap3A_493] {strides = array<i32>} : memref<16384xf32, #tpu.memory_space<vmem>>, vector<16xf32>,
        tpu.vector_store %arg10[%swap3A_493], %broadcast_in_dim3A_9 {strides = array<i32>} : memref<16384xf32, #tpu.memory_space<vmem>>, vector<16xf32>,
        %mul3A_495 = arith.constant 256 : i32
        %mul3A_496 = arith.muli %scan3A_405, %mul3A_495 : i32
        %add3A_497 = arith.constant 240 : i32
        %add3A_498 = arith.addi %mul3A_496, %add3A_497 : i32
        %swap3A_499 = arith.index_cast %add3A_498 : i32 to index
        %swap3A_500 = tpu.vector_load %arg10[%swap3A_499] {strides = array<i32>} : memref<16384xf32, #tpu.memory_space<vmem>>, vector<16xf32>,
        tpu.vector_store %arg10[%swap3A_499], %broadcast_in_dim3A_9 {strides = array<i32>} : memref<16384xf32, #tpu.memory_space<vmem>>, vector<16xf32>,
      }
      %scan3A_299 = arith.constant 64 : i32
      %dma_wait3A_300 = arith.constant 0 : i32
      %dma_wait3A_301 = arith.constant 0 : i32
      %dma_wait3A_302 = tpu.memref_slice %arg2[%dma_wait3A_300, %dma_wait3A_301] : memref<2048x200xi32, #tpu.memory_space<hbm>> -> memref<16x200xi32, #tpu.memory_space<hbm>>
      %dma_wait3A_303 = arith.constant 0 : i32
      %dma_wait3A_304 = arith.constant 0 : i32
      %dma_wait3A_305 = tpu.memref_slice %arg2[%dma_wait3A_303, %dma_wait3A_304] : memref<2048x200xi32, #tpu.memory_space<hbm>> -> memref<16x200xi32, #tpu.memory_space<hbm>>
      tpu.wait_dma2 semaphore(%arg12 : memref<!tpu.dma_semaphore, #tpu.memory_space<semaphore_mem>>) src(%dma_wait3A_305 : memref<16x200xi32, #tpu.memory_space<hbm>>) dst(%arg6 : memref<16x200xi32, #tpu.memory_space<vmem>>)
      %dma_wait3A_306 = arith.constant 0 : i32
      %dma_wait3A_307 = arith.constant 0 : i32
      %dma_wait3A_308 = tpu.memref_slice %arg3[%dma_wait3A_306, %dma_wait3A_307] : memref<2048x400xi32, #tpu.memory_space<hbm>> -> memref<16x400xi32, #tpu.memory_space<hbm>>
      %dma_wait3A_309 = arith.constant 0 : i32
      %dma_wait3A_310 = arith.constant 0 : i32
      %dma_wait3A_311 = tpu.memref_slice %arg3[%dma_wait3A_309, %dma_wait3A_310] : memref<2048x400xi32, #tpu.memory_space<hbm>> -> memref<16x400xi32, #tpu.memory_space<hbm>>
      tpu.wait_dma2 semaphore(%arg14 : memref<!tpu.dma_semaphore, #tpu.memory_space<semaphore_mem>>) src(%dma_wait3A_311 : memref<16x400xi32, #tpu.memory_space<hbm>>) dst(%arg8 : memref<16x400xi32, #tpu.memory_space<vmem>>)
      %scan3A_312 = arith.constant 0 : i32
      %scan3A_313 = arith.constant 0 : i32
      %scan3A_314 = arith.constant 16 : i32
      %scan3A_315 = arith.addi %scan3A_313, %scan3A_314 : i32
      %scan3A_316 = arith.constant 1 : i32
      scf.for %scan3A_405 = %scan3A_313 to %scan3A_315 step %scan3A_316  : i32 {
        %mul3A_406 = arith.constant 128 : i32
        %mul3A_407 = arith.muli %scan3A_405, %mul3A_406 : i32
        %broadcast_in_dim3A_408 = vector.broadcast %mul3A_407 : i32 to vector<16xi32>
        %get3A = arith.index_cast %scan3A_405 : i32 to index
        %get3A_409 = arith.constant 0 : index
        %get3A_410 = tpu.vector_load %arg6[%get3A, %get3A_409] {strides = array<i32>} : memref<16x200xi32, #tpu.memory_space<vmem>>, vector<16xi32>,
        %get3A_411 = arith.index_cast %scan3A_405 : i32 to index
        %get3A_412 = arith.constant 16 : index
        %get3A_413 = tpu.vector_load %arg6[%get3A_411, %get3A_412] {strides = array<i32>} : memref<16x200xi32, #tpu.memory_space<vmem>>, vector<16xi32>,
        %get3A_414 = arith.index_cast %scan3A_405 : i32 to index
        %get3A_415 = arith.constant 32 : index
        %get3A_416 = tpu.vector_load %arg6[%get3A_414, %get3A_415] {strides = array<i32>} : memref<16x200xi32, #tpu.memory_space<vmem>>, vector<16xi32>,
        %get3A_417 = arith.index_cast %scan3A_405 : i32 to index
        %get3A_418 = arith.constant 48 : index
        %get3A_419 = tpu.vector_load %arg6[%get3A_417, %get3A_418] {strides = array<i32>} : memref<16x200xi32, #tpu.memory_space<vmem>>, vector<16xi32>,
        %get3A_420 = arith.index_cast %scan3A_405 : i32 to index
        %get3A_421 = arith.constant 64 : index
        %get3A_422 = tpu.vector_load %arg6[%get3A_420, %get3A_421] {strides = array<i32>} : memref<16x200xi32, #tpu.memory_space<vmem>>, vector<16xi32>,
        %get3A_423 = arith.index_cast %scan3A_405 : i32 to index
        %get3A_424 = arith.constant 80 : index
        %get3A_425 = tpu.vector_load %arg6[%get3A_423, %get3A_424] {strides = array<i32>} : memref<16x200xi32, #tpu.memory_space<vmem>>, vector<16xi32>,
        %get3A_426 = arith.index_cast %scan3A_405 : i32 to index
        %get3A_427 = arith.constant 96 : index
        %get3A_428 = tpu.vector_load %arg6[%get3A_426, %get3A_427] {strides = array<i32>} : memref<16x200xi32, #tpu.memory_space<vmem>>, vector<16xi32>,
        %get3A_429 = arith.index_cast %scan3A_405 : i32 to index
        %get3A_430 = arith.constant 112 : index
        %get3A_431 = tpu.vector_load %arg6[%get3A_429, %get3A_430] {strides = array<i32>} : memref<16x200xi32, #tpu.memory_space<vmem>>, vector<16xi32>,
        %get3A_432 = arith.index_cast %scan3A_405 : i32 to index
        %get3A_433 = arith.constant 128 : index
        %get3A_434 = tpu.vector_load %arg6[%get3A_432, %get3A_433] {strides = array<i32>} : memref<16x200xi32, #tpu.memory_space<vmem>>, vector<16xi32>,
        %get3A_435 = arith.index_cast %scan3A_405 : i32 to index
        %get3A_436 = arith.constant 144 : index
        %get3A_437 = tpu.vector_load %arg6[%get3A_435, %get3A_436] {strides = array<i32>} : memref<16x200xi32, #tpu.memory_space<vmem>>, vector<16xi32>,
        %get3A_438 = arith.index_cast %scan3A_405 : i32 to index
        %get3A_439 = arith.constant 160 : index
        %get3A_440 = tpu.vector_load %arg6[%get3A_438, %get3A_439] {strides = array<i32>} : memref<16x200xi32, #tpu.memory_space<vmem>>, vector<16xi32>,
        %get3A_441 = arith.index_cast %scan3A_405 : i32 to index
        %get3A_442 = arith.constant 176 : index
        %get3A_443 = tpu.vector_load %arg6[%get3A_441, %get3A_442] {strides = array<i32>} : memref<16x200xi32, #tpu.memory_space<vmem>>, vector<16xi32>,
        %get3A_444 = arith.index_cast %scan3A_405 : i32 to index
        %get3A_445 = arith.constant 184 : index
        %get3A_446 = tpu.vector_load %arg6[%get3A_444, %get3A_445] {strides = array<i32>} : memref<16x200xi32, #tpu.memory_space<vmem>>, vector<16xi32>,
        %get3A_447 = arith.index_cast %scan3A_405 : i32 to index
        %get3A_448 = arith.constant 0 : index
        %get3A_449 = tpu.vector_load %arg8[%get3A_447, %get3A_448] {strides = array<i32>} : memref<16x400xi32, #tpu.memory_space<vmem>>, vector<16xi32>,
        %get3A_450 = arith.index_cast %scan3A_405 : i32 to index
        %get3A_451 = arith.constant 16 : index
        %get3A_452 = tpu.vector_load %arg8[%get3A_450, %get3A_451] {strides = array<i32>} : memref<16x400xi32, #tpu.memory_space<vmem>>, vector<16xi32>,
        %get3A_453 = arith.index_cast %scan3A_405 : i32 to index
        %get3A_454 = arith.constant 32 : index
        %get3A_455 = tpu.vector_load %arg8[%get3A_453, %get3A_454] {strides = array<i32>} : memref<16x400xi32, #tpu.memory_space<vmem>>, vector<16xi32>,
        %get3A_456 = arith.index_cast %scan3A_405 : i32 to index
        %get3A_457 = arith.constant 48 : index
        %get3A_458 = tpu.vector_load %arg8[%get3A_456, %get3A_457] {strides = array<i32>} : memref<16x400xi32, #tpu.memory_space<vmem>>, vector<16xi32>,
        %get3A_459 = arith.index_cast %scan3A_405 : i32 to index
        %get3A_460 = arith.constant 64 : index
        %get3A_461 = tpu.vector_load %arg8[%get3A_459, %get3A_460] {strides = array<i32>} : memref<16x400xi32, #tpu.memory_space<vmem>>, vector<16xi32>,
        %get3A_462 = arith.index_cast %scan3A_405 : i32 to index
        %get3A_463 = arith.constant 80 : index
        %get3A_464 = tpu.vector_load %arg8[%get3A_462, %get3A_463] {strides = array<i32>} : memref<16x400xi32, #tpu.memory_space<vmem>>, vector<16xi32>,
        %and3A = arith.constant 896 : i32
        %and3A_465 = vector.broadcast %and3A : i32 to vector<16xi32>
        %and3A_466 = arith.andi %get3A_410, %and3A_465 : vector<16xi32>
        %shift_left3A = arith.constant 4 : i32
        %shift_left3A_467 = vector.broadcast %shift_left3A : i32 to vector<16xi32>
        %shift_left3A_468 = arith.shli %and3A_466, %shift_left3A_467 : vector<16xi32>
        %and3A_469 = arith.constant 127 : i32
        %and3A_470 = vector.broadcast %and3A_469 : i32 to vector<16xi32>
        %and3A_471 = arith.andi %get3A_410, %and3A_470 : vector<16xi32>
        %add3A_472 = arith.addi %shift_left3A_468, %and3A_471 : vector<16xi32>
        %add3A_473 = arith.addi %add3A_472, %broadcast_in_dim3A_408 : vector<16xi32>
        %and3A_474 = arith.constant 896 : i32
        %and3A_475 = vector.broadcast %and3A_474 : i32 to vector<16xi32>
        %and3A_476 = arith.andi %get3A_413, %and3A_475 : vector<16xi32>
        %shift_left3A_477 = arith.constant 4 : i32
        %shift_left3A_478 = vector.broadcast %shift_left3A_477 : i32 to vector<16xi32>
        %shift_left3A_479 = arith.shli %and3A_476, %shift_left3A_478 : vector<16xi32>
        %and3A_480 = arith.constant 127 : i32
        %and3A_481 = vector.broadcast %and3A_480 : i32 to vector<16xi32>
        %and3A_482 = arith.andi %get3A_413, %and3A_481 : vector<16xi32>
        %add3A_483 = arith.addi %shift_left3A_479, %and3A_482 : vector<16xi32>
        %add3A_484 = arith.addi %add3A_483, %broadcast_in_dim3A_408 : vector<16xi32>
        %and3A_485 = arith.constant 896 : i32
        %and3A_486 = vector.broadcast %and3A_485 : i32 to vector<16xi32>
        %and3A_487 = arith.andi %get3A_416, %and3A_486 : vector<16xi32>
        %shift_left3A_488 = arith.constant 4 : i32
        %shift_left3A_489 = vector.broadcast %shift_left3A_488 : i32 to vector<16xi32>
        %shift_left3A_490 = arith.shli %and3A_487, %shift_left3A_489 : vector<16xi32>
        %and3A_491 = arith.constant 127 : i32
        %and3A_492 = vector.broadcast %and3A_491 : i32 to vector<16xi32>
        %and3A_493 = arith.andi %get3A_416, %and3A_492 : vector<16xi32>
        %add3A_494 = arith.addi %shift_left3A_490, %and3A_493 : vector<16xi32>
        %add3A_495 = arith.addi %add3A_494, %broadcast_in_dim3A_408 : vector<16xi32>
        %and3A_496 = arith.constant 896 : i32
        %and3A_497 = vector.broadcast %and3A_496 : i32 to vector<16xi32>
        %and3A_498 = arith.andi %get3A_419, %and3A_497 : vector<16xi32>
        %shift_left3A_499 = arith.constant 4 : i32
        %shift_left3A_500 = vector.broadcast %shift_left3A_499 : i32 to vector<16xi32>
        %shift_left3A_501 = arith.shli %and3A_498, %shift_left3A_500 : vector<16xi32>
        %and3A_502 = arith.constant 127 : i32
        %and3A_503 = vector.broadcast %and3A_502 : i32 to vector<16xi32>
        %and3A_504 = arith.andi %get3A_419, %and3A_503 : vector<16xi32>
        %add3A_505 = arith.addi %shift_left3A_501, %and3A_504 : vector<16xi32>
        %add3A_506 = arith.addi %add3A_505, %broadcast_in_dim3A_408 : vector<16xi32>
        %and3A_507 = arith.constant 896 : i32
        %and3A_508 = vector.broadcast %and3A_507 : i32 to vector<16xi32>
        %and3A_509 = arith.andi %get3A_422, %and3A_508 : vector<16xi32>
        %shift_left3A_510 = arith.constant 4 : i32
        %shift_left3A_511 = vector.broadcast %shift_left3A_510 : i32 to vector<16xi32>
        %shift_left3A_512 = arith.shli %and3A_509, %shift_left3A_511 : vector<16xi32>
        %and3A_513 = arith.constant 127 : i32
        %and3A_514 = vector.broadcast %and3A_513 : i32 to vector<16xi32>
        %and3A_515 = arith.andi %get3A_422, %and3A_514 : vector<16xi32>
        %add3A_516 = arith.addi %shift_left3A_512, %and3A_515 : vector<16xi32>
        %add3A_517 = arith.addi %add3A_516, %broadcast_in_dim3A_408 : vector<16xi32>
        %and3A_518 = arith.constant 896 : i32
        %and3A_519 = vector.broadcast %and3A_518 : i32 to vector<16xi32>
        %and3A_520 = arith.andi %get3A_425, %and3A_519 : vector<16xi32>
        %shift_left3A_521 = arith.constant 4 : i32
        %shift_left3A_522 = vector.broadcast %shift_left3A_521 : i32 to vector<16xi32>
        %shift_left3A_523 = arith.shli %and3A_520, %shift_left3A_522 : vector<16xi32>
        %and3A_524 = arith.constant 127 : i32
        %and3A_525 = vector.broadcast %and3A_524 : i32 to vector<16xi32>
        %and3A_526 = arith.andi %get3A_425, %and3A_525 : vector<16xi32>
        %add3A_527 = arith.addi %shift_left3A_523, %and3A_526 : vector<16xi32>
        %add3A_528 = arith.addi %add3A_527, %broadcast_in_dim3A_408 : vector<16xi32>
        %and3A_529 = arith.constant 896 : i32
        %and3A_530 = vector.broadcast %and3A_529 : i32 to vector<16xi32>
        %and3A_531 = arith.andi %get3A_428, %and3A_530 : vector<16xi32>
        %shift_left3A_532 = arith.constant 4 : i32
        %shift_left3A_533 = vector.broadcast %shift_left3A_532 : i32 to vector<16xi32>
        %shift_left3A_534 = arith.shli %and3A_531, %shift_left3A_533 : vector<16xi32>
        %and3A_535 = arith.constant 127 : i32
        %and3A_536 = vector.broadcast %and3A_535 : i32 to vector<16xi32>
        %and3A_537 = arith.andi %get3A_428, %and3A_536 : vector<16xi32>
        %add3A_538 = arith.addi %shift_left3A_534, %and3A_537 : vector<16xi32>
        %add3A_539 = arith.addi %add3A_538, %broadcast_in_dim3A_408 : vector<16xi32>
        %and3A_540 = arith.constant 896 : i32
        %and3A_541 = vector.broadcast %and3A_540 : i32 to vector<16xi32>
        %and3A_542 = arith.andi %get3A_431, %and3A_541 : vector<16xi32>
        %shift_left3A_543 = arith.constant 4 : i32
        %shift_left3A_544 = vector.broadcast %shift_left3A_543 : i32 to vector<16xi32>
        %shift_left3A_545 = arith.shli %and3A_542, %shift_left3A_544 : vector<16xi32>
        %and3A_546 = arith.constant 127 : i32
        %and3A_547 = vector.broadcast %and3A_546 : i32 to vector<16xi32>
        %and3A_548 = arith.andi %get3A_431, %and3A_547 : vector<16xi32>
        %add3A_549 = arith.addi %shift_left3A_545, %and3A_548 : vector<16xi32>
        %add3A_550 = arith.addi %add3A_549, %broadcast_in_dim3A_408 : vector<16xi32>
        %and3A_551 = arith.constant 896 : i32
        %and3A_552 = vector.broadcast %and3A_551 : i32 to vector<16xi32>
        %and3A_553 = arith.andi %get3A_434, %and3A_552 : vector<16xi32>
        %shift_left3A_554 = arith.constant 4 : i32
        %shift_left3A_555 = vector.broadcast %shift_left3A_554 : i32 to vector<16xi32>
        %shift_left3A_556 = arith.shli %and3A_553, %shift_left3A_555 : vector<16xi32>
        %and3A_557 = arith.constant 127 : i32
        %and3A_558 = vector.broadcast %and3A_557 : i32 to vector<16xi32>
        %and3A_559 = arith.andi %get3A_434, %and3A_558 : vector<16xi32>
        %add3A_560 = arith.addi %shift_left3A_556, %and3A_559 : vector<16xi32>
        %add3A_561 = arith.addi %add3A_560, %broadcast_in_dim3A_408 : vector<16xi32>
        %and3A_562 = arith.constant 896 : i32
        %and3A_563 = vector.broadcast %and3A_562 : i32 to vector<16xi32>
        %and3A_564 = arith.andi %get3A_437, %and3A_563 : vector<16xi32>
        %shift_left3A_565 = arith.constant 4 : i32
        %shift_left3A_566 = vector.broadcast %shift_left3A_565 : i32 to vector<16xi32>
        %shift_left3A_567 = arith.shli %and3A_564, %shift_left3A_566 : vector<16xi32>
        %and3A_568 = arith.constant 127 : i32
        %and3A_569 = vector.broadcast %and3A_568 : i32 to vector<16xi32>
        %and3A_570 = arith.andi %get3A_437, %and3A_569 : vector<16xi32>
        %add3A_571 = arith.addi %shift_left3A_567, %and3A_570 : vector<16xi32>
        %add3A_572 = arith.addi %add3A_571, %broadcast_in_dim3A_408 : vector<16xi32>
        %and3A_573 = arith.constant 896 : i32
        %and3A_574 = vector.broadcast %and3A_573 : i32 to vector<16xi32>
        %and3A_575 = arith.andi %get3A_440, %and3A_574 : vector<16xi32>
        %shift_left3A_576 = arith.constant 4 : i32
        %shift_left3A_577 = vector.broadcast %shift_left3A_576 : i32 to vector<16xi32>
        %shift_left3A_578 = arith.shli %and3A_575, %shift_left3A_577 : vector<16xi32>
        %and3A_579 = arith.constant 127 : i32
        %and3A_580 = vector.broadcast %and3A_579 : i32 to vector<16xi32>
        %and3A_581 = arith.andi %get3A_440, %and3A_580 : vector<16xi32>
        %add3A_582 = arith.addi %shift_left3A_578, %and3A_581 : vector<16xi32>
        %add3A_583 = arith.addi %add3A_582, %broadcast_in_dim3A_408 : vector<16xi32>
        %and3A_584 = arith.constant 896 : i32
        %and3A_585 = vector.broadcast %and3A_584 : i32 to vector<16xi32>
        %and3A_586 = arith.andi %get3A_443, %and3A_585 : vector<16xi32>
        %shift_left3A_587 = arith.constant 4 : i32
        %shift_left3A_588 = vector.broadcast %shift_left3A_587 : i32 to vector<16xi32>
        %shift_left3A_589 = arith.shli %and3A_586, %shift_left3A_588 : vector<16xi32>
        %and3A_590 = arith.constant 127 : i32
        %and3A_591 = vector.broadcast %and3A_590 : i32 to vector<16xi32>
        %and3A_592 = arith.andi %get3A_443, %and3A_591 : vector<16xi32>
        %add3A_593 = arith.addi %shift_left3A_589, %and3A_592 : vector<16xi32>
        %add3A_594 = arith.addi %add3A_593, %broadcast_in_dim3A_408 : vector<16xi32>
        %and3A_595 = arith.constant 896 : i32
        %and3A_596 = vector.broadcast %and3A_595 : i32 to vector<16xi32>
        %and3A_597 = arith.andi %get3A_446, %and3A_596 : vector<16xi32>
        %shift_left3A_598 = arith.constant 4 : i32
        %shift_left3A_599 = vector.broadcast %shift_left3A_598 : i32 to vector<16xi32>
        %shift_left3A_600 = arith.shli %and3A_597, %shift_left3A_599 : vector<16xi32>
        %and3A_601 = arith.constant 127 : i32
        %and3A_602 = vector.broadcast %and3A_601 : i32 to vector<16xi32>
        %and3A_603 = arith.andi %get3A_446, %and3A_602 : vector<16xi32>
        %add3A_604 = arith.addi %shift_left3A_600, %and3A_603 : vector<16xi32>
        %add3A_605 = arith.addi %add3A_604, %broadcast_in_dim3A_408 : vector<16xi32>
        %and3A_606 = arith.constant 896 : i32
        %and3A_607 = vector.broadcast %and3A_606 : i32 to vector<16xi32>
        %and3A_608 = arith.andi %get3A_449, %and3A_607 : vector<16xi32>
        %shift_left3A_609 = arith.constant 4 : i32
        %shift_left3A_610 = vector.broadcast %shift_left3A_609 : i32 to vector<16xi32>
        %shift_left3A_611 = arith.shli %and3A_608, %shift_left3A_610 : vector<16xi32>
        %and3A_612 = arith.constant 127 : i32
        %and3A_613 = vector.broadcast %and3A_612 : i32 to vector<16xi32>
        %and3A_614 = arith.andi %get3A_449, %and3A_613 : vector<16xi32>
        %add3A_615 = arith.addi %shift_left3A_611, %and3A_614 : vector<16xi32>
        %add3A_616 = arith.addi %add3A_615, %broadcast_in_dim3A_408 : vector<16xi32>
        %and3A_617 = arith.constant 896 : i32
        %and3A_618 = vector.broadcast %and3A_617 : i32 to vector<16xi32>
        %and3A_619 = arith.andi %get3A_452, %and3A_618 : vector<16xi32>
        %shift_left3A_620 = arith.constant 4 : i32
        %shift_left3A_621 = vector.broadcast %shift_left3A_620 : i32 to vector<16xi32>
        %shift_left3A_622 = arith.shli %and3A_619, %shift_left3A_621 : vector<16xi32>
        %and3A_623 = arith.constant 127 : i32
        %and3A_624 = vector.broadcast %and3A_623 : i32 to vector<16xi32>
        %and3A_625 = arith.andi %get3A_452, %and3A_624 : vector<16xi32>
        %add3A_626 = arith.addi %shift_left3A_622, %and3A_625 : vector<16xi32>
        %add3A_627 = arith.addi %add3A_626, %broadcast_in_dim3A_408 : vector<16xi32>
        %and3A_628 = arith.constant 896 : i32
        %and3A_629 = vector.broadcast %and3A_628 : i32 to vector<16xi32>
        %and3A_630 = arith.andi %get3A_455, %and3A_629 : vector<16xi32>
        %shift_left3A_631 = arith.constant 4 : i32
        %shift_left3A_632 = vector.broadcast %shift_left3A_631 : i32 to vector<16xi32>
        %shift_left3A_633 = arith.shli %and3A_630, %shift_left3A_632 : vector<16xi32>
        %and3A_634 = arith.constant 127 : i32
        %and3A_635 = vector.broadcast %and3A_634 : i32 to vector<16xi32>
        %and3A_636 = arith.andi %get3A_455, %and3A_635 : vector<16xi32>
        %add3A_637 = arith.addi %shift_left3A_633, %and3A_636 : vector<16xi32>
        %add3A_638 = arith.addi %add3A_637, %broadcast_in_dim3A_408 : vector<16xi32>
        %and3A_639 = arith.constant 896 : i32
        %and3A_640 = vector.broadcast %and3A_639 : i32 to vector<16xi32>
        %and3A_641 = arith.andi %get3A_458, %and3A_640 : vector<16xi32>
        %shift_left3A_642 = arith.constant 4 : i32
        %shift_left3A_643 = vector.broadcast %shift_left3A_642 : i32 to vector<16xi32>
        %shift_left3A_644 = arith.shli %and3A_641, %shift_left3A_643 : vector<16xi32>
        %and3A_645 = arith.constant 127 : i32
        %and3A_646 = vector.broadcast %and3A_645 : i32 to vector<16xi32>
        %and3A_647 = arith.andi %get3A_458, %and3A_646 : vector<16xi32>
        %add3A_648 = arith.addi %shift_left3A_644, %and3A_647 : vector<16xi32>
        %add3A_649 = arith.addi %add3A_648, %broadcast_in_dim3A_408 : vector<16xi32>
        %and3A_650 = arith.constant 896 : i32
        %and3A_651 = vector.broadcast %and3A_650 : i32 to vector<16xi32>
        %and3A_652 = arith.andi %get3A_461, %and3A_651 : vector<16xi32>
        %shift_left3A_653 = arith.constant 4 : i32
        %shift_left3A_654 = vector.broadcast %shift_left3A_653 : i32 to vector<16xi32>
        %shift_left3A_655 = arith.shli %and3A_652, %shift_left3A_654 : vector<16xi32>
        %and3A_656 = arith.constant 127 : i32
        %and3A_657 = vector.broadcast %and3A_656 : i32 to vector<16xi32>
        %and3A_658 = arith.andi %get3A_461, %and3A_657 : vector<16xi32>
        %add3A_659 = arith.addi %shift_left3A_655, %and3A_658 : vector<16xi32>
        %add3A_660 = arith.addi %add3A_659, %broadcast_in_dim3A_408 : vector<16xi32>
        %and3A_661 = arith.constant 896 : i32
        %and3A_662 = vector.broadcast %and3A_661 : i32 to vector<16xi32>
        %and3A_663 = arith.andi %get3A_464, %and3A_662 : vector<16xi32>
        %shift_left3A_664 = arith.constant 4 : i32
        %shift_left3A_665 = vector.broadcast %shift_left3A_664 : i32 to vector<16xi32>
        %shift_left3A_666 = arith.shli %and3A_663, %shift_left3A_665 : vector<16xi32>
        %and3A_667 = arith.constant 127 : i32
        %and3A_668 = vector.broadcast %and3A_667 : i32 to vector<16xi32>
        %and3A_669 = arith.andi %get3A_464, %and3A_668 : vector<16xi32>
        %add3A_670 = arith.addi %shift_left3A_666, %and3A_669 : vector<16xi32>
        %add3A_671 = arith.addi %add3A_670, %broadcast_in_dim3A_408 : vector<16xi32>
        tpu.vector_store_idx %arg10[%add3A_473], %broadcast_in_dim3A_3 {add = true} : memref<16384xf32, #tpu.memory_space<vmem>>[vector<16xi32>], vector<16xf32>,
        tpu.vector_store_idx %arg10[%add3A_484], %broadcast_in_dim3A_3 {add = true} : memref<16384xf32, #tpu.memory_space<vmem>>[vector<16xi32>], vector<16xf32>,
        tpu.vector_store_idx %arg10[%add3A_495], %broadcast_in_dim3A_3 {add = true} : memref<16384xf32, #tpu.memory_space<vmem>>[vector<16xi32>], vector<16xf32>,
        tpu.vector_store_idx %arg10[%add3A_506], %broadcast_in_dim3A_3 {add = true} : memref<16384xf32, #tpu.memory_space<vmem>>[vector<16xi32>], vector<16xf32>,
        tpu.vector_store_idx %arg10[%add3A_517], %broadcast_in_dim3A_3 {add = true} : memref<16384xf32, #tpu.memory_space<vmem>>[vector<16xi32>], vector<16xf32>,
        tpu.vector_store_idx %arg10[%add3A_528], %broadcast_in_dim3A_3 {add = true} : memref<16384xf32, #tpu.memory_space<vmem>>[vector<16xi32>], vector<16xf32>,
        tpu.vector_store_idx %arg10[%add3A_539], %broadcast_in_dim3A_3 {add = true} : memref<16384xf32, #tpu.memory_space<vmem>>[vector<16xi32>], vector<16xf32>,
        tpu.vector_store_idx %arg10[%add3A_550], %broadcast_in_dim3A_3 {add = true} : memref<16384xf32, #tpu.memory_space<vmem>>[vector<16xi32>], vector<16xf32>,
        tpu.vector_store_idx %arg10[%add3A_561], %broadcast_in_dim3A_3 {add = true} : memref<16384xf32, #tpu.memory_space<vmem>>[vector<16xi32>], vector<16xf32>,
        tpu.vector_store_idx %arg10[%add3A_572], %broadcast_in_dim3A_3 {add = true} : memref<16384xf32, #tpu.memory_space<vmem>>[vector<16xi32>], vector<16xf32>,
        tpu.vector_store_idx %arg10[%add3A_583], %broadcast_in_dim3A_3 {add = true} : memref<16384xf32, #tpu.memory_space<vmem>>[vector<16xi32>], vector<16xf32>,
        tpu.vector_store_idx %arg10[%add3A_594], %broadcast_in_dim3A_3 {add = true} : memref<16384xf32, #tpu.memory_space<vmem>>[vector<16xi32>], vector<16xf32>,
        tpu.vector_store_idx %arg10[%add3A_605], %broadcast_in_dim3A_3 masked %ge3A_7 {add = true} : memref<16384xf32, #tpu.memory_space<vmem>>[vector<16xi32>], vector<16xf32>, vector<16xi1>
        tpu.vector_store_idx %arg10[%add3A_616], %broadcast_in_dim3A_5 {add = true} : memref<16384xf32, #tpu.memory_space<vmem>>[vector<16xi32>], vector<16xf32>,
        tpu.vector_store_idx %arg10[%add3A_627], %broadcast_in_dim3A_5 {add = true} : memref<16384xf32, #tpu.memory_space<vmem>>[vector<16xi32>], vector<16xf32>,
        tpu.vector_store_idx %arg10[%add3A_638], %broadcast_in_dim3A_5 {add = true} : memref<16384xf32, #tpu.memory_space<vmem>>[vector<16xi32>], vector<16xf32>,
        tpu.vector_store_idx %arg10[%add3A_649], %broadcast_in_dim3A_5 {add = true} : memref<16384xf32, #tpu.memory_space<vmem>>[vector<16xi32>], vector<16xf32>,
        tpu.vector_store_idx %arg10[%add3A_660], %broadcast_in_dim3A_5 {add = true} : memref<16384xf32, #tpu.memory_space<vmem>>[vector<16xi32>], vector<16xf32>,
        tpu.vector_store_idx %arg10[%add3A_671], %broadcast_in_dim3A_5 {add = true} : memref<16384xf32, #tpu.memory_space<vmem>>[vector<16xi32>], vector<16xf32>,
        %get3A_672 = arith.index_cast %scan3A_405 : i32 to index
        %get3A_673 = arith.constant 96 : index
        %get3A_674 = tpu.vector_load %arg8[%get3A_672, %get3A_673] {strides = array<i32>} : memref<16x400xi32, #tpu.memory_space<vmem>>, vector<16xi32>,
        %get3A_675 = arith.index_cast %scan3A_405 : i32 to index
        %get3A_676 = arith.constant 112 : index
        %get3A_677 = tpu.vector_load %arg8[%get3A_675, %get3A_676] {strides = array<i32>} : memref<16x400xi32, #tpu.memory_space<vmem>>, vector<16xi32>,
        %get3A_678 = arith.index_cast %scan3A_405 : i32 to index
        %get3A_679 = arith.constant 128 : index
        %get3A_680 = tpu.vector_load %arg8[%get3A_678, %get3A_679] {strides = array<i32>} : memref<16x400xi32, #tpu.memory_space<vmem>>, vector<16xi32>,
        %get3A_681 = arith.index_cast %scan3A_405 : i32 to index
        %get3A_682 = arith.constant 144 : index
        %get3A_683 = tpu.vector_load %arg8[%get3A_681, %get3A_682] {strides = array<i32>} : memref<16x400xi32, #tpu.memory_space<vmem>>, vector<16xi32>,
        %get3A_684 = arith.index_cast %scan3A_405 : i32 to index
        %get3A_685 = arith.constant 160 : index
        %get3A_686 = tpu.vector_load %arg8[%get3A_684, %get3A_685] {strides = array<i32>} : memref<16x400xi32, #tpu.memory_space<vmem>>, vector<16xi32>,
        %get3A_687 = arith.index_cast %scan3A_405 : i32 to index
        %get3A_688 = arith.constant 176 : index
        %get3A_689 = tpu.vector_load %arg8[%get3A_687, %get3A_688] {strides = array<i32>} : memref<16x400xi32, #tpu.memory_space<vmem>>, vector<16xi32>,
        %get3A_690 = arith.index_cast %scan3A_405 : i32 to index
        %get3A_691 = arith.constant 192 : index
        %get3A_692 = tpu.vector_load %arg8[%get3A_690, %get3A_691] {strides = array<i32>} : memref<16x400xi32, #tpu.memory_space<vmem>>, vector<16xi32>,
        %get3A_693 = arith.index_cast %scan3A_405 : i32 to index
        %get3A_694 = arith.constant 208 : index
        %get3A_695 = tpu.vector_load %arg8[%get3A_693, %get3A_694] {strides = array<i32>} : memref<16x400xi32, #tpu.memory_space<vmem>>, vector<16xi32>,
        %get3A_696 = arith.index_cast %scan3A_405 : i32 to index
        %get3A_697 = arith.constant 224 : index
        %get3A_698 = tpu.vector_load %arg8[%get3A_696, %get3A_697] {strides = array<i32>} : memref<16x400xi32, #tpu.memory_space<vmem>>, vector<16xi32>,
        %get3A_699 = arith.index_cast %scan3A_405 : i32 to index
        %get3A_700 = arith.constant 240 : index
        %get3A_701 = tpu.vector_load %arg8[%get3A_699, %get3A_700] {strides = array<i32>} : memref<16x400xi32, #tpu.memory_space<vmem>>, vector<16xi32>,
        %get3A_702 = arith.index_cast %scan3A_405 : i32 to index
        %get3A_703 = arith.constant 256 : index
        %get3A_704 = tpu.vector_load %arg8[%get3A_702, %get3A_703] {strides = array<i32>} : memref<16x400xi32, #tpu.memory_space<vmem>>, vector<16xi32>,
        %get3A_705 = arith.index_cast %scan3A_405 : i32 to index
        %get3A_706 = arith.constant 272 : index
        %get3A_707 = tpu.vector_load %arg8[%get3A_705, %get3A_706] {strides = array<i32>} : memref<16x400xi32, #tpu.memory_space<vmem>>, vector<16xi32>,
        %get3A_708 = arith.index_cast %scan3A_405 : i32 to index
        %get3A_709 = arith.constant 288 : index
        %get3A_710 = tpu.vector_load %arg8[%get3A_708, %get3A_709] {strides = array<i32>} : memref<16x400xi32, #tpu.memory_space<vmem>>, vector<16xi32>,
        %get3A_711 = arith.index_cast %scan3A_405 : i32 to index
        %get3A_712 = arith.constant 304 : index
        %get3A_713 = tpu.vector_load %arg8[%get3A_711, %get3A_712] {strides = array<i32>} : memref<16x400xi32, #tpu.memory_space<vmem>>, vector<16xi32>,
        %get3A_714 = arith.index_cast %scan3A_405 : i32 to index
        %get3A_715 = arith.constant 320 : index
        %get3A_716 = tpu.vector_load %arg8[%get3A_714, %get3A_715] {strides = array<i32>} : memref<16x400xi32, #tpu.memory_space<vmem>>, vector<16xi32>,
        %get3A_717 = arith.index_cast %scan3A_405 : i32 to index
        %get3A_718 = arith.constant 336 : index
        %get3A_719 = tpu.vector_load %arg8[%get3A_717, %get3A_718] {strides = array<i32>} : memref<16x400xi32, #tpu.memory_space<vmem>>, vector<16xi32>,
        %get3A_720 = arith.index_cast %scan3A_405 : i32 to index
        %get3A_721 = arith.constant 352 : index
        %get3A_722 = tpu.vector_load %arg8[%get3A_720, %get3A_721] {strides = array<i32>} : memref<16x400xi32, #tpu.memory_space<vmem>>, vector<16xi32>,
        %get3A_723 = arith.index_cast %scan3A_405 : i32 to index
        %get3A_724 = arith.constant 368 : index
        %get3A_725 = tpu.vector_load %arg8[%get3A_723, %get3A_724] {strides = array<i32>} : memref<16x400xi32, #tpu.memory_space<vmem>>, vector<16xi32>,
        %get3A_726 = arith.index_cast %scan3A_405 : i32 to index
        %get3A_727 = arith.constant 384 : index
        %get3A_728 = tpu.vector_load %arg8[%get3A_726, %get3A_727] {strides = array<i32>} : memref<16x400xi32, #tpu.memory_space<vmem>>, vector<16xi32>,
        %and3A_729 = arith.constant 896 : i32
        %and3A_730 = vector.broadcast %and3A_729 : i32 to vector<16xi32>
        %and3A_731 = arith.andi %get3A_674, %and3A_730 : vector<16xi32>
        %shift_left3A_732 = arith.constant 4 : i32
        %shift_left3A_733 = vector.broadcast %shift_left3A_732 : i32 to vector<16xi32>
        %shift_left3A_734 = arith.shli %and3A_731, %shift_left3A_733 : vector<16xi32>
        %and3A_735 = arith.constant 127 : i32
        %and3A_736 = vector.broadcast %and3A_735 : i32 to vector<16xi32>
        %and3A_737 = arith.andi %get3A_674, %and3A_736 : vector<16xi32>
        %add3A_738 = arith.addi %shift_left3A_734, %and3A_737 : vector<16xi32>
        %add3A_739 = arith.addi %add3A_738, %broadcast_in_dim3A_408 : vector<16xi32>
        %and3A_740 = arith.constant 896 : i32
        %and3A_741 = vector.broadcast %and3A_740 : i32 to vector<16xi32>
        %and3A_742 = arith.andi %get3A_677, %and3A_741 : vector<16xi32>
        %shift_left3A_743 = arith.constant 4 : i32
        %shift_left3A_744 = vector.broadcast %shift_left3A_743 : i32 to vector<16xi32>
        %shift_left3A_745 = arith.shli %and3A_742, %shift_left3A_744 : vector<16xi32>
        %and3A_746 = arith.constant 127 : i32
        %and3A_747 = vector.broadcast %and3A_746 : i32 to vector<16xi32>
        %and3A_748 = arith.andi %get3A_677, %and3A_747 : vector<16xi32>
        %add3A_749 = arith.addi %shift_left3A_745, %and3A_748 : vector<16xi32>
        %add3A_750 = arith.addi %add3A_749, %broadcast_in_dim3A_408 : vector<16xi32>
        %and3A_751 = arith.constant 896 : i32
        %and3A_752 = vector.broadcast %and3A_751 : i32 to vector<16xi32>
        %and3A_753 = arith.andi %get3A_680, %and3A_752 : vector<16xi32>
        %shift_left3A_754 = arith.constant 4 : i32
        %shift_left3A_755 = vector.broadcast %shift_left3A_754 : i32 to vector<16xi32>
        %shift_left3A_756 = arith.shli %and3A_753, %shift_left3A_755 : vector<16xi32>
        %and3A_757 = arith.constant 127 : i32
        %and3A_758 = vector.broadcast %and3A_757 : i32 to vector<16xi32>
        %and3A_759 = arith.andi %get3A_680, %and3A_758 : vector<16xi32>
        %add3A_760 = arith.addi %shift_left3A_756, %and3A_759 : vector<16xi32>
        %add3A_761 = arith.addi %add3A_760, %broadcast_in_dim3A_408 : vector<16xi32>
        %and3A_762 = arith.constant 896 : i32
        %and3A_763 = vector.broadcast %and3A_762 : i32 to vector<16xi32>
        %and3A_764 = arith.andi %get3A_683, %and3A_763 : vector<16xi32>
        %shift_left3A_765 = arith.constant 4 : i32
        %shift_left3A_766 = vector.broadcast %shift_left3A_765 : i32 to vector<16xi32>
        %shift_left3A_767 = arith.shli %and3A_764, %shift_left3A_766 : vector<16xi32>
        %and3A_768 = arith.constant 127 : i32
        %and3A_769 = vector.broadcast %and3A_768 : i32 to vector<16xi32>
        %and3A_770 = arith.andi %get3A_683, %and3A_769 : vector<16xi32>
        %add3A_771 = arith.addi %shift_left3A_767, %and3A_770 : vector<16xi32>
        %add3A_772 = arith.addi %add3A_771, %broadcast_in_dim3A_408 : vector<16xi32>
        %and3A_773 = arith.constant 896 : i32
        %and3A_774 = vector.broadcast %and3A_773 : i32 to vector<16xi32>
        %and3A_775 = arith.andi %get3A_686, %and3A_774 : vector<16xi32>
        %shift_left3A_776 = arith.constant 4 : i32
        %shift_left3A_777 = vector.broadcast %shift_left3A_776 : i32 to vector<16xi32>
        %shift_left3A_778 = arith.shli %and3A_775, %shift_left3A_777 : vector<16xi32>
        %and3A_779 = arith.constant 127 : i32
        %and3A_780 = vector.broadcast %and3A_779 : i32 to vector<16xi32>
        %and3A_781 = arith.andi %get3A_686, %and3A_780 : vector<16xi32>
        %add3A_782 = arith.addi %shift_left3A_778, %and3A_781 : vector<16xi32>
        %add3A_783 = arith.addi %add3A_782, %broadcast_in_dim3A_408 : vector<16xi32>
        %and3A_784 = arith.constant 896 : i32
        %and3A_785 = vector.broadcast %and3A_784 : i32 to vector<16xi32>
        %and3A_786 = arith.andi %get3A_689, %and3A_785 : vector<16xi32>
        %shift_left3A_787 = arith.constant 4 : i32
        %shift_left3A_788 = vector.broadcast %shift_left3A_787 : i32 to vector<16xi32>
        %shift_left3A_789 = arith.shli %and3A_786, %shift_left3A_788 : vector<16xi32>
        %and3A_790 = arith.constant 127 : i32
        %and3A_791 = vector.broadcast %and3A_790 : i32 to vector<16xi32>
        %and3A_792 = arith.andi %get3A_689, %and3A_791 : vector<16xi32>
        %add3A_793 = arith.addi %shift_left3A_789, %and3A_792 : vector<16xi32>
        %add3A_794 = arith.addi %add3A_793, %broadcast_in_dim3A_408 : vector<16xi32>
        %and3A_795 = arith.constant 896 : i32
        %and3A_796 = vector.broadcast %and3A_795 : i32 to vector<16xi32>
        %and3A_797 = arith.andi %get3A_692, %and3A_796 : vector<16xi32>
        %shift_left3A_798 = arith.constant 4 : i32
        %shift_left3A_799 = vector.broadcast %shift_left3A_798 : i32 to vector<16xi32>
        %shift_left3A_800 = arith.shli %and3A_797, %shift_left3A_799 : vector<16xi32>
        %and3A_801 = arith.constant 127 : i32
        %and3A_802 = vector.broadcast %and3A_801 : i32 to vector<16xi32>
        %and3A_803 = arith.andi %get3A_692, %and3A_802 : vector<16xi32>
        %add3A_804 = arith.addi %shift_left3A_800, %and3A_803 : vector<16xi32>
        %add3A_805 = arith.addi %add3A_804, %broadcast_in_dim3A_408 : vector<16xi32>
        %and3A_806 = arith.constant 896 : i32
        %and3A_807 = vector.broadcast %and3A_806 : i32 to vector<16xi32>
        %and3A_808 = arith.andi %get3A_695, %and3A_807 : vector<16xi32>
        %shift_left3A_809 = arith.constant 4 : i32
        %shift_left3A_810 = vector.broadcast %shift_left3A_809 : i32 to vector<16xi32>
        %shift_left3A_811 = arith.shli %and3A_808, %shift_left3A_810 : vector<16xi32>
        %and3A_812 = arith.constant 127 : i32
        %and3A_813 = vector.broadcast %and3A_812 : i32 to vector<16xi32>
        %and3A_814 = arith.andi %get3A_695, %and3A_813 : vector<16xi32>
        %add3A_815 = arith.addi %shift_left3A_811, %and3A_814 : vector<16xi32>
        %add3A_816 = arith.addi %add3A_815, %broadcast_in_dim3A_408 : vector<16xi32>
        %and3A_817 = arith.constant 896 : i32
        %and3A_818 = vector.broadcast %and3A_817 : i32 to vector<16xi32>
        %and3A_819 = arith.andi %get3A_698, %and3A_818 : vector<16xi32>
        %shift_left3A_820 = arith.constant 4 : i32
        %shift_left3A_821 = vector.broadcast %shift_left3A_820 : i32 to vector<16xi32>
        %shift_left3A_822 = arith.shli %and3A_819, %shift_left3A_821 : vector<16xi32>
        %and3A_823 = arith.constant 127 : i32
        %and3A_824 = vector.broadcast %and3A_823 : i32 to vector<16xi32>
        %and3A_825 = arith.andi %get3A_698, %and3A_824 : vector<16xi32>
        %add3A_826 = arith.addi %shift_left3A_822, %and3A_825 : vector<16xi32>
        %add3A_827 = arith.addi %add3A_826, %broadcast_in_dim3A_408 : vector<16xi32>
        %and3A_828 = arith.constant 896 : i32
        %and3A_829 = vector.broadcast %and3A_828 : i32 to vector<16xi32>
        %and3A_830 = arith.andi %get3A_701, %and3A_829 : vector<16xi32>
        %shift_left3A_831 = arith.constant 4 : i32
        %shift_left3A_832 = vector.broadcast %shift_left3A_831 : i32 to vector<16xi32>
        %shift_left3A_833 = arith.shli %and3A_830, %shift_left3A_832 : vector<16xi32>
        %and3A_834 = arith.constant 127 : i32
        %and3A_835 = vector.broadcast %and3A_834 : i32 to vector<16xi32>
        %and3A_836 = arith.andi %get3A_701, %and3A_835 : vector<16xi32>
        %add3A_837 = arith.addi %shift_left3A_833, %and3A_836 : vector<16xi32>
        %add3A_838 = arith.addi %add3A_837, %broadcast_in_dim3A_408 : vector<16xi32>
        %and3A_839 = arith.constant 896 : i32
        %and3A_840 = vector.broadcast %and3A_839 : i32 to vector<16xi32>
        %and3A_841 = arith.andi %get3A_704, %and3A_840 : vector<16xi32>
        %shift_left3A_842 = arith.constant 4 : i32
        %shift_left3A_843 = vector.broadcast %shift_left3A_842 : i32 to vector<16xi32>
        %shift_left3A_844 = arith.shli %and3A_841, %shift_left3A_843 : vector<16xi32>
        %and3A_845 = arith.constant 127 : i32
        %and3A_846 = vector.broadcast %and3A_845 : i32 to vector<16xi32>
        %and3A_847 = arith.andi %get3A_704, %and3A_846 : vector<16xi32>
        %add3A_848 = arith.addi %shift_left3A_844, %and3A_847 : vector<16xi32>
        %add3A_849 = arith.addi %add3A_848, %broadcast_in_dim3A_408 : vector<16xi32>
        %and3A_850 = arith.constant 896 : i32
        %and3A_851 = vector.broadcast %and3A_850 : i32 to vector<16xi32>
        %and3A_852 = arith.andi %get3A_707, %and3A_851 : vector<16xi32>
        %shift_left3A_853 = arith.constant 4 : i32
        %shift_left3A_854 = vector.broadcast %shift_left3A_853 : i32 to vector<16xi32>
        %shift_left3A_855 = arith.shli %and3A_852, %shift_left3A_854 : vector<16xi32>
        %and3A_856 = arith.constant 127 : i32
        %and3A_857 = vector.broadcast %and3A_856 : i32 to vector<16xi32>
        %and3A_858 = arith.andi %get3A_707, %and3A_857 : vector<16xi32>
        %add3A_859 = arith.addi %shift_left3A_855, %and3A_858 : vector<16xi32>
        %add3A_860 = arith.addi %add3A_859, %broadcast_in_dim3A_408 : vector<16xi32>
        %and3A_861 = arith.constant 896 : i32
        %and3A_862 = vector.broadcast %and3A_861 : i32 to vector<16xi32>
        %and3A_863 = arith.andi %get3A_710, %and3A_862 : vector<16xi32>
        %shift_left3A_864 = arith.constant 4 : i32
        %shift_left3A_865 = vector.broadcast %shift_left3A_864 : i32 to vector<16xi32>
        %shift_left3A_866 = arith.shli %and3A_863, %shift_left3A_865 : vector<16xi32>
        %and3A_867 = arith.constant 127 : i32
        %and3A_868 = vector.broadcast %and3A_867 : i32 to vector<16xi32>
        %and3A_869 = arith.andi %get3A_710, %and3A_868 : vector<16xi32>
        %add3A_870 = arith.addi %shift_left3A_866, %and3A_869 : vector<16xi32>
        %add3A_871 = arith.addi %add3A_870, %broadcast_in_dim3A_408 : vector<16xi32>
        %and3A_872 = arith.constant 896 : i32
        %and3A_873 = vector.broadcast %and3A_872 : i32 to vector<16xi32>
        %and3A_874 = arith.andi %get3A_713, %and3A_873 : vector<16xi32>
        %shift_left3A_875 = arith.constant 4 : i32
        %shift_left3A_876 = vector.broadcast %shift_left3A_875 : i32 to vector<16xi32>
        %shift_left3A_877 = arith.shli %and3A_874, %shift_left3A_876 : vector<16xi32>
        %and3A_878 = arith.constant 127 : i32
        %and3A_879 = vector.broadcast %and3A_878 : i32 to vector<16xi32>
        %and3A_880 = arith.andi %get3A_713, %and3A_879 : vector<16xi32>
        %add3A_881 = arith.addi %shift_left3A_877, %and3A_880 : vector<16xi32>
        %add3A_882 = arith.addi %add3A_881, %broadcast_in_dim3A_408 : vector<16xi32>
        %and3A_883 = arith.constant 896 : i32
        %and3A_884 = vector.broadcast %and3A_883 : i32 to vector<16xi32>
        %and3A_885 = arith.andi %get3A_716, %and3A_884 : vector<16xi32>
        %shift_left3A_886 = arith.constant 4 : i32
        %shift_left3A_887 = vector.broadcast %shift_left3A_886 : i32 to vector<16xi32>
        %shift_left3A_888 = arith.shli %and3A_885, %shift_left3A_887 : vector<16xi32>
        %and3A_889 = arith.constant 127 : i32
        %and3A_890 = vector.broadcast %and3A_889 : i32 to vector<16xi32>
        %and3A_891 = arith.andi %get3A_716, %and3A_890 : vector<16xi32>
        %add3A_892 = arith.addi %shift_left3A_888, %and3A_891 : vector<16xi32>
        %add3A_893 = arith.addi %add3A_892, %broadcast_in_dim3A_408 : vector<16xi32>
        %and3A_894 = arith.constant 896 : i32
        %and3A_895 = vector.broadcast %and3A_894 : i32 to vector<16xi32>
        %and3A_896 = arith.andi %get3A_719, %and3A_895 : vector<16xi32>
        %shift_left3A_897 = arith.constant 4 : i32
        %shift_left3A_898 = vector.broadcast %shift_left3A_897 : i32 to vector<16xi32>
        %shift_left3A_899 = arith.shli %and3A_896, %shift_left3A_898 : vector<16xi32>
        %and3A_900 = arith.constant 127 : i32
        %and3A_901 = vector.broadcast %and3A_900 : i32 to vector<16xi32>
        %and3A_902 = arith.andi %get3A_719, %and3A_901 : vector<16xi32>
        %add3A_903 = arith.addi %shift_left3A_899, %and3A_902 : vector<16xi32>
        %add3A_904 = arith.addi %add3A_903, %broadcast_in_dim3A_408 : vector<16xi32>
        %and3A_905 = arith.constant 896 : i32
        %and3A_906 = vector.broadcast %and3A_905 : i32 to vector<16xi32>
        %and3A_907 = arith.andi %get3A_722, %and3A_906 : vector<16xi32>
        %shift_left3A_908 = arith.constant 4 : i32
        %shift_left3A_909 = vector.broadcast %shift_left3A_908 : i32 to vector<16xi32>
        %shift_left3A_910 = arith.shli %and3A_907, %shift_left3A_909 : vector<16xi32>
        %and3A_911 = arith.constant 127 : i32
        %and3A_912 = vector.broadcast %and3A_911 : i32 to vector<16xi32>
        %and3A_913 = arith.andi %get3A_722, %and3A_912 : vector<16xi32>
        %add3A_914 = arith.addi %shift_left3A_910, %and3A_913 : vector<16xi32>
        %add3A_915 = arith.addi %add3A_914, %broadcast_in_dim3A_408 : vector<16xi32>
        %and3A_916 = arith.constant 896 : i32
        %and3A_917 = vector.broadcast %and3A_916 : i32 to vector<16xi32>
        %and3A_918 = arith.andi %get3A_725, %and3A_917 : vector<16xi32>
        %shift_left3A_919 = arith.constant 4 : i32
        %shift_left3A_920 = vector.broadcast %shift_left3A_919 : i32 to vector<16xi32>
        %shift_left3A_921 = arith.shli %and3A_918, %shift_left3A_920 : vector<16xi32>
        %and3A_922 = arith.constant 127 : i32
        %and3A_923 = vector.broadcast %and3A_922 : i32 to vector<16xi32>
        %and3A_924 = arith.andi %get3A_725, %and3A_923 : vector<16xi32>
        %add3A_925 = arith.addi %shift_left3A_921, %and3A_924 : vector<16xi32>
        %add3A_926 = arith.addi %add3A_925, %broadcast_in_dim3A_408 : vector<16xi32>
        %and3A_927 = arith.constant 896 : i32
        %and3A_928 = vector.broadcast %and3A_927 : i32 to vector<16xi32>
        %and3A_929 = arith.andi %get3A_728, %and3A_928 : vector<16xi32>
        %shift_left3A_930 = arith.constant 4 : i32
        %shift_left3A_931 = vector.broadcast %shift_left3A_930 : i32 to vector<16xi32>
        %shift_left3A_932 = arith.shli %and3A_929, %shift_left3A_931 : vector<16xi32>
        %and3A_933 = arith.constant 127 : i32
        %and3A_934 = vector.broadcast %and3A_933 : i32 to vector<16xi32>
        %and3A_935 = arith.andi %get3A_728, %and3A_934 : vector<16xi32>
        %add3A_936 = arith.addi %shift_left3A_932, %and3A_935 : vector<16xi32>
        %add3A_937 = arith.addi %add3A_936, %broadcast_in_dim3A_408 : vector<16xi32>
        tpu.vector_store_idx %arg10[%add3A_739], %broadcast_in_dim3A_5 {add = true} : memref<16384xf32, #tpu.memory_space<vmem>>[vector<16xi32>], vector<16xf32>,
        tpu.vector_store_idx %arg10[%add3A_750], %broadcast_in_dim3A_5 {add = true} : memref<16384xf32, #tpu.memory_space<vmem>>[vector<16xi32>], vector<16xf32>,
        tpu.vector_store_idx %arg10[%add3A_761], %broadcast_in_dim3A_5 {add = true} : memref<16384xf32, #tpu.memory_space<vmem>>[vector<16xi32>], vector<16xf32>,
        tpu.vector_store_idx %arg10[%add3A_772], %broadcast_in_dim3A_5 {add = true} : memref<16384xf32, #tpu.memory_space<vmem>>[vector<16xi32>], vector<16xf32>,
        tpu.vector_store_idx %arg10[%add3A_783], %broadcast_in_dim3A_5 {add = true} : memref<16384xf32, #tpu.memory_space<vmem>>[vector<16xi32>], vector<16xf32>,
        tpu.vector_store_idx %arg10[%add3A_794], %broadcast_in_dim3A_5 {add = true} : memref<16384xf32, #tpu.memory_space<vmem>>[vector<16xi32>], vector<16xf32>,
        tpu.vector_store_idx %arg10[%add3A_805], %broadcast_in_dim3A_5 {add = true} : memref<16384xf32, #tpu.memory_space<vmem>>[vector<16xi32>], vector<16xf32>,
        tpu.vector_store_idx %arg10[%add3A_816], %broadcast_in_dim3A_5 {add = true} : memref<16384xf32, #tpu.memory_space<vmem>>[vector<16xi32>], vector<16xf32>,
        tpu.vector_store_idx %arg10[%add3A_827], %broadcast_in_dim3A_5 {add = true} : memref<16384xf32, #tpu.memory_space<vmem>>[vector<16xi32>], vector<16xf32>,
        tpu.vector_store_idx %arg10[%add3A_838], %broadcast_in_dim3A_5 {add = true} : memref<16384xf32, #tpu.memory_space<vmem>>[vector<16xi32>], vector<16xf32>,
        tpu.vector_store_idx %arg10[%add3A_849], %broadcast_in_dim3A_5 {add = true} : memref<16384xf32, #tpu.memory_space<vmem>>[vector<16xi32>], vector<16xf32>,
        tpu.vector_store_idx %arg10[%add3A_860], %broadcast_in_dim3A_5 {add = true} : memref<16384xf32, #tpu.memory_space<vmem>>[vector<16xi32>], vector<16xf32>,
        tpu.vector_store_idx %arg10[%add3A_871], %broadcast_in_dim3A_5 {add = true} : memref<16384xf32, #tpu.memory_space<vmem>>[vector<16xi32>], vector<16xf32>,
        tpu.vector_store_idx %arg10[%add3A_882], %broadcast_in_dim3A_5 {add = true} : memref<16384xf32, #tpu.memory_space<vmem>>[vector<16xi32>], vector<16xf32>,
        tpu.vector_store_idx %arg10[%add3A_893], %broadcast_in_dim3A_5 {add = true} : memref<16384xf32, #tpu.memory_space<vmem>>[vector<16xi32>], vector<16xf32>,
        tpu.vector_store_idx %arg10[%add3A_904], %broadcast_in_dim3A_5 {add = true} : memref<16384xf32, #tpu.memory_space<vmem>>[vector<16xi32>], vector<16xf32>,
        tpu.vector_store_idx %arg10[%add3A_915], %broadcast_in_dim3A_5 {add = true} : memref<16384xf32, #tpu.memory_space<vmem>>[vector<16xi32>], vector<16xf32>,
        tpu.vector_store_idx %arg10[%add3A_926], %broadcast_in_dim3A_5 {add = true} : memref<16384xf32, #tpu.memory_space<vmem>>[vector<16xi32>], vector<16xf32>,
        tpu.vector_store_idx %arg10[%add3A_937], %broadcast_in_dim3A_5 {add = true} : memref<16384xf32, #tpu.memory_space<vmem>>[vector<16xi32>], vector<16xf32>,
      }
      %scan3A_317 = arith.constant 16 : i32
      %add3A_318 = arith.constant 2 : i32
      %add3A_319 = arith.addi %add3A_285, %add3A_318 : i32
      %lt3A_320 = arith.constant 4 : i32
      %lt3A_321 = arith.cmpi slt, %add3A_319, %lt3A_320 : i32
      %convert_element_type3A_322 = arith.extui %lt3A_321 : i1 to i32
      %cond3A_323 = arith.constant 0 : i32
      %cond3A_324 = arith.cmpi ne, %convert_element_type3A_322, %cond3A_323 : i32
      scf.if %cond3A_324 {
        %add3A_405 = arith.constant 2 : i32
        %add3A_406 = arith.addi %add3A_285, %add3A_405 : i32
        %mul3A_407 = arith.constant 16 : i32
        %mul3A_408 = arith.muli %add3A_406, %mul3A_407 : i32
        %add3A_409 = arith.addi %mul3A_2, %mul3A_408 : i32
        %dma_start3A_410 = arith.constant 0 : i32
        %dma_start3A_411 = tpu.memref_slice %arg2[%add3A_409, %dma_start3A_410] : memref<2048x200xi32, #tpu.memory_space<hbm>> -> memref<16x200xi32, #tpu.memory_space<hbm>>
        %dma_start3A_412 = arith.constant 0 : i32
        %dma_start3A_413 = tpu.memref_slice %arg2[%add3A_409, %dma_start3A_412] : memref<2048x200xi32, #tpu.memory_space<hbm>> -> memref<16x200xi32, #tpu.memory_space<hbm>>
        tpu.enqueue_dma source(%dma_start3A_413 : memref<16x200xi32, #tpu.memory_space<hbm>>) target(%arg6 : memref<16x200xi32, #tpu.memory_space<vmem>>) target_semaphore(%arg12 : memref<!tpu.dma_semaphore, #tpu.memory_space<semaphore_mem>>)
        %dma_start3A_414 = arith.constant 0 : i32
        %dma_start3A_415 = tpu.memref_slice %arg3[%add3A_409, %dma_start3A_414] : memref<2048x400xi32, #tpu.memory_space<hbm>> -> memref<16x400xi32, #tpu.memory_space<hbm>>
        %dma_start3A_416 = arith.constant 0 : i32
        %dma_start3A_417 = tpu.memref_slice %arg3[%add3A_409, %dma_start3A_416] : memref<2048x400xi32, #tpu.memory_space<hbm>> -> memref<16x400xi32, #tpu.memory_space<hbm>>
        tpu.enqueue_dma source(%dma_start3A_417 : memref<16x400xi32, #tpu.memory_space<hbm>>) target(%arg8 : memref<16x400xi32, #tpu.memory_space<vmem>>) target_semaphore(%arg14 : memref<!tpu.dma_semaphore, #tpu.memory_space<semaphore_mem>>)
      } else {
      }
      %add3A_325 = arith.constant 0 : i32
      %add3A_326 = arith.addi %add3A_325, %add3A_288 : i32
      %mul3A_327 = arith.constant 128 : i32
      %mul3A_328 = arith.muli %add3A_326, %mul3A_327 : i32
      %dma_start3A_329 = arith.constant 0 : i32
      %dma_start3A_330 = tpu.memref_slice %arg10[%dma_start3A_329] : memref<16384xf32, #tpu.memory_space<vmem>> -> memref<2048xf32, #tpu.memory_space<vmem>>
      %dma_start3A_331 = tpu.memref_slice %arg4[%mul3A_328] : memref<2097152xf32, #tpu.memory_space<hbm>> -> memref<2048xf32, #tpu.memory_space<hbm>>
      %dma_start3A_332 = tpu.memref_slice %arg4[%mul3A_328] : memref<2097152xf32, #tpu.memory_space<hbm>> -> memref<2048xf32, #tpu.memory_space<hbm>>
      %dma_start3A_333 = arith.constant 0 : i32
      %dma_start3A_334 = tpu.memref_slice %arg10[%dma_start3A_333] : memref<16384xf32, #tpu.memory_space<vmem>> -> memref<2048xf32, #tpu.memory_space<vmem>>
      tpu.enqueue_dma source(%dma_start3A_334 : memref<2048xf32, #tpu.memory_space<vmem>>) target(%dma_start3A_332 : memref<2048xf32, #tpu.memory_space<hbm>>) target_semaphore(%arg16 : memref<!tpu.dma_semaphore, #tpu.memory_space<semaphore_mem>>)
      %add3A_335 = arith.constant 2048 : i32
      %add3A_336 = arith.addi %add3A_335, %add3A_288 : i32
      %mul3A_337 = arith.constant 128 : i32
      %mul3A_338 = arith.muli %add3A_336, %mul3A_337 : i32
      %dma_start3A_339 = arith.constant 2048 : i32
      %dma_start3A_340 = tpu.memref_slice %arg10[%dma_start3A_339] : memref<16384xf32, #tpu.memory_space<vmem>> -> memref<2048xf32, #tpu.memory_space<vmem>>
      %dma_start3A_341 = tpu.memref_slice %arg4[%mul3A_338] : memref<2097152xf32, #tpu.memory_space<hbm>> -> memref<2048xf32, #tpu.memory_space<hbm>>
      %dma_start3A_342 = tpu.memref_slice %arg4[%mul3A_338] : memref<2097152xf32, #tpu.memory_space<hbm>> -> memref<2048xf32, #tpu.memory_space<hbm>>
      %dma_start3A_343 = arith.constant 2048 : i32
      %dma_start3A_344 = tpu.memref_slice %arg10[%dma_start3A_343] : memref<16384xf32, #tpu.memory_space<vmem>> -> memref<2048xf32, #tpu.memory_space<vmem>>
      tpu.enqueue_dma source(%dma_start3A_344 : memref<2048xf32, #tpu.memory_space<vmem>>) target(%dma_start3A_342 : memref<2048xf32, #tpu.memory_space<hbm>>) target_semaphore(%arg16 : memref<!tpu.dma_semaphore, #tpu.memory_space<semaphore_mem>>)
      %add3A_345 = arith.constant 4096 : i32
      %add3A_346 = arith.addi %add3A_345, %add3A_288 : i32
      %mul3A_347 = arith.constant 128 : i32
      %mul3A_348 = arith.muli %add3A_346, %mul3A_347 : i32
      %dma_start3A_349 = arith.constant 4096 : i32
      %dma_start3A_350 = tpu.memref_slice %arg10[%dma_start3A_349] : memref<16384xf32, #tpu.memory_space<vmem>> -> memref<2048xf32, #tpu.memory_space<vmem>>
      %dma_start3A_351 = tpu.memref_slice %arg4[%mul3A_348] : memref<2097152xf32, #tpu.memory_space<hbm>> -> memref<2048xf32, #tpu.memory_space<hbm>>
      %dma_start3A_352 = tpu.memref_slice %arg4[%mul3A_348] : memref<2097152xf32, #tpu.memory_space<hbm>> -> memref<2048xf32, #tpu.memory_space<hbm>>
      %dma_start3A_353 = arith.constant 4096 : i32
      %dma_start3A_354 = tpu.memref_slice %arg10[%dma_start3A_353] : memref<16384xf32, #tpu.memory_space<vmem>> -> memref<2048xf32, #tpu.memory_space<vmem>>
      tpu.enqueue_dma source(%dma_start3A_354 : memref<2048xf32, #tpu.memory_space<vmem>>) target(%dma_start3A_352 : memref<2048xf32, #tpu.memory_space<hbm>>) target_semaphore(%arg16 : memref<!tpu.dma_semaphore, #tpu.memory_space<semaphore_mem>>)
      %add3A_355 = arith.constant 6144 : i32
      %add3A_356 = arith.addi %add3A_355, %add3A_288 : i32
      %mul3A_357 = arith.constant 128 : i32
      %mul3A_358 = arith.muli %add3A_356, %mul3A_357 : i32
      %dma_start3A_359 = arith.constant 6144 : i32
      %dma_start3A_360 = tpu.memref_slice %arg10[%dma_start3A_359] : memref<16384xf32, #tpu.memory_space<vmem>> -> memref<2048xf32, #tpu.memory_space<vmem>>
      %dma_start3A_361 = tpu.memref_slice %arg4[%mul3A_358] : memref<2097152xf32, #tpu.memory_space<hbm>> -> memref<2048xf32, #tpu.memory_space<hbm>>
      %dma_start3A_362 = tpu.memref_slice %arg4[%mul3A_358] : memref<2097152xf32, #tpu.memory_space<hbm>> -> memref<2048xf32, #tpu.memory_space<hbm>>
      %dma_start3A_363 = arith.constant 6144 : i32
      %dma_start3A_364 = tpu.memref_slice %arg10[%dma_start3A_363] : memref<16384xf32, #tpu.memory_space<vmem>> -> memref<2048xf32, #tpu.memory_space<vmem>>
      tpu.enqueue_dma source(%dma_start3A_364 : memref<2048xf32, #tpu.memory_space<vmem>>) target(%dma_start3A_362 : memref<2048xf32, #tpu.memory_space<hbm>>) target_semaphore(%arg16 : memref<!tpu.dma_semaphore, #tpu.memory_space<semaphore_mem>>)
      %add3A_365 = arith.constant 8192 : i32
      %add3A_366 = arith.addi %add3A_365, %add3A_288 : i32
      %mul3A_367 = arith.constant 128 : i32
      %mul3A_368 = arith.muli %add3A_366, %mul3A_367 : i32
      %dma_start3A_369 = arith.constant 8192 : i32
      %dma_start3A_370 = tpu.memref_slice %arg10[%dma_start3A_369] : memref<16384xf32, #tpu.memory_space<vmem>> -> memref<2048xf32, #tpu.memory_space<vmem>>
      %dma_start3A_371 = tpu.memref_slice %arg4[%mul3A_368] : memref<2097152xf32, #tpu.memory_space<hbm>> -> memref<2048xf32, #tpu.memory_space<hbm>>
      %dma_start3A_372 = tpu.memref_slice %arg4[%mul3A_368] : memref<2097152xf32, #tpu.memory_space<hbm>> -> memref<2048xf32, #tpu.memory_space<hbm>>
      %dma_start3A_373 = arith.constant 8192 : i32
      %dma_start3A_374 = tpu.memref_slice %arg10[%dma_start3A_373] : memref<16384xf32, #tpu.memory_space<vmem>> -> memref<2048xf32, #tpu.memory_space<vmem>>
      tpu.enqueue_dma source(%dma_start3A_374 : memref<2048xf32, #tpu.memory_space<vmem>>) target(%dma_start3A_372 : memref<2048xf32, #tpu.memory_space<hbm>>) target_semaphore(%arg16 : memref<!tpu.dma_semaphore, #tpu.memory_space<semaphore_mem>>)
      %add3A_375 = arith.constant 10240 : i32
      %add3A_376 = arith.addi %add3A_375, %add3A_288 : i32
      %mul3A_377 = arith.constant 128 : i32
      %mul3A_378 = arith.muli %add3A_376, %mul3A_377 : i32
      %dma_start3A_379 = arith.constant 10240 : i32
      %dma_start3A_380 = tpu.memref_slice %arg10[%dma_start3A_379] : memref<16384xf32, #tpu.memory_space<vmem>> -> memref<2048xf32, #tpu.memory_space<vmem>>
      %dma_start3A_381 = tpu.memref_slice %arg4[%mul3A_378] : memref<2097152xf32, #tpu.memory_space<hbm>> -> memref<2048xf32, #tpu.memory_space<hbm>>
      %dma_start3A_382 = tpu.memref_slice %arg4[%mul3A_378] : memref<2097152xf32, #tpu.memory_space<hbm>> -> memref<2048xf32, #tpu.memory_space<hbm>>
      %dma_start3A_383 = arith.constant 10240 : i32
      %dma_start3A_384 = tpu.memref_slice %arg10[%dma_start3A_383] : memref<16384xf32, #tpu.memory_space<vmem>> -> memref<2048xf32, #tpu.memory_space<vmem>>
      tpu.enqueue_dma source(%dma_start3A_384 : memref<2048xf32, #tpu.memory_space<vmem>>) target(%dma_start3A_382 : memref<2048xf32, #tpu.memory_space<hbm>>) target_semaphore(%arg16 : memref<!tpu.dma_semaphore, #tpu.memory_space<semaphore_mem>>)
      %add3A_385 = arith.constant 12288 : i32
      %add3A_386 = arith.addi %add3A_385, %add3A_288 : i32
      %mul3A_387 = arith.constant 128 : i32
      %mul3A_388 = arith.muli %add3A_386, %mul3A_387 : i32
      %dma_start3A_389 = arith.constant 12288 : i32
      %dma_start3A_390 = tpu.memref_slice %arg10[%dma_start3A_389] : memref<16384xf32, #tpu.memory_space<vmem>> -> memref<2048xf32, #tpu.memory_space<vmem>>
      %dma_start3A_391 = tpu.memref_slice %arg4[%mul3A_388] : memref<2097152xf32, #tpu.memory_space<hbm>> -> memref<2048xf32, #tpu.memory_space<hbm>>
      %dma_start3A_392 = tpu.memref_slice %arg4[%mul3A_388] : memref<2097152xf32, #tpu.memory_space<hbm>> -> memref<2048xf32, #tpu.memory_space<hbm>>
      %dma_start3A_393 = arith.constant 12288 : i32
      %dma_start3A_394 = tpu.memref_slice %arg10[%dma_start3A_393] : memref<16384xf32, #tpu.memory_space<vmem>> -> memref<2048xf32, #tpu.memory_space<vmem>>
      tpu.enqueue_dma source(%dma_start3A_394 : memref<2048xf32, #tpu.memory_space<vmem>>) target(%dma_start3A_392 : memref<2048xf32, #tpu.memory_space<hbm>>) target_semaphore(%arg16 : memref<!tpu.dma_semaphore, #tpu.memory_space<semaphore_mem>>)
      %add3A_395 = arith.constant 14336 : i32
      %add3A_396 = arith.addi %add3A_395, %add3A_288 : i32
      %mul3A_397 = arith.constant 128 : i32
      %mul3A_398 = arith.muli %add3A_396, %mul3A_397 : i32
      %dma_start3A_399 = arith.constant 14336 : i32
      %dma_start3A_400 = tpu.memref_slice %arg10[%dma_start3A_399] : memref<16384xf32, #tpu.memory_space<vmem>> -> memref<2048xf32, #tpu.memory_space<vmem>>
      %dma_start3A_401 = tpu.memref_slice %arg4[%mul3A_398] : memref<2097152xf32, #tpu.memory_space<hbm>> -> memref<2048xf32, #tpu.memory_space<hbm>>
      %dma_start3A_402 = tpu.memref_slice %arg4[%mul3A_398] : memref<2097152xf32, #tpu.memory_space<hbm>> -> memref<2048xf32, #tpu.memory_space<hbm>>
      %dma_start3A_403 = arith.constant 14336 : i32
      %dma_start3A_404 = tpu.memref_slice %arg10[%dma_start3A_403] : memref<16384xf32, #tpu.memory_space<vmem>> -> memref<2048xf32, #tpu.memory_space<vmem>>
      tpu.enqueue_dma source(%dma_start3A_404 : memref<2048xf32, #tpu.memory_space<vmem>>) target(%dma_start3A_402 : memref<2048xf32, #tpu.memory_space<hbm>>) target_semaphore(%arg16 : memref<!tpu.dma_semaphore, #tpu.memory_space<semaphore_mem>>)
    }
    %scan3A_33 = arith.constant 2 : i32
    %dma_wait3A = arith.constant 0 : i32
    %dma_wait3A_34 = tpu.memref_slice %arg9[%dma_wait3A] : memref<16384xf32, #tpu.memory_space<vmem>> -> memref<2048xf32, #tpu.memory_space<vmem>>
    %dma_wait3A_35 = arith.constant 0 : i32
    %dma_wait3A_36 = tpu.memref_slice %arg4[%dma_wait3A_35] : memref<2097152xf32, #tpu.memory_space<hbm>> -> memref<2048xf32, #tpu.memory_space<hbm>>
    %dma_wait3A_37 = arith.constant 0 : i32
    %dma_wait3A_38 = tpu.memref_slice %arg4[%dma_wait3A_37] : memref<2097152xf32, #tpu.memory_space<hbm>> -> memref<2048xf32, #tpu.memory_space<hbm>>
    %dma_wait3A_39 = arith.constant 0 : i32
    %dma_wait3A_40 = tpu.memref_slice %arg9[%dma_wait3A_39] : memref<16384xf32, #tpu.memory_space<vmem>> -> memref<2048xf32, #tpu.memory_space<vmem>>
    tpu.wait_dma2 semaphore(%arg15 : memref<!tpu.dma_semaphore, #tpu.memory_space<semaphore_mem>>) src(%dma_wait3A_40 : memref<2048xf32, #tpu.memory_space<vmem>>) dst(%dma_wait3A_38 : memref<2048xf32, #tpu.memory_space<hbm>>)
    %dma_wait3A_41 = arith.constant 0 : i32
    %dma_wait3A_42 = tpu.memref_slice %arg9[%dma_wait3A_41] : memref<16384xf32, #tpu.memory_space<vmem>> -> memref<2048xf32, #tpu.memory_space<vmem>>
    %dma_wait3A_43 = arith.constant 0 : i32
    %dma_wait3A_44 = tpu.memref_slice %arg4[%dma_wait3A_43] : memref<2097152xf32, #tpu.memory_space<hbm>> -> memref<2048xf32, #tpu.memory_space<hbm>>
    %dma_wait3A_45 = arith.constant 0 : i32
    %dma_wait3A_46 = tpu.memref_slice %arg4[%dma_wait3A_45] : memref<2097152xf32, #tpu.memory_space<hbm>> -> memref<2048xf32, #tpu.memory_space<hbm>>
    %dma_wait3A_47 = arith.constant 0 : i32
    %dma_wait3A_48 = tpu.memref_slice %arg9[%dma_wait3A_47] : memref<16384xf32, #tpu.memory_space<vmem>> -> memref<2048xf32, #tpu.memory_space<vmem>>
    tpu.wait_dma2 semaphore(%arg15 : memref<!tpu.dma_semaphore, #tpu.memory_space<semaphore_mem>>) src(%dma_wait3A_48 : memref<2048xf32, #tpu.memory_space<vmem>>) dst(%dma_wait3A_46 : memref<2048xf32, #tpu.memory_space<hbm>>)
    %dma_wait3A_49 = arith.constant 0 : i32
    %dma_wait3A_50 = tpu.memref_slice %arg9[%dma_wait3A_49] : memref<16384xf32, #tpu.memory_space<vmem>> -> memref<2048xf32, #tpu.memory_space<vmem>>
    %dma_wait3A_51 = arith.constant 0 : i32
    %dma_wait3A_52 = tpu.memref_slice %arg4[%dma_wait3A_51] : memref<2097152xf32, #tpu.memory_space<hbm>> -> memref<2048xf32, #tpu.memory_space<hbm>>
    %dma_wait3A_53 = arith.constant 0 : i32
    %dma_wait3A_54 = tpu.memref_slice %arg4[%dma_wait3A_53] : memref<2097152xf32, #tpu.memory_space<hbm>> -> memref<2048xf32, #tpu.memory_space<hbm>>
    %dma_wait3A_55 = arith.constant 0 : i32
    %dma_wait3A_56 = tpu.memref_slice %arg9[%dma_wait3A_55] : memref<16384xf32, #tpu.memory_space<vmem>> -> memref<2048xf32, #tpu.memory_space<vmem>>
    tpu.wait_dma2 semaphore(%arg15 : memref<!tpu.dma_semaphore, #tpu.memory_space<semaphore_mem>>) src(%dma_wait3A_56 : memref<2048xf32, #tpu.memory_space<vmem>>) dst(%dma_wait3A_54 : memref<2048xf32, #tpu.memory_space<hbm>>)
    %dma_wait3A_57 = arith.constant 0 : i32
    %dma_wait3A_58 = tpu.memref_slice %arg9[%dma_wait3A_57] : memref<16384xf32, #tpu.memory_space<vmem>> -> memref<2048xf32, #tpu.memory_space<vmem>>
    %dma_wait3A_59 = arith.constant 0 : i32
    %dma_wait3A_60 = tpu.memref_slice %arg4[%dma_wait3A_59] : memref<2097152xf32, #tpu.memory_space<hbm>> -> memref<2048xf32, #tpu.memory_space<hbm>>
    %dma_wait3A_61 = arith.constant 0 : i32
    %dma_wait3A_62 = tpu.memref_slice %arg4[%dma_wait3A_61] : memref<2097152xf32, #tpu.memory_space<hbm>> -> memref<2048xf32, #tpu.memory_space<hbm>>
    %dma_wait3A_63 = arith.constant 0 : i32
    %dma_wait3A_64 = tpu.memref_slice %arg9[%dma_wait3A_63] : memref<16384xf32, #tpu.memory_space<vmem>> -> memref<2048xf32, #tpu.memory_space<vmem>>
    tpu.wait_dma2 semaphore(%arg15 : memref<!tpu.dma_semaphore, #tpu.memory_space<semaphore_mem>>) src(%dma_wait3A_64 : memref<2048xf32, #tpu.memory_space<vmem>>) dst(%dma_wait3A_62 : memref<2048xf32, #tpu.memory_space<hbm>>)
    %dma_wait3A_65 = arith.constant 0 : i32
    %dma_wait3A_66 = tpu.memref_slice %arg9[%dma_wait3A_65] : memref<16384xf32, #tpu.memory_space<vmem>> -> memref<2048xf32, #tpu.memory_space<vmem>>
    %dma_wait3A_67 = arith.constant 0 : i32
    %dma_wait3A_68 = tpu.memref_slice %arg4[%dma_wait3A_67] : memref<2097152xf32, #tpu.memory_space<hbm>> -> memref<2048xf32, #tpu.memory_space<hbm>>
    %dma_wait3A_69 = arith.constant 0 : i32
    %dma_wait3A_70 = tpu.memref_slice %arg4[%dma_wait3A_69] : memref<2097152xf32, #tpu.memory_space<hbm>> -> memref<2048xf32, #tpu.memory_space<hbm>>
    %dma_wait3A_71 = arith.constant 0 : i32
    %dma_wait3A_72 = tpu.memref_slice %arg9[%dma_wait3A_71] : memref<16384xf32, #tpu.memory_space<vmem>> -> memref<2048xf32, #tpu.memory_space<vmem>>
    tpu.wait_dma2 semaphore(%arg15 : memref<!tpu.dma_semaphore, #tpu.memory_space<semaphore_mem>>) src(%dma_wait3A_72 : memref<2048xf32, #tpu.memory_space<vmem>>) dst(%dma_wait3A_70 : memref<2048xf32, #tpu.memory_space<hbm>>)
    %dma_wait3A_73 = arith.constant 0 : i32
    %dma_wait3A_74 = tpu.memref_slice %arg9[%dma_wait3A_73] : memref<16384xf32, #tpu.memory_space<vmem>> -> memref<2048xf32, #tpu.memory_space<vmem>>
    %dma_wait3A_75 = arith.constant 0 : i32
    %dma_wait3A_76 = tpu.memref_slice %arg4[%dma_wait3A_75] : memref<2097152xf32, #tpu.memory_space<hbm>> -> memref<2048xf32, #tpu.memory_space<hbm>>
    %dma_wait3A_77 = arith.constant 0 : i32
    %dma_wait3A_78 = tpu.memref_slice %arg4[%dma_wait3A_77] : memref<2097152xf32, #tpu.memory_space<hbm>> -> memref<2048xf32, #tpu.memory_space<hbm>>
    %dma_wait3A_79 = arith.constant 0 : i32
    %dma_wait3A_80 = tpu.memref_slice %arg9[%dma_wait3A_79] : memref<16384xf32, #tpu.memory_space<vmem>> -> memref<2048xf32, #tpu.memory_space<vmem>>
    tpu.wait_dma2 semaphore(%arg15 : memref<!tpu.dma_semaphore, #tpu.memory_space<semaphore_mem>>) src(%dma_wait3A_80 : memref<2048xf32, #tpu.memory_space<vmem>>) dst(%dma_wait3A_78 : memref<2048xf32, #tpu.memory_space<hbm>>)
    %dma_wait3A_81 = arith.constant 0 : i32
    %dma_wait3A_82 = tpu.memref_slice %arg9[%dma_wait3A_81] : memref<16384xf32, #tpu.memory_space<vmem>> -> memref<2048xf32, #tpu.memory_space<vmem>>
    %dma_wait3A_83 = arith.constant 0 : i32
    %dma_wait3A_84 = tpu.memref_slice %arg4[%dma_wait3A_83] : memref<2097152xf32, #tpu.memory_space<hbm>> -> memref<2048xf32, #tpu.memory_space<hbm>>
    %dma_wait3A_85 = arith.constant 0 : i32
    %dma_wait3A_86 = tpu.memref_slice %arg4[%dma_wait3A_85] : memref<2097152xf32, #tpu.memory_space<hbm>> -> memref<2048xf32, #tpu.memory_space<hbm>>
    %dma_wait3A_87 = arith.constant 0 : i32
    %dma_wait3A_88 = tpu.memref_slice %arg9[%dma_wait3A_87] : memref<16384xf32, #tpu.memory_space<vmem>> -> memref<2048xf32, #tpu.memory_space<vmem>>
    tpu.wait_dma2 semaphore(%arg15 : memref<!tpu.dma_semaphore, #tpu.memory_space<semaphore_mem>>) src(%dma_wait3A_88 : memref<2048xf32, #tpu.memory_space<vmem>>) dst(%dma_wait3A_86 : memref<2048xf32, #tpu.memory_space<hbm>>)
    %dma_wait3A_89 = arith.constant 0 : i32
    %dma_wait3A_90 = tpu.memref_slice %arg9[%dma_wait3A_89] : memref<16384xf32, #tpu.memory_space<vmem>> -> memref<2048xf32, #tpu.memory_space<vmem>>
    %dma_wait3A_91 = arith.constant 0 : i32
    %dma_wait3A_92 = tpu.memref_slice %arg4[%dma_wait3A_91] : memref<2097152xf32, #tpu.memory_space<hbm>> -> memref<2048xf32, #tpu.memory_space<hbm>>
    %dma_wait3A_93 = arith.constant 0 : i32
    %dma_wait3A_94 = tpu.memref_slice %arg4[%dma_wait3A_93] : memref<2097152xf32, #tpu.memory_space<hbm>> -> memref<2048xf32, #tpu.memory_space<hbm>>
    %dma_wait3A_95 = arith.constant 0 : i32
    %dma_wait3A_96 = tpu.memref_slice %arg9[%dma_wait3A_95] : memref<16384xf32, #tpu.memory_space<vmem>> -> memref<2048xf32, #tpu.memory_space<vmem>>
    tpu.wait_dma2 semaphore(%arg15 : memref<!tpu.dma_semaphore, #tpu.memory_space<semaphore_mem>>) src(%dma_wait3A_96 : memref<2048xf32, #tpu.memory_space<vmem>>) dst(%dma_wait3A_94 : memref<2048xf32, #tpu.memory_space<hbm>>)
    %dma_wait3A_97 = arith.constant 0 : i32
    %dma_wait3A_98 = tpu.memref_slice %arg10[%dma_wait3A_97] : memref<16384xf32, #tpu.memory_space<vmem>> -> memref<2048xf32, #tpu.memory_space<vmem>>
    %dma_wait3A_99 = arith.constant 0 : i32
    %dma_wait3A_100 = tpu.memref_slice %arg4[%dma_wait3A_99] : memref<2097152xf32, #tpu.memory_space<hbm>> -> memref<2048xf32, #tpu.memory_space<hbm>>
    %dma_wait3A_101 = arith.constant 0 : i32
    %dma_wait3A_102 = tpu.memref_slice %arg4[%dma_wait3A_101] : memref<2097152xf32, #tpu.memory_space<hbm>> -> memref<2048xf32, #tpu.memory_space<hbm>>
    %dma_wait3A_103 = arith.constant 0 : i32
    %dma_wait3A_104 = tpu.memref_slice %arg10[%dma_wait3A_103] : memref<16384xf32, #tpu.memory_space<vmem>> -> memref<2048xf32, #tpu.memory_space<vmem>>
    tpu.wait_dma2 semaphore(%arg16 : memref<!tpu.dma_semaphore, #tpu.memory_space<semaphore_mem>>) src(%dma_wait3A_104 : memref<2048xf32, #tpu.memory_space<vmem>>) dst(%dma_wait3A_102 : memref<2048xf32, #tpu.memory_space<hbm>>)
    %dma_wait3A_105 = arith.constant 0 : i32
    %dma_wait3A_106 = tpu.memref_slice %arg10[%dma_wait3A_105] : memref<16384xf32, #tpu.memory_space<vmem>> -> memref<2048xf32, #tpu.memory_space<vmem>>
    %dma_wait3A_107 = arith.constant 0 : i32
    %dma_wait3A_108 = tpu.memref_slice %arg4[%dma_wait3A_107] : memref<2097152xf32, #tpu.memory_space<hbm>> -> memref<2048xf32, #tpu.memory_space<hbm>>
    %dma_wait3A_109 = arith.constant 0 : i32
    %dma_wait3A_110 = tpu.memref_slice %arg4[%dma_wait3A_109] : memref<2097152xf32, #tpu.memory_space<hbm>> -> memref<2048xf32, #tpu.memory_space<hbm>>
    %dma_wait3A_111 = arith.constant 0 : i32
    %dma_wait3A_112 = tpu.memref_slice %arg10[%dma_wait3A_111] : memref<16384xf32, #tpu.memory_space<vmem>> -> memref<2048xf32, #tpu.memory_space<vmem>>
    tpu.wait_dma2 semaphore(%arg16 : memref<!tpu.dma_semaphore, #tpu.memory_space<semaphore_mem>>) src(%dma_wait3A_112 : memref<2048xf32, #tpu.memory_space<vmem>>) dst(%dma_wait3A_110 : memref<2048xf32, #tpu.memory_space<hbm>>)
    %dma_wait3A_113 = arith.constant 0 : i32
    %dma_wait3A_114 = tpu.memref_slice %arg10[%dma_wait3A_113] : memref<16384xf32, #tpu.memory_space<vmem>> -> memref<2048xf32, #tpu.memory_space<vmem>>
    %dma_wait3A_115 = arith.constant 0 : i32
    %dma_wait3A_116 = tpu.memref_slice %arg4[%dma_wait3A_115] : memref<2097152xf32, #tpu.memory_space<hbm>> -> memref<2048xf32, #tpu.memory_space<hbm>>
    %dma_wait3A_117 = arith.constant 0 : i32
    %dma_wait3A_118 = tpu.memref_slice %arg4[%dma_wait3A_117] : memref<2097152xf32, #tpu.memory_space<hbm>> -> memref<2048xf32, #tpu.memory_space<hbm>>
    %dma_wait3A_119 = arith.constant 0 : i32
    %dma_wait3A_120 = tpu.memref_slice %arg10[%dma_wait3A_119] : memref<16384xf32, #tpu.memory_space<vmem>> -> memref<2048xf32, #tpu.memory_space<vmem>>
    tpu.wait_dma2 semaphore(%arg16 : memref<!tpu.dma_semaphore, #tpu.memory_space<semaphore_mem>>) src(%dma_wait3A_120 : memref<2048xf32, #tpu.memory_space<vmem>>) dst(%dma_wait3A_118 : memref<2048xf32, #tpu.memory_space<hbm>>)
    %dma_wait3A_121 = arith.constant 0 : i32
    %dma_wait3A_122 = tpu.memref_slice %arg10[%dma_wait3A_121] : memref<16384xf32, #tpu.memory_space<vmem>> -> memref<2048xf32, #tpu.memory_space<vmem>>
    %dma_wait3A_123 = arith.constant 0 : i32
    %dma_wait3A_124 = tpu.memref_slice %arg4[%dma_wait3A_123] : memref<2097152xf32, #tpu.memory_space<hbm>> -> memref<2048xf32, #tpu.memory_space<hbm>>
    %dma_wait3A_125 = arith.constant 0 : i32
    %dma_wait3A_126 = tpu.memref_slice %arg4[%dma_wait3A_125] : memref<2097152xf32, #tpu.memory_space<hbm>> -> memref<2048xf32, #tpu.memory_space<hbm>>
    %dma_wait3A_127 = arith.constant 0 : i32
    %dma_wait3A_128 = tpu.memref_slice %arg10[%dma_wait3A_127] : memref<16384xf32, #tpu.memory_space<vmem>> -> memref<2048xf32, #tpu.memory_space<vmem>>
    tpu.wait_dma2 semaphore(%arg16 : memref<!tpu.dma_semaphore, #tpu.memory_space<semaphore_mem>>) src(%dma_wait3A_128 : memref<2048xf32, #tpu.memory_space<vmem>>) dst(%dma_wait3A_126 : memref<2048xf32, #tpu.memory_space<hbm>>)
    %dma_wait3A_129 = arith.constant 0 : i32
    %dma_wait3A_130 = tpu.memref_slice %arg10[%dma_wait3A_129] : memref<16384xf32, #tpu.memory_space<vmem>> -> memref<2048xf32, #tpu.memory_space<vmem>>
    %dma_wait3A_131 = arith.constant 0 : i32
    %dma_wait3A_132 = tpu.memref_slice %arg4[%dma_wait3A_131] : memref<2097152xf32, #tpu.memory_space<hbm>> -> memref<2048xf32, #tpu.memory_space<hbm>>
    %dma_wait3A_133 = arith.constant 0 : i32
    %dma_wait3A_134 = tpu.memref_slice %arg4[%dma_wait3A_133] : memref<2097152xf32, #tpu.memory_space<hbm>> -> memref<2048xf32, #tpu.memory_space<hbm>>
    %dma_wait3A_135 = arith.constant 0 : i32
    %dma_wait3A_136 = tpu.memref_slice %arg10[%dma_wait3A_135] : memref<16384xf32, #tpu.memory_space<vmem>> -> memref<2048xf32, #tpu.memory_space<vmem>>
    tpu.wait_dma2 semaphore(%arg16 : memref<!tpu.dma_semaphore, #tpu.memory_space<semaphore_mem>>) src(%dma_wait3A_136 : memref<2048xf32, #tpu.memory_space<vmem>>) dst(%dma_wait3A_134 : memref<2048xf32, #tpu.memory_space<hbm>>)
    %dma_wait3A_137 = arith.constant 0 : i32
    %dma_wait3A_138 = tpu.memref_slice %arg10[%dma_wait3A_137] : memref<16384xf32, #tpu.memory_space<vmem>> -> memref<2048xf32, #tpu.memory_space<vmem>>
    %dma_wait3A_139 = arith.constant 0 : i32
    %dma_wait3A_140 = tpu.memref_slice %arg4[%dma_wait3A_139] : memref<2097152xf32, #tpu.memory_space<hbm>> -> memref<2048xf32, #tpu.memory_space<hbm>>
    %dma_wait3A_141 = arith.constant 0 : i32
    %dma_wait3A_142 = tpu.memref_slice %arg4[%dma_wait3A_141] : memref<2097152xf32, #tpu.memory_space<hbm>> -> memref<2048xf32, #tpu.memory_space<hbm>>
    %dma_wait3A_143 = arith.constant 0 : i32
    %dma_wait3A_144 = tpu.memref_slice %arg10[%dma_wait3A_143] : memref<16384xf32, #tpu.memory_space<vmem>> -> memref<2048xf32, #tpu.memory_space<vmem>>
    tpu.wait_dma2 semaphore(%arg16 : memref<!tpu.dma_semaphore, #tpu.memory_space<semaphore_mem>>) src(%dma_wait3A_144 : memref<2048xf32, #tpu.memory_space<vmem>>) dst(%dma_wait3A_142 : memref<2048xf32, #tpu.memory_space<hbm>>)
    %dma_wait3A_145 = arith.constant 0 : i32
    %dma_wait3A_146 = tpu.memref_slice %arg10[%dma_wait3A_145] : memref<16384xf32, #tpu.memory_space<vmem>> -> memref<2048xf32, #tpu.memory_space<vmem>>
    %dma_wait3A_147 = arith.constant 0 : i32
    %dma_wait3A_148 = tpu.memref_slice %arg4[%dma_wait3A_147] : memref<2097152xf32, #tpu.memory_space<hbm>> -> memref<2048xf32, #tpu.memory_space<hbm>>
    %dma_wait3A_149 = arith.constant 0 : i32
    %dma_wait3A_150 = tpu.memref_slice %arg4[%dma_wait3A_149] : memref<2097152xf32, #tpu.memory_space<hbm>> -> memref<2048xf32, #tpu.memory_space<hbm>>
    %dma_wait3A_151 = arith.constant 0 : i32
    %dma_wait3A_152 = tpu.memref_slice %arg10[%dma_wait3A_151] : memref<16384xf32, #tpu.memory_space<vmem>> -> memref<2048xf32, #tpu.memory_space<vmem>>
    tpu.wait_dma2 semaphore(%arg16 : memref<!tpu.dma_semaphore, #tpu.memory_space<semaphore_mem>>) src(%dma_wait3A_152 : memref<2048xf32, #tpu.memory_space<vmem>>) dst(%dma_wait3A_150 : memref<2048xf32, #tpu.memory_space<hbm>>)
    %dma_wait3A_153 = arith.constant 0 : i32
    %dma_wait3A_154 = tpu.memref_slice %arg10[%dma_wait3A_153] : memref<16384xf32, #tpu.memory_space<vmem>> -> memref<2048xf32, #tpu.memory_space<vmem>>
    %dma_wait3A_155 = arith.constant 0 : i32
    %dma_wait3A_156 = tpu.memref_slice %arg4[%dma_wait3A_155] : memref<2097152xf32, #tpu.memory_space<hbm>> -> memref<2048xf32, #tpu.memory_space<hbm>>
    %dma_wait3A_157 = arith.constant 0 : i32
    %dma_wait3A_158 = tpu.memref_slice %arg4[%dma_wait3A_157] : memref<2097152xf32, #tpu.memory_space<hbm>> -> memref<2048xf32, #tpu.memory_space<hbm>>
    %dma_wait3A_159 = arith.constant 0 : i32
    %dma_wait3A_160 = tpu.memref_slice %arg10[%dma_wait3A_159] : memref<16384xf32, #tpu.memory_space<vmem>> -> memref<2048xf32, #tpu.memory_space<vmem>>
    tpu.wait_dma2 semaphore(%arg16 : memref<!tpu.dma_semaphore, #tpu.memory_space<semaphore_mem>>) src(%dma_wait3A_160 : memref<2048xf32, #tpu.memory_space<vmem>>) dst(%dma_wait3A_158 : memref<2048xf32, #tpu.memory_space<hbm>>)
    return
  }
}

#map = affine_map<(d0, d1) -> (0, 0)>
#map1 = affine_map<(d0, d1) -> (0)>
module attributes {stable_mosaic.version = 14 : i64} {
  func.func @hist_kernel(%arg0: i32, %arg1: i32, %arg2: memref<2048x200xi32, #tpu.memory_space<hbm>>, %arg3: memref<2048x400xi32, #tpu.memory_space<hbm>>, %arg4: memref<2097152xf32, #tpu.memory_space<hbm>>, %arg5: memref<16x200xi32, #tpu.memory_space<vmem>>, %arg6: memref<16x200xi32, #tpu.memory_space<vmem>>, %arg7: memref<16x400xi32, #tpu.memory_space<vmem>>, %arg8: memref<16x400xi32, #tpu.memory_space<vmem>>, %arg9: memref<16384xf32, #tpu.memory_space<vmem>>, %arg10: memref<16384xf32, #tpu.memory_space<vmem>>, %arg11: memref<!tpu.dma_semaphore, #tpu.memory_space<semaphore_mem>>, %arg12: memref<!tpu.dma_semaphore, #tpu.memory_space<semaphore_mem>>, %arg13: memref<!tpu.dma_semaphore, #tpu.memory_space<semaphore_mem>>, %arg14: memref<!tpu.dma_semaphore, #tpu.memory_space<semaphore_mem>>, %arg15: memref<!tpu.dma_semaphore, #tpu.memory_space<semaphore_mem>>, %arg16: memref<!tpu.dma_semaphore, #tpu.memory_space<semaphore_mem>>) attributes {dimension_semantics = [#tpu.dimension_semantics<core_parallel>, #tpu.dimension_semantics<subcore_parallel>], iteration_bounds = array<i64: 2, 16>, scalar_prefetch = 0 : i64, scratch_operands = 12 : i64, tpu.core_type = #tpu.core_type<sc_vector_subcore>, window_params = [{transform_indices = #map}, {transform_indices = #map}, {transform_indices = #map1}]} {
    %mul3A = arith.constant 2 : i32
    %mul3A_0 = arith.muli %arg1, %mul3A : i32
    %add3A = arith.addi %mul3A_0, %arg0 : i32
    %mul3A_1 = arith.constant 64 : i32
    %mul3A_2 = arith.muli %add3A, %mul3A_1 : i32
    %broadcast_in_dim3A = arith.constant 1.000000e+00 : f32
    %broadcast_in_dim3A_3 = vector.broadcast %broadcast_in_dim3A : f32 to vector<16xf32>
    %broadcast_in_dim3A_4 = arith.constant 4.096000e+03 : f32
    %broadcast_in_dim3A_5 = vector.broadcast %broadcast_in_dim3A_4 : f32 to vector<16xf32>
    %iota3A = tpu.iota {dimensions = array<i32: 0>} : vector<16xi32>
    %ge3A = arith.constant 8 : i32
    %ge3A_6 = vector.broadcast %ge3A : i32 to vector<16xi32>
    %ge3A_7 = arith.cmpi sge, %iota3A, %ge3A_6 : vector<16xi32>
    %broadcast_in_dim3A_8 = arith.constant 0.000000e+00 : f32
    %broadcast_in_dim3A_9 = vector.broadcast %broadcast_in_dim3A_8 : f32 to vector<16xf32>
    %add3A_10 = arith.constant 0 : i32
    %add3A_11 = arith.addi %mul3A_2, %add3A_10 : i32
    %dma_start3A = arith.constant 0 : i32
    %dma_start3A_12 = tpu.memref_slice %arg2[%add3A_11, %dma_start3A] : memref<2048x200xi32, #tpu.memory_space<hbm>> -> memref<16x200xi32, #tpu.memory_space<hbm>>
    %dma_start3A_13 = arith.constant 0 : i32
    %dma_start3A_14 = tpu.memref_slice %arg2[%add3A_11, %dma_start3A_13] : memref<2048x200xi32, #tpu.memory_space<hbm>> -> memref<16x200xi32, #tpu.memory_space<hbm>>
    tpu.enqueue_dma source(%dma_start3A_14 : memref<16x200xi32, #tpu.memory_space<hbm>>) target(%arg5 : memref<16x200xi32, #tpu.memory_space<vmem>>) target_semaphore(%arg11 : memref<!tpu.dma_semaphore, #tpu.memory_space<semaphore_mem>>)
    %dma_start3A_15 = arith.constant 0 : i32
    %dma_start3A_16 = tpu.memref_slice %arg3[%add3A_11, %dma_start3A_15] : memref<2048x400xi32, #tpu.memory_space<hbm>> -> memref<16x400xi32, #tpu.memory_space<hbm>>
    %dma_start3A_17 = arith.constant 0 : i32
    %dma_start3A_18 = tpu.memref_slice %arg3[%add3A_11, %dma_start3A_17] : memref<2048x400xi32, #tpu.memory_space<hbm>> -> memref<16x400xi32, #tpu.memory_space<hbm>>
    tpu.enqueue_dma source(%dma_start3A_18 : memref<16x400xi32, #tpu.memory_space<hbm>>) target(%arg7 : memref<16x400xi32, #tpu.memory_space<vmem>>) target_semaphore(%arg13 : memref<!tpu.dma_semaphore, #tpu.memory_space<semaphore_mem>>)
    %add3A_19 = arith.constant 16 : i32
    %add3A_20 = arith.addi %mul3A_2, %add3A_19 : i32
    %dma_start3A_21 = arith.constant 0 : i32
    %dma_start3A_22 = tpu.memref_slice %arg2[%add3A_20, %dma_start3A_21] : memref<2048x200xi32, #tpu.memory_space<hbm>> -> memref<16x200xi32, #tpu.memory_space<hbm>>
    %dma_start3A_23 = arith.constant 0 : i32
    %dma_start3A_24 = tpu.memref_slice %arg2[%add3A_20, %dma_start3A_23] : memref<2048x200xi32, #tpu.memory_space<hbm>> -> memref<16x200xi32, #tpu.memory_space<hbm>>
    tpu.enqueue_dma source(%dma_start3A_24 : memref<16x200xi32, #tpu.memory_space<hbm>>) target(%arg6 : memref<16x200xi32, #tpu.memory_space<vmem>>) target_semaphore(%arg12 : memref<!tpu.dma_semaphore, #tpu.memory_space<semaphore_mem>>)
    %dma_start3A_25 = arith.constant 0 : i32
    %dma_start3A_26 = tpu.memref_slice %arg3[%add3A_20, %dma_start3A_25] : memref<2048x400xi32, #tpu.memory_space<hbm>> -> memref<16x400xi32, #tpu.memory_space<hbm>>
    %dma_start3A_27 = arith.constant 0 : i32
    %dma_start3A_28 = tpu.memref_slice %arg3[%add3A_20, %dma_start3A_27] : memref<2048x400xi32, #tpu.memory_space<hbm>> -> memref<16x400xi32, #tpu.memory_space<hbm>>
    tpu.enqueue_dma source(%dma_start3A_28 : memref<16x400xi32, #tpu.memory_space<hbm>>) target(%arg8 : memref<16x400xi32, #tpu.memory_space<vmem>>) target_semaphore(%arg14 : memref<!tpu.dma_semaphore, #tpu.memory_space<semaphore_mem>>)
    %scan3A = arith.constant 0 : i32
    %scan3A_29 = arith.constant 0 : i32
    %scan3A_30 = arith.constant 2 : i32
    %scan3A_31 = arith.addi %scan3A_29, %scan3A_30 : i32
    %scan3A_32 = arith.constant 1 : i32
    scf.for %scan3A_161 = %scan3A_29 to %scan3A_31 step %scan3A_32  : i32 {
      %mul3A_162 = arith.constant 2 : i32
      %mul3A_163 = arith.muli %scan3A_161, %mul3A_162 : i32
      %add3A_164 = arith.constant 0 : i32
      %add3A_165 = arith.addi %mul3A_163, %add3A_164 : i32
      %mul3A_166 = arith.constant 16 : i32
      %mul3A_167 = arith.muli %add3A_165, %mul3A_166 : i32
      %add3A_168 = arith.addi %mul3A_2, %mul3A_167 : i32
      %ge3A_169 = arith.constant 2 : i32
      %ge3A_170 = arith.cmpi sge, %add3A_165, %ge3A_169 : i32
      %convert_element_type3A = arith.extui %ge3A_170 : i1 to i32
      %cond3A = arith.constant 0 : i32
      %cond3A_171 = arith.cmpi ne, %convert_element_type3A, %cond3A : i32
      scf.if %cond3A_171 {
        %dma_wait3A_405 = arith.constant 0 : i32
        %dma_wait3A_406 = tpu.memref_slice %arg9[%dma_wait3A_405] : memref<16384xf32, #tpu.memory_space<vmem>> -> memref<2048xf32, #tpu.memory_space<vmem>>
        %dma_wait3A_407 = arith.constant 0 : i32
        %dma_wait3A_408 = tpu.memref_slice %arg4[%dma_wait3A_407] : memref<2097152xf32, #tpu.memory_space<hbm>> -> memref<2048xf32, #tpu.memory_space<hbm>>
        %dma_wait3A_409 = arith.constant 0 : i32
        %dma_wait3A_410 = tpu.memref_slice %arg4[%dma_wait3A_409] : memref<2097152xf32, #tpu.memory_space<hbm>> -> memref<2048xf32, #tpu.memory_space<hbm>>
        %dma_wait3A_411 = arith.constant 0 : i32
        %dma_wait3A_412 = tpu.memref_slice %arg9[%dma_wait3A_411] : memref<16384xf32, #tpu.memory_space<vmem>> -> memref<2048xf32, #tpu.memory_space<vmem>>
        tpu.wait_dma2 semaphore(%arg15 : memref<!tpu.dma_semaphore, #tpu.memory_space<semaphore_mem>>) src(%dma_wait3A_412 : memref<2048xf32, #tpu.memory_space<vmem>>) dst(%dma_wait3A_410 : memref<2048xf32, #tpu.memory_space<hbm>>)
        %dma_wait3A_413 = arith.constant 0 : i32
        %dma_wait3A_414 = tpu.memref_slice %arg9[%dma_wait3A_413] : memref<16384xf32, #tpu.memory_space<vmem>> -> memref<2048xf32, #tpu.memory_space<vmem>>
        %dma_wait3A_415 = arith.constant 0 : i32
        %dma_wait3A_416 = tpu.memref_slice %arg4[%dma_wait3A_415] : memref<2097152xf32, #tpu.memory_space<hbm>> -> memref<2048xf32, #tpu.memory_space<hbm>>
        %dma_wait3A_417 = arith.constant 0 : i32
        %dma_wait3A_418 = tpu.memref_slice %arg4[%dma_wait3A_417] : memref<2097152xf32, #tpu.memory_space<hbm>> -> memref<2048xf32, #tpu.memory_space<hbm>>
        %dma_wait3A_419 = arith.constant 0 : i32
        %dma_wait3A_420 = tpu.memref_slice %arg9[%dma_wait3A_419] : memref<16384xf32, #tpu.memory_space<vmem>> -> memref<2048xf32, #tpu.memory_space<vmem>>
        tpu.wait_dma2 semaphore(%arg15 : memref<!tpu.dma_semaphore, #tpu.memory_space<semaphore_mem>>) src(%dma_wait3A_420 : memref<2048xf32, #tpu.memory_space<vmem>>) dst(%dma_wait3A_418 : memref<2048xf32, #tpu.memory_space<hbm>>)
        %dma_wait3A_421 = arith.constant 0 : i32
        %dma_wait3A_422 = tpu.memref_slice %arg9[%dma_wait3A_421] : memref<16384xf32, #tpu.memory_space<vmem>> -> memref<2048xf32, #tpu.memory_space<vmem>>
        %dma_wait3A_423 = arith.constant 0 : i32
        %dma_wait3A_424 = tpu.memref_slice %arg4[%dma_wait3A_423] : memref<2097152xf32, #tpu.memory_space<hbm>> -> memref<2048xf32, #tpu.memory_space<hbm>>
        %dma_wait3A_425 = arith.constant 0 : i32
        %dma_wait3A_426 = tpu.memref_slice %arg4[%dma_wait3A_425] : memref<2097152xf32, #tpu.memory_space<hbm>> -> memref<2048xf32, #tpu.memory_space<hbm>>
        %dma_wait3A_427 = arith.constant 0 : i32
        %dma_wait3A_428 = tpu.memref_slice %arg9[%dma_wait3A_427] : memref<16384xf32, #tpu.memory_space<vmem>> -> memref<2048xf32, #tpu.memory_space<vmem>>
        tpu.wait_dma2 semaphore(%arg15 : memref<!tpu.dma_semaphore, #tpu.memory_space<semaphore_mem>>) src(%dma_wait3A_428 : memref<2048xf32, #tpu.memory_space<vmem>>) dst(%dma_wait3A_426 : memref<2048xf32, #tpu.memory_space<hbm>>)
        %dma_wait3A_429 = arith.constant 0 : i32
        %dma_wait3A_430 = tpu.memref_slice %arg9[%dma_wait3A_429] : memref<16384xf32, #tpu.memory_space<vmem>> -> memref<2048xf32, #tpu.memory_space<vmem>>
        %dma_wait3A_431 = arith.constant 0 : i32
        %dma_wait3A_432 = tpu.memref_slice %arg4[%dma_wait3A_431] : memref<2097152xf32, #tpu.memory_space<hbm>> -> memref<2048xf32, #tpu.memory_space<hbm>>
        %dma_wait3A_433 = arith.constant 0 : i32
        %dma_wait3A_434 = tpu.memref_slice %arg4[%dma_wait3A_433] : memref<2097152xf32, #tpu.memory_space<hbm>> -> memref<2048xf32, #tpu.memory_space<hbm>>
        %dma_wait3A_435 = arith.constant 0 : i32
        %dma_wait3A_436 = tpu.memref_slice %arg9[%dma_wait3A_435] : memref<16384xf32, #tpu.memory_space<vmem>> -> memref<2048xf32, #tpu.memory_space<vmem>>
        tpu.wait_dma2 semaphore(%arg15 : memref<!tpu.dma_semaphore, #tpu.memory_space<semaphore_mem>>) src(%dma_wait3A_436 : memref<2048xf32, #tpu.memory_space<vmem>>) dst(%dma_wait3A_434 : memref<2048xf32, #tpu.memory_space<hbm>>)
        %dma_wait3A_437 = arith.constant 0 : i32
        %dma_wait3A_438 = tpu.memref_slice %arg9[%dma_wait3A_437] : memref<16384xf32, #tpu.memory_space<vmem>> -> memref<2048xf32, #tpu.memory_space<vmem>>
        %dma_wait3A_439 = arith.constant 0 : i32
        %dma_wait3A_440 = tpu.memref_slice %arg4[%dma_wait3A_439] : memref<2097152xf32, #tpu.memory_space<hbm>> -> memref<2048xf32, #tpu.memory_space<hbm>>
        %dma_wait3A_441 = arith.constant 0 : i32
        %dma_wait3A_442 = tpu.memref_slice %arg4[%dma_wait3A_441] : memref<2097152xf32, #tpu.memory_space<hbm>> -> memref<2048xf32, #tpu.memory_space<hbm>>
        %dma_wait3A_443 = arith.constant 0 : i32
        %dma_wait3A_444 = tpu.memref_slice %arg9[%dma_wait3A_443] : memref<16384xf32, #tpu.memory_space<vmem>> -> memref<2048xf32, #tpu.memory_space<vmem>>
        tpu.wait_dma2 semaphore(%arg15 : memref<!tpu.dma_semaphore, #tpu.memory_space<semaphore_mem>>) src(%dma_wait3A_444 : memref<2048xf32, #tpu.memory_space<vmem>>) dst(%dma_wait3A_442 : memref<2048xf32, #tpu.memory_space<hbm>>)
        %dma_wait3A_445 = arith.constant 0 : i32
        %dma_wait3A_446 = tpu.memref_slice %arg9[%dma_wait3A_445] : memref<16384xf32, #tpu.memory_space<vmem>> -> memref<2048xf32, #tpu.memory_space<vmem>>
        %dma_wait3A_447 = arith.constant 0 : i32
        %dma_wait3A_448 = tpu.memref_slice %arg4[%dma_wait3A_447] : memref<2097152xf32, #tpu.memory_space<hbm>> -> memref<2048xf32, #tpu.memory_space<hbm>>
        %dma_wait3A_449 = arith.constant 0 : i32
        %dma_wait3A_450 = tpu.memref_slice %arg4[%dma_wait3A_449] : memref<2097152xf32, #tpu.memory_space<hbm>> -> memref<2048xf32, #tpu.memory_space<hbm>>
        %dma_wait3A_451 = arith.constant 0 : i32
        %dma_wait3A_452 = tpu.memref_slice %arg9[%dma_wait3A_451] : memref<16384xf32, #tpu.memory_space<vmem>> -> memref<2048xf32, #tpu.memory_space<vmem>>
        tpu.wait_dma2 semaphore(%arg15 : memref<!tpu.dma_semaphore, #tpu.memory_space<semaphore_mem>>) src(%dma_wait3A_452 : memref<2048xf32, #tpu.memory_space<vmem>>) dst(%dma_wait3A_450 : memref<2048xf32, #tpu.memory_space<hbm>>)
        %dma_wait3A_453 = arith.constant 0 : i32
        %dma_wait3A_454 = tpu.memref_slice %arg9[%dma_wait3A_453] : memref<16384xf32, #tpu.memory_space<vmem>> -> memref<2048xf32, #tpu.memory_space<vmem>>
        %dma_wait3A_455 = arith.constant 0 : i32
        %dma_wait3A_456 = tpu.memref_slice %arg4[%dma_wait3A_455] : memref<2097152xf32, #tpu.memory_space<hbm>> -> memref<2048xf32, #tpu.memory_space<hbm>>
        %dma_wait3A_457 = arith.constant 0 : i32
        %dma_wait3A_458 = tpu.memref_slice %arg4[%dma_wait3A_457] : memref<2097152xf32, #tpu.memory_space<hbm>> -> memref<2048xf32, #tpu.memory_space<hbm>>
        %dma_wait3A_459 = arith.constant 0 : i32
        %dma_wait3A_460 = tpu.memref_slice %arg9[%dma_wait3A_459] : memref<16384xf32, #tpu.memory_space<vmem>> -> memref<2048xf32, #tpu.memory_space<vmem>>
        tpu.wait_dma2 semaphore(%arg15 : memref<!tpu.dma_semaphore, #tpu.memory_space<semaphore_mem>>) src(%dma_wait3A_460 : memref<2048xf32, #tpu.memory_space<vmem>>) dst(%dma_wait3A_458 : memref<2048xf32, #tpu.memory_space<hbm>>)
        %dma_wait3A_461 = arith.constant 0 : i32
        %dma_wait3A_462 = tpu.memref_slice %arg9[%dma_wait3A_461] : memref<16384xf32, #tpu.memory_space<vmem>> -> memref<2048xf32, #tpu.memory_space<vmem>>
        %dma_wait3A_463 = arith.constant 0 : i32
        %dma_wait3A_464 = tpu.memref_slice %arg4[%dma_wait3A_463] : memref<2097152xf32, #tpu.memory_space<hbm>> -> memref<2048xf32, #tpu.memory_space<hbm>>
        %dma_wait3A_465 = arith.constant 0 : i32
        %dma_wait3A_466 = tpu.memref_slice %arg4[%dma_wait3A_465] : memref<2097152xf32, #tpu.memory_space<hbm>> -> memref<2048xf32, #tpu.memory_space<hbm>>
        %dma_wait3A_467 = arith.constant 0 : i32
        %dma_wait3A_468 = tpu.memref_slice %arg9[%dma_wait3A_467] : memref<16384xf32, #tpu.memory_space<vmem>> -> memref<2048xf32, #tpu.memory_space<vmem>>
        tpu.wait_dma2 semaphore(%arg15 : memref<!tpu.dma_semaphore, #tpu.memory_space<semaphore_mem>>) src(%dma_wait3A_468 : memref<2048xf32, #tpu.memory_space<vmem>>) dst(%dma_wait3A_466 : memref<2048xf32, #tpu.memory_space<hbm>>)
      } else {
      }
      %scan3A_172 = arith.constant 0 : i32
      %scan3A_173 = arith.constant 0 : i32
      %scan3A_174 = arith.constant 64 : i32
      %scan3A_175 = arith.addi %scan3A_173, %scan3A_174 : i32
      %scan3A_176 = arith.constant 1 : i32
      scf.for %scan3A_405 = %scan3A_173 to %scan3A_175 step %scan3A_176  : i32 {
        %mul3A_406 = arith.constant 256 : i32
        %mul3A_407 = arith.muli %scan3A_405, %mul3A_406 : i32
        %add3A_408 = arith.constant 0 : i32
        %add3A_409 = arith.addi %mul3A_407, %add3A_408 : i32
        %swap3A = arith.index_cast %add3A_409 : i32 to index
        %swap3A_410 = tpu.vector_load %arg9[%swap3A] {strides = array<i32>} : memref<16384xf32, #tpu.memory_space<vmem>>, vector<16xf32>,
        tpu.vector_store %arg9[%swap3A], %broadcast_in_dim3A_9 {strides = array<i32>} : memref<16384xf32, #tpu.memory_space<vmem>>, vector<16xf32>,
        %mul3A_411 = arith.constant 256 : i32
        %mul3A_412 = arith.muli %scan3A_405, %mul3A_411 : i32
        %add3A_413 = arith.constant 16 : i32
        %add3A_414 = arith.addi %mul3A_412, %add3A_413 : i32
        %swap3A_415 = arith.index_cast %add3A_414 : i32 to index
        %swap3A_416 = tpu.vector_load %arg9[%swap3A_415] {strides = array<i32>} : memref<16384xf32, #tpu.memory_space<vmem>>, vector<16xf32>,
        tpu.vector_store %arg9[%swap3A_415], %broadcast_in_dim3A_9 {strides = array<i32>} : memref<16384xf32, #tpu.memory_space<vmem>>, vector<16xf32>,
        %mul3A_417 = arith.constant 256 : i32
        %mul3A_418 = arith.muli %scan3A_405, %mul3A_417 : i32
        %add3A_419 = arith.constant 32 : i32
        %add3A_420 = arith.addi %mul3A_418, %add3A_419 : i32
        %swap3A_421 = arith.index_cast %add3A_420 : i32 to index
        %swap3A_422 = tpu.vector_load %arg9[%swap3A_421] {strides = array<i32>} : memref<16384xf32, #tpu.memory_space<vmem>>, vector<16xf32>,
        tpu.vector_store %arg9[%swap3A_421], %broadcast_in_dim3A_9 {strides = array<i32>} : memref<16384xf32, #tpu.memory_space<vmem>>, vector<16xf32>,
        %mul3A_423 = arith.constant 256 : i32
        %mul3A_424 = arith.muli %scan3A_405, %mul3A_423 : i32
        %add3A_425 = arith.constant 48 : i32
        %add3A_426 = arith.addi %mul3A_424, %add3A_425 : i32
        %swap3A_427 = arith.index_cast %add3A_426 : i32 to index
        %swap3A_428 = tpu.vector_load %arg9[%swap3A_427] {strides = array<i32>} : memref<16384xf32, #tpu.memory_space<vmem>>, vector<16xf32>,
        tpu.vector_store %arg9[%swap3A_427], %broadcast_in_dim3A_9 {strides = array<i32>} : memref<16384xf32, #tpu.memory_space<vmem>>, vector<16xf32>,
        %mul3A_429 = arith.constant 256 : i32
        %mul3A_430 = arith.muli %scan3A_405, %mul3A_429 : i32
        %add3A_431 = arith.constant 64 : i32
        %add3A_432 = arith.addi %mul3A_430, %add3A_431 : i32
        %swap3A_433 = arith.index_cast %add3A_432 : i32 to index
        %swap3A_434 = tpu.vector_load %arg9[%swap3A_433] {strides = array<i32>} : memref<16384xf32, #tpu.memory_space<vmem>>, vector<16xf32>,
        tpu.vector_store %arg9[%swap3A_433], %broadcast_in_dim3A_9 {strides = array<i32>} : memref<16384xf32, #tpu.memory_space<vmem>>, vector<16xf32>,
        %mul3A_435 = arith.constant 256 : i32
        %mul3A_436 = arith.muli %scan3A_405, %mul3A_435 : i32
        %add3A_437 = arith.constant 80 : i32
        %add3A_438 = arith.addi %mul3A_436, %add3A_437 : i32
        %swap3A_439 = arith.index_cast %add3A_438 : i32 to index
        %swap3A_440 = tpu.vector_load %arg9[%swap3A_439] {strides = array<i32>} : memref<16384xf32, #tpu.memory_space<vmem>>, vector<16xf32>,
        tpu.vector_store %arg9[%swap3A_439], %broadcast_in_dim3A_9 {strides = array<i32>} : memref<16384xf32, #tpu.memory_space<vmem>>, vector<16xf32>,
        %mul3A_441 = arith.constant 256 : i32
        %mul3A_442 = arith.muli %scan3A_405, %mul3A_441 : i32
        %add3A_443 = arith.constant 96 : i32
        %add3A_444 = arith.addi %mul3A_442, %add3A_443 : i32
        %swap3A_445 = arith.index_cast %add3A_444 : i32 to index
        %swap3A_446 = tpu.vector_load %arg9[%swap3A_445] {strides = array<i32>} : memref<16384xf32, #tpu.memory_space<vmem>>, vector<16xf32>,
        tpu.vector_store %arg9[%swap3A_445], %broadcast_in_dim3A_9 {strides = array<i32>} : memref<16384xf32, #tpu.memory_space<vmem>>, vector<16xf32>,
        %mul3A_447 = arith.constant 256 : i32
        %mul3A_448 = arith.muli %scan3A_405, %mul3A_447 : i32
        %add3A_449 = arith.constant 112 : i32
        %add3A_450 = arith.addi %mul3A_448, %add3A_449 : i32
        %swap3A_451 = arith.index_cast %add3A_450 : i32 to index
        %swap3A_452 = tpu.vector_load %arg9[%swap3A_451] {strides = array<i32>} : memref<16384xf32, #tpu.memory_space<vmem>>, vector<16xf32>,
        tpu.vector_store %arg9[%swap3A_451], %broadcast_in_dim3A_9 {strides = array<i32>} : memref<16384xf32, #tpu.memory_space<vmem>>, vector<16xf32>,
        %mul3A_453 = arith.constant 256 : i32
        %mul3A_454 = arith.muli %scan3A_405, %mul3A_453 : i32
        %add3A_455 = arith.constant 128 : i32
        %add3A_456 = arith.addi %mul3A_454, %add3A_455 : i32
        %swap3A_457 = arith.index_cast %add3A_456 : i32 to index
        %swap3A_458 = tpu.vector_load %arg9[%swap3A_457] {strides = array<i32>} : memref<16384xf32, #tpu.memory_space<vmem>>, vector<16xf32>,
        tpu.vector_store %arg9[%swap3A_457], %broadcast_in_dim3A_9 {strides = array<i32>} : memref<16384xf32, #tpu.memory_space<vmem>>, vector<16xf32>,
        %mul3A_459 = arith.constant 256 : i32
        %mul3A_460 = arith.muli %scan3A_405, %mul3A_459 : i32
        %add3A_461 = arith.constant 144 : i32
        %add3A_462 = arith.addi %mul3A_460, %add3A_461 : i32
        %swap3A_463 = arith.index_cast %add3A_462 : i32 to index
        %swap3A_464 = tpu.vector_load %arg9[%swap3A_463] {strides = array<i32>} : memref<16384xf32, #tpu.memory_space<vmem>>, vector<16xf32>,
        tpu.vector_store %arg9[%swap3A_463], %broadcast_in_dim3A_9 {strides = array<i32>} : memref<16384xf32, #tpu.memory_space<vmem>>, vector<16xf32>,
        %mul3A_465 = arith.constant 256 : i32
        %mul3A_466 = arith.muli %scan3A_405, %mul3A_465 : i32
        %add3A_467 = arith.constant 160 : i32
        %add3A_468 = arith.addi %mul3A_466, %add3A_467 : i32
        %swap3A_469 = arith.index_cast %add3A_468 : i32 to index
        %swap3A_470 = tpu.vector_load %arg9[%swap3A_469] {strides = array<i32>} : memref<16384xf32, #tpu.memory_space<vmem>>, vector<16xf32>,
        tpu.vector_store %arg9[%swap3A_469], %broadcast_in_dim3A_9 {strides = array<i32>} : memref<16384xf32, #tpu.memory_space<vmem>>, vector<16xf32>,
        %mul3A_471 = arith.constant 256 : i32
        %mul3A_472 = arith.muli %scan3A_405, %mul3A_471 : i32
        %add3A_473 = arith.constant 176 : i32
        %add3A_474 = arith.addi %mul3A_472, %add3A_473 : i32
        %swap3A_475 = arith.index_cast %add3A_474 : i32 to index
        %swap3A_476 = tpu.vector_load %arg9[%swap3A_475] {strides = array<i32>} : memref<16384xf32, #tpu.memory_space<vmem>>, vector<16xf32>,
        tpu.vector_store %arg9[%swap3A_475], %broadcast_in_dim3A_9 {strides = array<i32>} : memref<16384xf32, #tpu.memory_space<vmem>>, vector<16xf32>,
        %mul3A_477 = arith.constant 256 : i32
        %mul3A_478 = arith.muli %scan3A_405, %mul3A_477 : i32
        %add3A_479 = arith.constant 192 : i32
        %add3A_480 = arith.addi %mul3A_478, %add3A_479 : i32
        %swap3A_481 = arith.index_cast %add3A_480 : i32 to index
        %swap3A_482 = tpu.vector_load %arg9[%swap3A_481] {strides = array<i32>} : memref<16384xf32, #tpu.memory_space<vmem>>, vector<16xf32>,
        tpu.vector_store %arg9[%swap3A_481], %broadcast_in_dim3A_9 {strides = array<i32>} : memref<16384xf32, #tpu.memory_space<vmem>>, vector<16xf32>,
        %mul3A_483 = arith.constant 256 : i32
        %mul3A_484 = arith.muli %scan3A_405, %mul3A_483 : i32
        %add3A_485 = arith.constant 208 : i32
        %add3A_486 = arith.addi %mul3A_484, %add3A_485 : i32
        %swap3A_487 = arith.index_cast %add3A_486 : i32 to index
        %swap3A_488 = tpu.vector_load %arg9[%swap3A_487] {strides = array<i32>} : memref<16384xf32, #tpu.memory_space<vmem>>, vector<16xf32>,
        tpu.vector_store %arg9[%swap3A_487], %broadcast_in_dim3A_9 {strides = array<i32>} : memref<16384xf32, #tpu.memory_space<vmem>>, vector<16xf32>,
        %mul3A_489 = arith.constant 256 : i32
        %mul3A_490 = arith.muli %scan3A_405, %mul3A_489 : i32
        %add3A_491 = arith.constant 224 : i32
        %add3A_492 = arith.addi %mul3A_490, %add3A_491 : i32
        %swap3A_493 = arith.index_cast %add3A_492 : i32 to index
        %swap3A_494 = tpu.vector_load %arg9[%swap3A_493] {strides = array<i32>} : memref<16384xf32, #tpu.memory_space<vmem>>, vector<16xf32>,
        tpu.vector_store %arg9[%swap3A_493], %broadcast_in_dim3A_9 {strides = array<i32>} : memref<16384xf32, #tpu.memory_space<vmem>>, vector<16xf32>,
        %mul3A_495 = arith.constant 256 : i32
        %mul3A_496 = arith.muli %scan3A_405, %mul3A_495 : i32
        %add3A_497 = arith.constant 240 : i32
        %add3A_498 = arith.addi %mul3A_496, %add3A_497 : i32
        %swap3A_499 = arith.index_cast %add3A_498 : i32 to index
        %swap3A_500 = tpu.vector_load %arg9[%swap3A_499] {strides = array<i32>} : memref<16384xf32, #tpu.memory_space<vmem>>, vector<16xf32>,
        tpu.vector_store %arg9[%swap3A_499], %broadcast_in_dim3A_9 {strides = array<i32>} : memref<16384xf32, #tpu.memory_space<vmem>>, vector<16xf32>,
      }
      %scan3A_177 = arith.constant 64 : i32
      %dma_wait3A_178 = arith.constant 0 : i32
      %dma_wait3A_179 = arith.constant 0 : i32
      %dma_wait3A_180 = tpu.memref_slice %arg2[%dma_wait3A_178, %dma_wait3A_179] : memref<2048x200xi32, #tpu.memory_space<hbm>> -> memref<16x200xi32, #tpu.memory_space<hbm>>
      %dma_wait3A_181 = arith.constant 0 : i32
      %dma_wait3A_182 = arith.constant 0 : i32
      %dma_wait3A_183 = tpu.memref_slice %arg2[%dma_wait3A_181, %dma_wait3A_182] : memref<2048x200xi32, #tpu.memory_space<hbm>> -> memref<16x200xi32, #tpu.memory_space<hbm>>
      tpu.wait_dma2 semaphore(%arg11 : memref<!tpu.dma_semaphore, #tpu.memory_space<semaphore_mem>>) src(%dma_wait3A_183 : memref<16x200xi32, #tpu.memory_space<hbm>>) dst(%arg5 : memref<16x200xi32, #tpu.memory_space<vmem>>)
      %dma_wait3A_184 = arith.constant 0 : i32
      %dma_wait3A_185 = arith.constant 0 : i32
      %dma_wait3A_186 = tpu.memref_slice %arg3[%dma_wait3A_184, %dma_wait3A_185] : memref<2048x400xi32, #tpu.memory_space<hbm>> -> memref<16x400xi32, #tpu.memory_space<hbm>>
      %dma_wait3A_187 = arith.constant 0 : i32
      %dma_wait3A_188 = arith.constant 0 : i32
      %dma_wait3A_189 = tpu.memref_slice %arg3[%dma_wait3A_187, %dma_wait3A_188] : memref<2048x400xi32, #tpu.memory_space<hbm>> -> memref<16x400xi32, #tpu.memory_space<hbm>>
      tpu.wait_dma2 semaphore(%arg13 : memref<!tpu.dma_semaphore, #tpu.memory_space<semaphore_mem>>) src(%dma_wait3A_189 : memref<16x400xi32, #tpu.memory_space<hbm>>) dst(%arg7 : memref<16x400xi32, #tpu.memory_space<vmem>>)
      %scan3A_190 = arith.constant 0 : i32
      %scan3A_191 = arith.constant 0 : i32
      %scan3A_192 = arith.constant 16 : i32
      %scan3A_193 = arith.addi %scan3A_191, %scan3A_192 : i32
      %scan3A_194 = arith.constant 1 : i32
      scf.for %scan3A_405 = %scan3A_191 to %scan3A_193 step %scan3A_194  : i32 {
        %mul3A_406 = arith.constant 128 : i32
        %mul3A_407 = arith.muli %scan3A_405, %mul3A_406 : i32
        %broadcast_in_dim3A_408 = vector.broadcast %mul3A_407 : i32 to vector<16xi32>
        %get3A = arith.index_cast %scan3A_405 : i32 to index
        %get3A_409 = arith.constant 0 : index
        %get3A_410 = tpu.vector_load %arg5[%get3A, %get3A_409] {strides = array<i32>} : memref<16x200xi32, #tpu.memory_space<vmem>>, vector<16xi32>,
        %get3A_411 = arith.index_cast %scan3A_405 : i32 to index
        %get3A_412 = arith.constant 16 : index
        %get3A_413 = tpu.vector_load %arg5[%get3A_411, %get3A_412] {strides = array<i32>} : memref<16x200xi32, #tpu.memory_space<vmem>>, vector<16xi32>,
        %get3A_414 = arith.index_cast %scan3A_405 : i32 to index
        %get3A_415 = arith.constant 32 : index
        %get3A_416 = tpu.vector_load %arg5[%get3A_414, %get3A_415] {strides = array<i32>} : memref<16x200xi32, #tpu.memory_space<vmem>>, vector<16xi32>,
        %get3A_417 = arith.index_cast %scan3A_405 : i32 to index
        %get3A_418 = arith.constant 48 : index
        %get3A_419 = tpu.vector_load %arg5[%get3A_417, %get3A_418] {strides = array<i32>} : memref<16x200xi32, #tpu.memory_space<vmem>>, vector<16xi32>,
        %get3A_420 = arith.index_cast %scan3A_405 : i32 to index
        %get3A_421 = arith.constant 64 : index
        %get3A_422 = tpu.vector_load %arg5[%get3A_420, %get3A_421] {strides = array<i32>} : memref<16x200xi32, #tpu.memory_space<vmem>>, vector<16xi32>,
        %get3A_423 = arith.index_cast %scan3A_405 : i32 to index
        %get3A_424 = arith.constant 80 : index
        %get3A_425 = tpu.vector_load %arg5[%get3A_423, %get3A_424] {strides = array<i32>} : memref<16x200xi32, #tpu.memory_space<vmem>>, vector<16xi32>,
        %get3A_426 = arith.index_cast %scan3A_405 : i32 to index
        %get3A_427 = arith.constant 96 : index
        %get3A_428 = tpu.vector_load %arg5[%get3A_426, %get3A_427] {strides = array<i32>} : memref<16x200xi32, #tpu.memory_space<vmem>>, vector<16xi32>,
        %get3A_429 = arith.index_cast %scan3A_405 : i32 to index
        %get3A_430 = arith.constant 112 : index
        %get3A_431 = tpu.vector_load %arg5[%get3A_429, %get3A_430] {strides = array<i32>} : memref<16x200xi32, #tpu.memory_space<vmem>>, vector<16xi32>,
        %get3A_432 = arith.index_cast %scan3A_405 : i32 to index
        %get3A_433 = arith.constant 128 : index
        %get3A_434 = tpu.vector_load %arg5[%get3A_432, %get3A_433] {strides = array<i32>} : memref<16x200xi32, #tpu.memory_space<vmem>>, vector<16xi32>,
        %get3A_435 = arith.index_cast %scan3A_405 : i32 to index
        %get3A_436 = arith.constant 144 : index
        %get3A_437 = tpu.vector_load %arg5[%get3A_435, %get3A_436] {strides = array<i32>} : memref<16x200xi32, #tpu.memory_space<vmem>>, vector<16xi32>,
        %get3A_438 = arith.index_cast %scan3A_405 : i32 to index
        %get3A_439 = arith.constant 160 : index
        %get3A_440 = tpu.vector_load %arg5[%get3A_438, %get3A_439] {strides = array<i32>} : memref<16x200xi32, #tpu.memory_space<vmem>>, vector<16xi32>,
        %get3A_441 = arith.index_cast %scan3A_405 : i32 to index
        %get3A_442 = arith.constant 176 : index
        %get3A_443 = tpu.vector_load %arg5[%get3A_441, %get3A_442] {strides = array<i32>} : memref<16x200xi32, #tpu.memory_space<vmem>>, vector<16xi32>,
        %get3A_444 = arith.index_cast %scan3A_405 : i32 to index
        %get3A_445 = arith.constant 184 : index
        %get3A_446 = tpu.vector_load %arg5[%get3A_444, %get3A_445] {strides = array<i32>} : memref<16x200xi32, #tpu.memory_space<vmem>>, vector<16xi32>,
        %get3A_447 = arith.index_cast %scan3A_405 : i32 to index
        %get3A_448 = arith.constant 0 : index
        %get3A_449 = tpu.vector_load %arg7[%get3A_447, %get3A_448] {strides = array<i32>} : memref<16x400xi32, #tpu.memory_space<vmem>>, vector<16xi32>,
        %get3A_450 = arith.index_cast %scan3A_405 : i32 to index
        %get3A_451 = arith.constant 16 : index
        %get3A_452 = tpu.vector_load %arg7[%get3A_450, %get3A_451] {strides = array<i32>} : memref<16x400xi32, #tpu.memory_space<vmem>>, vector<16xi32>,
        %get3A_453 = arith.index_cast %scan3A_405 : i32 to index
        %get3A_454 = arith.constant 32 : index
        %get3A_455 = tpu.vector_load %arg7[%get3A_453, %get3A_454] {strides = array<i32>} : memref<16x400xi32, #tpu.memory_space<vmem>>, vector<16xi32>,
        %get3A_456 = arith.index_cast %scan3A_405 : i32 to index
        %get3A_457 = arith.constant 48 : index
        %get3A_458 = tpu.vector_load %arg7[%get3A_456, %get3A_457] {strides = array<i32>} : memref<16x400xi32, #tpu.memory_space<vmem>>, vector<16xi32>,
        %get3A_459 = arith.index_cast %scan3A_405 : i32 to index
        %get3A_460 = arith.constant 64 : index
        %get3A_461 = tpu.vector_load %arg7[%get3A_459, %get3A_460] {strides = array<i32>} : memref<16x400xi32, #tpu.memory_space<vmem>>, vector<16xi32>,
        %get3A_462 = arith.index_cast %scan3A_405 : i32 to index
        %get3A_463 = arith.constant 80 : index
        %get3A_464 = tpu.vector_load %arg7[%get3A_462, %get3A_463] {strides = array<i32>} : memref<16x400xi32, #tpu.memory_space<vmem>>, vector<16xi32>,
        %and3A = arith.constant 896 : i32
        %and3A_465 = vector.broadcast %and3A : i32 to vector<16xi32>
        %and3A_466 = arith.andi %get3A_410, %and3A_465 : vector<16xi32>
        %shift_left3A = arith.constant 4 : i32
        %shift_left3A_467 = vector.broadcast %shift_left3A : i32 to vector<16xi32>
        %shift_left3A_468 = arith.shli %and3A_466, %shift_left3A_467 : vector<16xi32>
        %and3A_469 = arith.constant 127 : i32
        %and3A_470 = vector.broadcast %and3A_469 : i32 to vector<16xi32>
        %and3A_471 = arith.andi %get3A_410, %and3A_470 : vector<16xi32>
        %add3A_472 = arith.addi %shift_left3A_468, %and3A_471 : vector<16xi32>
        %add3A_473 = arith.addi %add3A_472, %broadcast_in_dim3A_408 : vector<16xi32>
        %and3A_474 = arith.constant 896 : i32
        %and3A_475 = vector.broadcast %and3A_474 : i32 to vector<16xi32>
        %and3A_476 = arith.andi %get3A_413, %and3A_475 : vector<16xi32>
        %shift_left3A_477 = arith.constant 4 : i32
        %shift_left3A_478 = vector.broadcast %shift_left3A_477 : i32 to vector<16xi32>
        %shift_left3A_479 = arith.shli %and3A_476, %shift_left3A_478 : vector<16xi32>
        %and3A_480 = arith.constant 127 : i32
        %and3A_481 = vector.broadcast %and3A_480 : i32 to vector<16xi32>
        %and3A_482 = arith.andi %get3A_413, %and3A_481 : vector<16xi32>
        %add3A_483 = arith.addi %shift_left3A_479, %and3A_482 : vector<16xi32>
        %add3A_484 = arith.addi %add3A_483, %broadcast_in_dim3A_408 : vector<16xi32>
        %and3A_485 = arith.constant 896 : i32
        %and3A_486 = vector.broadcast %and3A_485 : i32 to vector<16xi32>
        %and3A_487 = arith.andi %get3A_416, %and3A_486 : vector<16xi32>
        %shift_left3A_488 = arith.constant 4 : i32
        %shift_left3A_489 = vector.broadcast %shift_left3A_488 : i32 to vector<16xi32>
        %shift_left3A_490 = arith.shli %and3A_487, %shift_left3A_489 : vector<16xi32>
        %and3A_491 = arith.constant 127 : i32
        %and3A_492 = vector.broadcast %and3A_491 : i32 to vector<16xi32>
        %and3A_493 = arith.andi %get3A_416, %and3A_492 : vector<16xi32>
        %add3A_494 = arith.addi %shift_left3A_490, %and3A_493 : vector<16xi32>
        %add3A_495 = arith.addi %add3A_494, %broadcast_in_dim3A_408 : vector<16xi32>
        %and3A_496 = arith.constant 896 : i32
        %and3A_497 = vector.broadcast %and3A_496 : i32 to vector<16xi32>
        %and3A_498 = arith.andi %get3A_419, %and3A_497 : vector<16xi32>
        %shift_left3A_499 = arith.constant 4 : i32
        %shift_left3A_500 = vector.broadcast %shift_left3A_499 : i32 to vector<16xi32>
        %shift_left3A_501 = arith.shli %and3A_498, %shift_left3A_500 : vector<16xi32>
        %and3A_502 = arith.constant 127 : i32
        %and3A_503 = vector.broadcast %and3A_502 : i32 to vector<16xi32>
        %and3A_504 = arith.andi %get3A_419, %and3A_503 : vector<16xi32>
        %add3A_505 = arith.addi %shift_left3A_501, %and3A_504 : vector<16xi32>
        %add3A_506 = arith.addi %add3A_505, %broadcast_in_dim3A_408 : vector<16xi32>
        %and3A_507 = arith.constant 896 : i32
        %and3A_508 = vector.broadcast %and3A_507 : i32 to vector<16xi32>
        %and3A_509 = arith.andi %get3A_422, %and3A_508 : vector<16xi32>
        %shift_left3A_510 = arith.constant 4 : i32
        %shift_left3A_511 = vector.broadcast %shift_left3A_510 : i32 to vector<16xi32>
        %shift_left3A_512 = arith.shli %and3A_509, %shift_left3A_511 : vector<16xi32>
        %and3A_513 = arith.constant 127 : i32
        %and3A_514 = vector.broadcast %and3A_513 : i32 to vector<16xi32>
        %and3A_515 = arith.andi %get3A_422, %and3A_514 : vector<16xi32>
        %add3A_516 = arith.addi %shift_left3A_512, %and3A_515 : vector<16xi32>
        %add3A_517 = arith.addi %add3A_516, %broadcast_in_dim3A_408 : vector<16xi32>
        %and3A_518 = arith.constant 896 : i32
        %and3A_519 = vector.broadcast %and3A_518 : i32 to vector<16xi32>
        %and3A_520 = arith.andi %get3A_425, %and3A_519 : vector<16xi32>
        %shift_left3A_521 = arith.constant 4 : i32
        %shift_left3A_522 = vector.broadcast %shift_left3A_521 : i32 to vector<16xi32>
        %shift_left3A_523 = arith.shli %and3A_520, %shift_left3A_522 : vector<16xi32>
        %and3A_524 = arith.constant 127 : i32
        %and3A_525 = vector.broadcast %and3A_524 : i32 to vector<16xi32>
        %and3A_526 = arith.andi %get3A_425, %and3A_525 : vector<16xi32>
        %add3A_527 = arith.addi %shift_left3A_523, %and3A_526 : vector<16xi32>
        %add3A_528 = arith.addi %add3A_527, %broadcast_in_dim3A_408 : vector<16xi32>
        %and3A_529 = arith.constant 896 : i32
        %and3A_530 = vector.broadcast %and3A_529 : i32 to vector<16xi32>
        %and3A_531 = arith.andi %get3A_428, %and3A_530 : vector<16xi32>
        %shift_left3A_532 = arith.constant 4 : i32
        %shift_left3A_533 = vector.broadcast %shift_left3A_532 : i32 to vector<16xi32>
        %shift_left3A_534 = arith.shli %and3A_531, %shift_left3A_533 : vector<16xi32>
        %and3A_535 = arith.constant 127 : i32
        %and3A_536 = vector.broadcast %and3A_535 : i32 to vector<16xi32>
        %and3A_537 = arith.andi %get3A_428, %and3A_536 : vector<16xi32>
        %add3A_538 = arith.addi %shift_left3A_534, %and3A_537 : vector<16xi32>
        %add3A_539 = arith.addi %add3A_538, %broadcast_in_dim3A_408 : vector<16xi32>
        %and3A_540 = arith.constant 896 : i32
        %and3A_541 = vector.broadcast %and3A_540 : i32 to vector<16xi32>
        %and3A_542 = arith.andi %get3A_431, %and3A_541 : vector<16xi32>
        %shift_left3A_543 = arith.constant 4 : i32
        %shift_left3A_544 = vector.broadcast %shift_left3A_543 : i32 to vector<16xi32>
        %shift_left3A_545 = arith.shli %and3A_542, %shift_left3A_544 : vector<16xi32>
        %and3A_546 = arith.constant 127 : i32
        %and3A_547 = vector.broadcast %and3A_546 : i32 to vector<16xi32>
        %and3A_548 = arith.andi %get3A_431, %and3A_547 : vector<16xi32>
        %add3A_549 = arith.addi %shift_left3A_545, %and3A_548 : vector<16xi32>
        %add3A_550 = arith.addi %add3A_549, %broadcast_in_dim3A_408 : vector<16xi32>
        %and3A_551 = arith.constant 896 : i32
        %and3A_552 = vector.broadcast %and3A_551 : i32 to vector<16xi32>
        %and3A_553 = arith.andi %get3A_434, %and3A_552 : vector<16xi32>
        %shift_left3A_554 = arith.constant 4 : i32
        %shift_left3A_555 = vector.broadcast %shift_left3A_554 : i32 to vector<16xi32>
        %shift_left3A_556 = arith.shli %and3A_553, %shift_left3A_555 : vector<16xi32>
        %and3A_557 = arith.constant 127 : i32
        %and3A_558 = vector.broadcast %and3A_557 : i32 to vector<16xi32>
        %and3A_559 = arith.andi %get3A_434, %and3A_558 : vector<16xi32>
        %add3A_560 = arith.addi %shift_left3A_556, %and3A_559 : vector<16xi32>
        %add3A_561 = arith.addi %add3A_560, %broadcast_in_dim3A_408 : vector<16xi32>
        %and3A_562 = arith.constant 896 : i32
        %and3A_563 = vector.broadcast %and3A_562 : i32 to vector<16xi32>
        %and3A_564 = arith.andi %get3A_437, %and3A_563 : vector<16xi32>
        %shift_left3A_565 = arith.constant 4 : i32
        %shift_left3A_566 = vector.broadcast %shift_left3A_565 : i32 to vector<16xi32>
        %shift_left3A_567 = arith.shli %and3A_564, %shift_left3A_566 : vector<16xi32>
        %and3A_568 = arith.constant 127 : i32
        %and3A_569 = vector.broadcast %and3A_568 : i32 to vector<16xi32>
        %and3A_570 = arith.andi %get3A_437, %and3A_569 : vector<16xi32>
        %add3A_571 = arith.addi %shift_left3A_567, %and3A_570 : vector<16xi32>
        %add3A_572 = arith.addi %add3A_571, %broadcast_in_dim3A_408 : vector<16xi32>
        %and3A_573 = arith.constant 896 : i32
        %and3A_574 = vector.broadcast %and3A_573 : i32 to vector<16xi32>
        %and3A_575 = arith.andi %get3A_440, %and3A_574 : vector<16xi32>
        %shift_left3A_576 = arith.constant 4 : i32
        %shift_left3A_577 = vector.broadcast %shift_left3A_576 : i32 to vector<16xi32>
        %shift_left3A_578 = arith.shli %and3A_575, %shift_left3A_577 : vector<16xi32>
        %and3A_579 = arith.constant 127 : i32
        %and3A_580 = vector.broadcast %and3A_579 : i32 to vector<16xi32>
        %and3A_581 = arith.andi %get3A_440, %and3A_580 : vector<16xi32>
        %add3A_582 = arith.addi %shift_left3A_578, %and3A_581 : vector<16xi32>
        %add3A_583 = arith.addi %add3A_582, %broadcast_in_dim3A_408 : vector<16xi32>
        %and3A_584 = arith.constant 896 : i32
        %and3A_585 = vector.broadcast %and3A_584 : i32 to vector<16xi32>
        %and3A_586 = arith.andi %get3A_443, %and3A_585 : vector<16xi32>
        %shift_left3A_587 = arith.constant 4 : i32
        %shift_left3A_588 = vector.broadcast %shift_left3A_587 : i32 to vector<16xi32>
        %shift_left3A_589 = arith.shli %and3A_586, %shift_left3A_588 : vector<16xi32>
        %and3A_590 = arith.constant 127 : i32
        %and3A_591 = vector.broadcast %and3A_590 : i32 to vector<16xi32>
        %and3A_592 = arith.andi %get3A_443, %and3A_591 : vector<16xi32>
        %add3A_593 = arith.addi %shift_left3A_589, %and3A_592 : vector<16xi32>
        %add3A_594 = arith.addi %add3A_593, %broadcast_in_dim3A_408 : vector<16xi32>
        %and3A_595 = arith.constant 896 : i32
        %and3A_596 = vector.broadcast %and3A_595 : i32 to vector<16xi32>
        %and3A_597 = arith.andi %get3A_446, %and3A_596 : vector<16xi32>
        %shift_left3A_598 = arith.constant 4 : i32
        %shift_left3A_599 = vector.broadcast %shift_left3A_598 : i32 to vector<16xi32>
        %shift_left3A_600 = arith.shli %and3A_597, %shift_left3A_599 : vector<16xi32>
        %and3A_601 = arith.constant 127 : i32
        %and3A_602 = vector.broadcast %and3A_601 : i32 to vector<16xi32>
        %and3A_603 = arith.andi %get3A_446, %and3A_602 : vector<16xi32>
        %add3A_604 = arith.addi %shift_left3A_600, %and3A_603 : vector<16xi32>
        %add3A_605 = arith.addi %add3A_604, %broadcast_in_dim3A_408 : vector<16xi32>
        %and3A_606 = arith.constant 896 : i32
        %and3A_607 = vector.broadcast %and3A_606 : i32 to vector<16xi32>
        %and3A_608 = arith.andi %get3A_449, %and3A_607 : vector<16xi32>
        %shift_left3A_609 = arith.constant 4 : i32
        %shift_left3A_610 = vector.broadcast %shift_left3A_609 : i32 to vector<16xi32>
        %shift_left3A_611 = arith.shli %and3A_608, %shift_left3A_610 : vector<16xi32>
        %and3A_612 = arith.constant 127 : i32
        %and3A_613 = vector.broadcast %and3A_612 : i32 to vector<16xi32>
        %and3A_614 = arith.andi %get3A_449, %and3A_613 : vector<16xi32>
        %add3A_615 = arith.addi %shift_left3A_611, %and3A_614 : vector<16xi32>
        %add3A_616 = arith.addi %add3A_615, %broadcast_in_dim3A_408 : vector<16xi32>
        %and3A_617 = arith.constant 896 : i32
        %and3A_618 = vector.broadcast %and3A_617 : i32 to vector<16xi32>
        %and3A_619 = arith.andi %get3A_452, %and3A_618 : vector<16xi32>
        %shift_left3A_620 = arith.constant 4 : i32
        %shift_left3A_621 = vector.broadcast %shift_left3A_620 : i32 to vector<16xi32>
        %shift_left3A_622 = arith.shli %and3A_619, %shift_left3A_621 : vector<16xi32>
        %and3A_623 = arith.constant 127 : i32
        %and3A_624 = vector.broadcast %and3A_623 : i32 to vector<16xi32>
        %and3A_625 = arith.andi %get3A_452, %and3A_624 : vector<16xi32>
        %add3A_626 = arith.addi %shift_left3A_622, %and3A_625 : vector<16xi32>
        %add3A_627 = arith.addi %add3A_626, %broadcast_in_dim3A_408 : vector<16xi32>
        %and3A_628 = arith.constant 896 : i32
        %and3A_629 = vector.broadcast %and3A_628 : i32 to vector<16xi32>
        %and3A_630 = arith.andi %get3A_455, %and3A_629 : vector<16xi32>
        %shift_left3A_631 = arith.constant 4 : i32
        %shift_left3A_632 = vector.broadcast %shift_left3A_631 : i32 to vector<16xi32>
        %shift_left3A_633 = arith.shli %and3A_630, %shift_left3A_632 : vector<16xi32>
        %and3A_634 = arith.constant 127 : i32
        %and3A_635 = vector.broadcast %and3A_634 : i32 to vector<16xi32>
        %and3A_636 = arith.andi %get3A_455, %and3A_635 : vector<16xi32>
        %add3A_637 = arith.addi %shift_left3A_633, %and3A_636 : vector<16xi32>
        %add3A_638 = arith.addi %add3A_637, %broadcast_in_dim3A_408 : vector<16xi32>
        %and3A_639 = arith.constant 896 : i32
        %and3A_640 = vector.broadcast %and3A_639 : i32 to vector<16xi32>
        %and3A_641 = arith.andi %get3A_458, %and3A_640 : vector<16xi32>
        %shift_left3A_642 = arith.constant 4 : i32
        %shift_left3A_643 = vector.broadcast %shift_left3A_642 : i32 to vector<16xi32>
        %shift_left3A_644 = arith.shli %and3A_641, %shift_left3A_643 : vector<16xi32>
        %and3A_645 = arith.constant 127 : i32
        %and3A_646 = vector.broadcast %and3A_645 : i32 to vector<16xi32>
        %and3A_647 = arith.andi %get3A_458, %and3A_646 : vector<16xi32>
        %add3A_648 = arith.addi %shift_left3A_644, %and3A_647 : vector<16xi32>
        %add3A_649 = arith.addi %add3A_648, %broadcast_in_dim3A_408 : vector<16xi32>
        %and3A_650 = arith.constant 896 : i32
        %and3A_651 = vector.broadcast %and3A_650 : i32 to vector<16xi32>
        %and3A_652 = arith.andi %get3A_461, %and3A_651 : vector<16xi32>
        %shift_left3A_653 = arith.constant 4 : i32
        %shift_left3A_654 = vector.broadcast %shift_left3A_653 : i32 to vector<16xi32>
        %shift_left3A_655 = arith.shli %and3A_652, %shift_left3A_654 : vector<16xi32>
        %and3A_656 = arith.constant 127 : i32
        %and3A_657 = vector.broadcast %and3A_656 : i32 to vector<16xi32>
        %and3A_658 = arith.andi %get3A_461, %and3A_657 : vector<16xi32>
        %add3A_659 = arith.addi %shift_left3A_655, %and3A_658 : vector<16xi32>
        %add3A_660 = arith.addi %add3A_659, %broadcast_in_dim3A_408 : vector<16xi32>
        %and3A_661 = arith.constant 896 : i32
        %and3A_662 = vector.broadcast %and3A_661 : i32 to vector<16xi32>
        %and3A_663 = arith.andi %get3A_464, %and3A_662 : vector<16xi32>
        %shift_left3A_664 = arith.constant 4 : i32
        %shift_left3A_665 = vector.broadcast %shift_left3A_664 : i32 to vector<16xi32>
        %shift_left3A_666 = arith.shli %and3A_663, %shift_left3A_665 : vector<16xi32>
        %and3A_667 = arith.constant 127 : i32
        %and3A_668 = vector.broadcast %and3A_667 : i32 to vector<16xi32>
        %and3A_669 = arith.andi %get3A_464, %and3A_668 : vector<16xi32>
        %add3A_670 = arith.addi %shift_left3A_666, %and3A_669 : vector<16xi32>
        %add3A_671 = arith.addi %add3A_670, %broadcast_in_dim3A_408 : vector<16xi32>
        tpu.vector_store_idx %arg9[%add3A_473], %broadcast_in_dim3A_3 {add = true} : memref<16384xf32, #tpu.memory_space<vmem>>[vector<16xi32>], vector<16xf32>,
        tpu.vector_store_idx %arg9[%add3A_484], %broadcast_in_dim3A_3 {add = true} : memref<16384xf32, #tpu.memory_space<vmem>>[vector<16xi32>], vector<16xf32>,
        tpu.vector_store_idx %arg9[%add3A_495], %broadcast_in_dim3A_3 {add = true} : memref<16384xf32, #tpu.memory_space<vmem>>[vector<16xi32>], vector<16xf32>,
        tpu.vector_store_idx %arg9[%add3A_506], %broadcast_in_dim3A_3 {add = true} : memref<16384xf32, #tpu.memory_space<vmem>>[vector<16xi32>], vector<16xf32>,
        tpu.vector_store_idx %arg9[%add3A_517], %broadcast_in_dim3A_3 {add = true} : memref<16384xf32, #tpu.memory_space<vmem>>[vector<16xi32>], vector<16xf32>,
        tpu.vector_store_idx %arg9[%add3A_528], %broadcast_in_dim3A_3 {add = true} : memref<16384xf32, #tpu.memory_space<vmem>>[vector<16xi32>], vector<16xf32>,
        tpu.vector_store_idx %arg9[%add3A_539], %broadcast_in_dim3A_3 {add = true} : memref<16384xf32, #tpu.memory_space<vmem>>[vector<16xi32>], vector<16xf32>,
        tpu.vector_store_idx %arg9[%add3A_550], %broadcast_in_dim3A_3 {add = true} : memref<16384xf32, #tpu.memory_space<vmem>>[vector<16xi32>], vector<16xf32>,
        tpu.vector_store_idx %arg9[%add3A_561], %broadcast_in_dim3A_3 {add = true} : memref<16384xf32, #tpu.memory_space<vmem>>[vector<16xi32>], vector<16xf32>,
        tpu.vector_store_idx %arg9[%add3A_572], %broadcast_in_dim3A_3 {add = true} : memref<16384xf32, #tpu.memory_space<vmem>>[vector<16xi32>], vector<16xf32>,
        tpu.vector_store_idx %arg9[%add3A_583], %broadcast_in_dim3A_3 {add = true} : memref<16384xf32, #tpu.memory_space<vmem>>[vector<16xi32>], vector<16xf32>,
        tpu.vector_store_idx %arg9[%add3A_594], %broadcast_in_dim3A_3 {add = true} : memref<16384xf32, #tpu.memory_space<vmem>>[vector<16xi32>], vector<16xf32>,
        tpu.vector_store_idx %arg9[%add3A_605], %broadcast_in_dim3A_3 masked %ge3A_7 {add = true} : memref<16384xf32, #tpu.memory_space<vmem>>[vector<16xi32>], vector<16xf32>, vector<16xi1>
        tpu.vector_store_idx %arg9[%add3A_616], %broadcast_in_dim3A_5 {add = true} : memref<16384xf32, #tpu.memory_space<vmem>>[vector<16xi32>], vector<16xf32>,
        tpu.vector_store_idx %arg9[%add3A_627], %broadcast_in_dim3A_5 {add = true} : memref<16384xf32, #tpu.memory_space<vmem>>[vector<16xi32>], vector<16xf32>,
        tpu.vector_store_idx %arg9[%add3A_638], %broadcast_in_dim3A_5 {add = true} : memref<16384xf32, #tpu.memory_space<vmem>>[vector<16xi32>], vector<16xf32>,
        tpu.vector_store_idx %arg9[%add3A_649], %broadcast_in_dim3A_5 {add = true} : memref<16384xf32, #tpu.memory_space<vmem>>[vector<16xi32>], vector<16xf32>,
        tpu.vector_store_idx %arg9[%add3A_660], %broadcast_in_dim3A_5 {add = true} : memref<16384xf32, #tpu.memory_space<vmem>>[vector<16xi32>], vector<16xf32>,
        tpu.vector_store_idx %arg9[%add3A_671], %broadcast_in_dim3A_5 {add = true} : memref<16384xf32, #tpu.memory_space<vmem>>[vector<16xi32>], vector<16xf32>,
        %get3A_672 = arith.index_cast %scan3A_405 : i32 to index
        %get3A_673 = arith.constant 96 : index
        %get3A_674 = tpu.vector_load %arg7[%get3A_672, %get3A_673] {strides = array<i32>} : memref<16x400xi32, #tpu.memory_space<vmem>>, vector<16xi32>,
        %get3A_675 = arith.index_cast %scan3A_405 : i32 to index
        %get3A_676 = arith.constant 112 : index
        %get3A_677 = tpu.vector_load %arg7[%get3A_675, %get3A_676] {strides = array<i32>} : memref<16x400xi32, #tpu.memory_space<vmem>>, vector<16xi32>,
        %get3A_678 = arith.index_cast %scan3A_405 : i32 to index
        %get3A_679 = arith.constant 128 : index
        %get3A_680 = tpu.vector_load %arg7[%get3A_678, %get3A_679] {strides = array<i32>} : memref<16x400xi32, #tpu.memory_space<vmem>>, vector<16xi32>,
        %get3A_681 = arith.index_cast %scan3A_405 : i32 to index
        %get3A_682 = arith.constant 144 : index
        %get3A_683 = tpu.vector_load %arg7[%get3A_681, %get3A_682] {strides = array<i32>} : memref<16x400xi32, #tpu.memory_space<vmem>>, vector<16xi32>,
        %get3A_684 = arith.index_cast %scan3A_405 : i32 to index
        %get3A_685 = arith.constant 160 : index
        %get3A_686 = tpu.vector_load %arg7[%get3A_684, %get3A_685] {strides = array<i32>} : memref<16x400xi32, #tpu.memory_space<vmem>>, vector<16xi32>,
        %get3A_687 = arith.index_cast %scan3A_405 : i32 to index
        %get3A_688 = arith.constant 176 : index
        %get3A_689 = tpu.vector_load %arg7[%get3A_687, %get3A_688] {strides = array<i32>} : memref<16x400xi32, #tpu.memory_space<vmem>>, vector<16xi32>,
        %get3A_690 = arith.index_cast %scan3A_405 : i32 to index
        %get3A_691 = arith.constant 192 : index
        %get3A_692 = tpu.vector_load %arg7[%get3A_690, %get3A_691] {strides = array<i32>} : memref<16x400xi32, #tpu.memory_space<vmem>>, vector<16xi32>,
        %get3A_693 = arith.index_cast %scan3A_405 : i32 to index
        %get3A_694 = arith.constant 208 : index
        %get3A_695 = tpu.vector_load %arg7[%get3A_693, %get3A_694] {strides = array<i32>} : memref<16x400xi32, #tpu.memory_space<vmem>>, vector<16xi32>,
        %get3A_696 = arith.index_cast %scan3A_405 : i32 to index
        %get3A_697 = arith.constant 224 : index
        %get3A_698 = tpu.vector_load %arg7[%get3A_696, %get3A_697] {strides = array<i32>} : memref<16x400xi32, #tpu.memory_space<vmem>>, vector<16xi32>,
        %get3A_699 = arith.index_cast %scan3A_405 : i32 to index
        %get3A_700 = arith.constant 240 : index
        %get3A_701 = tpu.vector_load %arg7[%get3A_699, %get3A_700] {strides = array<i32>} : memref<16x400xi32, #tpu.memory_space<vmem>>, vector<16xi32>,
        %get3A_702 = arith.index_cast %scan3A_405 : i32 to index
        %get3A_703 = arith.constant 256 : index
        %get3A_704 = tpu.vector_load %arg7[%get3A_702, %get3A_703] {strides = array<i32>} : memref<16x400xi32, #tpu.memory_space<vmem>>, vector<16xi32>,
        %get3A_705 = arith.index_cast %scan3A_405 : i32 to index
        %get3A_706 = arith.constant 272 : index
        %get3A_707 = tpu.vector_load %arg7[%get3A_705, %get3A_706] {strides = array<i32>} : memref<16x400xi32, #tpu.memory_space<vmem>>, vector<16xi32>,
        %get3A_708 = arith.index_cast %scan3A_405 : i32 to index
        %get3A_709 = arith.constant 288 : index
        %get3A_710 = tpu.vector_load %arg7[%get3A_708, %get3A_709] {strides = array<i32>} : memref<16x400xi32, #tpu.memory_space<vmem>>, vector<16xi32>,
        %get3A_711 = arith.index_cast %scan3A_405 : i32 to index
        %get3A_712 = arith.constant 304 : index
        %get3A_713 = tpu.vector_load %arg7[%get3A_711, %get3A_712] {strides = array<i32>} : memref<16x400xi32, #tpu.memory_space<vmem>>, vector<16xi32>,
        %get3A_714 = arith.index_cast %scan3A_405 : i32 to index
        %get3A_715 = arith.constant 320 : index
        %get3A_716 = tpu.vector_load %arg7[%get3A_714, %get3A_715] {strides = array<i32>} : memref<16x400xi32, #tpu.memory_space<vmem>>, vector<16xi32>,
        %get3A_717 = arith.index_cast %scan3A_405 : i32 to index
        %get3A_718 = arith.constant 336 : index
        %get3A_719 = tpu.vector_load %arg7[%get3A_717, %get3A_718] {strides = array<i32>} : memref<16x400xi32, #tpu.memory_space<vmem>>, vector<16xi32>,
        %get3A_720 = arith.index_cast %scan3A_405 : i32 to index
        %get3A_721 = arith.constant 352 : index
        %get3A_722 = tpu.vector_load %arg7[%get3A_720, %get3A_721] {strides = array<i32>} : memref<16x400xi32, #tpu.memory_space<vmem>>, vector<16xi32>,
        %get3A_723 = arith.index_cast %scan3A_405 : i32 to index
        %get3A_724 = arith.constant 368 : index
        %get3A_725 = tpu.vector_load %arg7[%get3A_723, %get3A_724] {strides = array<i32>} : memref<16x400xi32, #tpu.memory_space<vmem>>, vector<16xi32>,
        %get3A_726 = arith.index_cast %scan3A_405 : i32 to index
        %get3A_727 = arith.constant 384 : index
        %get3A_728 = tpu.vector_load %arg7[%get3A_726, %get3A_727] {strides = array<i32>} : memref<16x400xi32, #tpu.memory_space<vmem>>, vector<16xi32>,
        %and3A_729 = arith.constant 896 : i32
        %and3A_730 = vector.broadcast %and3A_729 : i32 to vector<16xi32>
        %and3A_731 = arith.andi %get3A_674, %and3A_730 : vector<16xi32>
        %shift_left3A_732 = arith.constant 4 : i32
        %shift_left3A_733 = vector.broadcast %shift_left3A_732 : i32 to vector<16xi32>
        %shift_left3A_734 = arith.shli %and3A_731, %shift_left3A_733 : vector<16xi32>
        %and3A_735 = arith.constant 127 : i32
        %and3A_736 = vector.broadcast %and3A_735 : i32 to vector<16xi32>
        %and3A_737 = arith.andi %get3A_674, %and3A_736 : vector<16xi32>
        %add3A_738 = arith.addi %shift_left3A_734, %and3A_737 : vector<16xi32>
        %add3A_739 = arith.addi %add3A_738, %broadcast_in_dim3A_408 : vector<16xi32>
        %and3A_740 = arith.constant 896 : i32
        %and3A_741 = vector.broadcast %and3A_740 : i32 to vector<16xi32>
        %and3A_742 = arith.andi %get3A_677, %and3A_741 : vector<16xi32>
        %shift_left3A_743 = arith.constant 4 : i32
        %shift_left3A_744 = vector.broadcast %shift_left3A_743 : i32 to vector<16xi32>
        %shift_left3A_745 = arith.shli %and3A_742, %shift_left3A_744 : vector<16xi32>
        %and3A_746 = arith.constant 127 : i32
        %and3A_747 = vector.broadcast %and3A_746 : i32 to vector<16xi32>
        %and3A_748 = arith.andi %get3A_677, %and3A_747 : vector<16xi32>
        %add3A_749 = arith.addi %shift_left3A_745, %and3A_748 : vector<16xi32>
        %add3A_750 = arith.addi %add3A_749, %broadcast_in_dim3A_408 : vector<16xi32>
        %and3A_751 = arith.constant 896 : i32
        %and3A_752 = vector.broadcast %and3A_751 : i32 to vector<16xi32>
        %and3A_753 = arith.andi %get3A_680, %and3A_752 : vector<16xi32>
        %shift_left3A_754 = arith.constant 4 : i32
        %shift_left3A_755 = vector.broadcast %shift_left3A_754 : i32 to vector<16xi32>
        %shift_left3A_756 = arith.shli %and3A_753, %shift_left3A_755 : vector<16xi32>
        %and3A_757 = arith.constant 127 : i32
        %and3A_758 = vector.broadcast %and3A_757 : i32 to vector<16xi32>
        %and3A_759 = arith.andi %get3A_680, %and3A_758 : vector<16xi32>
        %add3A_760 = arith.addi %shift_left3A_756, %and3A_759 : vector<16xi32>
        %add3A_761 = arith.addi %add3A_760, %broadcast_in_dim3A_408 : vector<16xi32>
        %and3A_762 = arith.constant 896 : i32
        %and3A_763 = vector.broadcast %and3A_762 : i32 to vector<16xi32>
        %and3A_764 = arith.andi %get3A_683, %and3A_763 : vector<16xi32>
        %shift_left3A_765 = arith.constant 4 : i32
        %shift_left3A_766 = vector.broadcast %shift_left3A_765 : i32 to vector<16xi32>
        %shift_left3A_767 = arith.shli %and3A_764, %shift_left3A_766 : vector<16xi32>
        %and3A_768 = arith.constant 127 : i32
        %and3A_769 = vector.broadcast %and3A_768 : i32 to vector<16xi32>
        %and3A_770 = arith.andi %get3A_683, %and3A_769 : vector<16xi32>
        %add3A_771 = arith.addi %shift_left3A_767, %and3A_770 : vector<16xi32>
        %add3A_772 = arith.addi %add3A_771, %broadcast_in_dim3A_408 : vector<16xi32>
        %and3A_773 = arith.constant 896 : i32
        %and3A_774 = vector.broadcast %and3A_773 : i32 to vector<16xi32>
        %and3A_775 = arith.andi %get3A_686, %and3A_774 : vector<16xi32>
        %shift_left3A_776 = arith.constant 4 : i32
        %shift_left3A_777 = vector.broadcast %shift_left3A_776 : i32 to vector<16xi32>
        %shift_left3A_778 = arith.shli %and3A_775, %shift_left3A_777 : vector<16xi32>
        %and3A_779 = arith.constant 127 : i32
        %and3A_780 = vector.broadcast %and3A_779 : i32 to vector<16xi32>
        %and3A_781 = arith.andi %get3A_686, %and3A_780 : vector<16xi32>
        %add3A_782 = arith.addi %shift_left3A_778, %and3A_781 : vector<16xi32>
        %add3A_783 = arith.addi %add3A_782, %broadcast_in_dim3A_408 : vector<16xi32>
        %and3A_784 = arith.constant 896 : i32
        %and3A_785 = vector.broadcast %and3A_784 : i32 to vector<16xi32>
        %and3A_786 = arith.andi %get3A_689, %and3A_785 : vector<16xi32>
        %shift_left3A_787 = arith.constant 4 : i32
        %shift_left3A_788 = vector.broadcast %shift_left3A_787 : i32 to vector<16xi32>
        %shift_left3A_789 = arith.shli %and3A_786, %shift_left3A_788 : vector<16xi32>
        %and3A_790 = arith.constant 127 : i32
        %and3A_791 = vector.broadcast %and3A_790 : i32 to vector<16xi32>
        %and3A_792 = arith.andi %get3A_689, %and3A_791 : vector<16xi32>
        %add3A_793 = arith.addi %shift_left3A_789, %and3A_792 : vector<16xi32>
        %add3A_794 = arith.addi %add3A_793, %broadcast_in_dim3A_408 : vector<16xi32>
        %and3A_795 = arith.constant 896 : i32
        %and3A_796 = vector.broadcast %and3A_795 : i32 to vector<16xi32>
        %and3A_797 = arith.andi %get3A_692, %and3A_796 : vector<16xi32>
        %shift_left3A_798 = arith.constant 4 : i32
        %shift_left3A_799 = vector.broadcast %shift_left3A_798 : i32 to vector<16xi32>
        %shift_left3A_800 = arith.shli %and3A_797, %shift_left3A_799 : vector<16xi32>
        %and3A_801 = arith.constant 127 : i32
        %and3A_802 = vector.broadcast %and3A_801 : i32 to vector<16xi32>
        %and3A_803 = arith.andi %get3A_692, %and3A_802 : vector<16xi32>
        %add3A_804 = arith.addi %shift_left3A_800, %and3A_803 : vector<16xi32>
        %add3A_805 = arith.addi %add3A_804, %broadcast_in_dim3A_408 : vector<16xi32>
        %and3A_806 = arith.constant 896 : i32
        %and3A_807 = vector.broadcast %and3A_806 : i32 to vector<16xi32>
        %and3A_808 = arith.andi %get3A_695, %and3A_807 : vector<16xi32>
        %shift_left3A_809 = arith.constant 4 : i32
        %shift_left3A_810 = vector.broadcast %shift_left3A_809 : i32 to vector<16xi32>
        %shift_left3A_811 = arith.shli %and3A_808, %shift_left3A_810 : vector<16xi32>
        %and3A_812 = arith.constant 127 : i32
        %and3A_813 = vector.broadcast %and3A_812 : i32 to vector<16xi32>
        %and3A_814 = arith.andi %get3A_695, %and3A_813 : vector<16xi32>
        %add3A_815 = arith.addi %shift_left3A_811, %and3A_814 : vector<16xi32>
        %add3A_816 = arith.addi %add3A_815, %broadcast_in_dim3A_408 : vector<16xi32>
        %and3A_817 = arith.constant 896 : i32
        %and3A_818 = vector.broadcast %and3A_817 : i32 to vector<16xi32>
        %and3A_819 = arith.andi %get3A_698, %and3A_818 : vector<16xi32>
        %shift_left3A_820 = arith.constant 4 : i32
        %shift_left3A_821 = vector.broadcast %shift_left3A_820 : i32 to vector<16xi32>
        %shift_left3A_822 = arith.shli %and3A_819, %shift_left3A_821 : vector<16xi32>
        %and3A_823 = arith.constant 127 : i32
        %and3A_824 = vector.broadcast %and3A_823 : i32 to vector<16xi32>
        %and3A_825 = arith.andi %get3A_698, %and3A_824 : vector<16xi32>
        %add3A_826 = arith.addi %shift_left3A_822, %and3A_825 : vector<16xi32>
        %add3A_827 = arith.addi %add3A_826, %broadcast_in_dim3A_408 : vector<16xi32>
        %and3A_828 = arith.constant 896 : i32
        %and3A_829 = vector.broadcast %and3A_828 : i32 to vector<16xi32>
        %and3A_830 = arith.andi %get3A_701, %and3A_829 : vector<16xi32>
        %shift_left3A_831 = arith.constant 4 : i32
        %shift_left3A_832 = vector.broadcast %shift_left3A_831 : i32 to vector<16xi32>
        %shift_left3A_833 = arith.shli %and3A_830, %shift_left3A_832 : vector<16xi32>
        %and3A_834 = arith.constant 127 : i32
        %and3A_835 = vector.broadcast %and3A_834 : i32 to vector<16xi32>
        %and3A_836 = arith.andi %get3A_701, %and3A_835 : vector<16xi32>
        %add3A_837 = arith.addi %shift_left3A_833, %and3A_836 : vector<16xi32>
        %add3A_838 = arith.addi %add3A_837, %broadcast_in_dim3A_408 : vector<16xi32>
        %and3A_839 = arith.constant 896 : i32
        %and3A_840 = vector.broadcast %and3A_839 : i32 to vector<16xi32>
        %and3A_841 = arith.andi %get3A_704, %and3A_840 : vector<16xi32>
        %shift_left3A_842 = arith.constant 4 : i32
        %shift_left3A_843 = vector.broadcast %shift_left3A_842 : i32 to vector<16xi32>
        %shift_left3A_844 = arith.shli %and3A_841, %shift_left3A_843 : vector<16xi32>
        %and3A_845 = arith.constant 127 : i32
        %and3A_846 = vector.broadcast %and3A_845 : i32 to vector<16xi32>
        %and3A_847 = arith.andi %get3A_704, %and3A_846 : vector<16xi32>
        %add3A_848 = arith.addi %shift_left3A_844, %and3A_847 : vector<16xi32>
        %add3A_849 = arith.addi %add3A_848, %broadcast_in_dim3A_408 : vector<16xi32>
        %and3A_850 = arith.constant 896 : i32
        %and3A_851 = vector.broadcast %and3A_850 : i32 to vector<16xi32>
        %and3A_852 = arith.andi %get3A_707, %and3A_851 : vector<16xi32>
        %shift_left3A_853 = arith.constant 4 : i32
        %shift_left3A_854 = vector.broadcast %shift_left3A_853 : i32 to vector<16xi32>
        %shift_left3A_855 = arith.shli %and3A_852, %shift_left3A_854 : vector<16xi32>
        %and3A_856 = arith.constant 127 : i32
        %and3A_857 = vector.broadcast %and3A_856 : i32 to vector<16xi32>
        %and3A_858 = arith.andi %get3A_707, %and3A_857 : vector<16xi32>
        %add3A_859 = arith.addi %shift_left3A_855, %and3A_858 : vector<16xi32>
        %add3A_860 = arith.addi %add3A_859, %broadcast_in_dim3A_408 : vector<16xi32>
        %and3A_861 = arith.constant 896 : i32
        %and3A_862 = vector.broadcast %and3A_861 : i32 to vector<16xi32>
        %and3A_863 = arith.andi %get3A_710, %and3A_862 : vector<16xi32>
        %shift_left3A_864 = arith.constant 4 : i32
        %shift_left3A_865 = vector.broadcast %shift_left3A_864 : i32 to vector<16xi32>
        %shift_left3A_866 = arith.shli %and3A_863, %shift_left3A_865 : vector<16xi32>
        %and3A_867 = arith.constant 127 : i32
        %and3A_868 = vector.broadcast %and3A_867 : i32 to vector<16xi32>
        %and3A_869 = arith.andi %get3A_710, %and3A_868 : vector<16xi32>
        %add3A_870 = arith.addi %shift_left3A_866, %and3A_869 : vector<16xi32>
        %add3A_871 = arith.addi %add3A_870, %broadcast_in_dim3A_408 : vector<16xi32>
        %and3A_872 = arith.constant 896 : i32
        %and3A_873 = vector.broadcast %and3A_872 : i32 to vector<16xi32>
        %and3A_874 = arith.andi %get3A_713, %and3A_873 : vector<16xi32>
        %shift_left3A_875 = arith.constant 4 : i32
        %shift_left3A_876 = vector.broadcast %shift_left3A_875 : i32 to vector<16xi32>
        %shift_left3A_877 = arith.shli %and3A_874, %shift_left3A_876 : vector<16xi32>
        %and3A_878 = arith.constant 127 : i32
        %and3A_879 = vector.broadcast %and3A_878 : i32 to vector<16xi32>
        %and3A_880 = arith.andi %get3A_713, %and3A_879 : vector<16xi32>
        %add3A_881 = arith.addi %shift_left3A_877, %and3A_880 : vector<16xi32>
        %add3A_882 = arith.addi %add3A_881, %broadcast_in_dim3A_408 : vector<16xi32>
        %and3A_883 = arith.constant 896 : i32
        %and3A_884 = vector.broadcast %and3A_883 : i32 to vector<16xi32>
        %and3A_885 = arith.andi %get3A_716, %and3A_884 : vector<16xi32>
        %shift_left3A_886 = arith.constant 4 : i32
        %shift_left3A_887 = vector.broadcast %shift_left3A_886 : i32 to vector<16xi32>
        %shift_left3A_888 = arith.shli %and3A_885, %shift_left3A_887 : vector<16xi32>
        %and3A_889 = arith.constant 127 : i32
        %and3A_890 = vector.broadcast %and3A_889 : i32 to vector<16xi32>
        %and3A_891 = arith.andi %get3A_716, %and3A_890 : vector<16xi32>
        %add3A_892 = arith.addi %shift_left3A_888, %and3A_891 : vector<16xi32>
        %add3A_893 = arith.addi %add3A_892, %broadcast_in_dim3A_408 : vector<16xi32>
        %and3A_894 = arith.constant 896 : i32
        %and3A_895 = vector.broadcast %and3A_894 : i32 to vector<16xi32>
        %and3A_896 = arith.andi %get3A_719, %and3A_895 : vector<16xi32>
        %shift_left3A_897 = arith.constant 4 : i32
        %shift_left3A_898 = vector.broadcast %shift_left3A_897 : i32 to vector<16xi32>
        %shift_left3A_899 = arith.shli %and3A_896, %shift_left3A_898 : vector<16xi32>
        %and3A_900 = arith.constant 127 : i32
        %and3A_901 = vector.broadcast %and3A_900 : i32 to vector<16xi32>
        %and3A_902 = arith.andi %get3A_719, %and3A_901 : vector<16xi32>
        %add3A_903 = arith.addi %shift_left3A_899, %and3A_902 : vector<16xi32>
        %add3A_904 = arith.addi %add3A_903, %broadcast_in_dim3A_408 : vector<16xi32>
        %and3A_905 = arith.constant 896 : i32
        %and3A_906 = vector.broadcast %and3A_905 : i32 to vector<16xi32>
        %and3A_907 = arith.andi %get3A_722, %and3A_906 : vector<16xi32>
        %shift_left3A_908 = arith.constant 4 : i32
        %shift_left3A_909 = vector.broadcast %shift_left3A_908 : i32 to vector<16xi32>
        %shift_left3A_910 = arith.shli %and3A_907, %shift_left3A_909 : vector<16xi32>
        %and3A_911 = arith.constant 127 : i32
        %and3A_912 = vector.broadcast %and3A_911 : i32 to vector<16xi32>
        %and3A_913 = arith.andi %get3A_722, %and3A_912 : vector<16xi32>
        %add3A_914 = arith.addi %shift_left3A_910, %and3A_913 : vector<16xi32>
        %add3A_915 = arith.addi %add3A_914, %broadcast_in_dim3A_408 : vector<16xi32>
        %and3A_916 = arith.constant 896 : i32
        %and3A_917 = vector.broadcast %and3A_916 : i32 to vector<16xi32>
        %and3A_918 = arith.andi %get3A_725, %and3A_917 : vector<16xi32>
        %shift_left3A_919 = arith.constant 4 : i32
        %shift_left3A_920 = vector.broadcast %shift_left3A_919 : i32 to vector<16xi32>
        %shift_left3A_921 = arith.shli %and3A_918, %shift_left3A_920 : vector<16xi32>
        %and3A_922 = arith.constant 127 : i32
        %and3A_923 = vector.broadcast %and3A_922 : i32 to vector<16xi32>
        %and3A_924 = arith.andi %get3A_725, %and3A_923 : vector<16xi32>
        %add3A_925 = arith.addi %shift_left3A_921, %and3A_924 : vector<16xi32>
        %add3A_926 = arith.addi %add3A_925, %broadcast_in_dim3A_408 : vector<16xi32>
        %and3A_927 = arith.constant 896 : i32
        %and3A_928 = vector.broadcast %and3A_927 : i32 to vector<16xi32>
        %and3A_929 = arith.andi %get3A_728, %and3A_928 : vector<16xi32>
        %shift_left3A_930 = arith.constant 4 : i32
        %shift_left3A_931 = vector.broadcast %shift_left3A_930 : i32 to vector<16xi32>
        %shift_left3A_932 = arith.shli %and3A_929, %shift_left3A_931 : vector<16xi32>
        %and3A_933 = arith.constant 127 : i32
        %and3A_934 = vector.broadcast %and3A_933 : i32 to vector<16xi32>
        %and3A_935 = arith.andi %get3A_728, %and3A_934 : vector<16xi32>
        %add3A_936 = arith.addi %shift_left3A_932, %and3A_935 : vector<16xi32>
        %add3A_937 = arith.addi %add3A_936, %broadcast_in_dim3A_408 : vector<16xi32>
        tpu.vector_store_idx %arg9[%add3A_739], %broadcast_in_dim3A_5 {add = true} : memref<16384xf32, #tpu.memory_space<vmem>>[vector<16xi32>], vector<16xf32>,
        tpu.vector_store_idx %arg9[%add3A_750], %broadcast_in_dim3A_5 {add = true} : memref<16384xf32, #tpu.memory_space<vmem>>[vector<16xi32>], vector<16xf32>,
        tpu.vector_store_idx %arg9[%add3A_761], %broadcast_in_dim3A_5 {add = true} : memref<16384xf32, #tpu.memory_space<vmem>>[vector<16xi32>], vector<16xf32>,
        tpu.vector_store_idx %arg9[%add3A_772], %broadcast_in_dim3A_5 {add = true} : memref<16384xf32, #tpu.memory_space<vmem>>[vector<16xi32>], vector<16xf32>,
        tpu.vector_store_idx %arg9[%add3A_783], %broadcast_in_dim3A_5 {add = true} : memref<16384xf32, #tpu.memory_space<vmem>>[vector<16xi32>], vector<16xf32>,
        tpu.vector_store_idx %arg9[%add3A_794], %broadcast_in_dim3A_5 {add = true} : memref<16384xf32, #tpu.memory_space<vmem>>[vector<16xi32>], vector<16xf32>,
        tpu.vector_store_idx %arg9[%add3A_805], %broadcast_in_dim3A_5 {add = true} : memref<16384xf32, #tpu.memory_space<vmem>>[vector<16xi32>], vector<16xf32>,
        tpu.vector_store_idx %arg9[%add3A_816], %broadcast_in_dim3A_5 {add = true} : memref<16384xf32, #tpu.memory_space<vmem>>[vector<16xi32>], vector<16xf32>,
        tpu.vector_store_idx %arg9[%add3A_827], %broadcast_in_dim3A_5 {add = true} : memref<16384xf32, #tpu.memory_space<vmem>>[vector<16xi32>], vector<16xf32>,
        tpu.vector_store_idx %arg9[%add3A_838], %broadcast_in_dim3A_5 {add = true} : memref<16384xf32, #tpu.memory_space<vmem>>[vector<16xi32>], vector<16xf32>,
        tpu.vector_store_idx %arg9[%add3A_849], %broadcast_in_dim3A_5 {add = true} : memref<16384xf32, #tpu.memory_space<vmem>>[vector<16xi32>], vector<16xf32>,
        tpu.vector_store_idx %arg9[%add3A_860], %broadcast_in_dim3A_5 {add = true} : memref<16384xf32, #tpu.memory_space<vmem>>[vector<16xi32>], vector<16xf32>,
        tpu.vector_store_idx %arg9[%add3A_871], %broadcast_in_dim3A_5 {add = true} : memref<16384xf32, #tpu.memory_space<vmem>>[vector<16xi32>], vector<16xf32>,
        tpu.vector_store_idx %arg9[%add3A_882], %broadcast_in_dim3A_5 {add = true} : memref<16384xf32, #tpu.memory_space<vmem>>[vector<16xi32>], vector<16xf32>,
        tpu.vector_store_idx %arg9[%add3A_893], %broadcast_in_dim3A_5 {add = true} : memref<16384xf32, #tpu.memory_space<vmem>>[vector<16xi32>], vector<16xf32>,
        tpu.vector_store_idx %arg9[%add3A_904], %broadcast_in_dim3A_5 {add = true} : memref<16384xf32, #tpu.memory_space<vmem>>[vector<16xi32>], vector<16xf32>,
        tpu.vector_store_idx %arg9[%add3A_915], %broadcast_in_dim3A_5 {add = true} : memref<16384xf32, #tpu.memory_space<vmem>>[vector<16xi32>], vector<16xf32>,
        tpu.vector_store_idx %arg9[%add3A_926], %broadcast_in_dim3A_5 {add = true} : memref<16384xf32, #tpu.memory_space<vmem>>[vector<16xi32>], vector<16xf32>,
        tpu.vector_store_idx %arg9[%add3A_937], %broadcast_in_dim3A_5 {add = true} : memref<16384xf32, #tpu.memory_space<vmem>>[vector<16xi32>], vector<16xf32>,
      }
      %scan3A_195 = arith.constant 16 : i32
      %add3A_196 = arith.constant 2 : i32
      %add3A_197 = arith.addi %add3A_165, %add3A_196 : i32
      %lt3A = arith.constant 4 : i32
      %lt3A_198 = arith.cmpi slt, %add3A_197, %lt3A : i32
      %convert_element_type3A_199 = arith.extui %lt3A_198 : i1 to i32
      %cond3A_200 = arith.constant 0 : i32
      %cond3A_201 = arith.cmpi ne, %convert_element_type3A_199, %cond3A_200 : i32
      scf.if %cond3A_201 {
        %add3A_405 = arith.constant 2 : i32
        %add3A_406 = arith.addi %add3A_165, %add3A_405 : i32
        %mul3A_407 = arith.constant 16 : i32
        %mul3A_408 = arith.muli %add3A_406, %mul3A_407 : i32
        %add3A_409 = arith.addi %mul3A_2, %mul3A_408 : i32
        %dma_start3A_410 = arith.constant 0 : i32
        %dma_start3A_411 = tpu.memref_slice %arg2[%add3A_409, %dma_start3A_410] : memref<2048x200xi32, #tpu.memory_space<hbm>> -> memref<16x200xi32, #tpu.memory_space<hbm>>
        %dma_start3A_412 = arith.constant 0 : i32
        %dma_start3A_413 = tpu.memref_slice %arg2[%add3A_409, %dma_start3A_412] : memref<2048x200xi32, #tpu.memory_space<hbm>> -> memref<16x200xi32, #tpu.memory_space<hbm>>
        tpu.enqueue_dma source(%dma_start3A_413 : memref<16x200xi32, #tpu.memory_space<hbm>>) target(%arg5 : memref<16x200xi32, #tpu.memory_space<vmem>>) target_semaphore(%arg11 : memref<!tpu.dma_semaphore, #tpu.memory_space<semaphore_mem>>)
        %dma_start3A_414 = arith.constant 0 : i32
        %dma_start3A_415 = tpu.memref_slice %arg3[%add3A_409, %dma_start3A_414] : memref<2048x400xi32, #tpu.memory_space<hbm>> -> memref<16x400xi32, #tpu.memory_space<hbm>>
        %dma_start3A_416 = arith.constant 0 : i32
        %dma_start3A_417 = tpu.memref_slice %arg3[%add3A_409, %dma_start3A_416] : memref<2048x400xi32, #tpu.memory_space<hbm>> -> memref<16x400xi32, #tpu.memory_space<hbm>>
        tpu.enqueue_dma source(%dma_start3A_417 : memref<16x400xi32, #tpu.memory_space<hbm>>) target(%arg7 : memref<16x400xi32, #tpu.memory_space<vmem>>) target_semaphore(%arg13 : memref<!tpu.dma_semaphore, #tpu.memory_space<semaphore_mem>>)
      } else {
      }
      %add3A_202 = arith.constant 0 : i32
      %add3A_203 = arith.addi %add3A_202, %add3A_168 : i32
      %mul3A_204 = arith.constant 128 : i32
      %mul3A_205 = arith.muli %add3A_203, %mul3A_204 : i32
      %dma_start3A_206 = arith.constant 0 : i32
      %dma_start3A_207 = tpu.memref_slice %arg9[%dma_start3A_206] : memref<16384xf32, #tpu.memory_space<vmem>> -> memref<2048xf32, #tpu.memory_space<vmem>>
      %dma_start3A_208 = tpu.memref_slice %arg4[%mul3A_205] : memref<2097152xf32, #tpu.memory_space<hbm>> -> memref<2048xf32, #tpu.memory_space<hbm>>
      %dma_start3A_209 = tpu.memref_slice %arg4[%mul3A_205] : memref<2097152xf32, #tpu.memory_space<hbm>> -> memref<2048xf32, #tpu.memory_space<hbm>>
      %dma_start3A_210 = arith.constant 0 : i32
      %dma_start3A_211 = tpu.memref_slice %arg9[%dma_start3A_210] : memref<16384xf32, #tpu.memory_space<vmem>> -> memref<2048xf32, #tpu.memory_space<vmem>>
      tpu.enqueue_dma source(%dma_start3A_211 : memref<2048xf32, #tpu.memory_space<vmem>>) target(%dma_start3A_209 : memref<2048xf32, #tpu.memory_space<hbm>>) target_semaphore(%arg15 : memref<!tpu.dma_semaphore, #tpu.memory_space<semaphore_mem>>)
      %add3A_212 = arith.constant 2048 : i32
      %add3A_213 = arith.addi %add3A_212, %add3A_168 : i32
      %mul3A_214 = arith.constant 128 : i32
      %mul3A_215 = arith.muli %add3A_213, %mul3A_214 : i32
      %dma_start3A_216 = arith.constant 2048 : i32
      %dma_start3A_217 = tpu.memref_slice %arg9[%dma_start3A_216] : memref<16384xf32, #tpu.memory_space<vmem>> -> memref<2048xf32, #tpu.memory_space<vmem>>
      %dma_start3A_218 = tpu.memref_slice %arg4[%mul3A_215] : memref<2097152xf32, #tpu.memory_space<hbm>> -> memref<2048xf32, #tpu.memory_space<hbm>>
      %dma_start3A_219 = tpu.memref_slice %arg4[%mul3A_215] : memref<2097152xf32, #tpu.memory_space<hbm>> -> memref<2048xf32, #tpu.memory_space<hbm>>
      %dma_start3A_220 = arith.constant 2048 : i32
      %dma_start3A_221 = tpu.memref_slice %arg9[%dma_start3A_220] : memref<16384xf32, #tpu.memory_space<vmem>> -> memref<2048xf32, #tpu.memory_space<vmem>>
      tpu.enqueue_dma source(%dma_start3A_221 : memref<2048xf32, #tpu.memory_space<vmem>>) target(%dma_start3A_219 : memref<2048xf32, #tpu.memory_space<hbm>>) target_semaphore(%arg15 : memref<!tpu.dma_semaphore, #tpu.memory_space<semaphore_mem>>)
      %add3A_222 = arith.constant 4096 : i32
      %add3A_223 = arith.addi %add3A_222, %add3A_168 : i32
      %mul3A_224 = arith.constant 128 : i32
      %mul3A_225 = arith.muli %add3A_223, %mul3A_224 : i32
      %dma_start3A_226 = arith.constant 4096 : i32
      %dma_start3A_227 = tpu.memref_slice %arg9[%dma_start3A_226] : memref<16384xf32, #tpu.memory_space<vmem>> -> memref<2048xf32, #tpu.memory_space<vmem>>
      %dma_start3A_228 = tpu.memref_slice %arg4[%mul3A_225] : memref<2097152xf32, #tpu.memory_space<hbm>> -> memref<2048xf32, #tpu.memory_space<hbm>>
      %dma_start3A_229 = tpu.memref_slice %arg4[%mul3A_225] : memref<2097152xf32, #tpu.memory_space<hbm>> -> memref<2048xf32, #tpu.memory_space<hbm>>
      %dma_start3A_230 = arith.constant 4096 : i32
      %dma_start3A_231 = tpu.memref_slice %arg9[%dma_start3A_230] : memref<16384xf32, #tpu.memory_space<vmem>> -> memref<2048xf32, #tpu.memory_space<vmem>>
      tpu.enqueue_dma source(%dma_start3A_231 : memref<2048xf32, #tpu.memory_space<vmem>>) target(%dma_start3A_229 : memref<2048xf32, #tpu.memory_space<hbm>>) target_semaphore(%arg15 : memref<!tpu.dma_semaphore, #tpu.memory_space<semaphore_mem>>)
      %add3A_232 = arith.constant 6144 : i32
      %add3A_233 = arith.addi %add3A_232, %add3A_168 : i32
      %mul3A_234 = arith.constant 128 : i32
      %mul3A_235 = arith.muli %add3A_233, %mul3A_234 : i32
      %dma_start3A_236 = arith.constant 6144 : i32
      %dma_start3A_237 = tpu.memref_slice %arg9[%dma_start3A_236] : memref<16384xf32, #tpu.memory_space<vmem>> -> memref<2048xf32, #tpu.memory_space<vmem>>
      %dma_start3A_238 = tpu.memref_slice %arg4[%mul3A_235] : memref<2097152xf32, #tpu.memory_space<hbm>> -> memref<2048xf32, #tpu.memory_space<hbm>>
      %dma_start3A_239 = tpu.memref_slice %arg4[%mul3A_235] : memref<2097152xf32, #tpu.memory_space<hbm>> -> memref<2048xf32, #tpu.memory_space<hbm>>
      %dma_start3A_240 = arith.constant 6144 : i32
      %dma_start3A_241 = tpu.memref_slice %arg9[%dma_start3A_240] : memref<16384xf32, #tpu.memory_space<vmem>> -> memref<2048xf32, #tpu.memory_space<vmem>>
      tpu.enqueue_dma source(%dma_start3A_241 : memref<2048xf32, #tpu.memory_space<vmem>>) target(%dma_start3A_239 : memref<2048xf32, #tpu.memory_space<hbm>>) target_semaphore(%arg15 : memref<!tpu.dma_semaphore, #tpu.memory_space<semaphore_mem>>)
      %add3A_242 = arith.constant 8192 : i32
      %add3A_243 = arith.addi %add3A_242, %add3A_168 : i32
      %mul3A_244 = arith.constant 128 : i32
      %mul3A_245 = arith.muli %add3A_243, %mul3A_244 : i32
      %dma_start3A_246 = arith.constant 8192 : i32
      %dma_start3A_247 = tpu.memref_slice %arg9[%dma_start3A_246] : memref<16384xf32, #tpu.memory_space<vmem>> -> memref<2048xf32, #tpu.memory_space<vmem>>
      %dma_start3A_248 = tpu.memref_slice %arg4[%mul3A_245] : memref<2097152xf32, #tpu.memory_space<hbm>> -> memref<2048xf32, #tpu.memory_space<hbm>>
      %dma_start3A_249 = tpu.memref_slice %arg4[%mul3A_245] : memref<2097152xf32, #tpu.memory_space<hbm>> -> memref<2048xf32, #tpu.memory_space<hbm>>
      %dma_start3A_250 = arith.constant 8192 : i32
      %dma_start3A_251 = tpu.memref_slice %arg9[%dma_start3A_250] : memref<16384xf32, #tpu.memory_space<vmem>> -> memref<2048xf32, #tpu.memory_space<vmem>>
      tpu.enqueue_dma source(%dma_start3A_251 : memref<2048xf32, #tpu.memory_space<vmem>>) target(%dma_start3A_249 : memref<2048xf32, #tpu.memory_space<hbm>>) target_semaphore(%arg15 : memref<!tpu.dma_semaphore, #tpu.memory_space<semaphore_mem>>)
      %add3A_252 = arith.constant 10240 : i32
      %add3A_253 = arith.addi %add3A_252, %add3A_168 : i32
      %mul3A_254 = arith.constant 128 : i32
      %mul3A_255 = arith.muli %add3A_253, %mul3A_254 : i32
      %dma_start3A_256 = arith.constant 10240 : i32
      %dma_start3A_257 = tpu.memref_slice %arg9[%dma_start3A_256] : memref<16384xf32, #tpu.memory_space<vmem>> -> memref<2048xf32, #tpu.memory_space<vmem>>
      %dma_start3A_258 = tpu.memref_slice %arg4[%mul3A_255] : memref<2097152xf32, #tpu.memory_space<hbm>> -> memref<2048xf32, #tpu.memory_space<hbm>>
      %dma_start3A_259 = tpu.memref_slice %arg4[%mul3A_255] : memref<2097152xf32, #tpu.memory_space<hbm>> -> memref<2048xf32, #tpu.memory_space<hbm>>
      %dma_start3A_260 = arith.constant 10240 : i32
      %dma_start3A_261 = tpu.memref_slice %arg9[%dma_start3A_260] : memref<16384xf32, #tpu.memory_space<vmem>> -> memref<2048xf32, #tpu.memory_space<vmem>>
      tpu.enqueue_dma source(%dma_start3A_261 : memref<2048xf32, #tpu.memory_space<vmem>>) target(%dma_start3A_259 : memref<2048xf32, #tpu.memory_space<hbm>>) target_semaphore(%arg15 : memref<!tpu.dma_semaphore, #tpu.memory_space<semaphore_mem>>)
      %add3A_262 = arith.constant 12288 : i32
      %add3A_263 = arith.addi %add3A_262, %add3A_168 : i32
      %mul3A_264 = arith.constant 128 : i32
      %mul3A_265 = arith.muli %add3A_263, %mul3A_264 : i32
      %dma_start3A_266 = arith.constant 12288 : i32
      %dma_start3A_267 = tpu.memref_slice %arg9[%dma_start3A_266] : memref<16384xf32, #tpu.memory_space<vmem>> -> memref<2048xf32, #tpu.memory_space<vmem>>
      %dma_start3A_268 = tpu.memref_slice %arg4[%mul3A_265] : memref<2097152xf32, #tpu.memory_space<hbm>> -> memref<2048xf32, #tpu.memory_space<hbm>>
      %dma_start3A_269 = tpu.memref_slice %arg4[%mul3A_265] : memref<2097152xf32, #tpu.memory_space<hbm>> -> memref<2048xf32, #tpu.memory_space<hbm>>
      %dma_start3A_270 = arith.constant 12288 : i32
      %dma_start3A_271 = tpu.memref_slice %arg9[%dma_start3A_270] : memref<16384xf32, #tpu.memory_space<vmem>> -> memref<2048xf32, #tpu.memory_space<vmem>>
      tpu.enqueue_dma source(%dma_start3A_271 : memref<2048xf32, #tpu.memory_space<vmem>>) target(%dma_start3A_269 : memref<2048xf32, #tpu.memory_space<hbm>>) target_semaphore(%arg15 : memref<!tpu.dma_semaphore, #tpu.memory_space<semaphore_mem>>)
      %add3A_272 = arith.constant 14336 : i32
      %add3A_273 = arith.addi %add3A_272, %add3A_168 : i32
      %mul3A_274 = arith.constant 128 : i32
      %mul3A_275 = arith.muli %add3A_273, %mul3A_274 : i32
      %dma_start3A_276 = arith.constant 14336 : i32
      %dma_start3A_277 = tpu.memref_slice %arg9[%dma_start3A_276] : memref<16384xf32, #tpu.memory_space<vmem>> -> memref<2048xf32, #tpu.memory_space<vmem>>
      %dma_start3A_278 = tpu.memref_slice %arg4[%mul3A_275] : memref<2097152xf32, #tpu.memory_space<hbm>> -> memref<2048xf32, #tpu.memory_space<hbm>>
      %dma_start3A_279 = tpu.memref_slice %arg4[%mul3A_275] : memref<2097152xf32, #tpu.memory_space<hbm>> -> memref<2048xf32, #tpu.memory_space<hbm>>
      %dma_start3A_280 = arith.constant 14336 : i32
      %dma_start3A_281 = tpu.memref_slice %arg9[%dma_start3A_280] : memref<16384xf32, #tpu.memory_space<vmem>> -> memref<2048xf32, #tpu.memory_space<vmem>>
      tpu.enqueue_dma source(%dma_start3A_281 : memref<2048xf32, #tpu.memory_space<vmem>>) target(%dma_start3A_279 : memref<2048xf32, #tpu.memory_space<hbm>>) target_semaphore(%arg15 : memref<!tpu.dma_semaphore, #tpu.memory_space<semaphore_mem>>)
      %mul3A_282 = arith.constant 2 : i32
      %mul3A_283 = arith.muli %scan3A_161, %mul3A_282 : i32
      %add3A_284 = arith.constant 1 : i32
      %add3A_285 = arith.addi %mul3A_283, %add3A_284 : i32
      %mul3A_286 = arith.constant 16 : i32
      %mul3A_287 = arith.muli %add3A_285, %mul3A_286 : i32
      %add3A_288 = arith.addi %mul3A_2, %mul3A_287 : i32
      %ge3A_289 = arith.constant 2 : i32
      %ge3A_290 = arith.cmpi sge, %add3A_285, %ge3A_289 : i32
      %convert_element_type3A_291 = arith.extui %ge3A_290 : i1 to i32
      %cond3A_292 = arith.constant 0 : i32
      %cond3A_293 = arith.cmpi ne, %convert_element_type3A_291, %cond3A_292 : i32
      scf.if %cond3A_293 {
        %dma_wait3A_405 = arith.constant 0 : i32
        %dma_wait3A_406 = tpu.memref_slice %arg10[%dma_wait3A_405] : memref<16384xf32, #tpu.memory_space<vmem>> -> memref<2048xf32, #tpu.memory_space<vmem>>
        %dma_wait3A_407 = arith.constant 0 : i32
        %dma_wait3A_408 = tpu.memref_slice %arg4[%dma_wait3A_407] : memref<2097152xf32, #tpu.memory_space<hbm>> -> memref<2048xf32, #tpu.memory_space<hbm>>
        %dma_wait3A_409 = arith.constant 0 : i32
        %dma_wait3A_410 = tpu.memref_slice %arg4[%dma_wait3A_409] : memref<2097152xf32, #tpu.memory_space<hbm>> -> memref<2048xf32, #tpu.memory_space<hbm>>
        %dma_wait3A_411 = arith.constant 0 : i32
        %dma_wait3A_412 = tpu.memref_slice %arg10[%dma_wait3A_411] : memref<16384xf32, #tpu.memory_space<vmem>> -> memref<2048xf32, #tpu.memory_space<vmem>>
        tpu.wait_dma2 semaphore(%arg16 : memref<!tpu.dma_semaphore, #tpu.memory_space<semaphore_mem>>) src(%dma_wait3A_412 : memref<2048xf32, #tpu.memory_space<vmem>>) dst(%dma_wait3A_410 : memref<2048xf32, #tpu.memory_space<hbm>>)
        %dma_wait3A_413 = arith.constant 0 : i32
        %dma_wait3A_414 = tpu.memref_slice %arg10[%dma_wait3A_413] : memref<16384xf32, #tpu.memory_space<vmem>> -> memref<2048xf32, #tpu.memory_space<vmem>>
        %dma_wait3A_415 = arith.constant 0 : i32
        %dma_wait3A_416 = tpu.memref_slice %arg4[%dma_wait3A_415] : memref<2097152xf32, #tpu.memory_space<hbm>> -> memref<2048xf32, #tpu.memory_space<hbm>>
        %dma_wait3A_417 = arith.constant 0 : i32
        %dma_wait3A_418 = tpu.memref_slice %arg4[%dma_wait3A_417] : memref<2097152xf32, #tpu.memory_space<hbm>> -> memref<2048xf32, #tpu.memory_space<hbm>>
        %dma_wait3A_419 = arith.constant 0 : i32
        %dma_wait3A_420 = tpu.memref_slice %arg10[%dma_wait3A_419] : memref<16384xf32, #tpu.memory_space<vmem>> -> memref<2048xf32, #tpu.memory_space<vmem>>
        tpu.wait_dma2 semaphore(%arg16 : memref<!tpu.dma_semaphore, #tpu.memory_space<semaphore_mem>>) src(%dma_wait3A_420 : memref<2048xf32, #tpu.memory_space<vmem>>) dst(%dma_wait3A_418 : memref<2048xf32, #tpu.memory_space<hbm>>)
        %dma_wait3A_421 = arith.constant 0 : i32
        %dma_wait3A_422 = tpu.memref_slice %arg10[%dma_wait3A_421] : memref<16384xf32, #tpu.memory_space<vmem>> -> memref<2048xf32, #tpu.memory_space<vmem>>
        %dma_wait3A_423 = arith.constant 0 : i32
        %dma_wait3A_424 = tpu.memref_slice %arg4[%dma_wait3A_423] : memref<2097152xf32, #tpu.memory_space<hbm>> -> memref<2048xf32, #tpu.memory_space<hbm>>
        %dma_wait3A_425 = arith.constant 0 : i32
        %dma_wait3A_426 = tpu.memref_slice %arg4[%dma_wait3A_425] : memref<2097152xf32, #tpu.memory_space<hbm>> -> memref<2048xf32, #tpu.memory_space<hbm>>
        %dma_wait3A_427 = arith.constant 0 : i32
        %dma_wait3A_428 = tpu.memref_slice %arg10[%dma_wait3A_427] : memref<16384xf32, #tpu.memory_space<vmem>> -> memref<2048xf32, #tpu.memory_space<vmem>>
        tpu.wait_dma2 semaphore(%arg16 : memref<!tpu.dma_semaphore, #tpu.memory_space<semaphore_mem>>) src(%dma_wait3A_428 : memref<2048xf32, #tpu.memory_space<vmem>>) dst(%dma_wait3A_426 : memref<2048xf32, #tpu.memory_space<hbm>>)
        %dma_wait3A_429 = arith.constant 0 : i32
        %dma_wait3A_430 = tpu.memref_slice %arg10[%dma_wait3A_429] : memref<16384xf32, #tpu.memory_space<vmem>> -> memref<2048xf32, #tpu.memory_space<vmem>>
        %dma_wait3A_431 = arith.constant 0 : i32
        %dma_wait3A_432 = tpu.memref_slice %arg4[%dma_wait3A_431] : memref<2097152xf32, #tpu.memory_space<hbm>> -> memref<2048xf32, #tpu.memory_space<hbm>>
        %dma_wait3A_433 = arith.constant 0 : i32
        %dma_wait3A_434 = tpu.memref_slice %arg4[%dma_wait3A_433] : memref<2097152xf32, #tpu.memory_space<hbm>> -> memref<2048xf32, #tpu.memory_space<hbm>>
        %dma_wait3A_435 = arith.constant 0 : i32
        %dma_wait3A_436 = tpu.memref_slice %arg10[%dma_wait3A_435] : memref<16384xf32, #tpu.memory_space<vmem>> -> memref<2048xf32, #tpu.memory_space<vmem>>
        tpu.wait_dma2 semaphore(%arg16 : memref<!tpu.dma_semaphore, #tpu.memory_space<semaphore_mem>>) src(%dma_wait3A_436 : memref<2048xf32, #tpu.memory_space<vmem>>) dst(%dma_wait3A_434 : memref<2048xf32, #tpu.memory_space<hbm>>)
        %dma_wait3A_437 = arith.constant 0 : i32
        %dma_wait3A_438 = tpu.memref_slice %arg10[%dma_wait3A_437] : memref<16384xf32, #tpu.memory_space<vmem>> -> memref<2048xf32, #tpu.memory_space<vmem>>
        %dma_wait3A_439 = arith.constant 0 : i32
        %dma_wait3A_440 = tpu.memref_slice %arg4[%dma_wait3A_439] : memref<2097152xf32, #tpu.memory_space<hbm>> -> memref<2048xf32, #tpu.memory_space<hbm>>
        %dma_wait3A_441 = arith.constant 0 : i32
        %dma_wait3A_442 = tpu.memref_slice %arg4[%dma_wait3A_441] : memref<2097152xf32, #tpu.memory_space<hbm>> -> memref<2048xf32, #tpu.memory_space<hbm>>
        %dma_wait3A_443 = arith.constant 0 : i32
        %dma_wait3A_444 = tpu.memref_slice %arg10[%dma_wait3A_443] : memref<16384xf32, #tpu.memory_space<vmem>> -> memref<2048xf32, #tpu.memory_space<vmem>>
        tpu.wait_dma2 semaphore(%arg16 : memref<!tpu.dma_semaphore, #tpu.memory_space<semaphore_mem>>) src(%dma_wait3A_444 : memref<2048xf32, #tpu.memory_space<vmem>>) dst(%dma_wait3A_442 : memref<2048xf32, #tpu.memory_space<hbm>>)
        %dma_wait3A_445 = arith.constant 0 : i32
        %dma_wait3A_446 = tpu.memref_slice %arg10[%dma_wait3A_445] : memref<16384xf32, #tpu.memory_space<vmem>> -> memref<2048xf32, #tpu.memory_space<vmem>>
        %dma_wait3A_447 = arith.constant 0 : i32
        %dma_wait3A_448 = tpu.memref_slice %arg4[%dma_wait3A_447] : memref<2097152xf32, #tpu.memory_space<hbm>> -> memref<2048xf32, #tpu.memory_space<hbm>>
        %dma_wait3A_449 = arith.constant 0 : i32
        %dma_wait3A_450 = tpu.memref_slice %arg4[%dma_wait3A_449] : memref<2097152xf32, #tpu.memory_space<hbm>> -> memref<2048xf32, #tpu.memory_space<hbm>>
        %dma_wait3A_451 = arith.constant 0 : i32
        %dma_wait3A_452 = tpu.memref_slice %arg10[%dma_wait3A_451] : memref<16384xf32, #tpu.memory_space<vmem>> -> memref<2048xf32, #tpu.memory_space<vmem>>
        tpu.wait_dma2 semaphore(%arg16 : memref<!tpu.dma_semaphore, #tpu.memory_space<semaphore_mem>>) src(%dma_wait3A_452 : memref<2048xf32, #tpu.memory_space<vmem>>) dst(%dma_wait3A_450 : memref<2048xf32, #tpu.memory_space<hbm>>)
        %dma_wait3A_453 = arith.constant 0 : i32
        %dma_wait3A_454 = tpu.memref_slice %arg10[%dma_wait3A_453] : memref<16384xf32, #tpu.memory_space<vmem>> -> memref<2048xf32, #tpu.memory_space<vmem>>
        %dma_wait3A_455 = arith.constant 0 : i32
        %dma_wait3A_456 = tpu.memref_slice %arg4[%dma_wait3A_455] : memref<2097152xf32, #tpu.memory_space<hbm>> -> memref<2048xf32, #tpu.memory_space<hbm>>
        %dma_wait3A_457 = arith.constant 0 : i32
        %dma_wait3A_458 = tpu.memref_slice %arg4[%dma_wait3A_457] : memref<2097152xf32, #tpu.memory_space<hbm>> -> memref<2048xf32, #tpu.memory_space<hbm>>
        %dma_wait3A_459 = arith.constant 0 : i32
        %dma_wait3A_460 = tpu.memref_slice %arg10[%dma_wait3A_459] : memref<16384xf32, #tpu.memory_space<vmem>> -> memref<2048xf32, #tpu.memory_space<vmem>>
        tpu.wait_dma2 semaphore(%arg16 : memref<!tpu.dma_semaphore, #tpu.memory_space<semaphore_mem>>) src(%dma_wait3A_460 : memref<2048xf32, #tpu.memory_space<vmem>>) dst(%dma_wait3A_458 : memref<2048xf32, #tpu.memory_space<hbm>>)
        %dma_wait3A_461 = arith.constant 0 : i32
        %dma_wait3A_462 = tpu.memref_slice %arg10[%dma_wait3A_461] : memref<16384xf32, #tpu.memory_space<vmem>> -> memref<2048xf32, #tpu.memory_space<vmem>>
        %dma_wait3A_463 = arith.constant 0 : i32
        %dma_wait3A_464 = tpu.memref_slice %arg4[%dma_wait3A_463] : memref<2097152xf32, #tpu.memory_space<hbm>> -> memref<2048xf32, #tpu.memory_space<hbm>>
        %dma_wait3A_465 = arith.constant 0 : i32
        %dma_wait3A_466 = tpu.memref_slice %arg4[%dma_wait3A_465] : memref<2097152xf32, #tpu.memory_space<hbm>> -> memref<2048xf32, #tpu.memory_space<hbm>>
        %dma_wait3A_467 = arith.constant 0 : i32
        %dma_wait3A_468 = tpu.memref_slice %arg10[%dma_wait3A_467] : memref<16384xf32, #tpu.memory_space<vmem>> -> memref<2048xf32, #tpu.memory_space<vmem>>
        tpu.wait_dma2 semaphore(%arg16 : memref<!tpu.dma_semaphore, #tpu.memory_space<semaphore_mem>>) src(%dma_wait3A_468 : memref<2048xf32, #tpu.memory_space<vmem>>) dst(%dma_wait3A_466 : memref<2048xf32, #tpu.memory_space<hbm>>)
      } else {
      }
      %scan3A_294 = arith.constant 0 : i32
      %scan3A_295 = arith.constant 0 : i32
      %scan3A_296 = arith.constant 64 : i32
      %scan3A_297 = arith.addi %scan3A_295, %scan3A_296 : i32
      %scan3A_298 = arith.constant 1 : i32
      scf.for %scan3A_405 = %scan3A_295 to %scan3A_297 step %scan3A_298  : i32 {
        %mul3A_406 = arith.constant 256 : i32
        %mul3A_407 = arith.muli %scan3A_405, %mul3A_406 : i32
        %add3A_408 = arith.constant 0 : i32
        %add3A_409 = arith.addi %mul3A_407, %add3A_408 : i32
        %swap3A = arith.index_cast %add3A_409 : i32 to index
        %swap3A_410 = tpu.vector_load %arg10[%swap3A] {strides = array<i32>} : memref<16384xf32, #tpu.memory_space<vmem>>, vector<16xf32>,
        tpu.vector_store %arg10[%swap3A], %broadcast_in_dim3A_9 {strides = array<i32>} : memref<16384xf32, #tpu.memory_space<vmem>>, vector<16xf32>,
        %mul3A_411 = arith.constant 256 : i32
        %mul3A_412 = arith.muli %scan3A_405, %mul3A_411 : i32
        %add3A_413 = arith.constant 16 : i32
        %add3A_414 = arith.addi %mul3A_412, %add3A_413 : i32
        %swap3A_415 = arith.index_cast %add3A_414 : i32 to index
        %swap3A_416 = tpu.vector_load %arg10[%swap3A_415] {strides = array<i32>} : memref<16384xf32, #tpu.memory_space<vmem>>, vector<16xf32>,
        tpu.vector_store %arg10[%swap3A_415], %broadcast_in_dim3A_9 {strides = array<i32>} : memref<16384xf32, #tpu.memory_space<vmem>>, vector<16xf32>,
        %mul3A_417 = arith.constant 256 : i32
        %mul3A_418 = arith.muli %scan3A_405, %mul3A_417 : i32
        %add3A_419 = arith.constant 32 : i32
        %add3A_420 = arith.addi %mul3A_418, %add3A_419 : i32
        %swap3A_421 = arith.index_cast %add3A_420 : i32 to index
        %swap3A_422 = tpu.vector_load %arg10[%swap3A_421] {strides = array<i32>} : memref<16384xf32, #tpu.memory_space<vmem>>, vector<16xf32>,
        tpu.vector_store %arg10[%swap3A_421], %broadcast_in_dim3A_9 {strides = array<i32>} : memref<16384xf32, #tpu.memory_space<vmem>>, vector<16xf32>,
        %mul3A_423 = arith.constant 256 : i32
        %mul3A_424 = arith.muli %scan3A_405, %mul3A_423 : i32
        %add3A_425 = arith.constant 48 : i32
        %add3A_426 = arith.addi %mul3A_424, %add3A_425 : i32
        %swap3A_427 = arith.index_cast %add3A_426 : i32 to index
        %swap3A_428 = tpu.vector_load %arg10[%swap3A_427] {strides = array<i32>} : memref<16384xf32, #tpu.memory_space<vmem>>, vector<16xf32>,
        tpu.vector_store %arg10[%swap3A_427], %broadcast_in_dim3A_9 {strides = array<i32>} : memref<16384xf32, #tpu.memory_space<vmem>>, vector<16xf32>,
        %mul3A_429 = arith.constant 256 : i32
        %mul3A_430 = arith.muli %scan3A_405, %mul3A_429 : i32
        %add3A_431 = arith.constant 64 : i32
        %add3A_432 = arith.addi %mul3A_430, %add3A_431 : i32
        %swap3A_433 = arith.index_cast %add3A_432 : i32 to index
        %swap3A_434 = tpu.vector_load %arg10[%swap3A_433] {strides = array<i32>} : memref<16384xf32, #tpu.memory_space<vmem>>, vector<16xf32>,
        tpu.vector_store %arg10[%swap3A_433], %broadcast_in_dim3A_9 {strides = array<i32>} : memref<16384xf32, #tpu.memory_space<vmem>>, vector<16xf32>,
        %mul3A_435 = arith.constant 256 : i32
        %mul3A_436 = arith.muli %scan3A_405, %mul3A_435 : i32
        %add3A_437 = arith.constant 80 : i32
        %add3A_438 = arith.addi %mul3A_436, %add3A_437 : i32
        %swap3A_439 = arith.index_cast %add3A_438 : i32 to index
        %swap3A_440 = tpu.vector_load %arg10[%swap3A_439] {strides = array<i32>} : memref<16384xf32, #tpu.memory_space<vmem>>, vector<16xf32>,
        tpu.vector_store %arg10[%swap3A_439], %broadcast_in_dim3A_9 {strides = array<i32>} : memref<16384xf32, #tpu.memory_space<vmem>>, vector<16xf32>,
        %mul3A_441 = arith.constant 256 : i32
        %mul3A_442 = arith.muli %scan3A_405, %mul3A_441 : i32
        %add3A_443 = arith.constant 96 : i32
        %add3A_444 = arith.addi %mul3A_442, %add3A_443 : i32
        %swap3A_445 = arith.index_cast %add3A_444 : i32 to index
        %swap3A_446 = tpu.vector_load %arg10[%swap3A_445] {strides = array<i32>} : memref<16384xf32, #tpu.memory_space<vmem>>, vector<16xf32>,
        tpu.vector_store %arg10[%swap3A_445], %broadcast_in_dim3A_9 {strides = array<i32>} : memref<16384xf32, #tpu.memory_space<vmem>>, vector<16xf32>,
        %mul3A_447 = arith.constant 256 : i32
        %mul3A_448 = arith.muli %scan3A_405, %mul3A_447 : i32
        %add3A_449 = arith.constant 112 : i32
        %add3A_450 = arith.addi %mul3A_448, %add3A_449 : i32
        %swap3A_451 = arith.index_cast %add3A_450 : i32 to index
        %swap3A_452 = tpu.vector_load %arg10[%swap3A_451] {strides = array<i32>} : memref<16384xf32, #tpu.memory_space<vmem>>, vector<16xf32>,
        tpu.vector_store %arg10[%swap3A_451], %broadcast_in_dim3A_9 {strides = array<i32>} : memref<16384xf32, #tpu.memory_space<vmem>>, vector<16xf32>,
        %mul3A_453 = arith.constant 256 : i32
        %mul3A_454 = arith.muli %scan3A_405, %mul3A_453 : i32
        %add3A_455 = arith.constant 128 : i32
        %add3A_456 = arith.addi %mul3A_454, %add3A_455 : i32
        %swap3A_457 = arith.index_cast %add3A_456 : i32 to index
        %swap3A_458 = tpu.vector_load %arg10[%swap3A_457] {strides = array<i32>} : memref<16384xf32, #tpu.memory_space<vmem>>, vector<16xf32>,
        tpu.vector_store %arg10[%swap3A_457], %broadcast_in_dim3A_9 {strides = array<i32>} : memref<16384xf32, #tpu.memory_space<vmem>>, vector<16xf32>,
        %mul3A_459 = arith.constant 256 : i32
        %mul3A_460 = arith.muli %scan3A_405, %mul3A_459 : i32
        %add3A_461 = arith.constant 144 : i32
        %add3A_462 = arith.addi %mul3A_460, %add3A_461 : i32
        %swap3A_463 = arith.index_cast %add3A_462 : i32 to index
        %swap3A_464 = tpu.vector_load %arg10[%swap3A_463] {strides = array<i32>} : memref<16384xf32, #tpu.memory_space<vmem>>, vector<16xf32>,
        tpu.vector_store %arg10[%swap3A_463], %broadcast_in_dim3A_9 {strides = array<i32>} : memref<16384xf32, #tpu.memory_space<vmem>>, vector<16xf32>,
        %mul3A_465 = arith.constant 256 : i32
        %mul3A_466 = arith.muli %scan3A_405, %mul3A_465 : i32
        %add3A_467 = arith.constant 160 : i32
        %add3A_468 = arith.addi %mul3A_466, %add3A_467 : i32
        %swap3A_469 = arith.index_cast %add3A_468 : i32 to index
        %swap3A_470 = tpu.vector_load %arg10[%swap3A_469] {strides = array<i32>} : memref<16384xf32, #tpu.memory_space<vmem>>, vector<16xf32>,
        tpu.vector_store %arg10[%swap3A_469], %broadcast_in_dim3A_9 {strides = array<i32>} : memref<16384xf32, #tpu.memory_space<vmem>>, vector<16xf32>,
        %mul3A_471 = arith.constant 256 : i32
        %mul3A_472 = arith.muli %scan3A_405, %mul3A_471 : i32
        %add3A_473 = arith.constant 176 : i32
        %add3A_474 = arith.addi %mul3A_472, %add3A_473 : i32
        %swap3A_475 = arith.index_cast %add3A_474 : i32 to index
        %swap3A_476 = tpu.vector_load %arg10[%swap3A_475] {strides = array<i32>} : memref<16384xf32, #tpu.memory_space<vmem>>, vector<16xf32>,
        tpu.vector_store %arg10[%swap3A_475], %broadcast_in_dim3A_9 {strides = array<i32>} : memref<16384xf32, #tpu.memory_space<vmem>>, vector<16xf32>,
        %mul3A_477 = arith.constant 256 : i32
        %mul3A_478 = arith.muli %scan3A_405, %mul3A_477 : i32
        %add3A_479 = arith.constant 192 : i32
        %add3A_480 = arith.addi %mul3A_478, %add3A_479 : i32
        %swap3A_481 = arith.index_cast %add3A_480 : i32 to index
        %swap3A_482 = tpu.vector_load %arg10[%swap3A_481] {strides = array<i32>} : memref<16384xf32, #tpu.memory_space<vmem>>, vector<16xf32>,
        tpu.vector_store %arg10[%swap3A_481], %broadcast_in_dim3A_9 {strides = array<i32>} : memref<16384xf32, #tpu.memory_space<vmem>>, vector<16xf32>,
        %mul3A_483 = arith.constant 256 : i32
        %mul3A_484 = arith.muli %scan3A_405, %mul3A_483 : i32
        %add3A_485 = arith.constant 208 : i32
        %add3A_486 = arith.addi %mul3A_484, %add3A_485 : i32
        %swap3A_487 = arith.index_cast %add3A_486 : i32 to index
        %swap3A_488 = tpu.vector_load %arg10[%swap3A_487] {strides = array<i32>} : memref<16384xf32, #tpu.memory_space<vmem>>, vector<16xf32>,
        tpu.vector_store %arg10[%swap3A_487], %broadcast_in_dim3A_9 {strides = array<i32>} : memref<16384xf32, #tpu.memory_space<vmem>>, vector<16xf32>,
        %mul3A_489 = arith.constant 256 : i32
        %mul3A_490 = arith.muli %scan3A_405, %mul3A_489 : i32
        %add3A_491 = arith.constant 224 : i32
        %add3A_492 = arith.addi %mul3A_490, %add3A_491 : i32
        %swap3A_493 = arith.index_cast %add3A_492 : i32 to index
        %swap3A_494 = tpu.vector_load %arg10[%swap3A_493] {strides = array<i32>} : memref<16384xf32, #tpu.memory_space<vmem>>, vector<16xf32>,
        tpu.vector_store %arg10[%swap3A_493], %broadcast_in_dim3A_9 {strides = array<i32>} : memref<16384xf32, #tpu.memory_space<vmem>>, vector<16xf32>,
        %mul3A_495 = arith.constant 256 : i32
        %mul3A_496 = arith.muli %scan3A_405, %mul3A_495 : i32
        %add3A_497 = arith.constant 240 : i32
        %add3A_498 = arith.addi %mul3A_496, %add3A_497 : i32
        %swap3A_499 = arith.index_cast %add3A_498 : i32 to index
        %swap3A_500 = tpu.vector_load %arg10[%swap3A_499] {strides = array<i32>} : memref<16384xf32, #tpu.memory_space<vmem>>, vector<16xf32>,
        tpu.vector_store %arg10[%swap3A_499], %broadcast_in_dim3A_9 {strides = array<i32>} : memref<16384xf32, #tpu.memory_space<vmem>>, vector<16xf32>,
      }
      %scan3A_299 = arith.constant 64 : i32
      %dma_wait3A_300 = arith.constant 0 : i32
      %dma_wait3A_301 = arith.constant 0 : i32
      %dma_wait3A_302 = tpu.memref_slice %arg2[%dma_wait3A_300, %dma_wait3A_301] : memref<2048x200xi32, #tpu.memory_space<hbm>> -> memref<16x200xi32, #tpu.memory_space<hbm>>
      %dma_wait3A_303 = arith.constant 0 : i32
      %dma_wait3A_304 = arith.constant 0 : i32
      %dma_wait3A_305 = tpu.memref_slice %arg2[%dma_wait3A_303, %dma_wait3A_304] : memref<2048x200xi32, #tpu.memory_space<hbm>> -> memref<16x200xi32, #tpu.memory_space<hbm>>
      tpu.wait_dma2 semaphore(%arg12 : memref<!tpu.dma_semaphore, #tpu.memory_space<semaphore_mem>>) src(%dma_wait3A_305 : memref<16x200xi32, #tpu.memory_space<hbm>>) dst(%arg6 : memref<16x200xi32, #tpu.memory_space<vmem>>)
      %dma_wait3A_306 = arith.constant 0 : i32
      %dma_wait3A_307 = arith.constant 0 : i32
      %dma_wait3A_308 = tpu.memref_slice %arg3[%dma_wait3A_306, %dma_wait3A_307] : memref<2048x400xi32, #tpu.memory_space<hbm>> -> memref<16x400xi32, #tpu.memory_space<hbm>>
      %dma_wait3A_309 = arith.constant 0 : i32
      %dma_wait3A_310 = arith.constant 0 : i32
      %dma_wait3A_311 = tpu.memref_slice %arg3[%dma_wait3A_309, %dma_wait3A_310] : memref<2048x400xi32, #tpu.memory_space<hbm>> -> memref<16x400xi32, #tpu.memory_space<hbm>>
      tpu.wait_dma2 semaphore(%arg14 : memref<!tpu.dma_semaphore, #tpu.memory_space<semaphore_mem>>) src(%dma_wait3A_311 : memref<16x400xi32, #tpu.memory_space<hbm>>) dst(%arg8 : memref<16x400xi32, #tpu.memory_space<vmem>>)
      %scan3A_312 = arith.constant 0 : i32
      %scan3A_313 = arith.constant 0 : i32
      %scan3A_314 = arith.constant 16 : i32
      %scan3A_315 = arith.addi %scan3A_313, %scan3A_314 : i32
      %scan3A_316 = arith.constant 1 : i32
      scf.for %scan3A_405 = %scan3A_313 to %scan3A_315 step %scan3A_316  : i32 {
        %mul3A_406 = arith.constant 128 : i32
        %mul3A_407 = arith.muli %scan3A_405, %mul3A_406 : i32
        %broadcast_in_dim3A_408 = vector.broadcast %mul3A_407 : i32 to vector<16xi32>
        %get3A = arith.index_cast %scan3A_405 : i32 to index
        %get3A_409 = arith.constant 0 : index
        %get3A_410 = tpu.vector_load %arg6[%get3A, %get3A_409] {strides = array<i32>} : memref<16x200xi32, #tpu.memory_space<vmem>>, vector<16xi32>,
        %get3A_411 = arith.index_cast %scan3A_405 : i32 to index
        %get3A_412 = arith.constant 16 : index
        %get3A_413 = tpu.vector_load %arg6[%get3A_411, %get3A_412] {strides = array<i32>} : memref<16x200xi32, #tpu.memory_space<vmem>>, vector<16xi32>,
        %get3A_414 = arith.index_cast %scan3A_405 : i32 to index
        %get3A_415 = arith.constant 32 : index
        %get3A_416 = tpu.vector_load %arg6[%get3A_414, %get3A_415] {strides = array<i32>} : memref<16x200xi32, #tpu.memory_space<vmem>>, vector<16xi32>,
        %get3A_417 = arith.index_cast %scan3A_405 : i32 to index
        %get3A_418 = arith.constant 48 : index
        %get3A_419 = tpu.vector_load %arg6[%get3A_417, %get3A_418] {strides = array<i32>} : memref<16x200xi32, #tpu.memory_space<vmem>>, vector<16xi32>,
        %get3A_420 = arith.index_cast %scan3A_405 : i32 to index
        %get3A_421 = arith.constant 64 : index
        %get3A_422 = tpu.vector_load %arg6[%get3A_420, %get3A_421] {strides = array<i32>} : memref<16x200xi32, #tpu.memory_space<vmem>>, vector<16xi32>,
        %get3A_423 = arith.index_cast %scan3A_405 : i32 to index
        %get3A_424 = arith.constant 80 : index
        %get3A_425 = tpu.vector_load %arg6[%get3A_423, %get3A_424] {strides = array<i32>} : memref<16x200xi32, #tpu.memory_space<vmem>>, vector<16xi32>,
        %get3A_426 = arith.index_cast %scan3A_405 : i32 to index
        %get3A_427 = arith.constant 96 : index
        %get3A_428 = tpu.vector_load %arg6[%get3A_426, %get3A_427] {strides = array<i32>} : memref<16x200xi32, #tpu.memory_space<vmem>>, vector<16xi32>,
        %get3A_429 = arith.index_cast %scan3A_405 : i32 to index
        %get3A_430 = arith.constant 112 : index
        %get3A_431 = tpu.vector_load %arg6[%get3A_429, %get3A_430] {strides = array<i32>} : memref<16x200xi32, #tpu.memory_space<vmem>>, vector<16xi32>,
        %get3A_432 = arith.index_cast %scan3A_405 : i32 to index
        %get3A_433 = arith.constant 128 : index
        %get3A_434 = tpu.vector_load %arg6[%get3A_432, %get3A_433] {strides = array<i32>} : memref<16x200xi32, #tpu.memory_space<vmem>>, vector<16xi32>,
        %get3A_435 = arith.index_cast %scan3A_405 : i32 to index
        %get3A_436 = arith.constant 144 : index
        %get3A_437 = tpu.vector_load %arg6[%get3A_435, %get3A_436] {strides = array<i32>} : memref<16x200xi32, #tpu.memory_space<vmem>>, vector<16xi32>,
        %get3A_438 = arith.index_cast %scan3A_405 : i32 to index
        %get3A_439 = arith.constant 160 : index
        %get3A_440 = tpu.vector_load %arg6[%get3A_438, %get3A_439] {strides = array<i32>} : memref<16x200xi32, #tpu.memory_space<vmem>>, vector<16xi32>,
        %get3A_441 = arith.index_cast %scan3A_405 : i32 to index
        %get3A_442 = arith.constant 176 : index
        %get3A_443 = tpu.vector_load %arg6[%get3A_441, %get3A_442] {strides = array<i32>} : memref<16x200xi32, #tpu.memory_space<vmem>>, vector<16xi32>,
        %get3A_444 = arith.index_cast %scan3A_405 : i32 to index
        %get3A_445 = arith.constant 184 : index
        %get3A_446 = tpu.vector_load %arg6[%get3A_444, %get3A_445] {strides = array<i32>} : memref<16x200xi32, #tpu.memory_space<vmem>>, vector<16xi32>,
        %get3A_447 = arith.index_cast %scan3A_405 : i32 to index
        %get3A_448 = arith.constant 0 : index
        %get3A_449 = tpu.vector_load %arg8[%get3A_447, %get3A_448] {strides = array<i32>} : memref<16x400xi32, #tpu.memory_space<vmem>>, vector<16xi32>,
        %get3A_450 = arith.index_cast %scan3A_405 : i32 to index
        %get3A_451 = arith.constant 16 : index
        %get3A_452 = tpu.vector_load %arg8[%get3A_450, %get3A_451] {strides = array<i32>} : memref<16x400xi32, #tpu.memory_space<vmem>>, vector<16xi32>,
        %get3A_453 = arith.index_cast %scan3A_405 : i32 to index
        %get3A_454 = arith.constant 32 : index
        %get3A_455 = tpu.vector_load %arg8[%get3A_453, %get3A_454] {strides = array<i32>} : memref<16x400xi32, #tpu.memory_space<vmem>>, vector<16xi32>,
        %get3A_456 = arith.index_cast %scan3A_405 : i32 to index
        %get3A_457 = arith.constant 48 : index
        %get3A_458 = tpu.vector_load %arg8[%get3A_456, %get3A_457] {strides = array<i32>} : memref<16x400xi32, #tpu.memory_space<vmem>>, vector<16xi32>,
        %get3A_459 = arith.index_cast %scan3A_405 : i32 to index
        %get3A_460 = arith.constant 64 : index
        %get3A_461 = tpu.vector_load %arg8[%get3A_459, %get3A_460] {strides = array<i32>} : memref<16x400xi32, #tpu.memory_space<vmem>>, vector<16xi32>,
        %get3A_462 = arith.index_cast %scan3A_405 : i32 to index
        %get3A_463 = arith.constant 80 : index
        %get3A_464 = tpu.vector_load %arg8[%get3A_462, %get3A_463] {strides = array<i32>} : memref<16x400xi32, #tpu.memory_space<vmem>>, vector<16xi32>,
        %and3A = arith.constant 896 : i32
        %and3A_465 = vector.broadcast %and3A : i32 to vector<16xi32>
        %and3A_466 = arith.andi %get3A_410, %and3A_465 : vector<16xi32>
        %shift_left3A = arith.constant 4 : i32
        %shift_left3A_467 = vector.broadcast %shift_left3A : i32 to vector<16xi32>
        %shift_left3A_468 = arith.shli %and3A_466, %shift_left3A_467 : vector<16xi32>
        %and3A_469 = arith.constant 127 : i32
        %and3A_470 = vector.broadcast %and3A_469 : i32 to vector<16xi32>
        %and3A_471 = arith.andi %get3A_410, %and3A_470 : vector<16xi32>
        %add3A_472 = arith.addi %shift_left3A_468, %and3A_471 : vector<16xi32>
        %add3A_473 = arith.addi %add3A_472, %broadcast_in_dim3A_408 : vector<16xi32>
        %and3A_474 = arith.constant 896 : i32
        %and3A_475 = vector.broadcast %and3A_474 : i32 to vector<16xi32>
        %and3A_476 = arith.andi %get3A_413, %and3A_475 : vector<16xi32>
        %shift_left3A_477 = arith.constant 4 : i32
        %shift_left3A_478 = vector.broadcast %shift_left3A_477 : i32 to vector<16xi32>
        %shift_left3A_479 = arith.shli %and3A_476, %shift_left3A_478 : vector<16xi32>
        %and3A_480 = arith.constant 127 : i32
        %and3A_481 = vector.broadcast %and3A_480 : i32 to vector<16xi32>
        %and3A_482 = arith.andi %get3A_413, %and3A_481 : vector<16xi32>
        %add3A_483 = arith.addi %shift_left3A_479, %and3A_482 : vector<16xi32>
        %add3A_484 = arith.addi %add3A_483, %broadcast_in_dim3A_408 : vector<16xi32>
        %and3A_485 = arith.constant 896 : i32
        %and3A_486 = vector.broadcast %and3A_485 : i32 to vector<16xi32>
        %and3A_487 = arith.andi %get3A_416, %and3A_486 : vector<16xi32>
        %shift_left3A_488 = arith.constant 4 : i32
        %shift_left3A_489 = vector.broadcast %shift_left3A_488 : i32 to vector<16xi32>
        %shift_left3A_490 = arith.shli %and3A_487, %shift_left3A_489 : vector<16xi32>
        %and3A_491 = arith.constant 127 : i32
        %and3A_492 = vector.broadcast %and3A_491 : i32 to vector<16xi32>
        %and3A_493 = arith.andi %get3A_416, %and3A_492 : vector<16xi32>
        %add3A_494 = arith.addi %shift_left3A_490, %and3A_493 : vector<16xi32>
        %add3A_495 = arith.addi %add3A_494, %broadcast_in_dim3A_408 : vector<16xi32>
        %and3A_496 = arith.constant 896 : i32
        %and3A_497 = vector.broadcast %and3A_496 : i32 to vector<16xi32>
        %and3A_498 = arith.andi %get3A_419, %and3A_497 : vector<16xi32>
        %shift_left3A_499 = arith.constant 4 : i32
        %shift_left3A_500 = vector.broadcast %shift_left3A_499 : i32 to vector<16xi32>
        %shift_left3A_501 = arith.shli %and3A_498, %shift_left3A_500 : vector<16xi32>
        %and3A_502 = arith.constant 127 : i32
        %and3A_503 = vector.broadcast %and3A_502 : i32 to vector<16xi32>
        %and3A_504 = arith.andi %get3A_419, %and3A_503 : vector<16xi32>
        %add3A_505 = arith.addi %shift_left3A_501, %and3A_504 : vector<16xi32>
        %add3A_506 = arith.addi %add3A_505, %broadcast_in_dim3A_408 : vector<16xi32>
        %and3A_507 = arith.constant 896 : i32
        %and3A_508 = vector.broadcast %and3A_507 : i32 to vector<16xi32>
        %and3A_509 = arith.andi %get3A_422, %and3A_508 : vector<16xi32>
        %shift_left3A_510 = arith.constant 4 : i32
        %shift_left3A_511 = vector.broadcast %shift_left3A_510 : i32 to vector<16xi32>
        %shift_left3A_512 = arith.shli %and3A_509, %shift_left3A_511 : vector<16xi32>
        %and3A_513 = arith.constant 127 : i32
        %and3A_514 = vector.broadcast %and3A_513 : i32 to vector<16xi32>
        %and3A_515 = arith.andi %get3A_422, %and3A_514 : vector<16xi32>
        %add3A_516 = arith.addi %shift_left3A_512, %and3A_515 : vector<16xi32>
        %add3A_517 = arith.addi %add3A_516, %broadcast_in_dim3A_408 : vector<16xi32>
        %and3A_518 = arith.constant 896 : i32
        %and3A_519 = vector.broadcast %and3A_518 : i32 to vector<16xi32>
        %and3A_520 = arith.andi %get3A_425, %and3A_519 : vector<16xi32>
        %shift_left3A_521 = arith.constant 4 : i32
        %shift_left3A_522 = vector.broadcast %shift_left3A_521 : i32 to vector<16xi32>
        %shift_left3A_523 = arith.shli %and3A_520, %shift_left3A_522 : vector<16xi32>
        %and3A_524 = arith.constant 127 : i32
        %and3A_525 = vector.broadcast %and3A_524 : i32 to vector<16xi32>
        %and3A_526 = arith.andi %get3A_425, %and3A_525 : vector<16xi32>
        %add3A_527 = arith.addi %shift_left3A_523, %and3A_526 : vector<16xi32>
        %add3A_528 = arith.addi %add3A_527, %broadcast_in_dim3A_408 : vector<16xi32>
        %and3A_529 = arith.constant 896 : i32
        %and3A_530 = vector.broadcast %and3A_529 : i32 to vector<16xi32>
        %and3A_531 = arith.andi %get3A_428, %and3A_530 : vector<16xi32>
        %shift_left3A_532 = arith.constant 4 : i32
        %shift_left3A_533 = vector.broadcast %shift_left3A_532 : i32 to vector<16xi32>
        %shift_left3A_534 = arith.shli %and3A_531, %shift_left3A_533 : vector<16xi32>
        %and3A_535 = arith.constant 127 : i32
        %and3A_536 = vector.broadcast %and3A_535 : i32 to vector<16xi32>
        %and3A_537 = arith.andi %get3A_428, %and3A_536 : vector<16xi32>
        %add3A_538 = arith.addi %shift_left3A_534, %and3A_537 : vector<16xi32>
        %add3A_539 = arith.addi %add3A_538, %broadcast_in_dim3A_408 : vector<16xi32>
        %and3A_540 = arith.constant 896 : i32
        %and3A_541 = vector.broadcast %and3A_540 : i32 to vector<16xi32>
        %and3A_542 = arith.andi %get3A_431, %and3A_541 : vector<16xi32>
        %shift_left3A_543 = arith.constant 4 : i32
        %shift_left3A_544 = vector.broadcast %shift_left3A_543 : i32 to vector<16xi32>
        %shift_left3A_545 = arith.shli %and3A_542, %shift_left3A_544 : vector<16xi32>
        %and3A_546 = arith.constant 127 : i32
        %and3A_547 = vector.broadcast %and3A_546 : i32 to vector<16xi32>
        %and3A_548 = arith.andi %get3A_431, %and3A_547 : vector<16xi32>
        %add3A_549 = arith.addi %shift_left3A_545, %and3A_548 : vector<16xi32>
        %add3A_550 = arith.addi %add3A_549, %broadcast_in_dim3A_408 : vector<16xi32>
        %and3A_551 = arith.constant 896 : i32
        %and3A_552 = vector.broadcast %and3A_551 : i32 to vector<16xi32>
        %and3A_553 = arith.andi %get3A_434, %and3A_552 : vector<16xi32>
        %shift_left3A_554 = arith.constant 4 : i32
        %shift_left3A_555 = vector.broadcast %shift_left3A_554 : i32 to vector<16xi32>
        %shift_left3A_556 = arith.shli %and3A_553, %shift_left3A_555 : vector<16xi32>
        %and3A_557 = arith.constant 127 : i32
        %and3A_558 = vector.broadcast %and3A_557 : i32 to vector<16xi32>
        %and3A_559 = arith.andi %get3A_434, %and3A_558 : vector<16xi32>
        %add3A_560 = arith.addi %shift_left3A_556, %and3A_559 : vector<16xi32>
        %add3A_561 = arith.addi %add3A_560, %broadcast_in_dim3A_408 : vector<16xi32>
        %and3A_562 = arith.constant 896 : i32
        %and3A_563 = vector.broadcast %and3A_562 : i32 to vector<16xi32>
        %and3A_564 = arith.andi %get3A_437, %and3A_563 : vector<16xi32>
        %shift_left3A_565 = arith.constant 4 : i32
        %shift_left3A_566 = vector.broadcast %shift_left3A_565 : i32 to vector<16xi32>
        %shift_left3A_567 = arith.shli %and3A_564, %shift_left3A_566 : vector<16xi32>
        %and3A_568 = arith.constant 127 : i32
        %and3A_569 = vector.broadcast %and3A_568 : i32 to vector<16xi32>
        %and3A_570 = arith.andi %get3A_437, %and3A_569 : vector<16xi32>
        %add3A_571 = arith.addi %shift_left3A_567, %and3A_570 : vector<16xi32>
        %add3A_572 = arith.addi %add3A_571, %broadcast_in_dim3A_408 : vector<16xi32>
        %and3A_573 = arith.constant 896 : i32
        %and3A_574 = vector.broadcast %and3A_573 : i32 to vector<16xi32>
        %and3A_575 = arith.andi %get3A_440, %and3A_574 : vector<16xi32>
        %shift_left3A_576 = arith.constant 4 : i32
        %shift_left3A_577 = vector.broadcast %shift_left3A_576 : i32 to vector<16xi32>
        %shift_left3A_578 = arith.shli %and3A_575, %shift_left3A_577 : vector<16xi32>
        %and3A_579 = arith.constant 127 : i32
        %and3A_580 = vector.broadcast %and3A_579 : i32 to vector<16xi32>
        %and3A_581 = arith.andi %get3A_440, %and3A_580 : vector<16xi32>
        %add3A_582 = arith.addi %shift_left3A_578, %and3A_581 : vector<16xi32>
        %add3A_583 = arith.addi %add3A_582, %broadcast_in_dim3A_408 : vector<16xi32>
        %and3A_584 = arith.constant 896 : i32
        %and3A_585 = vector.broadcast %and3A_584 : i32 to vector<16xi32>
        %and3A_586 = arith.andi %get3A_443, %and3A_585 : vector<16xi32>
        %shift_left3A_587 = arith.constant 4 : i32
        %shift_left3A_588 = vector.broadcast %shift_left3A_587 : i32 to vector<16xi32>
        %shift_left3A_589 = arith.shli %and3A_586, %shift_left3A_588 : vector<16xi32>
        %and3A_590 = arith.constant 127 : i32
        %and3A_591 = vector.broadcast %and3A_590 : i32 to vector<16xi32>
        %and3A_592 = arith.andi %get3A_443, %and3A_591 : vector<16xi32>
        %add3A_593 = arith.addi %shift_left3A_589, %and3A_592 : vector<16xi32>
        %add3A_594 = arith.addi %add3A_593, %broadcast_in_dim3A_408 : vector<16xi32>
        %and3A_595 = arith.constant 896 : i32
        %and3A_596 = vector.broadcast %and3A_595 : i32 to vector<16xi32>
        %and3A_597 = arith.andi %get3A_446, %and3A_596 : vector<16xi32>
        %shift_left3A_598 = arith.constant 4 : i32
        %shift_left3A_599 = vector.broadcast %shift_left3A_598 : i32 to vector<16xi32>
        %shift_left3A_600 = arith.shli %and3A_597, %shift_left3A_599 : vector<16xi32>
        %and3A_601 = arith.constant 127 : i32
        %and3A_602 = vector.broadcast %and3A_601 : i32 to vector<16xi32>
        %and3A_603 = arith.andi %get3A_446, %and3A_602 : vector<16xi32>
        %add3A_604 = arith.addi %shift_left3A_600, %and3A_603 : vector<16xi32>
        %add3A_605 = arith.addi %add3A_604, %broadcast_in_dim3A_408 : vector<16xi32>
        %and3A_606 = arith.constant 896 : i32
        %and3A_607 = vector.broadcast %and3A_606 : i32 to vector<16xi32>
        %and3A_608 = arith.andi %get3A_449, %and3A_607 : vector<16xi32>
        %shift_left3A_609 = arith.constant 4 : i32
        %shift_left3A_610 = vector.broadcast %shift_left3A_609 : i32 to vector<16xi32>
        %shift_left3A_611 = arith.shli %and3A_608, %shift_left3A_610 : vector<16xi32>
        %and3A_612 = arith.constant 127 : i32
        %and3A_613 = vector.broadcast %and3A_612 : i32 to vector<16xi32>
        %and3A_614 = arith.andi %get3A_449, %and3A_613 : vector<16xi32>
        %add3A_615 = arith.addi %shift_left3A_611, %and3A_614 : vector<16xi32>
        %add3A_616 = arith.addi %add3A_615, %broadcast_in_dim3A_408 : vector<16xi32>
        %and3A_617 = arith.constant 896 : i32
        %and3A_618 = vector.broadcast %and3A_617 : i32 to vector<16xi32>
        %and3A_619 = arith.andi %get3A_452, %and3A_618 : vector<16xi32>
        %shift_left3A_620 = arith.constant 4 : i32
        %shift_left3A_621 = vector.broadcast %shift_left3A_620 : i32 to vector<16xi32>
        %shift_left3A_622 = arith.shli %and3A_619, %shift_left3A_621 : vector<16xi32>
        %and3A_623 = arith.constant 127 : i32
        %and3A_624 = vector.broadcast %and3A_623 : i32 to vector<16xi32>
        %and3A_625 = arith.andi %get3A_452, %and3A_624 : vector<16xi32>
        %add3A_626 = arith.addi %shift_left3A_622, %and3A_625 : vector<16xi32>
        %add3A_627 = arith.addi %add3A_626, %broadcast_in_dim3A_408 : vector<16xi32>
        %and3A_628 = arith.constant 896 : i32
        %and3A_629 = vector.broadcast %and3A_628 : i32 to vector<16xi32>
        %and3A_630 = arith.andi %get3A_455, %and3A_629 : vector<16xi32>
        %shift_left3A_631 = arith.constant 4 : i32
        %shift_left3A_632 = vector.broadcast %shift_left3A_631 : i32 to vector<16xi32>
        %shift_left3A_633 = arith.shli %and3A_630, %shift_left3A_632 : vector<16xi32>
        %and3A_634 = arith.constant 127 : i32
        %and3A_635 = vector.broadcast %and3A_634 : i32 to vector<16xi32>
        %and3A_636 = arith.andi %get3A_455, %and3A_635 : vector<16xi32>
        %add3A_637 = arith.addi %shift_left3A_633, %and3A_636 : vector<16xi32>
        %add3A_638 = arith.addi %add3A_637, %broadcast_in_dim3A_408 : vector<16xi32>
        %and3A_639 = arith.constant 896 : i32
        %and3A_640 = vector.broadcast %and3A_639 : i32 to vector<16xi32>
        %and3A_641 = arith.andi %get3A_458, %and3A_640 : vector<16xi32>
        %shift_left3A_642 = arith.constant 4 : i32
        %shift_left3A_643 = vector.broadcast %shift_left3A_642 : i32 to vector<16xi32>
        %shift_left3A_644 = arith.shli %and3A_641, %shift_left3A_643 : vector<16xi32>
        %and3A_645 = arith.constant 127 : i32
        %and3A_646 = vector.broadcast %and3A_645 : i32 to vector<16xi32>
        %and3A_647 = arith.andi %get3A_458, %and3A_646 : vector<16xi32>
        %add3A_648 = arith.addi %shift_left3A_644, %and3A_647 : vector<16xi32>
        %add3A_649 = arith.addi %add3A_648, %broadcast_in_dim3A_408 : vector<16xi32>
        %and3A_650 = arith.constant 896 : i32
        %and3A_651 = vector.broadcast %and3A_650 : i32 to vector<16xi32>
        %and3A_652 = arith.andi %get3A_461, %and3A_651 : vector<16xi32>
        %shift_left3A_653 = arith.constant 4 : i32
        %shift_left3A_654 = vector.broadcast %shift_left3A_653 : i32 to vector<16xi32>
        %shift_left3A_655 = arith.shli %and3A_652, %shift_left3A_654 : vector<16xi32>
        %and3A_656 = arith.constant 127 : i32
        %and3A_657 = vector.broadcast %and3A_656 : i32 to vector<16xi32>
        %and3A_658 = arith.andi %get3A_461, %and3A_657 : vector<16xi32>
        %add3A_659 = arith.addi %shift_left3A_655, %and3A_658 : vector<16xi32>
        %add3A_660 = arith.addi %add3A_659, %broadcast_in_dim3A_408 : vector<16xi32>
        %and3A_661 = arith.constant 896 : i32
        %and3A_662 = vector.broadcast %and3A_661 : i32 to vector<16xi32>
        %and3A_663 = arith.andi %get3A_464, %and3A_662 : vector<16xi32>
        %shift_left3A_664 = arith.constant 4 : i32
        %shift_left3A_665 = vector.broadcast %shift_left3A_664 : i32 to vector<16xi32>
        %shift_left3A_666 = arith.shli %and3A_663, %shift_left3A_665 : vector<16xi32>
        %and3A_667 = arith.constant 127 : i32
        %and3A_668 = vector.broadcast %and3A_667 : i32 to vector<16xi32>
        %and3A_669 = arith.andi %get3A_464, %and3A_668 : vector<16xi32>
        %add3A_670 = arith.addi %shift_left3A_666, %and3A_669 : vector<16xi32>
        %add3A_671 = arith.addi %add3A_670, %broadcast_in_dim3A_408 : vector<16xi32>
        tpu.vector_store_idx %arg10[%add3A_473], %broadcast_in_dim3A_3 {add = true} : memref<16384xf32, #tpu.memory_space<vmem>>[vector<16xi32>], vector<16xf32>,
        tpu.vector_store_idx %arg10[%add3A_484], %broadcast_in_dim3A_3 {add = true} : memref<16384xf32, #tpu.memory_space<vmem>>[vector<16xi32>], vector<16xf32>,
        tpu.vector_store_idx %arg10[%add3A_495], %broadcast_in_dim3A_3 {add = true} : memref<16384xf32, #tpu.memory_space<vmem>>[vector<16xi32>], vector<16xf32>,
        tpu.vector_store_idx %arg10[%add3A_506], %broadcast_in_dim3A_3 {add = true} : memref<16384xf32, #tpu.memory_space<vmem>>[vector<16xi32>], vector<16xf32>,
        tpu.vector_store_idx %arg10[%add3A_517], %broadcast_in_dim3A_3 {add = true} : memref<16384xf32, #tpu.memory_space<vmem>>[vector<16xi32>], vector<16xf32>,
        tpu.vector_store_idx %arg10[%add3A_528], %broadcast_in_dim3A_3 {add = true} : memref<16384xf32, #tpu.memory_space<vmem>>[vector<16xi32>], vector<16xf32>,
        tpu.vector_store_idx %arg10[%add3A_539], %broadcast_in_dim3A_3 {add = true} : memref<16384xf32, #tpu.memory_space<vmem>>[vector<16xi32>], vector<16xf32>,
        tpu.vector_store_idx %arg10[%add3A_550], %broadcast_in_dim3A_3 {add = true} : memref<16384xf32, #tpu.memory_space<vmem>>[vector<16xi32>], vector<16xf32>,
        tpu.vector_store_idx %arg10[%add3A_561], %broadcast_in_dim3A_3 {add = true} : memref<16384xf32, #tpu.memory_space<vmem>>[vector<16xi32>], vector<16xf32>,
        tpu.vector_store_idx %arg10[%add3A_572], %broadcast_in_dim3A_3 {add = true} : memref<16384xf32, #tpu.memory_space<vmem>>[vector<16xi32>], vector<16xf32>,
        tpu.vector_store_idx %arg10[%add3A_583], %broadcast_in_dim3A_3 {add = true} : memref<16384xf32, #tpu.memory_space<vmem>>[vector<16xi32>], vector<16xf32>,
        tpu.vector_store_idx %arg10[%add3A_594], %broadcast_in_dim3A_3 {add = true} : memref<16384xf32, #tpu.memory_space<vmem>>[vector<16xi32>], vector<16xf32>,
        tpu.vector_store_idx %arg10[%add3A_605], %broadcast_in_dim3A_3 masked %ge3A_7 {add = true} : memref<16384xf32, #tpu.memory_space<vmem>>[vector<16xi32>], vector<16xf32>, vector<16xi1>
        tpu.vector_store_idx %arg10[%add3A_616], %broadcast_in_dim3A_5 {add = true} : memref<16384xf32, #tpu.memory_space<vmem>>[vector<16xi32>], vector<16xf32>,
        tpu.vector_store_idx %arg10[%add3A_627], %broadcast_in_dim3A_5 {add = true} : memref<16384xf32, #tpu.memory_space<vmem>>[vector<16xi32>], vector<16xf32>,
        tpu.vector_store_idx %arg10[%add3A_638], %broadcast_in_dim3A_5 {add = true} : memref<16384xf32, #tpu.memory_space<vmem>>[vector<16xi32>], vector<16xf32>,
        tpu.vector_store_idx %arg10[%add3A_649], %broadcast_in_dim3A_5 {add = true} : memref<16384xf32, #tpu.memory_space<vmem>>[vector<16xi32>], vector<16xf32>,
        tpu.vector_store_idx %arg10[%add3A_660], %broadcast_in_dim3A_5 {add = true} : memref<16384xf32, #tpu.memory_space<vmem>>[vector<16xi32>], vector<16xf32>,
        tpu.vector_store_idx %arg10[%add3A_671], %broadcast_in_dim3A_5 {add = true} : memref<16384xf32, #tpu.memory_space<vmem>>[vector<16xi32>], vector<16xf32>,
        %get3A_672 = arith.index_cast %scan3A_405 : i32 to index
        %get3A_673 = arith.constant 96 : index
        %get3A_674 = tpu.vector_load %arg8[%get3A_672, %get3A_673] {strides = array<i32>} : memref<16x400xi32, #tpu.memory_space<vmem>>, vector<16xi32>,
        %get3A_675 = arith.index_cast %scan3A_405 : i32 to index
        %get3A_676 = arith.constant 112 : index
        %get3A_677 = tpu.vector_load %arg8[%get3A_675, %get3A_676] {strides = array<i32>} : memref<16x400xi32, #tpu.memory_space<vmem>>, vector<16xi32>,
        %get3A_678 = arith.index_cast %scan3A_405 : i32 to index
        %get3A_679 = arith.constant 128 : index
        %get3A_680 = tpu.vector_load %arg8[%get3A_678, %get3A_679] {strides = array<i32>} : memref<16x400xi32, #tpu.memory_space<vmem>>, vector<16xi32>,
        %get3A_681 = arith.index_cast %scan3A_405 : i32 to index
        %get3A_682 = arith.constant 144 : index
        %get3A_683 = tpu.vector_load %arg8[%get3A_681, %get3A_682] {strides = array<i32>} : memref<16x400xi32, #tpu.memory_space<vmem>>, vector<16xi32>,
        %get3A_684 = arith.index_cast %scan3A_405 : i32 to index
        %get3A_685 = arith.constant 160 : index
        %get3A_686 = tpu.vector_load %arg8[%get3A_684, %get3A_685] {strides = array<i32>} : memref<16x400xi32, #tpu.memory_space<vmem>>, vector<16xi32>,
        %get3A_687 = arith.index_cast %scan3A_405 : i32 to index
        %get3A_688 = arith.constant 176 : index
        %get3A_689 = tpu.vector_load %arg8[%get3A_687, %get3A_688] {strides = array<i32>} : memref<16x400xi32, #tpu.memory_space<vmem>>, vector<16xi32>,
        %get3A_690 = arith.index_cast %scan3A_405 : i32 to index
        %get3A_691 = arith.constant 192 : index
        %get3A_692 = tpu.vector_load %arg8[%get3A_690, %get3A_691] {strides = array<i32>} : memref<16x400xi32, #tpu.memory_space<vmem>>, vector<16xi32>,
        %get3A_693 = arith.index_cast %scan3A_405 : i32 to index
        %get3A_694 = arith.constant 208 : index
        %get3A_695 = tpu.vector_load %arg8[%get3A_693, %get3A_694] {strides = array<i32>} : memref<16x400xi32, #tpu.memory_space<vmem>>, vector<16xi32>,
        %get3A_696 = arith.index_cast %scan3A_405 : i32 to index
        %get3A_697 = arith.constant 224 : index
        %get3A_698 = tpu.vector_load %arg8[%get3A_696, %get3A_697] {strides = array<i32>} : memref<16x400xi32, #tpu.memory_space<vmem>>, vector<16xi32>,
        %get3A_699 = arith.index_cast %scan3A_405 : i32 to index
        %get3A_700 = arith.constant 240 : index
        %get3A_701 = tpu.vector_load %arg8[%get3A_699, %get3A_700] {strides = array<i32>} : memref<16x400xi32, #tpu.memory_space<vmem>>, vector<16xi32>,
        %get3A_702 = arith.index_cast %scan3A_405 : i32 to index
        %get3A_703 = arith.constant 256 : index
        %get3A_704 = tpu.vector_load %arg8[%get3A_702, %get3A_703] {strides = array<i32>} : memref<16x400xi32, #tpu.memory_space<vmem>>, vector<16xi32>,
        %get3A_705 = arith.index_cast %scan3A_405 : i32 to index
        %get3A_706 = arith.constant 272 : index
        %get3A_707 = tpu.vector_load %arg8[%get3A_705, %get3A_706] {strides = array<i32>} : memref<16x400xi32, #tpu.memory_space<vmem>>, vector<16xi32>,
        %get3A_708 = arith.index_cast %scan3A_405 : i32 to index
        %get3A_709 = arith.constant 288 : index
        %get3A_710 = tpu.vector_load %arg8[%get3A_708, %get3A_709] {strides = array<i32>} : memref<16x400xi32, #tpu.memory_space<vmem>>, vector<16xi32>,
        %get3A_711 = arith.index_cast %scan3A_405 : i32 to index
        %get3A_712 = arith.constant 304 : index
        %get3A_713 = tpu.vector_load %arg8[%get3A_711, %get3A_712] {strides = array<i32>} : memref<16x400xi32, #tpu.memory_space<vmem>>, vector<16xi32>,
        %get3A_714 = arith.index_cast %scan3A_405 : i32 to index
        %get3A_715 = arith.constant 320 : index
        %get3A_716 = tpu.vector_load %arg8[%get3A_714, %get3A_715] {strides = array<i32>} : memref<16x400xi32, #tpu.memory_space<vmem>>, vector<16xi32>,
        %get3A_717 = arith.index_cast %scan3A_405 : i32 to index
        %get3A_718 = arith.constant 336 : index
        %get3A_719 = tpu.vector_load %arg8[%get3A_717, %get3A_718] {strides = array<i32>} : memref<16x400xi32, #tpu.memory_space<vmem>>, vector<16xi32>,
        %get3A_720 = arith.index_cast %scan3A_405 : i32 to index
        %get3A_721 = arith.constant 352 : index
        %get3A_722 = tpu.vector_load %arg8[%get3A_720, %get3A_721] {strides = array<i32>} : memref<16x400xi32, #tpu.memory_space<vmem>>, vector<16xi32>,
        %get3A_723 = arith.index_cast %scan3A_405 : i32 to index
        %get3A_724 = arith.constant 368 : index
        %get3A_725 = tpu.vector_load %arg8[%get3A_723, %get3A_724] {strides = array<i32>} : memref<16x400xi32, #tpu.memory_space<vmem>>, vector<16xi32>,
        %get3A_726 = arith.index_cast %scan3A_405 : i32 to index
        %get3A_727 = arith.constant 384 : index
        %get3A_728 = tpu.vector_load %arg8[%get3A_726, %get3A_727] {strides = array<i32>} : memref<16x400xi32, #tpu.memory_space<vmem>>, vector<16xi32>,
        %and3A_729 = arith.constant 896 : i32
        %and3A_730 = vector.broadcast %and3A_729 : i32 to vector<16xi32>
        %and3A_731 = arith.andi %get3A_674, %and3A_730 : vector<16xi32>
        %shift_left3A_732 = arith.constant 4 : i32
        %shift_left3A_733 = vector.broadcast %shift_left3A_732 : i32 to vector<16xi32>
        %shift_left3A_734 = arith.shli %and3A_731, %shift_left3A_733 : vector<16xi32>
        %and3A_735 = arith.constant 127 : i32
        %and3A_736 = vector.broadcast %and3A_735 : i32 to vector<16xi32>
        %and3A_737 = arith.andi %get3A_674, %and3A_736 : vector<16xi32>
        %add3A_738 = arith.addi %shift_left3A_734, %and3A_737 : vector<16xi32>
        %add3A_739 = arith.addi %add3A_738, %broadcast_in_dim3A_408 : vector<16xi32>
        %and3A_740 = arith.constant 896 : i32
        %and3A_741 = vector.broadcast %and3A_740 : i32 to vector<16xi32>
        %and3A_742 = arith.andi %get3A_677, %and3A_741 : vector<16xi32>
        %shift_left3A_743 = arith.constant 4 : i32
        %shift_left3A_744 = vector.broadcast %shift_left3A_743 : i32 to vector<16xi32>
        %shift_left3A_745 = arith.shli %and3A_742, %shift_left3A_744 : vector<16xi32>
        %and3A_746 = arith.constant 127 : i32
        %and3A_747 = vector.broadcast %and3A_746 : i32 to vector<16xi32>
        %and3A_748 = arith.andi %get3A_677, %and3A_747 : vector<16xi32>
        %add3A_749 = arith.addi %shift_left3A_745, %and3A_748 : vector<16xi32>
        %add3A_750 = arith.addi %add3A_749, %broadcast_in_dim3A_408 : vector<16xi32>
        %and3A_751 = arith.constant 896 : i32
        %and3A_752 = vector.broadcast %and3A_751 : i32 to vector<16xi32>
        %and3A_753 = arith.andi %get3A_680, %and3A_752 : vector<16xi32>
        %shift_left3A_754 = arith.constant 4 : i32
        %shift_left3A_755 = vector.broadcast %shift_left3A_754 : i32 to vector<16xi32>
        %shift_left3A_756 = arith.shli %and3A_753, %shift_left3A_755 : vector<16xi32>
        %and3A_757 = arith.constant 127 : i32
        %and3A_758 = vector.broadcast %and3A_757 : i32 to vector<16xi32>
        %and3A_759 = arith.andi %get3A_680, %and3A_758 : vector<16xi32>
        %add3A_760 = arith.addi %shift_left3A_756, %and3A_759 : vector<16xi32>
        %add3A_761 = arith.addi %add3A_760, %broadcast_in_dim3A_408 : vector<16xi32>
        %and3A_762 = arith.constant 896 : i32
        %and3A_763 = vector.broadcast %and3A_762 : i32 to vector<16xi32>
        %and3A_764 = arith.andi %get3A_683, %and3A_763 : vector<16xi32>
        %shift_left3A_765 = arith.constant 4 : i32
        %shift_left3A_766 = vector.broadcast %shift_left3A_765 : i32 to vector<16xi32>
        %shift_left3A_767 = arith.shli %and3A_764, %shift_left3A_766 : vector<16xi32>
        %and3A_768 = arith.constant 127 : i32
        %and3A_769 = vector.broadcast %and3A_768 : i32 to vector<16xi32>
        %and3A_770 = arith.andi %get3A_683, %and3A_769 : vector<16xi32>
        %add3A_771 = arith.addi %shift_left3A_767, %and3A_770 : vector<16xi32>
        %add3A_772 = arith.addi %add3A_771, %broadcast_in_dim3A_408 : vector<16xi32>
        %and3A_773 = arith.constant 896 : i32
        %and3A_774 = vector.broadcast %and3A_773 : i32 to vector<16xi32>
        %and3A_775 = arith.andi %get3A_686, %and3A_774 : vector<16xi32>
        %shift_left3A_776 = arith.constant 4 : i32
        %shift_left3A_777 = vector.broadcast %shift_left3A_776 : i32 to vector<16xi32>
        %shift_left3A_778 = arith.shli %and3A_775, %shift_left3A_777 : vector<16xi32>
        %and3A_779 = arith.constant 127 : i32
        %and3A_780 = vector.broadcast %and3A_779 : i32 to vector<16xi32>
        %and3A_781 = arith.andi %get3A_686, %and3A_780 : vector<16xi32>
        %add3A_782 = arith.addi %shift_left3A_778, %and3A_781 : vector<16xi32>
        %add3A_783 = arith.addi %add3A_782, %broadcast_in_dim3A_408 : vector<16xi32>
        %and3A_784 = arith.constant 896 : i32
        %and3A_785 = vector.broadcast %and3A_784 : i32 to vector<16xi32>
        %and3A_786 = arith.andi %get3A_689, %and3A_785 : vector<16xi32>
        %shift_left3A_787 = arith.constant 4 : i32
        %shift_left3A_788 = vector.broadcast %shift_left3A_787 : i32 to vector<16xi32>
        %shift_left3A_789 = arith.shli %and3A_786, %shift_left3A_788 : vector<16xi32>
        %and3A_790 = arith.constant 127 : i32
        %and3A_791 = vector.broadcast %and3A_790 : i32 to vector<16xi32>
        %and3A_792 = arith.andi %get3A_689, %and3A_791 : vector<16xi32>
        %add3A_793 = arith.addi %shift_left3A_789, %and3A_792 : vector<16xi32>
        %add3A_794 = arith.addi %add3A_793, %broadcast_in_dim3A_408 : vector<16xi32>
        %and3A_795 = arith.constant 896 : i32
        %and3A_796 = vector.broadcast %and3A_795 : i32 to vector<16xi32>
        %and3A_797 = arith.andi %get3A_692, %and3A_796 : vector<16xi32>
        %shift_left3A_798 = arith.constant 4 : i32
        %shift_left3A_799 = vector.broadcast %shift_left3A_798 : i32 to vector<16xi32>
        %shift_left3A_800 = arith.shli %and3A_797, %shift_left3A_799 : vector<16xi32>
        %and3A_801 = arith.constant 127 : i32
        %and3A_802 = vector.broadcast %and3A_801 : i32 to vector<16xi32>
        %and3A_803 = arith.andi %get3A_692, %and3A_802 : vector<16xi32>
        %add3A_804 = arith.addi %shift_left3A_800, %and3A_803 : vector<16xi32>
        %add3A_805 = arith.addi %add3A_804, %broadcast_in_dim3A_408 : vector<16xi32>
        %and3A_806 = arith.constant 896 : i32
        %and3A_807 = vector.broadcast %and3A_806 : i32 to vector<16xi32>
        %and3A_808 = arith.andi %get3A_695, %and3A_807 : vector<16xi32>
        %shift_left3A_809 = arith.constant 4 : i32
        %shift_left3A_810 = vector.broadcast %shift_left3A_809 : i32 to vector<16xi32>
        %shift_left3A_811 = arith.shli %and3A_808, %shift_left3A_810 : vector<16xi32>
        %and3A_812 = arith.constant 127 : i32
        %and3A_813 = vector.broadcast %and3A_812 : i32 to vector<16xi32>
        %and3A_814 = arith.andi %get3A_695, %and3A_813 : vector<16xi32>
        %add3A_815 = arith.addi %shift_left3A_811, %and3A_814 : vector<16xi32>
        %add3A_816 = arith.addi %add3A_815, %broadcast_in_dim3A_408 : vector<16xi32>
        %and3A_817 = arith.constant 896 : i32
        %and3A_818 = vector.broadcast %and3A_817 : i32 to vector<16xi32>
        %and3A_819 = arith.andi %get3A_698, %and3A_818 : vector<16xi32>
        %shift_left3A_820 = arith.constant 4 : i32
        %shift_left3A_821 = vector.broadcast %shift_left3A_820 : i32 to vector<16xi32>
        %shift_left3A_822 = arith.shli %and3A_819, %shift_left3A_821 : vector<16xi32>
        %and3A_823 = arith.constant 127 : i32
        %and3A_824 = vector.broadcast %and3A_823 : i32 to vector<16xi32>
        %and3A_825 = arith.andi %get3A_698, %and3A_824 : vector<16xi32>
        %add3A_826 = arith.addi %shift_left3A_822, %and3A_825 : vector<16xi32>
        %add3A_827 = arith.addi %add3A_826, %broadcast_in_dim3A_408 : vector<16xi32>
        %and3A_828 = arith.constant 896 : i32
        %and3A_829 = vector.broadcast %and3A_828 : i32 to vector<16xi32>
        %and3A_830 = arith.andi %get3A_701, %and3A_829 : vector<16xi32>
        %shift_left3A_831 = arith.constant 4 : i32
        %shift_left3A_832 = vector.broadcast %shift_left3A_831 : i32 to vector<16xi32>
        %shift_left3A_833 = arith.shli %and3A_830, %shift_left3A_832 : vector<16xi32>
        %and3A_834 = arith.constant 127 : i32
        %and3A_835 = vector.broadcast %and3A_834 : i32 to vector<16xi32>
        %and3A_836 = arith.andi %get3A_701, %and3A_835 : vector<16xi32>
        %add3A_837 = arith.addi %shift_left3A_833, %and3A_836 : vector<16xi32>
        %add3A_838 = arith.addi %add3A_837, %broadcast_in_dim3A_408 : vector<16xi32>
        %and3A_839 = arith.constant 896 : i32
        %and3A_840 = vector.broadcast %and3A_839 : i32 to vector<16xi32>
        %and3A_841 = arith.andi %get3A_704, %and3A_840 : vector<16xi32>
        %shift_left3A_842 = arith.constant 4 : i32
        %shift_left3A_843 = vector.broadcast %shift_left3A_842 : i32 to vector<16xi32>
        %shift_left3A_844 = arith.shli %and3A_841, %shift_left3A_843 : vector<16xi32>
        %and3A_845 = arith.constant 127 : i32
        %and3A_846 = vector.broadcast %and3A_845 : i32 to vector<16xi32>
        %and3A_847 = arith.andi %get3A_704, %and3A_846 : vector<16xi32>
        %add3A_848 = arith.addi %shift_left3A_844, %and3A_847 : vector<16xi32>
        %add3A_849 = arith.addi %add3A_848, %broadcast_in_dim3A_408 : vector<16xi32>
        %and3A_850 = arith.constant 896 : i32
        %and3A_851 = vector.broadcast %and3A_850 : i32 to vector<16xi32>
        %and3A_852 = arith.andi %get3A_707, %and3A_851 : vector<16xi32>
        %shift_left3A_853 = arith.constant 4 : i32
        %shift_left3A_854 = vector.broadcast %shift_left3A_853 : i32 to vector<16xi32>
        %shift_left3A_855 = arith.shli %and3A_852, %shift_left3A_854 : vector<16xi32>
        %and3A_856 = arith.constant 127 : i32
        %and3A_857 = vector.broadcast %and3A_856 : i32 to vector<16xi32>
        %and3A_858 = arith.andi %get3A_707, %and3A_857 : vector<16xi32>
        %add3A_859 = arith.addi %shift_left3A_855, %and3A_858 : vector<16xi32>
        %add3A_860 = arith.addi %add3A_859, %broadcast_in_dim3A_408 : vector<16xi32>
        %and3A_861 = arith.constant 896 : i32
        %and3A_862 = vector.broadcast %and3A_861 : i32 to vector<16xi32>
        %and3A_863 = arith.andi %get3A_710, %and3A_862 : vector<16xi32>
        %shift_left3A_864 = arith.constant 4 : i32
        %shift_left3A_865 = vector.broadcast %shift_left3A_864 : i32 to vector<16xi32>
        %shift_left3A_866 = arith.shli %and3A_863, %shift_left3A_865 : vector<16xi32>
        %and3A_867 = arith.constant 127 : i32
        %and3A_868 = vector.broadcast %and3A_867 : i32 to vector<16xi32>
        %and3A_869 = arith.andi %get3A_710, %and3A_868 : vector<16xi32>
        %add3A_870 = arith.addi %shift_left3A_866, %and3A_869 : vector<16xi32>
        %add3A_871 = arith.addi %add3A_870, %broadcast_in_dim3A_408 : vector<16xi32>
        %and3A_872 = arith.constant 896 : i32
        %and3A_873 = vector.broadcast %and3A_872 : i32 to vector<16xi32>
        %and3A_874 = arith.andi %get3A_713, %and3A_873 : vector<16xi32>
        %shift_left3A_875 = arith.constant 4 : i32
        %shift_left3A_876 = vector.broadcast %shift_left3A_875 : i32 to vector<16xi32>
        %shift_left3A_877 = arith.shli %and3A_874, %shift_left3A_876 : vector<16xi32>
        %and3A_878 = arith.constant 127 : i32
        %and3A_879 = vector.broadcast %and3A_878 : i32 to vector<16xi32>
        %and3A_880 = arith.andi %get3A_713, %and3A_879 : vector<16xi32>
        %add3A_881 = arith.addi %shift_left3A_877, %and3A_880 : vector<16xi32>
        %add3A_882 = arith.addi %add3A_881, %broadcast_in_dim3A_408 : vector<16xi32>
        %and3A_883 = arith.constant 896 : i32
        %and3A_884 = vector.broadcast %and3A_883 : i32 to vector<16xi32>
        %and3A_885 = arith.andi %get3A_716, %and3A_884 : vector<16xi32>
        %shift_left3A_886 = arith.constant 4 : i32
        %shift_left3A_887 = vector.broadcast %shift_left3A_886 : i32 to vector<16xi32>
        %shift_left3A_888 = arith.shli %and3A_885, %shift_left3A_887 : vector<16xi32>
        %and3A_889 = arith.constant 127 : i32
        %and3A_890 = vector.broadcast %and3A_889 : i32 to vector<16xi32>
        %and3A_891 = arith.andi %get3A_716, %and3A_890 : vector<16xi32>
        %add3A_892 = arith.addi %shift_left3A_888, %and3A_891 : vector<16xi32>
        %add3A_893 = arith.addi %add3A_892, %broadcast_in_dim3A_408 : vector<16xi32>
        %and3A_894 = arith.constant 896 : i32
        %and3A_895 = vector.broadcast %and3A_894 : i32 to vector<16xi32>
        %and3A_896 = arith.andi %get3A_719, %and3A_895 : vector<16xi32>
        %shift_left3A_897 = arith.constant 4 : i32
        %shift_left3A_898 = vector.broadcast %shift_left3A_897 : i32 to vector<16xi32>
        %shift_left3A_899 = arith.shli %and3A_896, %shift_left3A_898 : vector<16xi32>
        %and3A_900 = arith.constant 127 : i32
        %and3A_901 = vector.broadcast %and3A_900 : i32 to vector<16xi32>
        %and3A_902 = arith.andi %get3A_719, %and3A_901 : vector<16xi32>
        %add3A_903 = arith.addi %shift_left3A_899, %and3A_902 : vector<16xi32>
        %add3A_904 = arith.addi %add3A_903, %broadcast_in_dim3A_408 : vector<16xi32>
        %and3A_905 = arith.constant 896 : i32
        %and3A_906 = vector.broadcast %and3A_905 : i32 to vector<16xi32>
        %and3A_907 = arith.andi %get3A_722, %and3A_906 : vector<16xi32>
        %shift_left3A_908 = arith.constant 4 : i32
        %shift_left3A_909 = vector.broadcast %shift_left3A_908 : i32 to vector<16xi32>
        %shift_left3A_910 = arith.shli %and3A_907, %shift_left3A_909 : vector<16xi32>
        %and3A_911 = arith.constant 127 : i32
        %and3A_912 = vector.broadcast %and3A_911 : i32 to vector<16xi32>
        %and3A_913 = arith.andi %get3A_722, %and3A_912 : vector<16xi32>
        %add3A_914 = arith.addi %shift_left3A_910, %and3A_913 : vector<16xi32>
        %add3A_915 = arith.addi %add3A_914, %broadcast_in_dim3A_408 : vector<16xi32>
        %and3A_916 = arith.constant 896 : i32
        %and3A_917 = vector.broadcast %and3A_916 : i32 to vector<16xi32>
        %and3A_918 = arith.andi %get3A_725, %and3A_917 : vector<16xi32>
        %shift_left3A_919 = arith.constant 4 : i32
        %shift_left3A_920 = vector.broadcast %shift_left3A_919 : i32 to vector<16xi32>
        %shift_left3A_921 = arith.shli %and3A_918, %shift_left3A_920 : vector<16xi32>
        %and3A_922 = arith.constant 127 : i32
        %and3A_923 = vector.broadcast %and3A_922 : i32 to vector<16xi32>
        %and3A_924 = arith.andi %get3A_725, %and3A_923 : vector<16xi32>
        %add3A_925 = arith.addi %shift_left3A_921, %and3A_924 : vector<16xi32>
        %add3A_926 = arith.addi %add3A_925, %broadcast_in_dim3A_408 : vector<16xi32>
        %and3A_927 = arith.constant 896 : i32
        %and3A_928 = vector.broadcast %and3A_927 : i32 to vector<16xi32>
        %and3A_929 = arith.andi %get3A_728, %and3A_928 : vector<16xi32>
        %shift_left3A_930 = arith.constant 4 : i32
        %shift_left3A_931 = vector.broadcast %shift_left3A_930 : i32 to vector<16xi32>
        %shift_left3A_932 = arith.shli %and3A_929, %shift_left3A_931 : vector<16xi32>
        %and3A_933 = arith.constant 127 : i32
        %and3A_934 = vector.broadcast %and3A_933 : i32 to vector<16xi32>
        %and3A_935 = arith.andi %get3A_728, %and3A_934 : vector<16xi32>
        %add3A_936 = arith.addi %shift_left3A_932, %and3A_935 : vector<16xi32>
        %add3A_937 = arith.addi %add3A_936, %broadcast_in_dim3A_408 : vector<16xi32>
        tpu.vector_store_idx %arg10[%add3A_739], %broadcast_in_dim3A_5 {add = true} : memref<16384xf32, #tpu.memory_space<vmem>>[vector<16xi32>], vector<16xf32>,
        tpu.vector_store_idx %arg10[%add3A_750], %broadcast_in_dim3A_5 {add = true} : memref<16384xf32, #tpu.memory_space<vmem>>[vector<16xi32>], vector<16xf32>,
        tpu.vector_store_idx %arg10[%add3A_761], %broadcast_in_dim3A_5 {add = true} : memref<16384xf32, #tpu.memory_space<vmem>>[vector<16xi32>], vector<16xf32>,
        tpu.vector_store_idx %arg10[%add3A_772], %broadcast_in_dim3A_5 {add = true} : memref<16384xf32, #tpu.memory_space<vmem>>[vector<16xi32>], vector<16xf32>,
        tpu.vector_store_idx %arg10[%add3A_783], %broadcast_in_dim3A_5 {add = true} : memref<16384xf32, #tpu.memory_space<vmem>>[vector<16xi32>], vector<16xf32>,
        tpu.vector_store_idx %arg10[%add3A_794], %broadcast_in_dim3A_5 {add = true} : memref<16384xf32, #tpu.memory_space<vmem>>[vector<16xi32>], vector<16xf32>,
        tpu.vector_store_idx %arg10[%add3A_805], %broadcast_in_dim3A_5 {add = true} : memref<16384xf32, #tpu.memory_space<vmem>>[vector<16xi32>], vector<16xf32>,
        tpu.vector_store_idx %arg10[%add3A_816], %broadcast_in_dim3A_5 {add = true} : memref<16384xf32, #tpu.memory_space<vmem>>[vector<16xi32>], vector<16xf32>,
        tpu.vector_store_idx %arg10[%add3A_827], %broadcast_in_dim3A_5 {add = true} : memref<16384xf32, #tpu.memory_space<vmem>>[vector<16xi32>], vector<16xf32>,
        tpu.vector_store_idx %arg10[%add3A_838], %broadcast_in_dim3A_5 {add = true} : memref<16384xf32, #tpu.memory_space<vmem>>[vector<16xi32>], vector<16xf32>,
        tpu.vector_store_idx %arg10[%add3A_849], %broadcast_in_dim3A_5 {add = true} : memref<16384xf32, #tpu.memory_space<vmem>>[vector<16xi32>], vector<16xf32>,
        tpu.vector_store_idx %arg10[%add3A_860], %broadcast_in_dim3A_5 {add = true} : memref<16384xf32, #tpu.memory_space<vmem>>[vector<16xi32>], vector<16xf32>,
        tpu.vector_store_idx %arg10[%add3A_871], %broadcast_in_dim3A_5 {add = true} : memref<16384xf32, #tpu.memory_space<vmem>>[vector<16xi32>], vector<16xf32>,
        tpu.vector_store_idx %arg10[%add3A_882], %broadcast_in_dim3A_5 {add = true} : memref<16384xf32, #tpu.memory_space<vmem>>[vector<16xi32>], vector<16xf32>,
        tpu.vector_store_idx %arg10[%add3A_893], %broadcast_in_dim3A_5 {add = true} : memref<16384xf32, #tpu.memory_space<vmem>>[vector<16xi32>], vector<16xf32>,
        tpu.vector_store_idx %arg10[%add3A_904], %broadcast_in_dim3A_5 {add = true} : memref<16384xf32, #tpu.memory_space<vmem>>[vector<16xi32>], vector<16xf32>,
        tpu.vector_store_idx %arg10[%add3A_915], %broadcast_in_dim3A_5 {add = true} : memref<16384xf32, #tpu.memory_space<vmem>>[vector<16xi32>], vector<16xf32>,
        tpu.vector_store_idx %arg10[%add3A_926], %broadcast_in_dim3A_5 {add = true} : memref<16384xf32, #tpu.memory_space<vmem>>[vector<16xi32>], vector<16xf32>,
        tpu.vector_store_idx %arg10[%add3A_937], %broadcast_in_dim3A_5 {add = true} : memref<16384xf32, #tpu.memory_space<vmem>>[vector<16xi32>], vector<16xf32>,
      }
      %scan3A_317 = arith.constant 16 : i32
      %add3A_318 = arith.constant 2 : i32
      %add3A_319 = arith.addi %add3A_285, %add3A_318 : i32
      %lt3A_320 = arith.constant 4 : i32
      %lt3A_321 = arith.cmpi slt, %add3A_319, %lt3A_320 : i32
      %convert_element_type3A_322 = arith.extui %lt3A_321 : i1 to i32
      %cond3A_323 = arith.constant 0 : i32
      %cond3A_324 = arith.cmpi ne, %convert_element_type3A_322, %cond3A_323 : i32
      scf.if %cond3A_324 {
        %add3A_405 = arith.constant 2 : i32
        %add3A_406 = arith.addi %add3A_285, %add3A_405 : i32
        %mul3A_407 = arith.constant 16 : i32
        %mul3A_408 = arith.muli %add3A_406, %mul3A_407 : i32
        %add3A_409 = arith.addi %mul3A_2, %mul3A_408 : i32
        %dma_start3A_410 = arith.constant 0 : i32
        %dma_start3A_411 = tpu.memref_slice %arg2[%add3A_409, %dma_start3A_410] : memref<2048x200xi32, #tpu.memory_space<hbm>> -> memref<16x200xi32, #tpu.memory_space<hbm>>
        %dma_start3A_412 = arith.constant 0 : i32
        %dma_start3A_413 = tpu.memref_slice %arg2[%add3A_409, %dma_start3A_412] : memref<2048x200xi32, #tpu.memory_space<hbm>> -> memref<16x200xi32, #tpu.memory_space<hbm>>
        tpu.enqueue_dma source(%dma_start3A_413 : memref<16x200xi32, #tpu.memory_space<hbm>>) target(%arg6 : memref<16x200xi32, #tpu.memory_space<vmem>>) target_semaphore(%arg12 : memref<!tpu.dma_semaphore, #tpu.memory_space<semaphore_mem>>)
        %dma_start3A_414 = arith.constant 0 : i32
        %dma_start3A_415 = tpu.memref_slice %arg3[%add3A_409, %dma_start3A_414] : memref<2048x400xi32, #tpu.memory_space<hbm>> -> memref<16x400xi32, #tpu.memory_space<hbm>>
        %dma_start3A_416 = arith.constant 0 : i32
        %dma_start3A_417 = tpu.memref_slice %arg3[%add3A_409, %dma_start3A_416] : memref<2048x400xi32, #tpu.memory_space<hbm>> -> memref<16x400xi32, #tpu.memory_space<hbm>>
        tpu.enqueue_dma source(%dma_start3A_417 : memref<16x400xi32, #tpu.memory_space<hbm>>) target(%arg8 : memref<16x400xi32, #tpu.memory_space<vmem>>) target_semaphore(%arg14 : memref<!tpu.dma_semaphore, #tpu.memory_space<semaphore_mem>>)
      } else {
      }
      %add3A_325 = arith.constant 0 : i32
      %add3A_326 = arith.addi %add3A_325, %add3A_288 : i32
      %mul3A_327 = arith.constant 128 : i32
      %mul3A_328 = arith.muli %add3A_326, %mul3A_327 : i32
      %dma_start3A_329 = arith.constant 0 : i32
      %dma_start3A_330 = tpu.memref_slice %arg10[%dma_start3A_329] : memref<16384xf32, #tpu.memory_space<vmem>> -> memref<2048xf32, #tpu.memory_space<vmem>>
      %dma_start3A_331 = tpu.memref_slice %arg4[%mul3A_328] : memref<2097152xf32, #tpu.memory_space<hbm>> -> memref<2048xf32, #tpu.memory_space<hbm>>
      %dma_start3A_332 = tpu.memref_slice %arg4[%mul3A_328] : memref<2097152xf32, #tpu.memory_space<hbm>> -> memref<2048xf32, #tpu.memory_space<hbm>>
      %dma_start3A_333 = arith.constant 0 : i32
      %dma_start3A_334 = tpu.memref_slice %arg10[%dma_start3A_333] : memref<16384xf32, #tpu.memory_space<vmem>> -> memref<2048xf32, #tpu.memory_space<vmem>>
      tpu.enqueue_dma source(%dma_start3A_334 : memref<2048xf32, #tpu.memory_space<vmem>>) target(%dma_start3A_332 : memref<2048xf32, #tpu.memory_space<hbm>>) target_semaphore(%arg16 : memref<!tpu.dma_semaphore, #tpu.memory_space<semaphore_mem>>)
      %add3A_335 = arith.constant 2048 : i32
      %add3A_336 = arith.addi %add3A_335, %add3A_288 : i32
      %mul3A_337 = arith.constant 128 : i32
      %mul3A_338 = arith.muli %add3A_336, %mul3A_337 : i32
      %dma_start3A_339 = arith.constant 2048 : i32
      %dma_start3A_340 = tpu.memref_slice %arg10[%dma_start3A_339] : memref<16384xf32, #tpu.memory_space<vmem>> -> memref<2048xf32, #tpu.memory_space<vmem>>
      %dma_start3A_341 = tpu.memref_slice %arg4[%mul3A_338] : memref<2097152xf32, #tpu.memory_space<hbm>> -> memref<2048xf32, #tpu.memory_space<hbm>>
      %dma_start3A_342 = tpu.memref_slice %arg4[%mul3A_338] : memref<2097152xf32, #tpu.memory_space<hbm>> -> memref<2048xf32, #tpu.memory_space<hbm>>
      %dma_start3A_343 = arith.constant 2048 : i32
      %dma_start3A_344 = tpu.memref_slice %arg10[%dma_start3A_343] : memref<16384xf32, #tpu.memory_space<vmem>> -> memref<2048xf32, #tpu.memory_space<vmem>>
      tpu.enqueue_dma source(%dma_start3A_344 : memref<2048xf32, #tpu.memory_space<vmem>>) target(%dma_start3A_342 : memref<2048xf32, #tpu.memory_space<hbm>>) target_semaphore(%arg16 : memref<!tpu.dma_semaphore, #tpu.memory_space<semaphore_mem>>)
      %add3A_345 = arith.constant 4096 : i32
      %add3A_346 = arith.addi %add3A_345, %add3A_288 : i32
      %mul3A_347 = arith.constant 128 : i32
      %mul3A_348 = arith.muli %add3A_346, %mul3A_347 : i32
      %dma_start3A_349 = arith.constant 4096 : i32
      %dma_start3A_350 = tpu.memref_slice %arg10[%dma_start3A_349] : memref<16384xf32, #tpu.memory_space<vmem>> -> memref<2048xf32, #tpu.memory_space<vmem>>
      %dma_start3A_351 = tpu.memref_slice %arg4[%mul3A_348] : memref<2097152xf32, #tpu.memory_space<hbm>> -> memref<2048xf32, #tpu.memory_space<hbm>>
      %dma_start3A_352 = tpu.memref_slice %arg4[%mul3A_348] : memref<2097152xf32, #tpu.memory_space<hbm>> -> memref<2048xf32, #tpu.memory_space<hbm>>
      %dma_start3A_353 = arith.constant 4096 : i32
      %dma_start3A_354 = tpu.memref_slice %arg10[%dma_start3A_353] : memref<16384xf32, #tpu.memory_space<vmem>> -> memref<2048xf32, #tpu.memory_space<vmem>>
      tpu.enqueue_dma source(%dma_start3A_354 : memref<2048xf32, #tpu.memory_space<vmem>>) target(%dma_start3A_352 : memref<2048xf32, #tpu.memory_space<hbm>>) target_semaphore(%arg16 : memref<!tpu.dma_semaphore, #tpu.memory_space<semaphore_mem>>)
      %add3A_355 = arith.constant 6144 : i32
      %add3A_356 = arith.addi %add3A_355, %add3A_288 : i32
      %mul3A_357 = arith.constant 128 : i32
      %mul3A_358 = arith.muli %add3A_356, %mul3A_357 : i32
      %dma_start3A_359 = arith.constant 6144 : i32
      %dma_start3A_360 = tpu.memref_slice %arg10[%dma_start3A_359] : memref<16384xf32, #tpu.memory_space<vmem>> -> memref<2048xf32, #tpu.memory_space<vmem>>
      %dma_start3A_361 = tpu.memref_slice %arg4[%mul3A_358] : memref<2097152xf32, #tpu.memory_space<hbm>> -> memref<2048xf32, #tpu.memory_space<hbm>>
      %dma_start3A_362 = tpu.memref_slice %arg4[%mul3A_358] : memref<2097152xf32, #tpu.memory_space<hbm>> -> memref<2048xf32, #tpu.memory_space<hbm>>
      %dma_start3A_363 = arith.constant 6144 : i32
      %dma_start3A_364 = tpu.memref_slice %arg10[%dma_start3A_363] : memref<16384xf32, #tpu.memory_space<vmem>> -> memref<2048xf32, #tpu.memory_space<vmem>>
      tpu.enqueue_dma source(%dma_start3A_364 : memref<2048xf32, #tpu.memory_space<vmem>>) target(%dma_start3A_362 : memref<2048xf32, #tpu.memory_space<hbm>>) target_semaphore(%arg16 : memref<!tpu.dma_semaphore, #tpu.memory_space<semaphore_mem>>)
      %add3A_365 = arith.constant 8192 : i32
      %add3A_366 = arith.addi %add3A_365, %add3A_288 : i32
      %mul3A_367 = arith.constant 128 : i32
      %mul3A_368 = arith.muli %add3A_366, %mul3A_367 : i32
      %dma_start3A_369 = arith.constant 8192 : i32
      %dma_start3A_370 = tpu.memref_slice %arg10[%dma_start3A_369] : memref<16384xf32, #tpu.memory_space<vmem>> -> memref<2048xf32, #tpu.memory_space<vmem>>
      %dma_start3A_371 = tpu.memref_slice %arg4[%mul3A_368] : memref<2097152xf32, #tpu.memory_space<hbm>> -> memref<2048xf32, #tpu.memory_space<hbm>>
      %dma_start3A_372 = tpu.memref_slice %arg4[%mul3A_368] : memref<2097152xf32, #tpu.memory_space<hbm>> -> memref<2048xf32, #tpu.memory_space<hbm>>
      %dma_start3A_373 = arith.constant 8192 : i32
      %dma_start3A_374 = tpu.memref_slice %arg10[%dma_start3A_373] : memref<16384xf32, #tpu.memory_space<vmem>> -> memref<2048xf32, #tpu.memory_space<vmem>>
      tpu.enqueue_dma source(%dma_start3A_374 : memref<2048xf32, #tpu.memory_space<vmem>>) target(%dma_start3A_372 : memref<2048xf32, #tpu.memory_space<hbm>>) target_semaphore(%arg16 : memref<!tpu.dma_semaphore, #tpu.memory_space<semaphore_mem>>)
      %add3A_375 = arith.constant 10240 : i32
      %add3A_376 = arith.addi %add3A_375, %add3A_288 : i32
      %mul3A_377 = arith.constant 128 : i32
      %mul3A_378 = arith.muli %add3A_376, %mul3A_377 : i32
      %dma_start3A_379 = arith.constant 10240 : i32
      %dma_start3A_380 = tpu.memref_slice %arg10[%dma_start3A_379] : memref<16384xf32, #tpu.memory_space<vmem>> -> memref<2048xf32, #tpu.memory_space<vmem>>
      %dma_start3A_381 = tpu.memref_slice %arg4[%mul3A_378] : memref<2097152xf32, #tpu.memory_space<hbm>> -> memref<2048xf32, #tpu.memory_space<hbm>>
      %dma_start3A_382 = tpu.memref_slice %arg4[%mul3A_378] : memref<2097152xf32, #tpu.memory_space<hbm>> -> memref<2048xf32, #tpu.memory_space<hbm>>
      %dma_start3A_383 = arith.constant 10240 : i32
      %dma_start3A_384 = tpu.memref_slice %arg10[%dma_start3A_383] : memref<16384xf32, #tpu.memory_space<vmem>> -> memref<2048xf32, #tpu.memory_space<vmem>>
      tpu.enqueue_dma source(%dma_start3A_384 : memref<2048xf32, #tpu.memory_space<vmem>>) target(%dma_start3A_382 : memref<2048xf32, #tpu.memory_space<hbm>>) target_semaphore(%arg16 : memref<!tpu.dma_semaphore, #tpu.memory_space<semaphore_mem>>)
      %add3A_385 = arith.constant 12288 : i32
      %add3A_386 = arith.addi %add3A_385, %add3A_288 : i32
      %mul3A_387 = arith.constant 128 : i32
      %mul3A_388 = arith.muli %add3A_386, %mul3A_387 : i32
      %dma_start3A_389 = arith.constant 12288 : i32
      %dma_start3A_390 = tpu.memref_slice %arg10[%dma_start3A_389] : memref<16384xf32, #tpu.memory_space<vmem>> -> memref<2048xf32, #tpu.memory_space<vmem>>
      %dma_start3A_391 = tpu.memref_slice %arg4[%mul3A_388] : memref<2097152xf32, #tpu.memory_space<hbm>> -> memref<2048xf32, #tpu.memory_space<hbm>>
      %dma_start3A_392 = tpu.memref_slice %arg4[%mul3A_388] : memref<2097152xf32, #tpu.memory_space<hbm>> -> memref<2048xf32, #tpu.memory_space<hbm>>
      %dma_start3A_393 = arith.constant 12288 : i32
      %dma_start3A_394 = tpu.memref_slice %arg10[%dma_start3A_393] : memref<16384xf32, #tpu.memory_space<vmem>> -> memref<2048xf32, #tpu.memory_space<vmem>>
      tpu.enqueue_dma source(%dma_start3A_394 : memref<2048xf32, #tpu.memory_space<vmem>>) target(%dma_start3A_392 : memref<2048xf32, #tpu.memory_space<hbm>>) target_semaphore(%arg16 : memref<!tpu.dma_semaphore, #tpu.memory_space<semaphore_mem>>)
      %add3A_395 = arith.constant 14336 : i32
      %add3A_396 = arith.addi %add3A_395, %add3A_288 : i32
      %mul3A_397 = arith.constant 128 : i32
      %mul3A_398 = arith.muli %add3A_396, %mul3A_397 : i32
      %dma_start3A_399 = arith.constant 14336 : i32
      %dma_start3A_400 = tpu.memref_slice %arg10[%dma_start3A_399] : memref<16384xf32, #tpu.memory_space<vmem>> -> memref<2048xf32, #tpu.memory_space<vmem>>
      %dma_start3A_401 = tpu.memref_slice %arg4[%mul3A_398] : memref<2097152xf32, #tpu.memory_space<hbm>> -> memref<2048xf32, #tpu.memory_space<hbm>>
      %dma_start3A_402 = tpu.memref_slice %arg4[%mul3A_398] : memref<2097152xf32, #tpu.memory_space<hbm>> -> memref<2048xf32, #tpu.memory_space<hbm>>
      %dma_start3A_403 = arith.constant 14336 : i32
      %dma_start3A_404 = tpu.memref_slice %arg10[%dma_start3A_403] : memref<16384xf32, #tpu.memory_space<vmem>> -> memref<2048xf32, #tpu.memory_space<vmem>>
      tpu.enqueue_dma source(%dma_start3A_404 : memref<2048xf32, #tpu.memory_space<vmem>>) target(%dma_start3A_402 : memref<2048xf32, #tpu.memory_space<hbm>>) target_semaphore(%arg16 : memref<!tpu.dma_semaphore, #tpu.memory_space<semaphore_mem>>)
    }
    %scan3A_33 = arith.constant 2 : i32
    %dma_wait3A = arith.constant 0 : i32
    %dma_wait3A_34 = tpu.memref_slice %arg9[%dma_wait3A] : memref<16384xf32, #tpu.memory_space<vmem>> -> memref<2048xf32, #tpu.memory_space<vmem>>
    %dma_wait3A_35 = arith.constant 0 : i32
    %dma_wait3A_36 = tpu.memref_slice %arg4[%dma_wait3A_35] : memref<2097152xf32, #tpu.memory_space<hbm>> -> memref<2048xf32, #tpu.memory_space<hbm>>
    %dma_wait3A_37 = arith.constant 0 : i32
    %dma_wait3A_38 = tpu.memref_slice %arg4[%dma_wait3A_37] : memref<2097152xf32, #tpu.memory_space<hbm>> -> memref<2048xf32, #tpu.memory_space<hbm>>
    %dma_wait3A_39 = arith.constant 0 : i32
    %dma_wait3A_40 = tpu.memref_slice %arg9[%dma_wait3A_39] : memref<16384xf32, #tpu.memory_space<vmem>> -> memref<2048xf32, #tpu.memory_space<vmem>>
    tpu.wait_dma2 semaphore(%arg15 : memref<!tpu.dma_semaphore, #tpu.memory_space<semaphore_mem>>) src(%dma_wait3A_40 : memref<2048xf32, #tpu.memory_space<vmem>>) dst(%dma_wait3A_38 : memref<2048xf32, #tpu.memory_space<hbm>>)
    %dma_wait3A_41 = arith.constant 0 : i32
    %dma_wait3A_42 = tpu.memref_slice %arg9[%dma_wait3A_41] : memref<16384xf32, #tpu.memory_space<vmem>> -> memref<2048xf32, #tpu.memory_space<vmem>>
    %dma_wait3A_43 = arith.constant 0 : i32
    %dma_wait3A_44 = tpu.memref_slice %arg4[%dma_wait3A_43] : memref<2097152xf32, #tpu.memory_space<hbm>> -> memref<2048xf32, #tpu.memory_space<hbm>>
    %dma_wait3A_45 = arith.constant 0 : i32
    %dma_wait3A_46 = tpu.memref_slice %arg4[%dma_wait3A_45] : memref<2097152xf32, #tpu.memory_space<hbm>> -> memref<2048xf32, #tpu.memory_space<hbm>>
    %dma_wait3A_47 = arith.constant 0 : i32
    %dma_wait3A_48 = tpu.memref_slice %arg9[%dma_wait3A_47] : memref<16384xf32, #tpu.memory_space<vmem>> -> memref<2048xf32, #tpu.memory_space<vmem>>
    tpu.wait_dma2 semaphore(%arg15 : memref<!tpu.dma_semaphore, #tpu.memory_space<semaphore_mem>>) src(%dma_wait3A_48 : memref<2048xf32, #tpu.memory_space<vmem>>) dst(%dma_wait3A_46 : memref<2048xf32, #tpu.memory_space<hbm>>)
    %dma_wait3A_49 = arith.constant 0 : i32
    %dma_wait3A_50 = tpu.memref_slice %arg9[%dma_wait3A_49] : memref<16384xf32, #tpu.memory_space<vmem>> -> memref<2048xf32, #tpu.memory_space<vmem>>
    %dma_wait3A_51 = arith.constant 0 : i32
    %dma_wait3A_52 = tpu.memref_slice %arg4[%dma_wait3A_51] : memref<2097152xf32, #tpu.memory_space<hbm>> -> memref<2048xf32, #tpu.memory_space<hbm>>
    %dma_wait3A_53 = arith.constant 0 : i32
    %dma_wait3A_54 = tpu.memref_slice %arg4[%dma_wait3A_53] : memref<2097152xf32, #tpu.memory_space<hbm>> -> memref<2048xf32, #tpu.memory_space<hbm>>
    %dma_wait3A_55 = arith.constant 0 : i32
    %dma_wait3A_56 = tpu.memref_slice %arg9[%dma_wait3A_55] : memref<16384xf32, #tpu.memory_space<vmem>> -> memref<2048xf32, #tpu.memory_space<vmem>>
    tpu.wait_dma2 semaphore(%arg15 : memref<!tpu.dma_semaphore, #tpu.memory_space<semaphore_mem>>) src(%dma_wait3A_56 : memref<2048xf32, #tpu.memory_space<vmem>>) dst(%dma_wait3A_54 : memref<2048xf32, #tpu.memory_space<hbm>>)
    %dma_wait3A_57 = arith.constant 0 : i32
    %dma_wait3A_58 = tpu.memref_slice %arg9[%dma_wait3A_57] : memref<16384xf32, #tpu.memory_space<vmem>> -> memref<2048xf32, #tpu.memory_space<vmem>>
    %dma_wait3A_59 = arith.constant 0 : i32
    %dma_wait3A_60 = tpu.memref_slice %arg4[%dma_wait3A_59] : memref<2097152xf32, #tpu.memory_space<hbm>> -> memref<2048xf32, #tpu.memory_space<hbm>>
    %dma_wait3A_61 = arith.constant 0 : i32
    %dma_wait3A_62 = tpu.memref_slice %arg4[%dma_wait3A_61] : memref<2097152xf32, #tpu.memory_space<hbm>> -> memref<2048xf32, #tpu.memory_space<hbm>>
    %dma_wait3A_63 = arith.constant 0 : i32
    %dma_wait3A_64 = tpu.memref_slice %arg9[%dma_wait3A_63] : memref<16384xf32, #tpu.memory_space<vmem>> -> memref<2048xf32, #tpu.memory_space<vmem>>
    tpu.wait_dma2 semaphore(%arg15 : memref<!tpu.dma_semaphore, #tpu.memory_space<semaphore_mem>>) src(%dma_wait3A_64 : memref<2048xf32, #tpu.memory_space<vmem>>) dst(%dma_wait3A_62 : memref<2048xf32, #tpu.memory_space<hbm>>)
    %dma_wait3A_65 = arith.constant 0 : i32
    %dma_wait3A_66 = tpu.memref_slice %arg9[%dma_wait3A_65] : memref<16384xf32, #tpu.memory_space<vmem>> -> memref<2048xf32, #tpu.memory_space<vmem>>
    %dma_wait3A_67 = arith.constant 0 : i32
    %dma_wait3A_68 = tpu.memref_slice %arg4[%dma_wait3A_67] : memref<2097152xf32, #tpu.memory_space<hbm>> -> memref<2048xf32, #tpu.memory_space<hbm>>
    %dma_wait3A_69 = arith.constant 0 : i32
    %dma_wait3A_70 = tpu.memref_slice %arg4[%dma_wait3A_69] : memref<2097152xf32, #tpu.memory_space<hbm>> -> memref<2048xf32, #tpu.memory_space<hbm>>
    %dma_wait3A_71 = arith.constant 0 : i32
    %dma_wait3A_72 = tpu.memref_slice %arg9[%dma_wait3A_71] : memref<16384xf32, #tpu.memory_space<vmem>> -> memref<2048xf32, #tpu.memory_space<vmem>>
    tpu.wait_dma2 semaphore(%arg15 : memref<!tpu.dma_semaphore, #tpu.memory_space<semaphore_mem>>) src(%dma_wait3A_72 : memref<2048xf32, #tpu.memory_space<vmem>>) dst(%dma_wait3A_70 : memref<2048xf32, #tpu.memory_space<hbm>>)
    %dma_wait3A_73 = arith.constant 0 : i32
    %dma_wait3A_74 = tpu.memref_slice %arg9[%dma_wait3A_73] : memref<16384xf32, #tpu.memory_space<vmem>> -> memref<2048xf32, #tpu.memory_space<vmem>>
    %dma_wait3A_75 = arith.constant 0 : i32
    %dma_wait3A_76 = tpu.memref_slice %arg4[%dma_wait3A_75] : memref<2097152xf32, #tpu.memory_space<hbm>> -> memref<2048xf32, #tpu.memory_space<hbm>>
    %dma_wait3A_77 = arith.constant 0 : i32
    %dma_wait3A_78 = tpu.memref_slice %arg4[%dma_wait3A_77] : memref<2097152xf32, #tpu.memory_space<hbm>> -> memref<2048xf32, #tpu.memory_space<hbm>>
    %dma_wait3A_79 = arith.constant 0 : i32
    %dma_wait3A_80 = tpu.memref_slice %arg9[%dma_wait3A_79] : memref<16384xf32, #tpu.memory_space<vmem>> -> memref<2048xf32, #tpu.memory_space<vmem>>
    tpu.wait_dma2 semaphore(%arg15 : memref<!tpu.dma_semaphore, #tpu.memory_space<semaphore_mem>>) src(%dma_wait3A_80 : memref<2048xf32, #tpu.memory_space<vmem>>) dst(%dma_wait3A_78 : memref<2048xf32, #tpu.memory_space<hbm>>)
    %dma_wait3A_81 = arith.constant 0 : i32
    %dma_wait3A_82 = tpu.memref_slice %arg9[%dma_wait3A_81] : memref<16384xf32, #tpu.memory_space<vmem>> -> memref<2048xf32, #tpu.memory_space<vmem>>
    %dma_wait3A_83 = arith.constant 0 : i32
    %dma_wait3A_84 = tpu.memref_slice %arg4[%dma_wait3A_83] : memref<2097152xf32, #tpu.memory_space<hbm>> -> memref<2048xf32, #tpu.memory_space<hbm>>
    %dma_wait3A_85 = arith.constant 0 : i32
    %dma_wait3A_86 = tpu.memref_slice %arg4[%dma_wait3A_85] : memref<2097152xf32, #tpu.memory_space<hbm>> -> memref<2048xf32, #tpu.memory_space<hbm>>
    %dma_wait3A_87 = arith.constant 0 : i32
    %dma_wait3A_88 = tpu.memref_slice %arg9[%dma_wait3A_87] : memref<16384xf32, #tpu.memory_space<vmem>> -> memref<2048xf32, #tpu.memory_space<vmem>>
    tpu.wait_dma2 semaphore(%arg15 : memref<!tpu.dma_semaphore, #tpu.memory_space<semaphore_mem>>) src(%dma_wait3A_88 : memref<2048xf32, #tpu.memory_space<vmem>>) dst(%dma_wait3A_86 : memref<2048xf32, #tpu.memory_space<hbm>>)
    %dma_wait3A_89 = arith.constant 0 : i32
    %dma_wait3A_90 = tpu.memref_slice %arg9[%dma_wait3A_89] : memref<16384xf32, #tpu.memory_space<vmem>> -> memref<2048xf32, #tpu.memory_space<vmem>>
    %dma_wait3A_91 = arith.constant 0 : i32
    %dma_wait3A_92 = tpu.memref_slice %arg4[%dma_wait3A_91] : memref<2097152xf32, #tpu.memory_space<hbm>> -> memref<2048xf32, #tpu.memory_space<hbm>>
    %dma_wait3A_93 = arith.constant 0 : i32
    %dma_wait3A_94 = tpu.memref_slice %arg4[%dma_wait3A_93] : memref<2097152xf32, #tpu.memory_space<hbm>> -> memref<2048xf32, #tpu.memory_space<hbm>>
    %dma_wait3A_95 = arith.constant 0 : i32
    %dma_wait3A_96 = tpu.memref_slice %arg9[%dma_wait3A_95] : memref<16384xf32, #tpu.memory_space<vmem>> -> memref<2048xf32, #tpu.memory_space<vmem>>
    tpu.wait_dma2 semaphore(%arg15 : memref<!tpu.dma_semaphore, #tpu.memory_space<semaphore_mem>>) src(%dma_wait3A_96 : memref<2048xf32, #tpu.memory_space<vmem>>) dst(%dma_wait3A_94 : memref<2048xf32, #tpu.memory_space<hbm>>)
    %dma_wait3A_97 = arith.constant 0 : i32
    %dma_wait3A_98 = tpu.memref_slice %arg10[%dma_wait3A_97] : memref<16384xf32, #tpu.memory_space<vmem>> -> memref<2048xf32, #tpu.memory_space<vmem>>
    %dma_wait3A_99 = arith.constant 0 : i32
    %dma_wait3A_100 = tpu.memref_slice %arg4[%dma_wait3A_99] : memref<2097152xf32, #tpu.memory_space<hbm>> -> memref<2048xf32, #tpu.memory_space<hbm>>
    %dma_wait3A_101 = arith.constant 0 : i32
    %dma_wait3A_102 = tpu.memref_slice %arg4[%dma_wait3A_101] : memref<2097152xf32, #tpu.memory_space<hbm>> -> memref<2048xf32, #tpu.memory_space<hbm>>
    %dma_wait3A_103 = arith.constant 0 : i32
    %dma_wait3A_104 = tpu.memref_slice %arg10[%dma_wait3A_103] : memref<16384xf32, #tpu.memory_space<vmem>> -> memref<2048xf32, #tpu.memory_space<vmem>>
    tpu.wait_dma2 semaphore(%arg16 : memref<!tpu.dma_semaphore, #tpu.memory_space<semaphore_mem>>) src(%dma_wait3A_104 : memref<2048xf32, #tpu.memory_space<vmem>>) dst(%dma_wait3A_102 : memref<2048xf32, #tpu.memory_space<hbm>>)
    %dma_wait3A_105 = arith.constant 0 : i32
    %dma_wait3A_106 = tpu.memref_slice %arg10[%dma_wait3A_105] : memref<16384xf32, #tpu.memory_space<vmem>> -> memref<2048xf32, #tpu.memory_space<vmem>>
    %dma_wait3A_107 = arith.constant 0 : i32
    %dma_wait3A_108 = tpu.memref_slice %arg4[%dma_wait3A_107] : memref<2097152xf32, #tpu.memory_space<hbm>> -> memref<2048xf32, #tpu.memory_space<hbm>>
    %dma_wait3A_109 = arith.constant 0 : i32
    %dma_wait3A_110 = tpu.memref_slice %arg4[%dma_wait3A_109] : memref<2097152xf32, #tpu.memory_space<hbm>> -> memref<2048xf32, #tpu.memory_space<hbm>>
    %dma_wait3A_111 = arith.constant 0 : i32
    %dma_wait3A_112 = tpu.memref_slice %arg10[%dma_wait3A_111] : memref<16384xf32, #tpu.memory_space<vmem>> -> memref<2048xf32, #tpu.memory_space<vmem>>
    tpu.wait_dma2 semaphore(%arg16 : memref<!tpu.dma_semaphore, #tpu.memory_space<semaphore_mem>>) src(%dma_wait3A_112 : memref<2048xf32, #tpu.memory_space<vmem>>) dst(%dma_wait3A_110 : memref<2048xf32, #tpu.memory_space<hbm>>)
    %dma_wait3A_113 = arith.constant 0 : i32
    %dma_wait3A_114 = tpu.memref_slice %arg10[%dma_wait3A_113] : memref<16384xf32, #tpu.memory_space<vmem>> -> memref<2048xf32, #tpu.memory_space<vmem>>
    %dma_wait3A_115 = arith.constant 0 : i32
    %dma_wait3A_116 = tpu.memref_slice %arg4[%dma_wait3A_115] : memref<2097152xf32, #tpu.memory_space<hbm>> -> memref<2048xf32, #tpu.memory_space<hbm>>
    %dma_wait3A_117 = arith.constant 0 : i32
    %dma_wait3A_118 = tpu.memref_slice %arg4[%dma_wait3A_117] : memref<2097152xf32, #tpu.memory_space<hbm>> -> memref<2048xf32, #tpu.memory_space<hbm>>
    %dma_wait3A_119 = arith.constant 0 : i32
    %dma_wait3A_120 = tpu.memref_slice %arg10[%dma_wait3A_119] : memref<16384xf32, #tpu.memory_space<vmem>> -> memref<2048xf32, #tpu.memory_space<vmem>>
    tpu.wait_dma2 semaphore(%arg16 : memref<!tpu.dma_semaphore, #tpu.memory_space<semaphore_mem>>) src(%dma_wait3A_120 : memref<2048xf32, #tpu.memory_space<vmem>>) dst(%dma_wait3A_118 : memref<2048xf32, #tpu.memory_space<hbm>>)
    %dma_wait3A_121 = arith.constant 0 : i32
    %dma_wait3A_122 = tpu.memref_slice %arg10[%dma_wait3A_121] : memref<16384xf32, #tpu.memory_space<vmem>> -> memref<2048xf32, #tpu.memory_space<vmem>>
    %dma_wait3A_123 = arith.constant 0 : i32
    %dma_wait3A_124 = tpu.memref_slice %arg4[%dma_wait3A_123] : memref<2097152xf32, #tpu.memory_space<hbm>> -> memref<2048xf32, #tpu.memory_space<hbm>>
    %dma_wait3A_125 = arith.constant 0 : i32
    %dma_wait3A_126 = tpu.memref_slice %arg4[%dma_wait3A_125] : memref<2097152xf32, #tpu.memory_space<hbm>> -> memref<2048xf32, #tpu.memory_space<hbm>>
    %dma_wait3A_127 = arith.constant 0 : i32
    %dma_wait3A_128 = tpu.memref_slice %arg10[%dma_wait3A_127] : memref<16384xf32, #tpu.memory_space<vmem>> -> memref<2048xf32, #tpu.memory_space<vmem>>
    tpu.wait_dma2 semaphore(%arg16 : memref<!tpu.dma_semaphore, #tpu.memory_space<semaphore_mem>>) src(%dma_wait3A_128 : memref<2048xf32, #tpu.memory_space<vmem>>) dst(%dma_wait3A_126 : memref<2048xf32, #tpu.memory_space<hbm>>)
    %dma_wait3A_129 = arith.constant 0 : i32
    %dma_wait3A_130 = tpu.memref_slice %arg10[%dma_wait3A_129] : memref<16384xf32, #tpu.memory_space<vmem>> -> memref<2048xf32, #tpu.memory_space<vmem>>
    %dma_wait3A_131 = arith.constant 0 : i32
    %dma_wait3A_132 = tpu.memref_slice %arg4[%dma_wait3A_131] : memref<2097152xf32, #tpu.memory_space<hbm>> -> memref<2048xf32, #tpu.memory_space<hbm>>
    %dma_wait3A_133 = arith.constant 0 : i32
    %dma_wait3A_134 = tpu.memref_slice %arg4[%dma_wait3A_133] : memref<2097152xf32, #tpu.memory_space<hbm>> -> memref<2048xf32, #tpu.memory_space<hbm>>
    %dma_wait3A_135 = arith.constant 0 : i32
    %dma_wait3A_136 = tpu.memref_slice %arg10[%dma_wait3A_135] : memref<16384xf32, #tpu.memory_space<vmem>> -> memref<2048xf32, #tpu.memory_space<vmem>>
    tpu.wait_dma2 semaphore(%arg16 : memref<!tpu.dma_semaphore, #tpu.memory_space<semaphore_mem>>) src(%dma_wait3A_136 : memref<2048xf32, #tpu.memory_space<vmem>>) dst(%dma_wait3A_134 : memref<2048xf32, #tpu.memory_space<hbm>>)
    %dma_wait3A_137 = arith.constant 0 : i32
    %dma_wait3A_138 = tpu.memref_slice %arg10[%dma_wait3A_137] : memref<16384xf32, #tpu.memory_space<vmem>> -> memref<2048xf32, #tpu.memory_space<vmem>>
    %dma_wait3A_139 = arith.constant 0 : i32
    %dma_wait3A_140 = tpu.memref_slice %arg4[%dma_wait3A_139] : memref<2097152xf32, #tpu.memory_space<hbm>> -> memref<2048xf32, #tpu.memory_space<hbm>>
    %dma_wait3A_141 = arith.constant 0 : i32
    %dma_wait3A_142 = tpu.memref_slice %arg4[%dma_wait3A_141] : memref<2097152xf32, #tpu.memory_space<hbm>> -> memref<2048xf32, #tpu.memory_space<hbm>>
    %dma_wait3A_143 = arith.constant 0 : i32
    %dma_wait3A_144 = tpu.memref_slice %arg10[%dma_wait3A_143] : memref<16384xf32, #tpu.memory_space<vmem>> -> memref<2048xf32, #tpu.memory_space<vmem>>
    tpu.wait_dma2 semaphore(%arg16 : memref<!tpu.dma_semaphore, #tpu.memory_space<semaphore_mem>>) src(%dma_wait3A_144 : memref<2048xf32, #tpu.memory_space<vmem>>) dst(%dma_wait3A_142 : memref<2048xf32, #tpu.memory_space<hbm>>)
    %dma_wait3A_145 = arith.constant 0 : i32
    %dma_wait3A_146 = tpu.memref_slice %arg10[%dma_wait3A_145] : memref<16384xf32, #tpu.memory_space<vmem>> -> memref<2048xf32, #tpu.memory_space<vmem>>
    %dma_wait3A_147 = arith.constant 0 : i32
    %dma_wait3A_148 = tpu.memref_slice %arg4[%dma_wait3A_147] : memref<2097152xf32, #tpu.memory_space<hbm>> -> memref<2048xf32, #tpu.memory_space<hbm>>
    %dma_wait3A_149 = arith.constant 0 : i32
    %dma_wait3A_150 = tpu.memref_slice %arg4[%dma_wait3A_149] : memref<2097152xf32, #tpu.memory_space<hbm>> -> memref<2048xf32, #tpu.memory_space<hbm>>
    %dma_wait3A_151 = arith.constant 0 : i32
    %dma_wait3A_152 = tpu.memref_slice %arg10[%dma_wait3A_151] : memref<16384xf32, #tpu.memory_space<vmem>> -> memref<2048xf32, #tpu.memory_space<vmem>>
    tpu.wait_dma2 semaphore(%arg16 : memref<!tpu.dma_semaphore, #tpu.memory_space<semaphore_mem>>) src(%dma_wait3A_152 : memref<2048xf32, #tpu.memory_space<vmem>>) dst(%dma_wait3A_150 : memref<2048xf32, #tpu.memory_space<hbm>>)
    %dma_wait3A_153 = arith.constant 0 : i32
    %dma_wait3A_154 = tpu.memref_slice %arg10[%dma_wait3A_153] : memref<16384xf32, #tpu.memory_space<vmem>> -> memref<2048xf32, #tpu.memory_space<vmem>>
    %dma_wait3A_155 = arith.constant 0 : i32
    %dma_wait3A_156 = tpu.memref_slice %arg4[%dma_wait3A_155] : memref<2097152xf32, #tpu.memory_space<hbm>> -> memref<2048xf32, #tpu.memory_space<hbm>>
    %dma_wait3A_157 = arith.constant 0 : i32
    %dma_wait3A_158 = tpu.memref_slice %arg4[%dma_wait3A_157] : memref<2097152xf32, #tpu.memory_space<hbm>> -> memref<2048xf32, #tpu.memory_space<hbm>>
    %dma_wait3A_159 = arith.constant 0 : i32
    %dma_wait3A_160 = tpu.memref_slice %arg10[%dma_wait3A_159] : memref<16384xf32, #tpu.memory_space<vmem>> -> memref<2048xf32, #tpu.memory_space<vmem>>
    tpu.wait_dma2 semaphore(%arg16 : memref<!tpu.dma_semaphore, #tpu.memory_space<semaphore_mem>>) src(%dma_wait3A_160 : memref<2048xf32, #tpu.memory_space<vmem>>) dst(%dma_wait3A_158 : memref<2048xf32, #tpu.memory_space<hbm>>)
    return
  }
}

module attributes {stable_mosaic.version = 14 : i64} {
  func.func @body(%arg0: i32, %arg1: i32, %arg2: memref<1x2048x128xf32, #tpu.memory_space<vmem>>, %arg3: memref<128x128xbf16, #tpu.memory_space<vmem>>, %arg4: memref<128x128xbf16, #tpu.memory_space<vmem>>, %arg5: memref<32x256xbf16, #tpu.memory_space<vmem>>, %arg6: memref<1x256xf32, #tpu.memory_space<vmem>>, %arg7: memref<256x256xbf16, #tpu.memory_space<vmem>>, %arg8: memref<1x256xf32, #tpu.memory_space<vmem>>, %arg9: memref<256x64xbf16, #tpu.memory_space<vmem>>, %arg10: memref<1x64xf32, #tpu.memory_space<vmem>>, %arg11: memref<32x256xbf16, #tpu.memory_space<vmem>>, %arg12: memref<1x256xf32, #tpu.memory_space<vmem>>, %arg13: memref<256x256xbf16, #tpu.memory_space<vmem>>, %arg14: memref<1x256xf32, #tpu.memory_space<vmem>>, %arg15: memref<256x64xbf16, #tpu.memory_space<vmem>>, %arg16: memref<1x64xf32, #tpu.memory_space<vmem>>, %arg17: memref<2048xf32, #tpu.memory_space<vmem>>, %arg18: memref<2048x128xf32, #tpu.memory_space<vmem>>) attributes {dimension_semantics = [#tpu.dimension_semantics<arbitrary>, #tpu.dimension_semantics<arbitrary>], iteration_bounds = array<i64: 1, 8>, scalar_prefetch = 0 : i64, scratch_operands = 1 : i64, tpu.core_type = #tpu.core_type<tc>, window_params = [{transform_indices = @transform_0, window_bounds = array<i64: 1, 2048, 128>}, {transform_indices = @transform_1, window_bounds = array<i64: 128, 128>}, {transform_indices = @transform_2, window_bounds = array<i64: 128, 128>}, {pipeline_mode = #tpu.pipeline_mode<synchronous>, transform_indices = @transform_3, window_bounds = array<i64: 32, 256>}, {pipeline_mode = #tpu.pipeline_mode<synchronous>, transform_indices = @transform_4, window_bounds = array<i64: 1, 256>}, {pipeline_mode = #tpu.pipeline_mode<synchronous>, transform_indices = @transform_5, window_bounds = array<i64: 256, 256>}, {pipeline_mode = #tpu.pipeline_mode<synchronous>, transform_indices = @transform_6, window_bounds = array<i64: 1, 256>}, {pipeline_mode = #tpu.pipeline_mode<synchronous>, transform_indices = @transform_7, window_bounds = array<i64: 256, 64>}, {pipeline_mode = #tpu.pipeline_mode<synchronous>, transform_indices = @transform_8, window_bounds = array<i64: 1, 64>}, {pipeline_mode = #tpu.pipeline_mode<synchronous>, transform_indices = @transform_9, window_bounds = array<i64: 32, 256>}, {pipeline_mode = #tpu.pipeline_mode<synchronous>, transform_indices = @transform_10, window_bounds = array<i64: 1, 256>}, {pipeline_mode = #tpu.pipeline_mode<synchronous>, transform_indices = @transform_11, window_bounds = array<i64: 256, 256>}, {pipeline_mode = #tpu.pipeline_mode<synchronous>, transform_indices = @transform_12, window_bounds = array<i64: 1, 256>}, {pipeline_mode = #tpu.pipeline_mode<synchronous>, transform_indices = @transform_13, window_bounds = array<i64: 256, 64>}, {pipeline_mode = #tpu.pipeline_mode<synchronous>, transform_indices = @transform_14, window_bounds = array<i64: 1, 64>}, {transform_indices = @transform_15, window_bounds = array<i64: 2048>}]} {
    %get3A = arith.constant 0 : index
    %get3A_0 = arith.constant 0 : index
    %get3A_1 = arith.constant 0 : index
    %get3A_2 = vector.load %arg2[%get3A, %get3A_0, %get3A_1] : memref<1x2048x128xf32, #tpu.memory_space<vmem>>, vector<1x2048x128xf32>
    %get3A_3 = vector.shape_cast %get3A_2 : vector<1x2048x128xf32> to vector<2048x128xf32>
    %mul3A = arith.constant 2.44140625E-4 : f32
    %mul3A_4 = vector.broadcast %mul3A : f32 to vector<2048x128xf32>
    %mul3A_5 = arith.mulf %get3A_3, %mul3A_4 : vector<2048x128xf32>
    %floor3A = math.floor %mul3A_5 : vector<2048x128xf32>
    %mul3A_6 = arith.constant 4.096000e+03 : f32
    %mul3A_7 = vector.broadcast %mul3A_6 : f32 to vector<2048x128xf32>
    %mul3A_8 = arith.mulf %floor3A, %mul3A_7 : vector<2048x128xf32>
    %sub3A = arith.subf %get3A_3, %mul3A_8 : vector<2048x128xf32>
    %convert_element_type3A = arith.truncf %sub3A : vector<2048x128xf32> to vector<2048x128xbf16>
    %get3A_9 = arith.constant 0 : index
    %get3A_10 = arith.constant 0 : index
    %get3A_11 = vector.load %arg3[%get3A_9, %get3A_10] : memref<128x128xbf16, #tpu.memory_space<vmem>>, vector<128x128xbf16>
    %dot_general3A = arith.constant dense<0.000000e+00> : vector<2048x128xf32>
    %dot_general3A_12 = tpu.matmul %convert_element_type3A, %get3A_11, %dot_general3A {dimension_numbers = #tpu.dot_dimension_numbers<[1], [0], [0], [1], [0, 0, 1, 1], [], []>, transpose_lhs_hint = false} : vector<2048x128xbf16>, vector<128x128xbf16>, vector<2048x128xf32> -> vector<2048x128xf32>
    %convert_element_type3A_13 = arith.truncf %floor3A : vector<2048x128xf32> to vector<2048x128xbf16>
    %get3A_14 = arith.constant 0 : index
    %get3A_15 = arith.constant 0 : index
    %get3A_16 = vector.load %arg4[%get3A_14, %get3A_15] : memref<128x128xbf16, #tpu.memory_space<vmem>>, vector<128x128xbf16>
    %dot_general3A_17 = arith.constant dense<0.000000e+00> : vector<2048x128xf32>
    %dot_general3A_18 = tpu.matmul %convert_element_type3A_13, %get3A_16, %dot_general3A_17 {dimension_numbers = #tpu.dot_dimension_numbers<[1], [0], [0], [1], [0, 0, 1, 1], [], []>, transpose_lhs_hint = false} : vector<2048x128xbf16>, vector<128x128xbf16>, vector<2048x128xf32> -> vector<2048x128xf32>
    %add3A = arith.addf %dot_general3A_12, %dot_general3A_18 : vector<2048x128xf32>
    %eq3A = arith.constant 0 : i32
    %eq3A_19 = arith.cmpi eq, %arg1, %eq3A : i32
    %convert_element_type3A_20 = arith.extui %eq3A_19 : i1 to i32
    %cond3A = arith.constant 0 : i32
    %cond3A_21 = arith.cmpi ne, %convert_element_type3A_20, %cond3A : i32
    scf.if %cond3A_21 {
      %swap3A = arith.constant 0 : index
      %swap3A_31 = arith.constant 0 : index
      %swap3A_32 = vector.load %arg18[%swap3A, %swap3A_31] : memref<2048x128xf32, #tpu.memory_space<vmem>>, vector<2048x128xf32>
      tpu.vector_store %arg18[%swap3A, %swap3A_31], %add3A {strides = array<i32>} : memref<2048x128xf32, #tpu.memory_space<vmem>>, vector<2048x128xf32>,
    } else {
    }
    %gt3A = arith.constant 0 : i32
    %gt3A_22 = arith.cmpi sgt, %arg1, %gt3A : i32
    %convert_element_type3A_23 = arith.extui %gt3A_22 : i1 to i32
    %cond3A_24 = arith.constant 0 : i32
    %cond3A_25 = arith.cmpi ne, %convert_element_type3A_23, %cond3A_24 : i32
    scf.if %cond3A_25 {
      %get3A_31 = arith.constant 0 : index
      %get3A_32 = arith.constant 0 : index
      %get3A_33 = vector.load %arg18[%get3A_31, %get3A_32] : memref<2048x128xf32, #tpu.memory_space<vmem>>, vector<2048x128xf32>
      %add3A_34 = arith.addf %get3A_33, %add3A : vector<2048x128xf32>
      %swap3A = arith.constant 0 : index
      %swap3A_35 = arith.constant 0 : index
      %swap3A_36 = vector.load %arg18[%swap3A, %swap3A_35] : memref<2048x128xf32, #tpu.memory_space<vmem>>, vector<2048x128xf32>
      tpu.vector_store %arg18[%swap3A, %swap3A_35], %add3A_34 {strides = array<i32>} : memref<2048x128xf32, #tpu.memory_space<vmem>>, vector<2048x128xf32>,
    } else {
    }
    %eq3A_26 = arith.constant 7 : i32
    %eq3A_27 = arith.cmpi eq, %arg1, %eq3A_26 : i32
    %convert_element_type3A_28 = arith.extui %eq3A_27 : i1 to i32
    %cond3A_29 = arith.constant 0 : i32
    %cond3A_30 = arith.cmpi ne, %convert_element_type3A_28, %cond3A_29 : i32
    scf.if %cond3A_30 {
      %get3A_31 = arith.constant 0 : index
      %get3A_32 = arith.constant 0 : index
      %get3A_33 = vector.load %arg18[%get3A_31, %get3A_32] : memref<2048x128xf32, #tpu.memory_space<vmem>>, vector<2048x128xf32>
      %slice3A = vector.extract_strided_slice %get3A_33 {offsets = [0, 0], sizes = [2048, 32], strides = [1, 1]} : vector<2048x128xf32> to vector<2048x32xf32>
      %slice3A_34 = vector.extract_strided_slice %get3A_33 {offsets = [0, 32], sizes = [2048, 1], strides = [1, 1]} : vector<2048x128xf32> to vector<2048x1xf32>
      %max3A = arith.constant 1.000000e+00 : f32
      %max3A_35 = vector.broadcast %max3A : f32 to vector<2048x1xf32>
      %max3A_36 = arith.maximumf %slice3A_34, %max3A_35 : vector<2048x1xf32>
      %div3A = vector.broadcast %max3A_36 : vector<2048x1xf32> to vector<2048x32xf32>
      %div3A_37 = arith.divf %slice3A, %div3A : vector<2048x32xf32>
      %convert_element_type3A_38 = arith.truncf %div3A_37 : vector<2048x32xf32> to vector<2048x32xbf16>
      %slice3A_39 = vector.extract_strided_slice %get3A_33 {offsets = [0, 64], sizes = [2048, 32], strides = [1, 1]} : vector<2048x128xf32> to vector<2048x32xf32>
      %slice3A_40 = vector.extract_strided_slice %get3A_33 {offsets = [0, 96], sizes = [2048, 1], strides = [1, 1]} : vector<2048x128xf32> to vector<2048x1xf32>
      %max3A_41 = arith.constant 1.000000e+00 : f32
      %max3A_42 = vector.broadcast %max3A_41 : f32 to vector<2048x1xf32>
      %max3A_43 = arith.maximumf %slice3A_40, %max3A_42 : vector<2048x1xf32>
      %div3A_44 = vector.broadcast %max3A_43 : vector<2048x1xf32> to vector<2048x32xf32>
      %div3A_45 = arith.divf %slice3A_39, %div3A_44 : vector<2048x32xf32>
      %convert_element_type3A_46 = arith.truncf %div3A_45 : vector<2048x32xf32> to vector<2048x32xbf16>
      %get3A_47 = arith.constant 0 : index
      %get3A_48 = arith.constant 0 : index
      %get3A_49 = vector.load %arg5[%get3A_47, %get3A_48] : memref<32x256xbf16, #tpu.memory_space<vmem>>, vector<32x256xbf16>
      %dot_general3A_50 = arith.constant dense<0.000000e+00> : vector<2048x256xf32>
      %dot_general3A_51 = tpu.matmul %convert_element_type3A_38, %get3A_49, %dot_general3A_50 {dimension_numbers = #tpu.dot_dimension_numbers<[1], [0], [0], [1], [0, 0, 1, 1], [], []>, transpose_lhs_hint = false} : vector<2048x32xbf16>, vector<32x256xbf16>, vector<2048x256xf32> -> vector<2048x256xf32>
      %get3A_52 = arith.constant 0 : index
      %get3A_53 = arith.constant 0 : index
      %get3A_54 = vector.load %arg6[%get3A_52, %get3A_53] : memref<1x256xf32, #tpu.memory_space<vmem>>, vector<1x256xf32>
      %add3A_55 = vector.broadcast %get3A_54 : vector<1x256xf32> to vector<2048x256xf32>
      %add3A_56 = arith.addf %dot_general3A_51, %add3A_55 : vector<2048x256xf32>
      %max3A_57 = arith.constant 0.000000e+00 : f32
      %max3A_58 = vector.broadcast %max3A_57 : f32 to vector<2048x256xf32>
      %max3A_59 = arith.maximumf %add3A_56, %max3A_58 : vector<2048x256xf32>
      %convert_element_type3A_60 = arith.truncf %max3A_59 : vector<2048x256xf32> to vector<2048x256xbf16>
      %get3A_61 = arith.constant 0 : index
      %get3A_62 = arith.constant 0 : index
      %get3A_63 = vector.load %arg7[%get3A_61, %get3A_62] : memref<256x256xbf16, #tpu.memory_space<vmem>>, vector<256x256xbf16>
      %dot_general3A_64 = arith.constant dense<0.000000e+00> : vector<2048x256xf32>
      %dot_general3A_65 = tpu.matmul %convert_element_type3A_60, %get3A_63, %dot_general3A_64 {dimension_numbers = #tpu.dot_dimension_numbers<[1], [0], [0], [1], [0, 0, 1, 1], [], []>, transpose_lhs_hint = false} : vector<2048x256xbf16>, vector<256x256xbf16>, vector<2048x256xf32> -> vector<2048x256xf32>
      %get3A_66 = arith.constant 0 : index
      %get3A_67 = arith.constant 0 : index
      %get3A_68 = vector.load %arg8[%get3A_66, %get3A_67] : memref<1x256xf32, #tpu.memory_space<vmem>>, vector<1x256xf32>
      %add3A_69 = vector.broadcast %get3A_68 : vector<1x256xf32> to vector<2048x256xf32>
      %add3A_70 = arith.addf %dot_general3A_65, %add3A_69 : vector<2048x256xf32>
      %max3A_71 = arith.constant 0.000000e+00 : f32
      %max3A_72 = vector.broadcast %max3A_71 : f32 to vector<2048x256xf32>
      %max3A_73 = arith.maximumf %add3A_70, %max3A_72 : vector<2048x256xf32>
      %convert_element_type3A_74 = arith.truncf %max3A_73 : vector<2048x256xf32> to vector<2048x256xbf16>
      %get3A_75 = arith.constant 0 : index
      %get3A_76 = arith.constant 0 : index
      %get3A_77 = vector.load %arg9[%get3A_75, %get3A_76] : memref<256x64xbf16, #tpu.memory_space<vmem>>, vector<256x64xbf16>
      %dot_general3A_78 = arith.constant dense<0.000000e+00> : vector<2048x64xf32>
      %dot_general3A_79 = tpu.matmul %convert_element_type3A_74, %get3A_77, %dot_general3A_78 {dimension_numbers = #tpu.dot_dimension_numbers<[1], [0], [0], [1], [0, 0, 1, 1], [], []>, transpose_lhs_hint = false} : vector<2048x256xbf16>, vector<256x64xbf16>, vector<2048x64xf32> -> vector<2048x64xf32>
      %get3A_80 = arith.constant 0 : index
      %get3A_81 = arith.constant 0 : index
      %get3A_82 = vector.load %arg10[%get3A_80, %get3A_81] : memref<1x64xf32, #tpu.memory_space<vmem>>, vector<1x64xf32>
      %add3A_83 = vector.broadcast %get3A_82 : vector<1x64xf32> to vector<2048x64xf32>
      %add3A_84 = arith.addf %dot_general3A_79, %add3A_83 : vector<2048x64xf32>
      %get3A_85 = arith.constant 0 : index
      %get3A_86 = arith.constant 0 : index
      %get3A_87 = vector.load %arg11[%get3A_85, %get3A_86] : memref<32x256xbf16, #tpu.memory_space<vmem>>, vector<32x256xbf16>
      %dot_general3A_88 = arith.constant dense<0.000000e+00> : vector<2048x256xf32>
      %dot_general3A_89 = tpu.matmul %convert_element_type3A_46, %get3A_87, %dot_general3A_88 {dimension_numbers = #tpu.dot_dimension_numbers<[1], [0], [0], [1], [0, 0, 1, 1], [], []>, transpose_lhs_hint = false} : vector<2048x32xbf16>, vector<32x256xbf16>, vector<2048x256xf32> -> vector<2048x256xf32>
      %get3A_90 = arith.constant 0 : index
      %get3A_91 = arith.constant 0 : index
      %get3A_92 = vector.load %arg12[%get3A_90, %get3A_91] : memref<1x256xf32, #tpu.memory_space<vmem>>, vector<1x256xf32>
      %add3A_93 = vector.broadcast %get3A_92 : vector<1x256xf32> to vector<2048x256xf32>
      %add3A_94 = arith.addf %dot_general3A_89, %add3A_93 : vector<2048x256xf32>
      %max3A_95 = arith.constant 0.000000e+00 : f32
      %max3A_96 = vector.broadcast %max3A_95 : f32 to vector<2048x256xf32>
      %max3A_97 = arith.maximumf %add3A_94, %max3A_96 : vector<2048x256xf32>
      %convert_element_type3A_98 = arith.truncf %max3A_97 : vector<2048x256xf32> to vector<2048x256xbf16>
      %get3A_99 = arith.constant 0 : index
      %get3A_100 = arith.constant 0 : index
      %get3A_101 = vector.load %arg13[%get3A_99, %get3A_100] : memref<256x256xbf16, #tpu.memory_space<vmem>>, vector<256x256xbf16>
      %dot_general3A_102 = arith.constant dense<0.000000e+00> : vector<2048x256xf32>
      %dot_general3A_103 = tpu.matmul %convert_element_type3A_98, %get3A_101, %dot_general3A_102 {dimension_numbers = #tpu.dot_dimension_numbers<[1], [0], [0], [1], [0, 0, 1, 1], [], []>, transpose_lhs_hint = false} : vector<2048x256xbf16>, vector<256x256xbf16>, vector<2048x256xf32> -> vector<2048x256xf32>
      %get3A_104 = arith.constant 0 : index
      %get3A_105 = arith.constant 0 : index
      %get3A_106 = vector.load %arg14[%get3A_104, %get3A_105] : memref<1x256xf32, #tpu.memory_space<vmem>>, vector<1x256xf32>
      %add3A_107 = vector.broadcast %get3A_106 : vector<1x256xf32> to vector<2048x256xf32>
      %add3A_108 = arith.addf %dot_general3A_103, %add3A_107 : vector<2048x256xf32>
      %max3A_109 = arith.constant 0.000000e+00 : f32
      %max3A_110 = vector.broadcast %max3A_109 : f32 to vector<2048x256xf32>
      %max3A_111 = arith.maximumf %add3A_108, %max3A_110 : vector<2048x256xf32>
      %convert_element_type3A_112 = arith.truncf %max3A_111 : vector<2048x256xf32> to vector<2048x256xbf16>
      %get3A_113 = arith.constant 0 : index
      %get3A_114 = arith.constant 0 : index
      %get3A_115 = vector.load %arg15[%get3A_113, %get3A_114] : memref<256x64xbf16, #tpu.memory_space<vmem>>, vector<256x64xbf16>
      %dot_general3A_116 = arith.constant dense<0.000000e+00> : vector<2048x64xf32>
      %dot_general3A_117 = tpu.matmul %convert_element_type3A_112, %get3A_115, %dot_general3A_116 {dimension_numbers = #tpu.dot_dimension_numbers<[1], [0], [0], [1], [0, 0, 1, 1], [], []>, transpose_lhs_hint = false} : vector<2048x256xbf16>, vector<256x64xbf16>, vector<2048x64xf32> -> vector<2048x64xf32>
      %get3A_118 = arith.constant 0 : index
      %get3A_119 = arith.constant 0 : index
      %get3A_120 = vector.load %arg16[%get3A_118, %get3A_119] : memref<1x64xf32, #tpu.memory_space<vmem>>, vector<1x64xf32>
      %add3A_121 = vector.broadcast %get3A_120 : vector<1x64xf32> to vector<2048x64xf32>
      %add3A_122 = arith.addf %dot_general3A_117, %add3A_121 : vector<2048x64xf32>
      %mul3A_123 = arith.mulf %add3A_84, %add3A_122 : vector<2048x64xf32>
      %reduce_sum3A = arith.constant dense<0.000000e+00> : vector<2048xf32>
      %reduce_sum3A_124 = vector.multi_reduction <add>, %mul3A_123, %reduce_sum3A [1] : vector<2048x64xf32> to vector<2048xf32>
      %logistic3A = arith.negf %reduce_sum3A_124 : vector<2048xf32>
      %logistic3A_125 = math.exp %logistic3A : vector<2048xf32>
      %logistic3A_126 = arith.constant 1.000000e+00 : f32
      %logistic3A_127 = vector.broadcast %logistic3A_126 : f32 to vector<2048xf32>
      %logistic3A_128 = arith.addf %logistic3A_127, %logistic3A_125 : vector<2048xf32>
      %logistic3A_129 = arith.divf %logistic3A_127, %logistic3A_128 : vector<2048xf32>
      %swap3A = arith.constant 0 : index
      %swap3A_130 = vector.load %arg17[%swap3A] : memref<2048xf32, #tpu.memory_space<vmem>>, vector<2048xf32>
      tpu.vector_store %arg17[%swap3A], %logistic3A_129 {strides = array<i32>} : memref<2048xf32, #tpu.memory_space<vmem>>, vector<2048xf32>,
    } else {
    }
    return
  }
  func.func @transform_0(%arg0: i32, %arg1: i32) -> (i32, i32, i32) {
    %c0_i32 = arith.constant 0 : i32
    %c0_i32_0 = arith.constant 0 : i32
    return %arg1, %arg0, %c0_i32 : i32, i32, i32
  }
  func.func @transform_1(%arg0: i32, %arg1: i32) -> (i32, i32) {
    %c0_i32 = arith.constant 0 : i32
    %c0_i32_0 = arith.constant 0 : i32
    return %arg1, %c0_i32 : i32, i32
  }
  func.func @transform_2(%arg0: i32, %arg1: i32) -> (i32, i32) {
    %c0_i32 = arith.constant 0 : i32
    %c0_i32_0 = arith.constant 0 : i32
    return %arg1, %c0_i32 : i32, i32
  }
  func.func @transform_3(%arg0: i32, %arg1: i32) -> (i32, i32) {
    %c0_i32 = arith.constant 0 : i32
    %c0_i32_0 = arith.constant 0 : i32
    %c0_i32_1 = arith.constant 0 : i32
    return %c0_i32, %c0_i32_0 : i32, i32
  }
  func.func @transform_4(%arg0: i32, %arg1: i32) -> (i32, i32) {
    %c0_i32 = arith.constant 0 : i32
    %c0_i32_0 = arith.constant 0 : i32
    %c0_i32_1 = arith.constant 0 : i32
    return %c0_i32, %c0_i32_0 : i32, i32
  }
  func.func @transform_5(%arg0: i32, %arg1: i32) -> (i32, i32) {
    %c0_i32 = arith.constant 0 : i32
    %c0_i32_0 = arith.constant 0 : i32
    %c0_i32_1 = arith.constant 0 : i32
    return %c0_i32, %c0_i32_0 : i32, i32
  }
  func.func @transform_6(%arg0: i32, %arg1: i32) -> (i32, i32) {
    %c0_i32 = arith.constant 0 : i32
    %c0_i32_0 = arith.constant 0 : i32
    %c0_i32_1 = arith.constant 0 : i32
    return %c0_i32, %c0_i32_0 : i32, i32
  }
  func.func @transform_7(%arg0: i32, %arg1: i32) -> (i32, i32) {
    %c0_i32 = arith.constant 0 : i32
    %c0_i32_0 = arith.constant 0 : i32
    %c0_i32_1 = arith.constant 0 : i32
    return %c0_i32, %c0_i32_0 : i32, i32
  }
  func.func @transform_8(%arg0: i32, %arg1: i32) -> (i32, i32) {
    %c0_i32 = arith.constant 0 : i32
    %c0_i32_0 = arith.constant 0 : i32
    %c0_i32_1 = arith.constant 0 : i32
    return %c0_i32, %c0_i32_0 : i32, i32
  }
  func.func @transform_9(%arg0: i32, %arg1: i32) -> (i32, i32) {
    %c0_i32 = arith.constant 0 : i32
    %c0_i32_0 = arith.constant 0 : i32
    %c0_i32_1 = arith.constant 0 : i32
    return %c0_i32, %c0_i32_0 : i32, i32
  }
  func.func @transform_10(%arg0: i32, %arg1: i32) -> (i32, i32) {
    %c0_i32 = arith.constant 0 : i32
    %c0_i32_0 = arith.constant 0 : i32
    %c0_i32_1 = arith.constant 0 : i32
    return %c0_i32, %c0_i32_0 : i32, i32
  }
  func.func @transform_11(%arg0: i32, %arg1: i32) -> (i32, i32) {
    %c0_i32 = arith.constant 0 : i32
    %c0_i32_0 = arith.constant 0 : i32
    %c0_i32_1 = arith.constant 0 : i32
    return %c0_i32, %c0_i32_0 : i32, i32
  }
  func.func @transform_12(%arg0: i32, %arg1: i32) -> (i32, i32) {
    %c0_i32 = arith.constant 0 : i32
    %c0_i32_0 = arith.constant 0 : i32
    %c0_i32_1 = arith.constant 0 : i32
    return %c0_i32, %c0_i32_0 : i32, i32
  }
  func.func @transform_13(%arg0: i32, %arg1: i32) -> (i32, i32) {
    %c0_i32 = arith.constant 0 : i32
    %c0_i32_0 = arith.constant 0 : i32
    %c0_i32_1 = arith.constant 0 : i32
    return %c0_i32, %c0_i32_0 : i32, i32
  }
  func.func @transform_14(%arg0: i32, %arg1: i32) -> (i32, i32) {
    %c0_i32 = arith.constant 0 : i32
    %c0_i32_0 = arith.constant 0 : i32
    %c0_i32_1 = arith.constant 0 : i32
    return %c0_i32, %c0_i32_0 : i32, i32
  }
  func.func @transform_15(%arg0: i32, %arg1: i32) -> i32 {
    %c0_i32 = arith.constant 0 : i32
    return %arg0 : i32
  }
}

</mosaic_0001>

<sc_bundles>
// kernel: kernel.6.cloned.1.call-start
scs
__scs_entry_jumppad:
0x0: {  	(pc) =	sbr.rel $0x88, $3  }
0x1: {  	(tag) =	ssettag $0x0;
	lr =	simm.s32 $0x1  }
0x2: {  	[smem:$0x3F91] =	sst lr;
	_ =	strace $0xD0000000  }
0x3: {  	_ = 	snop  }
0x4: {  	_ = 	snop  }
0x5: {  	_ = 	snop  }
0x6: {  	_ = 	snop  }
0x7: {  	_ = 	snop  }
__scs_overlays_trampoline_lowered:
0x8: {  	[smem:$0x3FA0] =	sst s0  }
0x9: {  	[smem:$0x3FA1] =	sst s1  }
0xa: {  	[smem:$0x3FA2] =	sst s2  }
0xb: {  	[smem:$0x3FA3] =	sst s3  }
0xc: {  	[smem:$0x3FA4] =	sst s4  }
0xd: {  	[smem:$0x3FA5] =	sst s5  }
0xe: {  	[smem:$0x3FA6] =	sst s6  }
0xf: {  	[smem:$0x3FA7] =	sst s7  }
0x10: {  	[smem:$0x3FA8] =	sst s8  }
0x11: {  	[smem:$0x3FA9] =	sst s9;
	s0 =	simm.s32 @!p0 $0x0  }
0x12: {  	s1 =	sld [smem:$0x3F8F];
	s0 =	simm.s32 @p0 $0x1  }
0x13: {  	[smem:$0x3FAA] =	sst s0;
	s0 =	simm.s32 @!p1 $0x0  }
0x14: {  	s2 =	sld [smem:$0x3F8E];
	s0 =	simm.s32 @p1 $0x1  }
0x15: {  	[smem:$0x3FAB] =	sst s0;
	s0 =	simm.s32 @!p2 $0x0  }
0x16: {  	s3 =	sld [smem:$0x3FDB];
	s0 =	simm.s32 @p2 $0x1  }
0x17: {  	s4 =	simm.s32 $0x1BF5;
	[smem:$0x3FAD] =	sst s0  }
0x18: {  	s0 =	sld [smem:$0x3F90];
	_ =	swait.ge [sflag:s4], $0x0  }
0x19: {  	s7 =	sld [smem:$0x3F91]  }
0x1a: {  	s8 =	sadd.s32 $0xFFFFE003, lr  }
0x1b: {  	s9 =	sadd.s32 $0xFFFFFEF7, lr;
	s5 =	simm.s32 $0xFFFFFFFF;
	p2 =	slt.u32 s8, $0xFFFFF086  }
0x1c: {  	p1 =	slt.u32 s9, $0xF7A;
	s5 =	simm.s32 @!p2 $0x0  }
0x1d: {  	s5 =	simm.s32 @p1 $0x1;
	p0 =	seq.s32 s7, s2  }
0x1e: {  	s7 =	smul.u32 @!p0 $0xF7A, s2;
	p2 =	seq.s32 @!p0 s5, $0x0  }
0x1f: {  	s9 =	smul.u32 $0xF7A, s1;
	s8 =	simm.s32 @!p0 $0x1BF5;
	p2 =	por !p2, p0  }
0x20: {  	[sflag:s8] =	ssyncset.s32 @!p0 $0xFFFFF086;
	s6 =	sadd.s32 @!p0 s3, s7;
	s7 =	simm.s32 @!p0 $0x108  }
0x21: {  	s3 =	sadd.s32 s3, s9;
	s6 =	sadd.s32 @!p0 $0x88, s6;
	s7 =	simm.s32 @p2 $0x1082  }
0x22: {  	[simem:s7], [sflag:s8] =	dma.local @!p0 [hbm:s6], $0xF7A  }
0x23: {  	s9 =	sor.u32 $0xD0000000, s2;
	s6 =	simm.s32 $0x108;
	_ =	swait.ge @!p0 [sflag:s8], $0x0  }
0x24: {  	s3 =	sadd.s32 $0x88, s3;
	s6 =	simm.s32 @!p1 $0x1082;
	[sflag:s4] =	ssyncset.s32 $0xFFFFF086  }
0x25: {  	[simem:s6], [sflag:s4] =	dma.local [hbm:s3], $0xF7A  }
0x26: {  	[smem:$0x3F91] =	sst s1;
	(tag) =	ssettag s2;
	_ =	strace s9  }
0x27: {  	s1 =	sld [smem:$0x3FA1]  }
0x28: {  	s2 =	sld [smem:$0x3FA2]  }
0x29: {  	s4 =	sld [smem:$0x3FA4]  }
0x2a: {  	p0 =	seq.s32 s5, $0x0;
	s5 =	sld [smem:$0x3FA5]  }
0x2b: {  	s6 =	sld [smem:$0x3FA6]  }
0x2c: {  	s7 =	sld [smem:$0x3FA7]  }
0x2d: {  	s3 =	simm.s32 $0x108;
	s8 =	sld [smem:$0x3FA8]  }
0x2e: {  	s3 =	simm.s32 @!p0 $0x1082;
	s9 =	sld [smem:$0x3FA9]  }
0x2f: {  	lr =	sadd.s32 s0, s3;
	s0 =	sld [smem:$0x3FA0]  }
0x30: {  	s3 =	sld [smem:$0x3FA3]  }
0x31: {  	[smem:$0x3FAC] =	sst s10  }
0x32: {  	s10 =	sld [smem:$0x3FAA];
	_ =	sdelay $0x3  }
0x33: {  	p0 =	seq.s32 s10, $0x1;
	s10 =	sld [smem:$0x3FAC];
	_ =	sdelay $0x3  }
0x34: {  	[smem:$0x3FAC] =	sst s10  }
0x35: {  	s10 =	sld [smem:$0x3FAB];
	_ =	sdelay $0x3  }
0x36: {  	p1 =	seq.s32 s10, $0x1;
	s10 =	sld [smem:$0x3FAC];
	_ =	sdelay $0x3  }
0x37: {  	[smem:$0x3FAC] =	sst s10  }
0x38: {  	s10 =	sld [smem:$0x3FAD]  }
0x39: {  	_ = 	snop;
	(pc) =	sbr.ind lr, $3  }
0x3a: {  	_ = 	snop  }
0x3b: {  	_ = 	snop  }
0x3c: {  	p2 =	seq.s32 s10, $0x1;
	s10 =	sld [smem:$0x3FAC]  }
0x3d: {  	_ =	shalt  }
0x3e: {  	_ =	shalt  }
0x3f: {  	_ =	shalt  }
0x40: {  	_ =	shalt  }
0x41: {  	_ =	shalt  }
0x42: {  	_ =	shalt  }
0x43: {  	_ =	shalt  }
0x44: {  	_ =	shalt  }
0x45: {  	_ =	shalt  }
0x46: {  	_ =	shalt  }
0x47: {  	_ =	shalt  }
0x48: {  	_ =	shalt  }
0x49: {  	_ =	shalt  }
0x4a: {  	_ =	shalt  }
0x4b: {  	_ =	shalt  }
0x4c: {  	_ =	shalt  }
0x4d: {  	_ =	shalt  }
0x4e: {  	_ =	shalt  }
0x4f: {  	_ =	shalt  }
0x50: {  	_ =	shalt  }
0x51: {  	_ =	shalt  }
0x52: {  	_ =	shalt  }
0x53: {  	_ =	shalt  }
0x54: {  	_ =	shalt  }
0x55: {  	_ =	shalt  }
0x56: {  	_ =	shalt  }
0x57: {  	_ =	shalt  }
0x58: {  	_ =	shalt  }
0x59: {  	_ =	shalt  }
0x5a: {  	_ =	shalt  }
0x5b: {  	_ =	shalt  }
0x5c: {  	_ =	shalt  }
0x5d: {  	_ =	shalt  }
0x5e: {  	_ =	shalt  }
0x5f: {  	_ =	shalt  }
0x60: {  	_ =	shalt  }
0x61: {  	_ =	shalt  }
0x62: {  	_ =	shalt  }
0x63: {  	_ =	shalt  }
0x64: {  	_ =	shalt  }
0x65: {  	_ =	shalt  }
0x66: {  	_ =	shalt  }
0x67: {  	_ =	shalt  }
0x68: {  	_ =	shalt  }
0x69: {  	_ =	shalt  }
0x6a: {  	_ =	shalt  }
0x6b: {  	_ =	shalt  }
0x6c: {  	_ =	shalt  }
0x6d: {  	_ =	shalt  }
0x6e: {  	_ =	shalt  }
0x6f: {  	_ =	shalt  }
0x70: {  	_ =	shalt  }
0x71: {  	_ =	shalt  }
0x72: {  	_ =	shalt  }
0x73: {  	_ =	shalt  }
0x74: {  	_ =	shalt  }
0x75: {  	_ =	shalt  }
0x76: {  	_ =	shalt  }
0x77: {  	_ =	shalt  }
0x78: {  	_ =	shalt  }
0x79: {  	_ =	shalt  }
0x7a: {  	_ =	shalt  }
0x7b: {  	_ =	shalt  }
0x7c: {  	_ =	shalt  }
0x7d: {  	_ =	shalt  }
0x7e: {  	_ =	shalt  }
0x7f: {  	_ =	shalt  }
0x80: {  	_ =	shalt  }
0x81: {  	_ =	shalt  }
0x82: {  	_ =	shalt  }
0x83: {  	_ =	shalt  }
0x84: {  	_ =	shalt  }
0x85: {  	_ =	shalt  }
0x86: {  	_ =	shalt  }
0x87: {  	_ =	shalt  }
.Lfunc_end0:
.L_simem_size_0:
called_computation_lowered:
.L_overlay_start_0:
0x88: {  	s2 =	sld [smem:$0x3FD9]  }
0x89: {  	s3 =	sld [smem:$0x3FFE];
	_ =	sdelay $0x1  }
0x8a: {  	s1 =	srdreg.scid  }
0x8b: {  	s0 =	sand.u32 $0x1, s1  }
0x8c: {  	s17 =	sshll.u32 s0, $0xA;
	s2 =	sadd.s32 s3, s2  }
0x8d: {  	s2 =	sadd.s32 s2, s17  }
0x8e: {  	[smem:$0x3FB8] =	sst s2  }
0x8f: {  	_ = 	snop  }
0x90: {  	(tm) =	ssettm $0x1  }
0x91: {  	s18 =	sld [smem:$0x3FFB];
	_ =	sdelay $0x3  }
0x92: {  	_ =	strace s18  }
0x93: {  	s2 =	sld [smem:$0x3FFC];
	_ =	sdelay $0x3  }
0x94: {  	_ =	strace s2  }
0x95: {  	s2 =	sld [smem:$0x3FFD];
	_ =	sdelay $0x3  }
0x96: {  	_ =	strace s2  }
0x97: {  	_ =	strace $0x8FFFFFFF  }
0x98: {  	s19 =	sld [smem:$0x3FDB];
	_ =	sdelay $0x1  }
0x99: {  	s20 =	simm.s32 $_scs_section_size  }
0x9a: {  	s4 =	simm.s32 $_size__tile_overlayer_lowered;
	s5 =	simm.s32 $_tile_overlayer_lowered  }
0x9b: {  	s6 =	simm.s32 $0x1BFF;
	s21 =	sshll.u32 s5, $0x1;
	s3 =	sadd.s32 s20, s19  }
0x9c: {  	s22 =	simm.s32 $0x0;
	s4 =	sshll.u32 s4, $0x1;
	s5 =	sadd.s32 s21, s3  }
0x9d: {  	[timem:s22], [sflag:s6] =	dma.local [hbm:s5], s4  }
0x9e: {  	_ =	swait.ge [sflag:s6], s4  }
0x9f: {  	s4 =	ssub.s32 $0x0, s4;
	[sflag:s6] =	ssyncset.done $0x0  }
0xa0: {  	[sflag:s6] =	ssyncadd.s32 s4;
	_ =	sdelay $0x1  }
0xa1: {  	s23 =	simm.s32 $0x1B8B  }
0xa2: {  	_ =	swait.ge [sflag:s23], $0x1  }
0xa3: {  	[sflag:s23] =	ssyncset.done $0x0  }
0xa4: {  	[sflag:s23] =	ssyncadd.s32 $0xFFFFFFFF  }
0xa5: {  	s4 =	sld [smem:$0x0]  }
0xa6: {  	s5 =	sand.u32 $0xFFFFFFFE, s1  }
0xa7: {  	p0 =	sne.s32 s1, s5  }
0xa8: {  	s5 =	sshll.u32 @p0 s5, $0xE  }
0xa9: {  	s5 =	sadd.s32 @p0 $0x11B8D, s5;
	s6 =	sshll.u32 @p0 s4, $0x11  }
0xaa: {  	s5 =	sor.u32 @p0 s6, s5  }
0xab: {  	[sflag:s5] =	ssyncadd.remote.s32 @p0 $0x1;
	_ =	sdelay $0x1  }
0xac: {  	s5 =	simm.s32 @p0 $0x1B8D  }
0xad: {  	_ =	swait.eq @p0 [sflag:s5], $0x1  }
0xae: {  	[sflag:s5] =	ssyncadd.s32 @p0 $0xFFFFFFFF  }
0xaf: {  	s6 =	sshll.u32 @!p0 s1, $0xE  }
0xb0: {  	s6 =	sor.u32 @!p0 $0x4000, s6;
	s5 =	simm.s32 @!p0 $0x1B8D  }
0xb1: {  	s4 =	sshll.u32 @!p0 s4, $0x11;
	s6 =	sadd.s32 @!p0 $0x11B8D, s6;
	_ =	swait.eq @!p0 [sflag:s5], $0x1  }
0xb2: {  	s4 =	sor.u32 @!p0 s4, s6;
	[sflag:s5] =	ssyncadd.s32 @!p0 $0xFFFFFFFF  }
0xb3: {  	s25 =	simm.s32 $0x1B8E;
	s24 =	sld [smem:$0x3FFE];
	[sflag:s4] =	ssyncadd.remote.s32 @!p0 $0x1  }
0xb4: {  	s26 =	simm.s32 $execute0_lowered;
	[smem:$0x3FD2] =	sst s25  }
0xb5: {  	s5 =	sshll.u32 s26, $0x1;
	_ =	strace $0x80000049;
	[dreg:$0x1] =	wrdreg $0xFFFFFFFF  }
0xb6: {  	s28 =	simm.s32 $_size_execute0_lowered;
	s3 =	sadd.s32 s3, s5;
	[dreg:$0x0] =	wrdreg $0x0  }
0xb7: {  	s5 =	sshll.u32 s28, $0x1;
	[dreg:$0x2] =	wrdreg s3  }
0xb8: {  	[dreg:$0x3] =	wrdreg s5  }
0xb9: {  	[dreg:$0x4] =	wrdreg $0xC0  }
0xba: {  	_ =	task [dreg:s22], $0x5FFFF  }
0xbb: {  	[dreg:$0x1] =	wrdreg $0xFFFFFFFF  }
0xbc: {  	[dreg:$0x0] =	wrdreg $0x60  }
0xbd: {  	[dreg:$0x2] =	wrdreg s24  }
0xbe: {  	[dreg:$0x3] =	wrdreg $0x9  }
0xbf: {  	_ =	task.clear_ibuf [dreg:s22], $0x4FFFF;
	_ =	strace $0x90000049  }
0xc0: {  	s29 =	simm.s32 $0x9;
	_ =	strace $0x8000004B  }
0xc1: {  	_ =	swait.ge [sflag:s29], $0x1  }
0xc2: {  	[sflag:s29] =	ssyncadd.s32 $0xFFFFFFFF  }
0xc3: {  	_ =	strace $0x9000004B  }
0xc4: {  	_ =	sfence  }
0xc5: {  	s30 =	sld [smem:$0x0];
	_ =	sdelay $0x2  }
0xc6: {  	s31 =	sshll.u32 s1, $0xD;
	s1 =	sshrl.u32 s1, $0x2  }
0xc7: {  	s4 =	sand.u32 $0x4000, s31;
	s1 =	sadd.s32 s1, s30  }
0xc8: {  	s0 =	sor.u32 s4, s0;
	s1 =	sshll.u32 s1, $0x11  }
0xc9: {  	s0 =	sor.u32 s1, s0  }
0xca: {  	s0 =	sadd.s32 $0x8F2B, s0  }
0xcb: {  	[sflag:s0] =	ssyncadd.remote.s32 $0x1  }
0xcc: {  	_ =	sfence.sel $0xFFFF  }
0xcd: {  	[dreg:$0x0] =	wrdreg $0xFFFFFFFF;
	(pc) =	sbr.abs _section_cstart, $3  }
0xce: {  	[dreg:$0x1] =	wrdreg $0xFFFFFFFF  }
0xcf: {  	_ =	task.clear_ibuf [dreg:s22], $0x2FFFF;
	_ =	strace $0x9FFFFFFF  }
0xd0: {  	(tm) =	ssettm $0x7FFFFFFF  }
0xd1: {  	_ =	shalt  }
tec
execute0_lowered:
.L_overlay_start_1:
0x0: {  	(tag) =	ssettag $0x1  }
0x1: {  	s0 =	rddreg [dreg:$0x0]  }
0x2: {  	s1 =	simm.s32 $0x0;
	s2 =	srdreg.scid;
	s3 =	stileid.u32  }
0x3: {  	s28 =	simm.s32 $0xC800;
	s29 =	simm.s32 $0xD000;
	s30 =	simm.s32 $0xD800  }
0x4: {  	[smem:$0x7FF] =	sst s1;
	s4 =	sadd.s32 $0x73200, s0;
	s2 =	sand.u32 $0x1, s2  }
0x5: {  	s3 =	sshll.u32 s3, $0x7;
	s6 =	sadd.s32 $0x83200, s0;
	s10 =	sadd.s32 $0xAB200, s0  }
0x6: {  	s11 =	sadd.s32 $0xB3200, s0;
	s12 =	sadd.s32 $0xBB200, s0;
	s13 =	sadd.s32 $0xC3200, s0  }
0x7: {  	s14 =	sadd.s32 $0xCB200, s0;
	s15 =	sadd.s32 $0xD3200, s0;
	s16 =	sadd.s32 $0xDB200, s0  }
0x8: {  	_ =	strace $0x8000004A;
	s5 =	ssub.s32 $0x2, s2;
	s2 =	sshll.u32 s2, $0x6  }
0x9: {  	s7 =	sshrl.u32 s5, $0x1;
	s2 =	sor.u32 s2, s3;
	s3 =	sadd.s32 $0xA3200, s0  }
0xa: {  	s5 =	ssub.s32 s5, s7;
	s19 =	sshrl.u32 s2, $0x3;
	s8 =	sshll.u32 s2, $0x5  }
0xb: {  	s9 =	sshll.u32 s2, $0x6;
	s22 =	sor.u32 $0x20, s2;
	s25 =	sor.u32 $0x30, s2  }
0xc: {  	s7 =	sor.u32 $0x2, s19;
	s8 =	sadd.s32 s4, s8;
	s20 =	sadd.s32 s6, s9  }
0xd: {  	s23 =	sshll.u32 s22, $0x5;
	s24 =	sshll.u32 s22, $0x6;
	s26 =	sshll.u32 s25, $0x5  }
0xe: {  	s31 =	smax.u32 s5, $0x1;
	s22 =	simm.s32 $0x2;
	[dreg:$0x2] =	wrdreg s8  }
0xf: {  	s19 =	simm.s32 $0xC000;
	s5 =	simm.s32 $0x0;
	[dreg:$0x3] =	wrdreg s20  }
0x10: {  	s21 =	sshll.u32 s7, $0x8;
	s7 =	sshll.u32 s7, $0x9;
	s9 =	sadd.s32 s6, s24  }
0x11: {  	s17 =	sadd.s32 s4, s26;
	[dreg:$0x6] =	wrdreg s31;
	s8 =	sadd.s32 s4, s21  }
0x12: {  	s20 =	sshll.u32 s2, $0x4;
	s7 =	sadd.s32 s6, s7;
	[dreg:$0x4] =	wrdreg s8  }
0x13: {  	s24 =	simm.s32 $0x1;
	s26 =	simm.s32 $0x6000;
	[dreg:$0x5] =	wrdreg s7  }
0x14: {  	v0 =	vimm.f32 $0.0e+00;
	s8 =	sadd.s32 s4, s23;
	s7 =	sshll.u32 s25, $0x6;
	s25 =	simm.s32 $0x3  }
0x15: {  	v1 =	vimm.f32 $1.000000000e+00;
	vm0 =	vcmask $0x3F20;
	v2 =	vimm.f32 $4.096000000e+03;
	s23 =	simm.s32 $0x4;
	s4 =	simm.s32 $0xA000;
	s18 =	sadd.s32 s6, s7  }
.LBB2_1:
0x16: {  	[dreg:$0x7] =	wrdreg s5  }
0x17: {  	s0 =	rddreg [dreg:$0x2]  }
0x18: {  	s21 =	rddreg [dreg:$0x3]  }
0x19: {  	[tilespmem:s1], [sflag:$0x1] =	stream.linear.gather [hbm4b:s0+s1], $0x1000, $0x38;
	[tilespmem:$0xE000] =	vst v63  }
0x1a: {  	s2 =	simm.s32 $0x2000;
	s5 =	rddreg [dreg:$0x4]  }
0x1b: {  	[tilespmem:s2], [sflag:$0x3] =	stream.linear.gather [hbm4b:s21+s1], $0x2000, $0x38;
	[tilespmem:$0xE000] =	vst v63  }
0x1c: {  	s6 =	simm.s32 $0x1000;
	s7 =	rddreg [dreg:$0x5]  }
0x1d: {  	[tilespmem:s6], [sflag:$0x2] =	stream.linear.gather [hbm4b:s5+s1], $0x1000, $0x38;
	[tilespmem:$0xE000] =	vst v63  }
0x1e: {  	p1 =	por $0x1, $0x1;
	s31 =	simm.s32 $0x0;
	s21 =	simm.s32 $0x4000  }
0x1f: {  	[tilespmem:s21], [sflag:$0x4] =	stream.linear.gather [hbm4b:s7+s1], $0x2000, $0x38;
	[tilespmem:$0xE000] =	vst v63  }
.LBB2_2:
0x20: {  	s0 =	simm.s32 @!p1 $0x5  }
0x21: {  	_ =	swait.ge @!p1 [sflag:s0], $0x800  }
0x22: {  	[sflag:s0] =	ssyncset.done @!p1 $0x0  }
0x23: {  	[sflag:s0] =	ssyncadd.s32 @!p1 $0xFFFFF800  }
0x24: {  	_ =	swait.ge @!p1 [sflag:s0], $0x800  }
0x25: {  	[sflag:s0] =	ssyncset.done @!p1 $0x0  }
0x26: {  	[sflag:s0] =	ssyncadd.s32 @!p1 $0xFFFFF800  }
0x27: {  	_ =	swait.ge @!p1 [sflag:s0], $0x800  }
0x28: {  	[sflag:s0] =	ssyncset.done @!p1 $0x0  }
0x29: {  	[sflag:s0] =	ssyncadd.s32 @!p1 $0xFFFFF800  }
0x2a: {  	_ =	swait.ge @!p1 [sflag:s0], $0x800  }
0x2b: {  	[sflag:s0] =	ssyncset.done @!p1 $0x0  }
0x2c: {  	[sflag:s0] =	ssyncadd.s32 @!p1 $0xFFFFF800  }
0x2d: {  	_ =	swait.ge @!p1 [sflag:s0], $0x800  }
0x2e: {  	[sflag:s0] =	ssyncset.done @!p1 $0x0  }
0x2f: {  	[sflag:s0] =	ssyncadd.s32 @!p1 $0xFFFFF800  }
0x30: {  	_ =	swait.ge @!p1 [sflag:s0], $0x800  }
0x31: {  	[sflag:s0] =	ssyncset.done @!p1 $0x0  }
0x32: {  	[sflag:s0] =	ssyncadd.s32 @!p1 $0xFFFFF800  }
0x33: {  	_ =	swait.ge @!p1 [sflag:s0], $0x800  }
0x34: {  	[sflag:s0] =	ssyncset.done @!p1 $0x0  }
0x35: {  	[sflag:s0] =	ssyncadd.s32 @!p1 $0xFFFFF800  }
0x36: {  	_ =	swait.ge @!p1 [sflag:s0], $0x800  }
0x37: {  	p0 =	por p1, p1;
	[sflag:s0] =	ssyncset.done @!p1 $0x0  }
0x38: {  	s2 =	simm.s32 $0x400;
	[sflag:s0] =	ssyncadd.s32 @!p1 $0xFFFFF800;
	s0 =	simm.s32 $0x0  }
.LBB2_3:
0x39: {  	p1 =	sne.s32 s2, $0xFC00;
	[tilespmem:s0+$0x60F0] =	vst v0  }
0x3a: {  	[tilespmem:s0+$0x6000] =	vst v0  }
0x3b: {  	[tilespmem:s0+$0x6010] =	vst v0  }
0x3c: {  	[tilespmem:s0+$0x6020] =	vst v0  }
0x3d: {  	[tilespmem:s0+$0x6030] =	vst v0  }
0x3e: {  	[tilespmem:s0+$0x6040] =	vst v0  }
0x3f: {  	[tilespmem:s0+$0x6050] =	vst v0  }
0x40: {  	[tilespmem:s0+$0x6060] =	vst v0  }
0x41: {  	[tilespmem:s0+$0x6070] =	vst v0  }
0x42: {  	[tilespmem:s0+$0x6080] =	vst v0  }
0x43: {  	[tilespmem:s0+$0x6090] =	vst v0  }
.Ltmp0:
0x44: {  	[tilespmem:s0+$0x60A0] =	vst v0;
	(pc) =	sbr.rel @p1 .LBB2_3-.Ltmp0, $4  }
0x45: {  	[tilespmem:s0+$0x60B0] =	vst v0  }
0x46: {  	[tilespmem:s0+$0x60C0] =	vst v0  }
0x47: {  	[tilespmem:s0+$0x60D0] =	vst v0  }
0x48: {  	[tilespmem:s0+$0x60E0] =	vst v0;
	s0 =	sshra.s32 s2, $0x2;
	s2 =	sadd.s32 $0x400, s2  }
0x49: {  	[tilespmem:s0+$0x60F0] =	vst v0  }
0x4a: {  	[tilespmem:s0+$0x6000] =	vst v0  }
0x4b: {  	[tilespmem:s0+$0x6010] =	vst v0  }
0x4c: {  	[tilespmem:s0+$0x6020] =	vst v0  }
0x4d: {  	[tilespmem:s0+$0x6030] =	vst v0  }
0x4e: {  	[tilespmem:s0+$0x6040] =	vst v0  }
0x4f: {  	[tilespmem:s0+$0x6050] =	vst v0  }
0x50: {  	[tilespmem:s0+$0x6060] =	vst v0  }
0x51: {  	[tilespmem:s0+$0x6070] =	vst v0  }
0x52: {  	[tilespmem:s0+$0x6080] =	vst v0  }
0x53: {  	[tilespmem:s0+$0x6090] =	vst v0  }
0x54: {  	[tilespmem:s0+$0x60A0] =	vst v0  }
0x55: {  	[tilespmem:s0+$0x60B0] =	vst v0  }
0x56: {  	[tilespmem:s0+$0x60C0] =	vst v0  }
0x57: {  	[tilespmem:s0+$0x60D0] =	vst v0  }
0x58: {  	[tilespmem:s0+$0x60E0] =	vst v0  }
0x59: {  	_ =	swait.ge [sflag:s24], $0x1000  }
0x5a: {  	[sflag:s24] =	ssyncset.done $0x0  }
0x5b: {  	[sflag:s24] =	ssyncadd.s32 $0xFFFFF000  }
0x5c: {  	s0 =	simm.s32 $0x0;
	s2 =	simm.s32 $0x0;
	_ =	swait.ge [sflag:s25], $0x2000  }
0x5d: {  	s5 =	sand.u32 $0x380, s0;
	s2 =	sand.u32 $0x3FFFF800, s2;
	[sflag:s25] =	ssyncset.done $0x0  }
0x5e: {  	s2 =	sor.u32 s5, s2;
	[sflag:s25] =	ssyncadd.s32 $0xFFFFE000  }
0x5f: {  	v3 =	vld [tilespmem:s2+$0x10]  }
0x60: {  	v4 =	vld [tilespmem:s2+$0x0]  }
0x61: {  	v5 =	vld [tilespmem:s2+$0x20]  }
0x62: {  	v6 =	vld [tilespmem:s2+$0x438]  }
0x63: {  	v9 =	vld [tilespmem:s2+$0x430]  }
0x64: {  	v12 =	vld [tilespmem:s2+$0x50]  }
0x65: {  	v16 =	vld [tilespmem:s2+$0x420]  }
0x66: {  	v18 =	vld [tilespmem:s2+$0x70]  }
0x67: {  	v19 =	vld [tilespmem:s2+$0x400]  }
0x68: {  	v10 =	vshll.u32 v3, $0x4;
	v11 =	vshll.u32 v4, $0x4  }
0x69: {  	v13 =	vand.u32 $0x7F, v5;
	v3 =	vand.u32 $0x7F, v3;
	v14 =	vand.u32 $0x7F, v6  }
0x6a: {  	v4 =	vand.u32 $0x7F, v4;
	v5 =	vshll.u32 v5, $0x4;
	v20 =	vshll.u32 v9, $0x4  }
0x6b: {  	v7 =	vld [tilespmem:s2+$0x30];
	v21 =	vshll.u32 v12, $0x4;
	v12 =	vand.u32 $0x7F, v12;
	v22 =	vshll.u32 v18, $0x4  }
0x6c: {  	v8 =	vld [tilespmem:s2+$0x40];
	v23 =	vand.u32 $0x7F, v19;
	v24 =	vshll.u32 v16, $0x4;
	v18 =	vand.u32 $0x7F, v18  }
0x6d: {  	v16 =	vand.u32 $0x7F, v16;
	v9 =	vand.u32 $0x7F, v9;
	v6 =	vshll.u32 v6, $0x4  }
0x6e: {  	v17 =	vld [tilespmem:s2+$0x410];
	v10 =	vand.u32 $0x3800, v10;
	v11 =	vand.u32 $0x3800, v11;
	v5 =	vand.u32 $0x3800, v5  }
0x6f: {  	v22 =	vand.u32 $0x3800, v22;
	v21 =	vand.u32 $0x3800, v21;
	v24 =	vand.u32 $0x3800, v24  }
0x70: {  	v20 =	vand.u32 $0x3800, v20;
	v6 =	vand.u32 $0x3800, v6;
	v3 =	vor.u32 v10, v3  }
0x71: {  	v10 =	vshll.u32 v7, $0x4;
	v4 =	vor.u32 v11, v4;
	v11 =	vshll.u32 v8, $0x4  }
0x72: {  	s21 =	simm.s32 $0x0;
	v15 =	vld [tilespmem:s2+$0x60];
	v7 =	vand.u32 $0x7F, v7;
	v8 =	vand.u32 $0x7F, v8;
	v5 =	vor.u32 v5, v13  }
0x73: {  	s2 =	sand.u32 $0xFFFFF000, s21;
	v13 =	vshll.u32 v17, $0x4;
	v18 =	vor.u32 v22, v18;
	v17 =	vand.u32 $0x7F, v17  }
0x74: {  	s5 =	sor.u32 s5, s2;
	v12 =	vor.u32 v21, v12;
	v16 =	vor.u32 v24, v16;
	v9 =	vor.u32 v20, v9  }
0x75: {  	v62 =	vld [tilespmem:s5+$0x2000];
	v6 =	vor.u32 v6, v14;
	v3 =	vor.u32 s0, v3;
	v10 =	vand.u32 $0x3800, v10  }
0x76: {  	v22 =	vld [tilespmem:s5+$0x2050];
	v11 =	vand.u32 $0x3800, v11;
	v4 =	vor.u32 s0, v4;
	v5 =	vor.u32 s0, v5  }
0x77: {  	v21 =	vld [tilespmem:s5+$0x2010];
	v13 =	vand.u32 $0x3800, v13;
	v7 =	vor.u32 v10, v7;
	v10 =	vshll.u32 v15, $0x4  }
0x78: {  	v15 =	vand.u32 $0x7F, v15;
	v8 =	vor.u32 v11, v8;
	v11 =	vld [tilespmem:s5+$0x2040];
	v13 =	vor.u32 v13, v17  }
0x79: {  	v17 =	vshll.u32 v19, $0x4;
	v19 =	vld [tilespmem:s5+$0x2030];
	v10 =	vand.u32 $0x3800, v10;
	v7 =	vor.u32 s0, v7  }
0x7a: {  	v8 =	vor.u32 s0, v8;
	v10 =	vor.u32 v10, v15;
	v15 =	vand.u32 $0x3800, v17;
	v17 =	vld [tilespmem:s5+$0x2020]  }
0x7b: {  	v18 =	vor.u32 s0, v18;
	v9 =	vor.u32 s0, v9;
	[tilespmem:v4+s26+$0x0] =	vst.idx.add.f32.msk $0xffff, v1;
	v4 =	vor.u32 s0, v12  }
0x7c: {  	v6 =	vor.u32 s0, v6;
	v10 =	vor.u32 s0, v10;
	v15 =	vor.u32 v15, v23;
	[tilespmem:v3+s26+$0x0] =	vst.idx.add.f32.msk $0xffff, v1  }
0x7d: {  	v13 =	vor.u32 s0, v13;
	v14 =	vshll.u32 v22, $0x4;
	v12 =	vor.u32 s0, v15;
	[tilespmem:v5+s26+$0x0] =	vst.idx.add.f32.msk $0xffff, v1  }
0x7e: {  	v3 =	vshll.u32 v11, $0x4;
	v15 =	vshll.u32 v19, $0x4;
	v11 =	vand.u32 $0x7F, v11;
	[tilespmem:v7+s26+$0x0] =	vst.idx.add.f32.msk $0xffff, v1  }
0x7f: {  	v5 =	vand.u32 $0x3800, v14;
	v14 =	vshll.u32 v17, $0x4;
	v7 =	vand.u32 $0x7F, v19;
	[tilespmem:v8+s26+$0x0] =	vst.idx.add.f32.msk $0xffff, v1  }
0x80: {  	v8 =	vand.u32 $0x3800, v14;
	v14 =	vshll.u32 v62, $0x4;
	[tilespmem:v4+s26+$0x0] =	vst.idx.add.f32.msk $0xffff, v1;
	v4 =	vor.u32 s0, v16  }
0x81: {  	v19 =	vshll.u32 v21, $0x4;
	v14 =	vand.u32 $0x3800, v14;
	v16 =	vand.u32 $0x7F, v62;
	[tilespmem:v10+s26+$0x0] =	vst.idx.add.f32.msk $0xffff, v1  }
0x82: {  	v10 =	vand.u32 $0x3800, v19;
	v19 =	vand.u32 $0x7F, v21;
	v14 =	vor.u32 v14, v16;
	[tilespmem:v18+s26+$0x0] =	vst.idx.add.f32.msk $0xffff, v1  }
0x83: {  	v16 =	vand.u32 $0x7F, v17;
	v10 =	vor.u32 v10, v19;
	[tilespmem:v12+s26+$0x0] =	vst.idx.add.f32.msk $0xffff, v1;
	v12 =	vor.u32 s0, v14  }
0x84: {  	v15 =	vand.u32 $0x3800, v15;
	v8 =	vor.u32 v8, v16;
	v10 =	vor.u32 s0, v10;
	[tilespmem:v13+s26+$0x0] =	vst.idx.add.f32.msk $0xffff, v1  }
0x85: {  	v3 =	vand.u32 $0x3800, v3;
	v7 =	vor.u32 v15, v7;
	[tilespmem:v4+s26+$0x0] =	vst.idx.add.f32.msk $0xffff, v1;
	v4 =	vor.u32 s0, v8  }
0x86: {  	v3 =	vor.u32 v3, v11;
	v7 =	vor.u32 s0, v7;
	v8 =	vand.u32 $0x7F, v22;
	[tilespmem:v9+s26+$0x0] =	vst.idx.add.f32.msk $0xffff, v1  }
0x87: {  	v3 =	vor.u32 s0, v3;
	v5 =	vor.u32 v5, v8;
	[tilespmem:v6+s26+$0x0] =	vst.idx.add.f32.msk vm0, v1  }
0x88: {  	v5 =	vor.u32 s0, v5;
	[tilespmem:v12+s26+$0x0] =	vst.idx.add.f32.msk $0xffff, v2  }
0x89: {  	[tilespmem:v10+s26+$0x0] =	vst.idx.add.f32.msk $0xffff, v2  }
0x8a: {  	[tilespmem:v4+s26+$0x0] =	vst.idx.add.f32.msk $0xffff, v2  }
0x8b: {  	[tilespmem:v7+s26+$0x0] =	vst.idx.add.f32.msk $0xffff, v2  }
0x8c: {  	[tilespmem:v3+s26+$0x0] =	vst.idx.add.f32.msk $0xffff, v2  }
0x8d: {  	[tilespmem:v5+s26+$0x0] =	vst.idx.add.f32.msk $0xffff, v2  }
0x8e: {  	v5 =	vld [tilespmem:s5+$0x2820]  }
0x8f: {  	v6 =	vld [tilespmem:s5+$0x2070]  }
0x90: {  	v3 =	vld [tilespmem:s5+$0x2830]  }
0x91: {  	v7 =	vld [tilespmem:s5+$0x2810]  }
0x92: {  	v8 =	vld [tilespmem:s5+$0x2800]  }
0x93: {  	v10 =	vld [tilespmem:s5+$0x2470]  }
0x94: {  	v11 =	vld [tilespmem:s5+$0x2460]  }
0x95: {  	v16 =	vld [tilespmem:s5+$0x2400];
	v4 =	vshll.u32 v5, $0x4  }
0x96: {  	v9 =	vshll.u32 v6, $0x4;
	v5 =	vand.u32 $0x7F, v5;
	v14 =	vand.u32 $0x7F, v6  }
0x97: {  	v12 =	vld [tilespmem:s5+$0x2060];
	v6 =	vshll.u32 v3, $0x4;
	v13 =	vshll.u32 v7, $0x4;
	v7 =	vand.u32 $0x7F, v7  }
0x98: {  	v15 =	vshll.u32 v8, $0x4;
	v22 =	vand.u32 $0x7F, v8;
	v8 =	vshll.u32 v10, $0x4  }
0x99: {  	v10 =	vand.u32 $0x7F, v10;
	v17 =	vshll.u32 v11, $0x4;
	v11 =	vand.u32 $0x7F, v11  }
0x9a: {  	v63 =	vshll.u32 v16, $0x4;
	v16 =	vand.u32 $0x7F, v16;
	v9 =	vand.u32 $0x3800, v9  }
0x9b: {  	v4 =	vand.u32 $0x3800, v4;
	v23 =	vand.u32 $0x3800, v15;
	v9 =	vor.u32 v9, v14;
	v14 =	vld [tilespmem:s5+$0x2410]  }
0x9c: {  	v18 =	vld [tilespmem:s5+$0x2440];
	v20 =	vand.u32 $0x3800, v8;
	v8 =	vshll.u32 v12, $0x4;
	v17 =	vand.u32 $0x3800, v17  }
0x9d: {  	v19 =	vld [tilespmem:s5+$0x2430];
	v12 =	vand.u32 $0x7F, v12;
	v21 =	vand.u32 $0x3800, v8;
	v8 =	vor.u32 v17, v11  }
0x9e: {  	v15 =	vld [tilespmem:s5+$0x2420];
	v11 =	vand.u32 $0x3800, v63;
	v10 =	vor.u32 v20, v10;
	v21 =	vor.u32 v21, v12  }
0x9f: {  	v20 =	vld [tilespmem:s5+$0x2C00];
	v9 =	vor.u32 s0, v9;
	v11 =	vor.u32 v11, v16;
	v21 =	vor.u32 s0, v21  }
0xa0: {  	s21 =	simm.s32 $0x1;
	s2 =	simm.s32 $0x0;
	v12 =	vld [tilespmem:s5+$0x2840];
	v16 =	vor.u32 s0, v11;
	v11 =	vor.u32 v23, v22;
	v17 =	vand.u32 $0x7F, v14  }
.LBB2_5:
0xa1: {  	p1 =	sne.s32 s21, $0xF  }
0xa2: {  	v22 =	vld [tilespmem:s5+$0x2870];
	v23 =	vand.u32 $0x7F, v19;
	v24 =	vshll.u32 v18, $0x4;
	v13 =	vand.u32 $0x3800, v13;
	s0 =	sadd.s32 $0x80, s0;
	s6 =	smov.u32 s21;
	s21 =	sadd.s32 $0x1, s21  }
0xa3: {  	v14 =	vshll.u32 v14, $0x4;
	v26 =	vshll.u32 v15, $0x4;
	v18 =	vand.u32 $0x7F, v18;
	v25 =	vld [tilespmem:s5+$0x2860]  }
0xa4: {  	v15 =	vand.u32 $0x7F, v15;
	v19 =	vshll.u32 v19, $0x4;
	v26 =	vand.u32 $0x3800, v26;
	v27 =	vld [tilespmem:s5+$0x2850]  }
0xa5: {  	v19 =	vand.u32 $0x3800, v19;
	v15 =	vor.u32 v26, v15;
	v28 =	vld [tilespmem:s5+$0x2450];
	v29 =	vand.u32 $0x7F, v12  }
0xa6: {  	v19 =	vor.u32 v19, v23;
	v15 =	vor.u32 s2, v15;
	v26 =	vand.u32 $0x7F, v20;
	[tilespmem:v21+s26+$0x0] =	vst.idx.add.f32.msk $0xffff, v2  }
0xa7: {  	v14 =	vand.u32 $0x3800, v14;
	v20 =	vshll.u32 v20, $0x4;
	[tilespmem:v9+s26+$0x0] =	vst.idx.add.f32.msk $0xffff, v2;
	v9 =	vor.u32 s2, v19  }
0xa8: {  	v14 =	vor.u32 v14, v17;
	v19 =	vshll.u32 v25, $0x4;
	v21 =	vand.u32 $0x7F, v25;
	[tilespmem:v16+s26+$0x0] =	vst.idx.add.f32.msk $0xffff, v2  }
0xa9: {  	v14 =	vor.u32 s2, v14;
	v17 =	vand.u32 $0x3800, v20;
	v16 =	vand.u32 $0x7F, v27  }
0xaa: {  	v20 =	vand.u32 $0x3800, v24;
	v24 =	vshll.u32 v27, $0x4;
	v23 =	vshll.u32 v28, $0x4  }
0xab: {  	v19 =	vand.u32 $0x3800, v19;
	v25 =	vand.u32 $0x7F, v28;
	v23 =	vand.u32 $0x3800, v23  }
0xac: {  	v18 =	vor.u32 v20, v18;
	v19 =	vor.u32 v19, v21;
	v20 =	vor.u32 v23, v25  }
0xad: {  	v12 =	vshll.u32 v12, $0x4;
	v18 =	vor.u32 s2, v18;
	v20 =	vor.u32 s2, v20  }
0xae: {  	v8 =	vor.u32 s2, v8;
	v12 =	vand.u32 $0x3800, v12;
	v21 =	vand.u32 $0x3800, v24;
	[tilespmem:v14+s26+$0x0] =	vst.idx.add.f32.msk $0xffff, v2  }
0xaf: {  	v10 =	vor.u32 s2, v10;
	v12 =	vor.u32 v12, v29;
	v14 =	vor.u32 v21, v16;
	[tilespmem:v15+s26+$0x0] =	vst.idx.add.f32.msk $0xffff, v2  }
0xb0: {  	v7 =	vor.u32 v13, v7;
	v15 =	vshll.u32 v22, $0x4;
	[tilespmem:v9+s26+$0x0] =	vst.idx.add.f32.msk $0xffff, v2;
	v9 =	vor.u32 s2, v11  }
0xb1: {  	v6 =	vand.u32 $0x3800, v6;
	v3 =	vand.u32 $0x7F, v3;
	v11 =	vor.u32 v17, v26  }
0xb2: {  	v4 =	vor.u32 v4, v5;
	v3 =	vor.u32 v6, v3;
	v7 =	vor.u32 s2, v7;
	[tilespmem:v18+s26+$0x0] =	vst.idx.add.f32.msk $0xffff, v2  }
0xb3: {  	v4 =	vor.u32 s2, v4;
	[tilespmem:v20+s26+$0x0] =	vst.idx.add.f32.msk $0xffff, v2  }
0xb4: {  	v3 =	vor.u32 s2, v3;
	[tilespmem:v8+s26+$0x0] =	vst.idx.add.f32.msk $0xffff, v2  }
0xb5: {  	v6 =	vand.u32 $0x7F, v22;
	v5 =	vand.u32 $0x3800, v15;
	v8 =	vor.u32 s2, v12;
	[tilespmem:v10+s26+$0x0] =	vst.idx.add.f32.msk $0xffff, v2  }
0xb6: {  	v5 =	vor.u32 v5, v6;
	v10 =	vor.u32 s2, v19;
	[tilespmem:v9+s26+$0x0] =	vst.idx.add.f32.msk $0xffff, v2;
	v9 =	vor.u32 s2, v14  }
0xb7: {  	v5 =	vor.u32 s2, v5;
	[tilespmem:v7+s26+$0x0] =	vst.idx.add.f32.msk $0xffff, v2  }
0xb8: {  	[tilespmem:v4+s26+$0x0] =	vst.idx.add.f32.msk $0xffff, v2  }
0xb9: {  	[tilespmem:v3+s26+$0x0] =	vst.idx.add.f32.msk $0xffff, v2;
	v3 =	vor.u32 s2, v11;
	s2 =	smov.u32 s0  }
0xba: {  	[tilespmem:v8+s26+$0x0] =	vst.idx.add.f32.msk $0xffff, v2  }
0xbb: {  	[tilespmem:v9+s26+$0x0] =	vst.idx.add.f32.msk $0xffff, v2  }
0xbc: {  	s7 =	sshll.u32 s6, $0x8;
	[tilespmem:v10+s26+$0x0] =	vst.idx.add.f32.msk $0xffff, v2  }
0xbd: {  	s7 =	sand.u32 $0x3FFFF800, s7;
	s5 =	sand.u32 $0x380, s0;
	[tilespmem:v5+s26+$0x0] =	vst.idx.add.f32.msk $0xffff, v2  }
0xbe: {  	s7 =	sor.u32 s5, s7;
	[tilespmem:v3+s26+$0x0] =	vst.idx.add.f32.msk $0xffff, v2  }
0xbf: {  	v3 =	vld [tilespmem:s7+$0x20]  }
0xc0: {  	v4 =	vld [tilespmem:s7+$0x10]  }
0xc1: {  	v5 =	vld [tilespmem:s7+$0x0]  }
0xc2: {  	v6 =	vld [tilespmem:s7+$0x438]  }
0xc3: {  	v7 =	vld [tilespmem:s7+$0x30]  }
0xc4: {  	v8 =	vld [tilespmem:s7+$0x430]  }
0xc5: {  	v9 =	vld [tilespmem:s7+$0x40];
	v10 =	vshll.u32 v4, $0x4  }
0xc6: {  	v13 =	vand.u32 $0x7F, v3;
	v11 =	vld [tilespmem:s7+$0x50];
	v12 =	vshll.u32 v5, $0x4;
	v10 =	vand.u32 $0x3800, v10  }
0xc7: {  	v4 =	vand.u32 $0x7F, v4;
	v14 =	vld [tilespmem:s7+$0x420];
	v12 =	vand.u32 $0x3800, v12;
	v15 =	vand.u32 $0x7F, v6  }
0xc8: {  	v3 =	vshll.u32 v3, $0x4;
	v5 =	vand.u32 $0x7F, v5;
	v4 =	vor.u32 v10, v4;
	v16 =	vld [tilespmem:s7+$0x60]  }
0xc9: {  	v17 =	vshll.u32 v7, $0x4;
	v5 =	vor.u32 v12, v5;
	v4 =	vor.u32 s0, v4;
	v10 =	vld [tilespmem:s7+$0x410]  }
0xca: {  	v7 =	vand.u32 $0x7F, v7;
	v17 =	vand.u32 $0x3800, v17;
	v12 =	vld [tilespmem:s7+$0x70];
	v18 =	vshll.u32 v9, $0x4  }
0xcb: {  	v20 =	vshll.u32 v8, $0x4;
	v5 =	vor.u32 s0, v5;
	v19 =	vld [tilespmem:s7+$0x400];
	v18 =	vand.u32 $0x3800, v18  }
0xcc: {  	v3 =	vand.u32 $0x3800, v3;
	v9 =	vand.u32 $0x7F, v9;
	v7 =	vor.u32 v17, v7  }
0xcd: {  	v3 =	vor.u32 v3, v13;
	v17 =	vshll.u32 v11, $0x4;
	v21 =	vshll.u32 v16, $0x4  }
0xce: {  	v3 =	vor.u32 s0, v3;
	v13 =	vand.u32 $0x3800, v21;
	v21 =	vshll.u32 v10, $0x4  }
0xcf: {  	v11 =	vand.u32 $0x7F, v11;
	v16 =	vand.u32 $0x7F, v16;
	v21 =	vand.u32 $0x3800, v21  }
0xd0: {  	s6 =	sshll.u32 s6, $0xB;
	v24 =	vshll.u32 v14, $0x4;
	v22 =	vshll.u32 v12, $0x4;
	v23 =	vand.u32 $0x7F, v19  }
0xd1: {  	s6 =	sshra.s32 s6, $0x2;
	v14 =	vand.u32 $0x7F, v14;
	v12 =	vand.u32 $0x7F, v12;
	v22 =	vand.u32 $0x3800, v22  }
0xd2: {  	s6 =	sand.u32 $0xFFFFF000, s6;
	v17 =	vand.u32 $0x3800, v17;
	v24 =	vand.u32 $0x3800, v24;
	v12 =	vor.u32 v22, v12  }
0xd3: {  	s5 =	sor.u32 s5, s6;
	v11 =	vor.u32 v17, v11;
	v10 =	vand.u32 $0x7F, v10;
	v12 =	vor.u32 s0, v12  }
0xd4: {  	v9 =	vor.u32 v18, v9;
	v14 =	vor.u32 v24, v14;
	v10 =	vor.u32 v21, v10;
	v17 =	vld [tilespmem:s5+$0x2050]  }
0xd5: {  	v13 =	vor.u32 v13, v16;
	v19 =	vshll.u32 v19, $0x4;
	v10 =	vor.u32 s0, v10;
	v18 =	vld [tilespmem:s5+$0x2040]  }
0xd6: {  	v7 =	vor.u32 s0, v7;
	v13 =	vor.u32 s0, v13;
	v19 =	vand.u32 $0x3800, v19;
	v16 =	vld [tilespmem:s5+$0x2030]  }
0xd7: {  	v6 =	vshll.u32 v6, $0x4;
	v8 =	vand.u32 $0x7F, v8;
	v20 =	vand.u32 $0x3800, v20;
	v21 =	vld [tilespmem:s5+$0x2020]  }
0xd8: {  	v6 =	vand.u32 $0x3800, v6;
	v8 =	vor.u32 v20, v8;
	v19 =	vor.u32 v19, v23;
	v22 =	vld [tilespmem:s5+$0x2010]  }
0xd9: {  	v6 =	vor.u32 v6, v15;
	v9 =	vor.u32 s0, v9;
	v19 =	vor.u32 s0, v19;
	v20 =	vld [tilespmem:s5+$0x2000]  }
0xda: {  	v23 =	vshll.u32 v17, $0x4;
	v15 =	vshll.u32 v18, $0x4;
	[tilespmem:v5+s26+$0x0] =	vst.idx.add.f32.msk $0xffff, v1;
	v5 =	vor.u32 s0, v11  }
0xdb: {  	v23 =	vand.u32 $0x3800, v23;
	v11 =	vshll.u32 v16, $0x4;
	[tilespmem:v4+s26+$0x0] =	vst.idx.add.f32.msk $0xffff, v1;
	v4 =	vor.u32 s0, v8  }
0xdc: {  	v16 =	vand.u32 $0x7F, v16;
	v8 =	vshll.u32 v21, $0x4;
	[tilespmem:v3+s26+$0x0] =	vst.idx.add.f32.msk $0xffff, v1;
	v3 =	vor.u32 s0, v6  }
0xdd: {  	v11 =	vand.u32 $0x3800, v11;
	v6 =	vshll.u32 v22, $0x4;
	v8 =	vand.u32 $0x3800, v8;
	[tilespmem:v7+s26+$0x0] =	vst.idx.add.f32.msk $0xffff, v1  }
0xde: {  	v22 =	vand.u32 $0x7F, v22;
	v7 =	vshll.u32 v20, $0x4;
	v6 =	vand.u32 $0x3800, v6;
	[tilespmem:v9+s26+$0x0] =	vst.idx.add.f32.msk $0xffff, v1  }
0xdf: {  	v9 =	vand.u32 $0x7F, v20;
	v7 =	vand.u32 $0x3800, v7;
	[tilespmem:v5+s26+$0x0] =	vst.idx.add.f32.msk $0xffff, v1;
	v5 =	vor.u32 s0, v14  }
0xe0: {  	v14 =	vand.u32 $0x7F, v21;
	v6 =	vor.u32 v6, v22;
	[tilespmem:v13+s26+$0x0] =	vst.idx.add.f32.msk $0xffff, v1;
	v7 =	vor.u32 v7, v9  }
0xe1: {  	v11 =	vor.u32 v11, v16;
	v9 =	vand.u32 $0x7F, v17;
	v8 =	vor.u32 v8, v14;
	[tilespmem:v12+s26+$0x0] =	vst.idx.add.f32.msk $0xffff, v1  }
0xe2: {  	v7 =	vor.u32 s0, v7;
	v9 =	vor.u32 v23, v9;
	[tilespmem:v19+s26+$0x0] =	vst.idx.add.f32.msk $0xffff, v1  }
0xe3: {  	v6 =	vor.u32 s0, v6;
	[tilespmem:v10+s26+$0x0] =	vst.idx.add.f32.msk $0xffff, v1  }
0xe4: {  	v12 =	vand.u32 $0x7F, v18;
	v10 =	vand.u32 $0x3800, v15;
	[tilespmem:v5+s26+$0x0] =	vst.idx.add.f32.msk $0xffff, v1;
	v5 =	vor.u32 s0, v8  }
0xe5: {  	v8 =	vor.u32 v10, v12;
	[tilespmem:v4+s26+$0x0] =	vst.idx.add.f32.msk $0xffff, v1;
	v4 =	vor.u32 s0, v11  }
0xe6: {  	[tilespmem:v3+s26+$0x0] =	vst.idx.add.f32.msk vm0, v1;
	v3 =	vor.u32 s0, v8  }
0xe7: {  	[tilespmem:v7+s26+$0x0] =	vst.idx.add.f32.msk $0xffff, v2;
	v7 =	vor.u32 s0, v9  }
0xe8: {  	[tilespmem:v6+s26+$0x0] =	vst.idx.add.f32.msk $0xffff, v2  }
0xe9: {  	[tilespmem:v5+s26+$0x0] =	vst.idx.add.f32.msk $0xffff, v2  }
0xea: {  	[tilespmem:v4+s26+$0x0] =	vst.idx.add.f32.msk $0xffff, v2  }
0xeb: {  	[tilespmem:v3+s26+$0x0] =	vst.idx.add.f32.msk $0xffff, v2  }
0xec: {  	[tilespmem:v7+s26+$0x0] =	vst.idx.add.f32.msk $0xffff, v2  }
0xed: {  	v5 =	vld [tilespmem:s5+$0x2820]  }
0xee: {  	v6 =	vld [tilespmem:s5+$0x2070]  }
0xef: {  	v3 =	vld [tilespmem:s5+$0x2830]  }
0xf0: {  	v7 =	vld [tilespmem:s5+$0x2810]  }
0xf1: {  	v8 =	vld [tilespmem:s5+$0x2800]  }
0xf2: {  	v10 =	vld [tilespmem:s5+$0x2470];
	v4 =	vshll.u32 v5, $0x4  }
0xf3: {  	v5 =	vand.u32 $0x7F, v5;
	v11 =	vld [tilespmem:s5+$0x2460];
	v9 =	vshll.u32 v6, $0x4;
	v4 =	vand.u32 $0x3800, v4  }
0xf4: {  	v14 =	vand.u32 $0x7F, v6;
	v12 =	vld [tilespmem:s5+$0x2060];
	v9 =	vand.u32 $0x3800, v9;
	v6 =	vshll.u32 v3, $0x4  }
0xf5: {  	v16 =	vld [tilespmem:s5+$0x2400];
	v13 =	vshll.u32 v7, $0x4;
	v7 =	vand.u32 $0x7F, v7;
	v9 =	vor.u32 v9, v14  }
0xf6: {  	v14 =	vld [tilespmem:s5+$0x2410];
	v17 =	vshll.u32 v8, $0x4;
	v22 =	vand.u32 $0x7F, v8;
	v9 =	vor.u32 s0, v9  }
0xf7: {  	v15 =	vld [tilespmem:s5+$0x2420];
	v8 =	vshll.u32 v10, $0x4;
	v10 =	vand.u32 $0x7F, v10;
	v23 =	vand.u32 $0x3800, v17  }
0xf8: {  	v18 =	vld [tilespmem:s5+$0x2440];
	v17 =	vshll.u32 v11, $0x4;
	v11 =	vand.u32 $0x7F, v11;
	v20 =	vand.u32 $0x3800, v8  }
.Ltmp1:
0xf9: {  	v19 =	vld [tilespmem:s5+$0x2430];
	v8 =	vshll.u32 v12, $0x4;
	v12 =	vand.u32 $0x7F, v12;
	v17 =	vand.u32 $0x3800, v17;
	(pc) =	sbr.rel @p1 .LBB2_5-.Ltmp1, $4  }
0xfa: {  	v21 =	vand.u32 $0x3800, v8;
	v24 =	vshll.u32 v16, $0x4;
	v8 =	vor.u32 v17, v11  }
0xfb: {  	v16 =	vand.u32 $0x7F, v16;
	v11 =	vand.u32 $0x3800, v24;
	v21 =	vor.u32 v21, v12  }
0xfc: {  	v10 =	vor.u32 v20, v10;
	v17 =	vand.u32 $0x7F, v14;
	v12 =	vld [tilespmem:s5+$0x2840];
	v11 =	vor.u32 v11, v16  }
0xfd: {  	v21 =	vor.u32 s0, v21;
	v20 =	vld [tilespmem:s5+$0x2C00];
	v16 =	vor.u32 s0, v11;
	v11 =	vor.u32 v23, v22  }
0xfe: {  	v22 =	vand.u32 $0x7F, v19  }
0xff: {  	v23 =	vshll.u32 v18, $0x4;
	v13 =	vand.u32 $0x3800, v13;
	v14 =	vshll.u32 v14, $0x4  }
0x100: {  	v24 =	vshll.u32 v15, $0x4;
	v42 =	vand.u32 $0x7F, v18;
	v43 =	vshll.u32 v19, $0x4;
	v25 =	vld [tilespmem:s5+$0x2450]  }
0x101: {  	v44 =	vand.u32 $0x7F, v15;
	v8 =	vor.u32 s2, v8;
	v10 =	vor.u32 s2, v10  }
0x102: {  	v11 =	vor.u32 s2, v11;
	v24 =	vand.u32 $0x3800, v24;
	v14 =	vand.u32 $0x3800, v14  }
0x103: {  	v26 =	vld [tilespmem:s5+$0x2860];
	v19 =	vand.u32 $0x3800, v43;
	v49 =	vand.u32 $0x3800, v23;
	v14 =	vor.u32 v14, v17  }
0x104: {  	v45 =	vld [tilespmem:s5+$0x2850];
	v15 =	vor.u32 v24, v44;
	v46 =	vor.u32 v19, v22;
	v14 =	vor.u32 s2, v14  }
0x105: {  	v48 =	vld [tilespmem:s5+$0x2870];
	v18 =	vor.u32 v49, v42;
	v15 =	vor.u32 s2, v15;
	v50 =	vshll.u32 v25, $0x4  }
0x106: {  	[tilespmem:v21+s26+$0x0] =	vst.idx.add.f32.msk $0xffff, v2;
	v17 =	vor.u32 s2, v46;
	v52 =	vand.u32 $0x7F, v25;
	v51 =	vand.u32 $0x3800, v50  }
0x107: {  	v6 =	vand.u32 $0x3800, v6;
	[tilespmem:v9+s26+$0x0] =	vst.idx.add.f32.msk $0xffff, v2;
	v18 =	vor.u32 s2, v18;
	v21 =	vor.u32 v51, v52  }
0x108: {  	v3 =	vand.u32 $0x7F, v3;
	v4 =	vor.u32 v4, v5;
	[tilespmem:v16+s26+$0x0] =	vst.idx.add.f32.msk $0xffff, v2;
	v21 =	vor.u32 s2, v21  }
0x109: {  	v7 =	vor.u32 v13, v7;
	v3 =	vor.u32 v6, v3;
	v4 =	vor.u32 s2, v4;
	[tilespmem:v14+s26+$0x0] =	vst.idx.add.f32.msk $0xffff, v2  }
0x10a: {  	v7 =	vor.u32 s2, v7;
	v3 =	vor.u32 s2, v3;
	v27 =	vand.u32 $0x7F, v12;
	[tilespmem:v15+s26+$0x0] =	vst.idx.add.f32.msk $0xffff, v2  }
0x10b: {  	v57 =	vshll.u32 v12, $0x4;
	v28 =	vand.u32 $0x7F, v20;
	v47 =	vshll.u32 v20, $0x4;
	[tilespmem:v17+s26+$0x0] =	vst.idx.add.f32.msk $0xffff, v2  }
0x10c: {  	v58 =	vand.u32 $0x3800, v57;
	v53 =	vshll.u32 v26, $0x4;
	v54 =	vand.u32 $0x7F, v26;
	[tilespmem:v18+s26+$0x0] =	vst.idx.add.f32.msk $0xffff, v2  }
0x10d: {  	v55 =	vand.u32 $0x7F, v45;
	v56 =	vshll.u32 v45, $0x4;
	v5 =	vor.u32 v58, v27;
	[tilespmem:v21+s26+$0x0] =	vst.idx.add.f32.msk $0xffff, v2  }
0x10e: {  	v60 =	vshll.u32 v48, $0x4;
	v61 =	vand.u32 $0x7F, v48;
	v59 =	vand.u32 $0x3800, v56;
	[tilespmem:v8+s26+$0x0] =	vst.idx.add.f32.msk $0xffff, v2  }
0x10f: {  	v9 =	vand.u32 $0x3800, v53;
	v5 =	vor.u32 s2, v5;
	v6 =	vor.u32 v59, v55;
	[tilespmem:v10+s26+$0x0] =	vst.idx.add.f32.msk $0xffff, v2  }
0x110: {  	v9 =	vor.u32 v9, v54;
	v6 =	vor.u32 s2, v6;
	v8 =	vand.u32 $0x3800, v60;
	[tilespmem:v11+s26+$0x0] =	vst.idx.add.f32.msk $0xffff, v2  }
0x111: {  	v62 =	vand.u32 $0x3800, v47;
	v9 =	vor.u32 s2, v9;
	v8 =	vor.u32 v8, v61;
	[tilespmem:v7+s26+$0x0] =	vst.idx.add.f32.msk $0xffff, v2  }
0x112: {  	v63 =	vor.u32 v62, v28;
	v8 =	vor.u32 s2, v8;
	[tilespmem:v4+s26+$0x0] =	vst.idx.add.f32.msk $0xffff, v2  }
0x113: {  	[tilespmem:v3+s26+$0x0] =	vst.idx.add.f32.msk $0xffff, v2;
	v3 =	vor.u32 s2, v63  }
0x114: {  	[tilespmem:v5+s26+$0x0] =	vst.idx.add.f32.msk $0xffff, v2  }
0x115: {  	[tilespmem:v6+s26+$0x0] =	vst.idx.add.f32.msk $0xffff, v2  }
0x116: {  	[tilespmem:v9+s26+$0x0] =	vst.idx.add.f32.msk $0xffff, v2  }
0x117: {  	[tilespmem:v8+s26+$0x0] =	vst.idx.add.f32.msk $0xffff, v2  }
0x118: {  	s0 =	simm.s32 @p0 $0x0;
	[tilespmem:v3+s26+$0x0] =	vst.idx.add.f32.msk $0xffff, v2  }
0x119: {  	[tilespmem:s0], [sflag:$0x1] =	stream.linear.gather @p0 [hbm4b:s8+s0], $0x1000, $0x38;
	[tilespmem:$0xE000] =	vst v63  }
0x11a: {  	s31 =	sor.u32 s20, s31;
	s2 =	simm.s32 @p0 $0x2000  }
0x11b: {  	[tilespmem:s2], [sflag:$0x3] =	stream.linear.gather @p0 [hbm4b:s9+s0], $0x2000, $0x38;
	[tilespmem:$0xE000] =	vst v63  }
0x11c: {  	s6 =	sadd.s32 s3, s31  }
0x11d: {  	[hbm4b:s6+s1] =	stream.linear.scatter [tilespmem:s26], [sflag:$0x5], $0x800, $0x38;
	[tilespmem:$0xE000] =	vst v63  }
0x11e: {  	s21 =	simm.s32 $0x6800;
	s7 =	sadd.s32 s31, s10  }
0x11f: {  	[hbm4b:s7+s1] =	stream.linear.scatter [tilespmem:s21], [sflag:$0x5], $0x800, $0x38;
	[tilespmem:$0xE000] =	vst v63  }
0x120: {  	s5 =	sadd.s32 s31, s11;
	s6 =	simm.s32 $0x7000  }
0x121: {  	[hbm4b:s5+s1] =	stream.linear.scatter [tilespmem:s6], [sflag:$0x5], $0x800, $0x38;
	[tilespmem:$0xE000] =	vst v63  }
0x122: {  	s7 =	sadd.s32 s31, s12;
	s21 =	simm.s32 $0x7800  }
0x123: {  	[hbm4b:s7+s1] =	stream.linear.scatter [tilespmem:s21], [sflag:$0x5], $0x800, $0x38;
	[tilespmem:$0xE000] =	vst v63  }
0x124: {  	s5 =	sadd.s32 s31, s13;
	s6 =	simm.s32 $0x8000  }
0x125: {  	[hbm4b:s5+s1] =	stream.linear.scatter [tilespmem:s6], [sflag:$0x5], $0x800, $0x38;
	[tilespmem:$0xE000] =	vst v63  }
0x126: {  	s7 =	sadd.s32 s31, s14;
	s21 =	simm.s32 $0x8800  }
0x127: {  	[hbm4b:s7+s1] =	stream.linear.scatter [tilespmem:s21], [sflag:$0x5], $0x800, $0x38;
	[tilespmem:$0xE000] =	vst v63  }
0x128: {  	s5 =	sadd.s32 s31, s15;
	s6 =	simm.s32 $0x9000  }
0x129: {  	[hbm4b:s5+s1] =	stream.linear.scatter [tilespmem:s6], [sflag:$0x5], $0x800, $0x38;
	[tilespmem:$0xE000] =	vst v63  }
0x12a: {  	s0 =	simm.s32 @!p0 $0x6;
	s7 =	sadd.s32 s31, s16;
	s21 =	simm.s32 $0x9800  }
0x12b: {  	[hbm4b:s7+s1] =	stream.linear.scatter [tilespmem:s21], [sflag:$0x5], $0x800, $0x38;
	[tilespmem:$0xE000] =	vst v63  }
0x12c: {  	_ =	swait.ge @!p0 [sflag:s0], $0x800  }
0x12d: {  	[sflag:s0] =	ssyncset.done @!p0 $0x0  }
0x12e: {  	[sflag:s0] =	ssyncadd.s32 @!p0 $0xFFFFF800  }
0x12f: {  	_ =	swait.ge @!p0 [sflag:s0], $0x800  }
0x130: {  	[sflag:s0] =	ssyncset.done @!p0 $0x0  }
0x131: {  	[sflag:s0] =	ssyncadd.s32 @!p0 $0xFFFFF800  }
0x132: {  	_ =	swait.ge @!p0 [sflag:s0], $0x800  }
0x133: {  	[sflag:s0] =	ssyncset.done @!p0 $0x0  }
0x134: {  	[sflag:s0] =	ssyncadd.s32 @!p0 $0xFFFFF800  }
0x135: {  	_ =	swait.ge @!p0 [sflag:s0], $0x800  }
0x136: {  	[sflag:s0] =	ssyncset.done @!p0 $0x0  }
0x137: {  	[sflag:s0] =	ssyncadd.s32 @!p0 $0xFFFFF800  }
0x138: {  	_ =	swait.ge @!p0 [sflag:s0], $0x800  }
0x139: {  	[sflag:s0] =	ssyncset.done @!p0 $0x0  }
0x13a: {  	[sflag:s0] =	ssyncadd.s32 @!p0 $0xFFFFF800  }
0x13b: {  	_ =	swait.ge @!p0 [sflag:s0], $0x800  }
0x13c: {  	[sflag:s0] =	ssyncset.done @!p0 $0x0  }
0x13d: {  	[sflag:s0] =	ssyncadd.s32 @!p0 $0xFFFFF800  }
0x13e: {  	_ =	swait.ge @!p0 [sflag:s0], $0x800  }
0x13f: {  	[sflag:s0] =	ssyncset.done @!p0 $0x0  }
0x140: {  	[sflag:s0] =	ssyncadd.s32 @!p0 $0xFFFFF800  }
0x141: {  	_ =	swait.ge @!p0 [sflag:s0], $0x800  }
0x142: {  	[sflag:s0] =	ssyncset.done @!p0 $0x0  }
0x143: {  	s2 =	simm.s32 $0x400;
	[sflag:s0] =	ssyncadd.s32 @!p0 $0xFFFFF800;
	s0 =	simm.s32 $0x0  }
.LBB2_7:
0x144: {  	p1 =	sne.s32 s2, $0xFC00;
	[tilespmem:s0+$0xA0F0] =	vst v0  }
0x145: {  	[tilespmem:s0+$0xA000] =	vst v0  }
0x146: {  	[tilespmem:s0+$0xA010] =	vst v0  }
0x147: {  	[tilespmem:s0+$0xA020] =	vst v0  }
0x148: {  	[tilespmem:s0+$0xA030] =	vst v0  }
0x149: {  	[tilespmem:s0+$0xA040] =	vst v0  }
0x14a: {  	[tilespmem:s0+$0xA050] =	vst v0  }
0x14b: {  	[tilespmem:s0+$0xA060] =	vst v0  }
0x14c: {  	[tilespmem:s0+$0xA070] =	vst v0  }
0x14d: {  	[tilespmem:s0+$0xA080] =	vst v0  }
0x14e: {  	[tilespmem:s0+$0xA090] =	vst v0  }
.Ltmp2:
0x14f: {  	[tilespmem:s0+$0xA0A0] =	vst v0;
	(pc) =	sbr.rel @p1 .LBB2_7-.Ltmp2, $4  }
0x150: {  	[tilespmem:s0+$0xA0B0] =	vst v0  }
0x151: {  	[tilespmem:s0+$0xA0C0] =	vst v0  }
0x152: {  	[tilespmem:s0+$0xA0D0] =	vst v0  }
0x153: {  	[tilespmem:s0+$0xA0E0] =	vst v0;
	s0 =	sshra.s32 s2, $0x2;
	s2 =	sadd.s32 $0x400, s2  }
0x154: {  	[tilespmem:s0+$0xA0F0] =	vst v0  }
0x155: {  	[tilespmem:s0+$0xA000] =	vst v0  }
0x156: {  	[tilespmem:s0+$0xA010] =	vst v0  }
0x157: {  	[tilespmem:s0+$0xA020] =	vst v0  }
0x158: {  	[tilespmem:s0+$0xA030] =	vst v0  }
0x159: {  	[tilespmem:s0+$0xA040] =	vst v0  }
0x15a: {  	[tilespmem:s0+$0xA050] =	vst v0  }
0x15b: {  	[tilespmem:s0+$0xA060] =	vst v0  }
0x15c: {  	[tilespmem:s0+$0xA070] =	vst v0  }
0x15d: {  	[tilespmem:s0+$0xA080] =	vst v0  }
0x15e: {  	[tilespmem:s0+$0xA090] =	vst v0  }
0x15f: {  	[tilespmem:s0+$0xA0A0] =	vst v0  }
0x160: {  	[tilespmem:s0+$0xA0B0] =	vst v0  }
0x161: {  	[tilespmem:s0+$0xA0C0] =	vst v0  }
0x162: {  	[tilespmem:s0+$0xA0D0] =	vst v0  }
0x163: {  	[tilespmem:s0+$0xA0E0] =	vst v0  }
0x164: {  	_ =	swait.ge [sflag:s22], $0x1000  }
0x165: {  	[sflag:s22] =	ssyncset.done $0x0  }
0x166: {  	[sflag:s22] =	ssyncadd.s32 $0xFFFFF000  }
0x167: {  	s0 =	simm.s32 $0x0;
	s2 =	simm.s32 $0x0;
	_ =	swait.ge [sflag:s23], $0x2000  }
0x168: {  	s5 =	sand.u32 $0x380, s0;
	s2 =	sand.u32 $0x3FFFF800, s2;
	[sflag:s23] =	ssyncset.done $0x0  }
0x169: {  	s2 =	sor.u32 s5, s2;
	[sflag:s23] =	ssyncadd.s32 $0xFFFFE000  }
0x16a: {  	v3 =	vld [tilespmem:s2+$0x1010]  }
0x16b: {  	v4 =	vld [tilespmem:s2+$0x1000]  }
0x16c: {  	v5 =	vld [tilespmem:s2+$0x1020]  }
0x16d: {  	v6 =	vld [tilespmem:s2+$0x1438]  }
0x16e: {  	v9 =	vld [tilespmem:s2+$0x1430]  }
0x16f: {  	v12 =	vld [tilespmem:s2+$0x1050]  }
0x170: {  	v16 =	vld [tilespmem:s2+$0x1420]  }
0x171: {  	v18 =	vld [tilespmem:s2+$0x1070]  }
0x172: {  	v19 =	vld [tilespmem:s2+$0x1400]  }
0x173: {  	v10 =	vshll.u32 v3, $0x4;
	v11 =	vshll.u32 v4, $0x4  }
0x174: {  	v13 =	vand.u32 $0x7F, v5;
	v3 =	vand.u32 $0x7F, v3;
	v14 =	vand.u32 $0x7F, v6  }
0x175: {  	v4 =	vand.u32 $0x7F, v4;
	v5 =	vshll.u32 v5, $0x4;
	v20 =	vshll.u32 v9, $0x4  }
0x176: {  	v7 =	vld [tilespmem:s2+$0x1030];
	v21 =	vshll.u32 v12, $0x4;
	v12 =	vand.u32 $0x7F, v12;
	v22 =	vshll.u32 v18, $0x4  }
0x177: {  	v8 =	vld [tilespmem:s2+$0x1040];
	v23 =	vand.u32 $0x7F, v19;
	v24 =	vshll.u32 v16, $0x4;
	v18 =	vand.u32 $0x7F, v18  }
0x178: {  	v16 =	vand.u32 $0x7F, v16;
	v9 =	vand.u32 $0x7F, v9;
	v6 =	vshll.u32 v6, $0x4  }
0x179: {  	v17 =	vld [tilespmem:s2+$0x1410];
	v10 =	vand.u32 $0x3800, v10;
	v11 =	vand.u32 $0x3800, v11;
	v5 =	vand.u32 $0x3800, v5  }
0x17a: {  	v22 =	vand.u32 $0x3800, v22;
	v21 =	vand.u32 $0x3800, v21;
	v24 =	vand.u32 $0x3800, v24  }
0x17b: {  	v20 =	vand.u32 $0x3800, v20;
	v6 =	vand.u32 $0x3800, v6;
	v3 =	vor.u32 v10, v3  }
0x17c: {  	v10 =	vshll.u32 v7, $0x4;
	v4 =	vor.u32 v11, v4;
	v11 =	vshll.u32 v8, $0x4  }
0x17d: {  	s21 =	simm.s32 $0x0;
	v15 =	vld [tilespmem:s2+$0x1060];
	v7 =	vand.u32 $0x7F, v7;
	v8 =	vand.u32 $0x7F, v8;
	v5 =	vor.u32 v5, v13  }
0x17e: {  	s2 =	sand.u32 $0xFFFFF000, s21;
	v13 =	vshll.u32 v17, $0x4;
	v18 =	vor.u32 v22, v18;
	v17 =	vand.u32 $0x7F, v17  }
0x17f: {  	s5 =	sor.u32 s5, s2;
	v12 =	vor.u32 v21, v12;
	v16 =	vor.u32 v24, v16;
	v9 =	vor.u32 v20, v9  }
0x180: {  	v62 =	vld [tilespmem:s5+$0x4000];
	v6 =	vor.u32 v6, v14;
	v3 =	vor.u32 s0, v3;
	v10 =	vand.u32 $0x3800, v10  }
0x181: {  	v22 =	vld [tilespmem:s5+$0x4050];
	v11 =	vand.u32 $0x3800, v11;
	v4 =	vor.u32 s0, v4;
	v5 =	vor.u32 s0, v5  }
0x182: {  	v21 =	vld [tilespmem:s5+$0x4010];
	v13 =	vand.u32 $0x3800, v13;
	v7 =	vor.u32 v10, v7;
	v10 =	vshll.u32 v15, $0x4  }
0x183: {  	v15 =	vand.u32 $0x7F, v15;
	v8 =	vor.u32 v11, v8;
	v11 =	vld [tilespmem:s5+$0x4040];
	v13 =	vor.u32 v13, v17  }
0x184: {  	v17 =	vshll.u32 v19, $0x4;
	v19 =	vld [tilespmem:s5+$0x4030];
	v10 =	vand.u32 $0x3800, v10;
	v7 =	vor.u32 s0, v7  }
0x185: {  	v8 =	vor.u32 s0, v8;
	v10 =	vor.u32 v10, v15;
	v15 =	vand.u32 $0x3800, v17;
	v17 =	vld [tilespmem:s5+$0x4020]  }
0x186: {  	v18 =	vor.u32 s0, v18;
	v9 =	vor.u32 s0, v9;
	[tilespmem:v4+s4+$0x0] =	vst.idx.add.f32.msk $0xffff, v1;
	v4 =	vor.u32 s0, v12  }
0x187: {  	v6 =	vor.u32 s0, v6;
	v10 =	vor.u32 s0, v10;
	v15 =	vor.u32 v15, v23;
	[tilespmem:v3+s4+$0x0] =	vst.idx.add.f32.msk $0xffff, v1  }
0x188: {  	v13 =	vor.u32 s0, v13;
	v14 =	vshll.u32 v22, $0x4;
	v12 =	vor.u32 s0, v15;
	[tilespmem:v5+s4+$0x0] =	vst.idx.add.f32.msk $0xffff, v1  }
0x189: {  	v3 =	vshll.u32 v11, $0x4;
	v15 =	vshll.u32 v19, $0x4;
	v11 =	vand.u32 $0x7F, v11;
	[tilespmem:v7+s4+$0x0] =	vst.idx.add.f32.msk $0xffff, v1  }
0x18a: {  	v5 =	vand.u32 $0x3800, v14;
	v14 =	vshll.u32 v17, $0x4;
	v7 =	vand.u32 $0x7F, v19;
	[tilespmem:v8+s4+$0x0] =	vst.idx.add.f32.msk $0xffff, v1  }
0x18b: {  	v8 =	vand.u32 $0x3800, v14;
	v14 =	vshll.u32 v62, $0x4;
	[tilespmem:v4+s4+$0x0] =	vst.idx.add.f32.msk $0xffff, v1;
	v4 =	vor.u32 s0, v16  }
0x18c: {  	v19 =	vshll.u32 v21, $0x4;
	v14 =	vand.u32 $0x3800, v14;
	v16 =	vand.u32 $0x7F, v62;
	[tilespmem:v10+s4+$0x0] =	vst.idx.add.f32.msk $0xffff, v1  }
0x18d: {  	v10 =	vand.u32 $0x3800, v19;
	v19 =	vand.u32 $0x7F, v21;
	v14 =	vor.u32 v14, v16;
	[tilespmem:v18+s4+$0x0] =	vst.idx.add.f32.msk $0xffff, v1  }
0x18e: {  	v16 =	vand.u32 $0x7F, v17;
	v10 =	vor.u32 v10, v19;
	[tilespmem:v12+s4+$0x0] =	vst.idx.add.f32.msk $0xffff, v1;
	v12 =	vor.u32 s0, v14  }
0x18f: {  	v15 =	vand.u32 $0x3800, v15;
	v8 =	vor.u32 v8, v16;
	v10 =	vor.u32 s0, v10;
	[tilespmem:v13+s4+$0x0] =	vst.idx.add.f32.msk $0xffff, v1  }
0x190: {  	v3 =	vand.u32 $0x3800, v3;
	v7 =	vor.u32 v15, v7;
	[tilespmem:v4+s4+$0x0] =	vst.idx.add.f32.msk $0xffff, v1;
	v4 =	vor.u32 s0, v8  }
0x191: {  	v3 =	vor.u32 v3, v11;
	v7 =	vor.u32 s0, v7;
	v8 =	vand.u32 $0x7F, v22;
	[tilespmem:v9+s4+$0x0] =	vst.idx.add.f32.msk $0xffff, v1  }
0x192: {  	v3 =	vor.u32 s0, v3;
	v5 =	vor.u32 v5, v8;
	[tilespmem:v6+s4+$0x0] =	vst.idx.add.f32.msk vm0, v1  }
0x193: {  	v5 =	vor.u32 s0, v5;
	[tilespmem:v12+s4+$0x0] =	vst.idx.add.f32.msk $0xffff, v2  }
0x194: {  	[tilespmem:v10+s4+$0x0] =	vst.idx.add.f32.msk $0xffff, v2  }
0x195: {  	[tilespmem:v4+s4+$0x0] =	vst.idx.add.f32.msk $0xffff, v2  }
0x196: {  	[tilespmem:v7+s4+$0x0] =	vst.idx.add.f32.msk $0xffff, v2  }
0x197: {  	[tilespmem:v3+s4+$0x0] =	vst.idx.add.f32.msk $0xffff, v2  }
0x198: {  	[tilespmem:v5+s4+$0x0] =	vst.idx.add.f32.msk $0xffff, v2  }
0x199: {  	v5 =	vld [tilespmem:s5+$0x4820]  }
0x19a: {  	v6 =	vld [tilespmem:s5+$0x4070]  }
0x19b: {  	v3 =	vld [tilespmem:s5+$0x4830]  }
0x19c: {  	v7 =	vld [tilespmem:s5+$0x4810]  }
0x19d: {  	v8 =	vld [tilespmem:s5+$0x4800]  }
0x19e: {  	v10 =	vld [tilespmem:s5+$0x4470]  }
0x19f: {  	v11 =	vld [tilespmem:s5+$0x4460]  }
0x1a0: {  	v16 =	vld [tilespmem:s5+$0x4400];
	v4 =	vshll.u32 v5, $0x4  }
0x1a1: {  	v9 =	vshll.u32 v6, $0x4;
	v5 =	vand.u32 $0x7F, v5;
	v14 =	vand.u32 $0x7F, v6  }
0x1a2: {  	v12 =	vld [tilespmem:s5+$0x4060];
	v6 =	vshll.u32 v3, $0x4;
	v13 =	vshll.u32 v7, $0x4;
	v7 =	vand.u32 $0x7F, v7  }
0x1a3: {  	v15 =	vshll.u32 v8, $0x4;
	v22 =	vand.u32 $0x7F, v8;
	v8 =	vshll.u32 v10, $0x4  }
0x1a4: {  	v10 =	vand.u32 $0x7F, v10;
	v17 =	vshll.u32 v11, $0x4;
	v11 =	vand.u32 $0x7F, v11  }
0x1a5: {  	v63 =	vshll.u32 v16, $0x4;
	v16 =	vand.u32 $0x7F, v16;
	v9 =	vand.u32 $0x3800, v9  }
0x1a6: {  	v4 =	vand.u32 $0x3800, v4;
	v23 =	vand.u32 $0x3800, v15;
	v9 =	vor.u32 v9, v14;
	v14 =	vld [tilespmem:s5+$0x4410]  }
0x1a7: {  	v18 =	vld [tilespmem:s5+$0x4440];
	v20 =	vand.u32 $0x3800, v8;
	v8 =	vshll.u32 v12, $0x4;
	v17 =	vand.u32 $0x3800, v17  }
0x1a8: {  	v19 =	vld [tilespmem:s5+$0x4430];
	v12 =	vand.u32 $0x7F, v12;
	v21 =	vand.u32 $0x3800, v8;
	v8 =	vor.u32 v17, v11  }
0x1a9: {  	v15 =	vld [tilespmem:s5+$0x4420];
	v11 =	vand.u32 $0x3800, v63;
	v10 =	vor.u32 v20, v10;
	v21 =	vor.u32 v21, v12  }
0x1aa: {  	v20 =	vld [tilespmem:s5+$0x4C00];
	v9 =	vor.u32 s0, v9;
	v11 =	vor.u32 v11, v16;
	v21 =	vor.u32 s0, v21  }
0x1ab: {  	s21 =	simm.s32 $0x1;
	s2 =	simm.s32 $0x0;
	v12 =	vld [tilespmem:s5+$0x4840];
	v16 =	vor.u32 s0, v11;
	v11 =	vor.u32 v23, v22;
	v17 =	vand.u32 $0x7F, v14  }
.LBB2_9:
0x1ac: {  	p1 =	sne.s32 s21, $0xF  }
0x1ad: {  	v22 =	vld [tilespmem:s5+$0x4870];
	v23 =	vand.u32 $0x7F, v19;
	v24 =	vshll.u32 v18, $0x4;
	v13 =	vand.u32 $0x3800, v13;
	s0 =	sadd.s32 $0x80, s0;
	s6 =	smov.u32 s21;
	s21 =	sadd.s32 $0x1, s21  }
0x1ae: {  	v14 =	vshll.u32 v14, $0x4;
	v26 =	vshll.u32 v15, $0x4;
	v18 =	vand.u32 $0x7F, v18;
	v25 =	vld [tilespmem:s5+$0x4860]  }
0x1af: {  	v15 =	vand.u32 $0x7F, v15;
	v19 =	vshll.u32 v19, $0x4;
	v26 =	vand.u32 $0x3800, v26;
	v27 =	vld [tilespmem:s5+$0x4850]  }
0x1b0: {  	v19 =	vand.u32 $0x3800, v19;
	v15 =	vor.u32 v26, v15;
	v28 =	vld [tilespmem:s5+$0x4450];
	v29 =	vand.u32 $0x7F, v12  }
0x1b1: {  	v19 =	vor.u32 v19, v23;
	v15 =	vor.u32 s2, v15;
	v26 =	vand.u32 $0x7F, v20;
	[tilespmem:v21+s4+$0x0] =	vst.idx.add.f32.msk $0xffff, v2  }
0x1b2: {  	v14 =	vand.u32 $0x3800, v14;
	v20 =	vshll.u32 v20, $0x4;
	[tilespmem:v9+s4+$0x0] =	vst.idx.add.f32.msk $0xffff, v2;
	v9 =	vor.u32 s2, v19  }
0x1b3: {  	v14 =	vor.u32 v14, v17;
	v19 =	vshll.u32 v25, $0x4;
	v21 =	vand.u32 $0x7F, v25;
	[tilespmem:v16+s4+$0x0] =	vst.idx.add.f32.msk $0xffff, v2  }
0x1b4: {  	v14 =	vor.u32 s2, v14;
	v17 =	vand.u32 $0x3800, v20;
	v16 =	vand.u32 $0x7F, v27  }
0x1b5: {  	v20 =	vand.u32 $0x3800, v24;
	v24 =	vshll.u32 v27, $0x4;
	v23 =	vshll.u32 v28, $0x4  }
0x1b6: {  	v19 =	vand.u32 $0x3800, v19;
	v25 =	vand.u32 $0x7F, v28;
	v23 =	vand.u32 $0x3800, v23  }
0x1b7: {  	v18 =	vor.u32 v20, v18;
	v19 =	vor.u32 v19, v21;
	v20 =	vor.u32 v23, v25  }
0x1b8: {  	v12 =	vshll.u32 v12, $0x4;
	v18 =	vor.u32 s2, v18;
	v20 =	vor.u32 s2, v20  }
0x1b9: {  	v8 =	vor.u32 s2, v8;
	v12 =	vand.u32 $0x3800, v12;
	v21 =	vand.u32 $0x3800, v24;
	[tilespmem:v14+s4+$0x0] =	vst.idx.add.f32.msk $0xffff, v2  }
0x1ba: {  	v10 =	vor.u32 s2, v10;
	v12 =	vor.u32 v12, v29;
	v14 =	vor.u32 v21, v16;
	[tilespmem:v15+s4+$0x0] =	vst.idx.add.f32.msk $0xffff, v2  }
0x1bb: {  	v7 =	vor.u32 v13, v7;
	v15 =	vshll.u32 v22, $0x4;
	[tilespmem:v9+s4+$0x0] =	vst.idx.add.f32.msk $0xffff, v2;
	v9 =	vor.u32 s2, v11  }
0x1bc: {  	v6 =	vand.u32 $0x3800, v6;
	v3 =	vand.u32 $0x7F, v3;
	v11 =	vor.u32 v17, v26  }
0x1bd: {  	v4 =	vor.u32 v4, v5;
	v3 =	vor.u32 v6, v3;
	v7 =	vor.u32 s2, v7;
	[tilespmem:v18+s4+$0x0] =	vst.idx.add.f32.msk $0xffff, v2  }
0x1be: {  	v4 =	vor.u32 s2, v4;
	[tilespmem:v20+s4+$0x0] =	vst.idx.add.f32.msk $0xffff, v2  }
0x1bf: {  	v3 =	vor.u32 s2, v3;
	[tilespmem:v8+s4+$0x0] =	vst.idx.add.f32.msk $0xffff, v2  }
0x1c0: {  	v6 =	vand.u32 $0x7F, v22;
	v5 =	vand.u32 $0x3800, v15;
	v8 =	vor.u32 s2, v12;
	[tilespmem:v10+s4+$0x0] =	vst.idx.add.f32.msk $0xffff, v2  }
0x1c1: {  	v5 =	vor.u32 v5, v6;
	v10 =	vor.u32 s2, v19;
	[tilespmem:v9+s4+$0x0] =	vst.idx.add.f32.msk $0xffff, v2;
	v9 =	vor.u32 s2, v14  }
0x1c2: {  	v5 =	vor.u32 s2, v5;
	[tilespmem:v7+s4+$0x0] =	vst.idx.add.f32.msk $0xffff, v2  }
0x1c3: {  	[tilespmem:v4+s4+$0x0] =	vst.idx.add.f32.msk $0xffff, v2  }
0x1c4: {  	[tilespmem:v3+s4+$0x0] =	vst.idx.add.f32.msk $0xffff, v2;
	v3 =	vor.u32 s2, v11;
	s2 =	smov.u32 s0  }
0x1c5: {  	[tilespmem:v8+s4+$0x0] =	vst.idx.add.f32.msk $0xffff, v2  }
0x1c6: {  	[tilespmem:v9+s4+$0x0] =	vst.idx.add.f32.msk $0xffff, v2  }
0x1c7: {  	s7 =	sshll.u32 s6, $0x8;
	[tilespmem:v10+s4+$0x0] =	vst.idx.add.f32.msk $0xffff, v2  }
0x1c8: {  	s7 =	sand.u32 $0x3FFFF800, s7;
	s5 =	sand.u32 $0x380, s0;
	[tilespmem:v5+s4+$0x0] =	vst.idx.add.f32.msk $0xffff, v2  }
0x1c9: {  	s7 =	sor.u32 s5, s7;
	[tilespmem:v3+s4+$0x0] =	vst.idx.add.f32.msk $0xffff, v2  }
0x1ca: {  	v3 =	vld [tilespmem:s7+$0x1020]  }
0x1cb: {  	v4 =	vld [tilespmem:s7+$0x1010]  }
0x1cc: {  	v5 =	vld [tilespmem:s7+$0x1000]  }
0x1cd: {  	v6 =	vld [tilespmem:s7+$0x1438]  }
0x1ce: {  	v7 =	vld [tilespmem:s7+$0x1030]  }
0x1cf: {  	v8 =	vld [tilespmem:s7+$0x1430]  }
0x1d0: {  	v9 =	vld [tilespmem:s7+$0x1040];
	v10 =	vshll.u32 v4, $0x4  }
0x1d1: {  	v13 =	vand.u32 $0x7F, v3;
	v11 =	vld [tilespmem:s7+$0x1050];
	v12 =	vshll.u32 v5, $0x4;
	v10 =	vand.u32 $0x3800, v10  }
0x1d2: {  	v4 =	vand.u32 $0x7F, v4;
	v14 =	vld [tilespmem:s7+$0x1420];
	v12 =	vand.u32 $0x3800, v12;
	v15 =	vand.u32 $0x7F, v6  }
0x1d3: {  	v3 =	vshll.u32 v3, $0x4;
	v5 =	vand.u32 $0x7F, v5;
	v4 =	vor.u32 v10, v4;
	v16 =	vld [tilespmem:s7+$0x1060]  }
0x1d4: {  	v17 =	vshll.u32 v7, $0x4;
	v5 =	vor.u32 v12, v5;
	v4 =	vor.u32 s0, v4;
	v10 =	vld [tilespmem:s7+$0x1410]  }
0x1d5: {  	v7 =	vand.u32 $0x7F, v7;
	v17 =	vand.u32 $0x3800, v17;
	v12 =	vld [tilespmem:s7+$0x1070];
	v18 =	vshll.u32 v9, $0x4  }
0x1d6: {  	v20 =	vshll.u32 v8, $0x4;
	v5 =	vor.u32 s0, v5;
	v19 =	vld [tilespmem:s7+$0x1400];
	v18 =	vand.u32 $0x3800, v18  }
0x1d7: {  	v3 =	vand.u32 $0x3800, v3;
	v9 =	vand.u32 $0x7F, v9;
	v7 =	vor.u32 v17, v7  }
0x1d8: {  	v3 =	vor.u32 v3, v13;
	v17 =	vshll.u32 v11, $0x4;
	v21 =	vshll.u32 v16, $0x4  }
0x1d9: {  	v3 =	vor.u32 s0, v3;
	v13 =	vand.u32 $0x3800, v21;
	v21 =	vshll.u32 v10, $0x4  }
0x1da: {  	v11 =	vand.u32 $0x7F, v11;
	v16 =	vand.u32 $0x7F, v16;
	v21 =	vand.u32 $0x3800, v21  }
0x1db: {  	s6 =	sshll.u32 s6, $0xB;
	v24 =	vshll.u32 v14, $0x4;
	v22 =	vshll.u32 v12, $0x4;
	v23 =	vand.u32 $0x7F, v19  }
0x1dc: {  	s6 =	sshra.s32 s6, $0x2;
	v14 =	vand.u32 $0x7F, v14;
	v12 =	vand.u32 $0x7F, v12;
	v22 =	vand.u32 $0x3800, v22  }
0x1dd: {  	s6 =	sand.u32 $0xFFFFF000, s6;
	v17 =	vand.u32 $0x3800, v17;
	v24 =	vand.u32 $0x3800, v24;
	v12 =	vor.u32 v22, v12  }
0x1de: {  	s5 =	sor.u32 s5, s6;
	v11 =	vor.u32 v17, v11;
	v10 =	vand.u32 $0x7F, v10;
	v12 =	vor.u32 s0, v12  }
0x1df: {  	v9 =	vor.u32 v18, v9;
	v14 =	vor.u32 v24, v14;
	v10 =	vor.u32 v21, v10;
	v17 =	vld [tilespmem:s5+$0x4050]  }
0x1e0: {  	v13 =	vor.u32 v13, v16;
	v19 =	vshll.u32 v19, $0x4;
	v10 =	vor.u32 s0, v10;
	v18 =	vld [tilespmem:s5+$0x4040]  }
0x1e1: {  	v7 =	vor.u32 s0, v7;
	v13 =	vor.u32 s0, v13;
	v19 =	vand.u32 $0x3800, v19;
	v16 =	vld [tilespmem:s5+$0x4030]  }
0x1e2: {  	v6 =	vshll.u32 v6, $0x4;
	v8 =	vand.u32 $0x7F, v8;
	v20 =	vand.u32 $0x3800, v20;
	v21 =	vld [tilespmem:s5+$0x4020]  }
0x1e3: {  	v6 =	vand.u32 $0x3800, v6;
	v8 =	vor.u32 v20, v8;
	v19 =	vor.u32 v19, v23;
	v22 =	vld [tilespmem:s5+$0x4010]  }
0x1e4: {  	v6 =	vor.u32 v6, v15;
	v9 =	vor.u32 s0, v9;
	v19 =	vor.u32 s0, v19;
	v20 =	vld [tilespmem:s5+$0x4000]  }
0x1e5: {  	v23 =	vshll.u32 v17, $0x4;
	v15 =	vshll.u32 v18, $0x4;
	[tilespmem:v5+s4+$0x0] =	vst.idx.add.f32.msk $0xffff, v1;
	v5 =	vor.u32 s0, v11  }
0x1e6: {  	v23 =	vand.u32 $0x3800, v23;
	v11 =	vshll.u32 v16, $0x4;
	[tilespmem:v4+s4+$0x0] =	vst.idx.add.f32.msk $0xffff, v1;
	v4 =	vor.u32 s0, v8  }
0x1e7: {  	v16 =	vand.u32 $0x7F, v16;
	v8 =	vshll.u32 v21, $0x4;
	[tilespmem:v3+s4+$0x0] =	vst.idx.add.f32.msk $0xffff, v1;
	v3 =	vor.u32 s0, v6  }
0x1e8: {  	v11 =	vand.u32 $0x3800, v11;
	v6 =	vshll.u32 v22, $0x4;
	v8 =	vand.u32 $0x3800, v8;
	[tilespmem:v7+s4+$0x0] =	vst.idx.add.f32.msk $0xffff, v1  }
0x1e9: {  	v22 =	vand.u32 $0x7F, v22;
	v7 =	vshll.u32 v20, $0x4;
	v6 =	vand.u32 $0x3800, v6;
	[tilespmem:v9+s4+$0x0] =	vst.idx.add.f32.msk $0xffff, v1  }
0x1ea: {  	v9 =	vand.u32 $0x7F, v20;
	v7 =	vand.u32 $0x3800, v7;
	[tilespmem:v5+s4+$0x0] =	vst.idx.add.f32.msk $0xffff, v1;
	v5 =	vor.u32 s0, v14  }
0x1eb: {  	v14 =	vand.u32 $0x7F, v21;
	v6 =	vor.u32 v6, v22;
	[tilespmem:v13+s4+$0x0] =	vst.idx.add.f32.msk $0xffff, v1;
	v7 =	vor.u32 v7, v9  }
0x1ec: {  	v11 =	vor.u32 v11, v16;
	v9 =	vand.u32 $0x7F, v17;
	v8 =	vor.u32 v8, v14;
	[tilespmem:v12+s4+$0x0] =	vst.idx.add.f32.msk $0xffff, v1  }
0x1ed: {  	v7 =	vor.u32 s0, v7;
	v9 =	vor.u32 v23, v9;
	[tilespmem:v19+s4+$0x0] =	vst.idx.add.f32.msk $0xffff, v1  }
0x1ee: {  	v6 =	vor.u32 s0, v6;
	[tilespmem:v10+s4+$0x0] =	vst.idx.add.f32.msk $0xffff, v1  }
0x1ef: {  	v12 =	vand.u32 $0x7F, v18;
	v10 =	vand.u32 $0x3800, v15;
	[tilespmem:v5+s4+$0x0] =	vst.idx.add.f32.msk $0xffff, v1;
	v5 =	vor.u32 s0, v8  }
0x1f0: {  	v8 =	vor.u32 v10, v12;
	[tilespmem:v4+s4+$0x0] =	vst.idx.add.f32.msk $0xffff, v1;
	v4 =	vor.u32 s0, v11  }
0x1f1: {  	[tilespmem:v3+s4+$0x0] =	vst.idx.add.f32.msk vm0, v1;
	v3 =	vor.u32 s0, v8  }
0x1f2: {  	[tilespmem:v7+s4+$0x0] =	vst.idx.add.f32.msk $0xffff, v2;
	v7 =	vor.u32 s0, v9  }
0x1f3: {  	[tilespmem:v6+s4+$0x0] =	vst.idx.add.f32.msk $0xffff, v2  }
0x1f4: {  	[tilespmem:v5+s4+$0x0] =	vst.idx.add.f32.msk $0xffff, v2  }
0x1f5: {  	[tilespmem:v4+s4+$0x0] =	vst.idx.add.f32.msk $0xffff, v2  }
0x1f6: {  	[tilespmem:v3+s4+$0x0] =	vst.idx.add.f32.msk $0xffff, v2  }
0x1f7: {  	[tilespmem:v7+s4+$0x0] =	vst.idx.add.f32.msk $0xffff, v2  }
0x1f8: {  	v5 =	vld [tilespmem:s5+$0x4820]  }
0x1f9: {  	v6 =	vld [tilespmem:s5+$0x4070]  }
0x1fa: {  	v3 =	vld [tilespmem:s5+$0x4830]  }
0x1fb: {  	v7 =	vld [tilespmem:s5+$0x4810]  }
0x1fc: {  	v8 =	vld [tilespmem:s5+$0x4800]  }
0x1fd: {  	v10 =	vld [tilespmem:s5+$0x4470];
	v4 =	vshll.u32 v5, $0x4  }
0x1fe: {  	v5 =	vand.u32 $0x7F, v5;
	v11 =	vld [tilespmem:s5+$0x4460];
	v9 =	vshll.u32 v6, $0x4;
	v4 =	vand.u32 $0x3800, v4  }
0x1ff: {  	v14 =	vand.u32 $0x7F, v6;
	v12 =	vld [tilespmem:s5+$0x4060];
	v9 =	vand.u32 $0x3800, v9;
	v6 =	vshll.u32 v3, $0x4  }
0x200: {  	v16 =	vld [tilespmem:s5+$0x4400];
	v13 =	vshll.u32 v7, $0x4;
	v7 =	vand.u32 $0x7F, v7;
	v9 =	vor.u32 v9, v14  }
0x201: {  	v14 =	vld [tilespmem:s5+$0x4410];
	v17 =	vshll.u32 v8, $0x4;
	v22 =	vand.u32 $0x7F, v8;
	v9 =	vor.u32 s0, v9  }
0x202: {  	v15 =	vld [tilespmem:s5+$0x4420];
	v8 =	vshll.u32 v10, $0x4;
	v10 =	vand.u32 $0x7F, v10;
	v23 =	vand.u32 $0x3800, v17  }
0x203: {  	v18 =	vld [tilespmem:s5+$0x4440];
	v17 =	vshll.u32 v11, $0x4;
	v11 =	vand.u32 $0x7F, v11;
	v20 =	vand.u32 $0x3800, v8  }
.Ltmp3:
0x204: {  	v19 =	vld [tilespmem:s5+$0x4430];
	v8 =	vshll.u32 v12, $0x4;
	v12 =	vand.u32 $0x7F, v12;
	v17 =	vand.u32 $0x3800, v17;
	(pc) =	sbr.rel @p1 .LBB2_9-.Ltmp3, $4  }
0x205: {  	v21 =	vand.u32 $0x3800, v8;
	v24 =	vshll.u32 v16, $0x4;
	v8 =	vor.u32 v17, v11  }
0x206: {  	v16 =	vand.u32 $0x7F, v16;
	v11 =	vand.u32 $0x3800, v24;
	v21 =	vor.u32 v21, v12  }
0x207: {  	v10 =	vor.u32 v20, v10;
	v17 =	vand.u32 $0x7F, v14;
	v12 =	vld [tilespmem:s5+$0x4840];
	v11 =	vor.u32 v11, v16  }
0x208: {  	v21 =	vor.u32 s0, v21;
	v20 =	vld [tilespmem:s5+$0x4C00];
	v16 =	vor.u32 s0, v11;
	v11 =	vor.u32 v23, v22  }
0x209: {  	v22 =	vand.u32 $0x7F, v19  }
0x20a: {  	v23 =	vshll.u32 v18, $0x4;
	v13 =	vand.u32 $0x3800, v13;
	v14 =	vshll.u32 v14, $0x4  }
0x20b: {  	v24 =	vshll.u32 v15, $0x4;
	v42 =	vand.u32 $0x7F, v18;
	v43 =	vshll.u32 v19, $0x4;
	v25 =	vld [tilespmem:s5+$0x4450]  }
0x20c: {  	v44 =	vand.u32 $0x7F, v15;
	v8 =	vor.u32 s2, v8;
	v10 =	vor.u32 s2, v10  }
0x20d: {  	v11 =	vor.u32 s2, v11;
	v24 =	vand.u32 $0x3800, v24;
	v14 =	vand.u32 $0x3800, v14  }
0x20e: {  	v26 =	vld [tilespmem:s5+$0x4860];
	v19 =	vand.u32 $0x3800, v43;
	v49 =	vand.u32 $0x3800, v23;
	v14 =	vor.u32 v14, v17  }
0x20f: {  	v45 =	vld [tilespmem:s5+$0x4850];
	v15 =	vor.u32 v24, v44;
	v46 =	vor.u32 v19, v22;
	v14 =	vor.u32 s2, v14  }
0x210: {  	v48 =	vld [tilespmem:s5+$0x4870];
	v18 =	vor.u32 v49, v42;
	v15 =	vor.u32 s2, v15;
	v50 =	vshll.u32 v25, $0x4  }
0x211: {  	[tilespmem:v21+s4+$0x0] =	vst.idx.add.f32.msk $0xffff, v2;
	v17 =	vor.u32 s2, v46;
	v52 =	vand.u32 $0x7F, v25;
	v51 =	vand.u32 $0x3800, v50  }
0x212: {  	v6 =	vand.u32 $0x3800, v6;
	[tilespmem:v9+s4+$0x0] =	vst.idx.add.f32.msk $0xffff, v2;
	v18 =	vor.u32 s2, v18;
	v21 =	vor.u32 v51, v52  }
0x213: {  	v3 =	vand.u32 $0x7F, v3;
	v4 =	vor.u32 v4, v5;
	[tilespmem:v16+s4+$0x0] =	vst.idx.add.f32.msk $0xffff, v2;
	v21 =	vor.u32 s2, v21  }
0x214: {  	v7 =	vor.u32 v13, v7;
	v3 =	vor.u32 v6, v3;
	v4 =	vor.u32 s2, v4;
	[tilespmem:v14+s4+$0x0] =	vst.idx.add.f32.msk $0xffff, v2  }
0x215: {  	v7 =	vor.u32 s2, v7;
	v3 =	vor.u32 s2, v3;
	v27 =	vand.u32 $0x7F, v12;
	[tilespmem:v15+s4+$0x0] =	vst.idx.add.f32.msk $0xffff, v2  }
0x216: {  	v57 =	vshll.u32 v12, $0x4;
	v28 =	vand.u32 $0x7F, v20;
	v47 =	vshll.u32 v20, $0x4;
	[tilespmem:v17+s4+$0x0] =	vst.idx.add.f32.msk $0xffff, v2  }
0x217: {  	v58 =	vand.u32 $0x3800, v57;
	v53 =	vshll.u32 v26, $0x4;
	v54 =	vand.u32 $0x7F, v26;
	[tilespmem:v18+s4+$0x0] =	vst.idx.add.f32.msk $0xffff, v2  }
0x218: {  	v55 =	vand.u32 $0x7F, v45;
	v56 =	vshll.u32 v45, $0x4;
	v5 =	vor.u32 v58, v27;
	[tilespmem:v21+s4+$0x0] =	vst.idx.add.f32.msk $0xffff, v2  }
0x219: {  	v60 =	vshll.u32 v48, $0x4;
	v61 =	vand.u32 $0x7F, v48;
	v59 =	vand.u32 $0x3800, v56;
	[tilespmem:v8+s4+$0x0] =	vst.idx.add.f32.msk $0xffff, v2  }
0x21a: {  	v9 =	vand.u32 $0x3800, v53;
	v5 =	vor.u32 s2, v5;
	v6 =	vor.u32 v59, v55;
	[tilespmem:v10+s4+$0x0] =	vst.idx.add.f32.msk $0xffff, v2  }
0x21b: {  	v9 =	vor.u32 v9, v54;
	v6 =	vor.u32 s2, v6;
	v8 =	vand.u32 $0x3800, v60;
	[tilespmem:v11+s4+$0x0] =	vst.idx.add.f32.msk $0xffff, v2  }
0x21c: {  	v62 =	vand.u32 $0x3800, v47;
	v9 =	vor.u32 s2, v9;
	v8 =	vor.u32 v8, v61;
	[tilespmem:v7+s4+$0x0] =	vst.idx.add.f32.msk $0xffff, v2  }
0x21d: {  	v63 =	vor.u32 v62, v28;
	v8 =	vor.u32 s2, v8;
	[tilespmem:v4+s4+$0x0] =	vst.idx.add.f32.msk $0xffff, v2  }
0x21e: {  	[tilespmem:v3+s4+$0x0] =	vst.idx.add.f32.msk $0xffff, v2;
	v3 =	vor.u32 s2, v63  }
0x21f: {  	[tilespmem:v5+s4+$0x0] =	vst.idx.add.f32.msk $0xffff, v2  }
0x220: {  	[tilespmem:v6+s4+$0x0] =	vst.idx.add.f32.msk $0xffff, v2  }
0x221: {  	[tilespmem:v9+s4+$0x0] =	vst.idx.add.f32.msk $0xffff, v2  }
0x222: {  	[tilespmem:v8+s4+$0x0] =	vst.idx.add.f32.msk $0xffff, v2  }
0x223: {  	s0 =	simm.s32 @p0 $0x0;
	s2 =	simm.s32 @p0 $0x1000;
	[tilespmem:v3+s4+$0x0] =	vst.idx.add.f32.msk $0xffff, v2  }
0x224: {  	[tilespmem:s2], [sflag:$0x2] =	stream.linear.gather @p0 [hbm4b:s17+s0], $0x1000, $0x38;
	[tilespmem:$0xE000] =	vst v63  }
0x225: {  	s2 =	simm.s32 @p0 $0x4000  }
0x226: {  	[tilespmem:s2], [sflag:$0x4] =	stream.linear.gather @p0 [hbm4b:s18+s0], $0x2000, $0x38;
	[tilespmem:$0xE000] =	vst v63  }
0x227: {  	s0 =	sor.u32 $0x100, s31  }
0x228: {  	s6 =	sadd.s32 s3, s0  }
0x229: {  	[hbm4b:s6+s1] =	stream.linear.scatter [tilespmem:s4], [sflag:$0x6], $0x800, $0x38;
	[tilespmem:$0xE000] =	vst v63  }
0x22a: {  	s21 =	simm.s32 $0xA800;
	s7 =	sadd.s32 s0, s10  }
0x22b: {  	[hbm4b:s7+s1] =	stream.linear.scatter [tilespmem:s21], [sflag:$0x6], $0x800, $0x38;
	[tilespmem:$0xE000] =	vst v63  }
0x22c: {  	s5 =	sadd.s32 s0, s11;
	s6 =	simm.s32 $0xB000  }
0x22d: {  	[hbm4b:s5+s1] =	stream.linear.scatter [tilespmem:s6], [sflag:$0x6], $0x800, $0x38;
	[tilespmem:$0xE000] =	vst v63  }
0x22e: {  	s7 =	sadd.s32 s0, s12;
	s21 =	simm.s32 $0xB800  }
0x22f: {  	[hbm4b:s7+s1] =	stream.linear.scatter [tilespmem:s21], [sflag:$0x6], $0x800, $0x38;
	[tilespmem:$0xE000] =	vst v63  }
0x230: {  	s6 =	sadd.s32 s0, s13  }
0x231: {  	[hbm4b:s6+s1] =	stream.linear.scatter [tilespmem:s19], [sflag:$0x6], $0x800, $0x38;
	[tilespmem:$0xE000] =	vst v63  }
0x232: {  	s7 =	sadd.s32 s0, s14  }
0x233: {  	[hbm4b:s7+s1] =	stream.linear.scatter [tilespmem:s28], [sflag:$0x6], $0x800, $0x38;
	[tilespmem:$0xE000] =	vst v63  }
.Ltmp4:
0x234: {  	_ = 	snop;
	(pc) =	sbr.rel @p0 .LBB2_2-.Ltmp4, $4  }
0x235: {  	s21 =	sadd.s32 s0, s15  }
0x236: {  	[hbm4b:s21+s1] =	stream.linear.scatter [tilespmem:s29], [sflag:$0x6], $0x800, $0x38;
	[tilespmem:$0xE000] =	vst v63  }
0x237: {  	p1 =	por $0x0, $0x0;
	s31 =	simm.s32 $0x200;
	s0 =	sadd.s32 s0, s16  }
0x238: {  	[hbm4b:s0+s1] =	stream.linear.scatter [tilespmem:s30], [sflag:$0x6], $0x800, $0x38;
	[tilespmem:$0xE000] =	vst v63  }
0x239: {  	s0 =	simm.s32 $0x5  }
0x23a: {  	_ =	swait.ge [sflag:s0], $0x800  }
0x23b: {  	[sflag:s0] =	ssyncset.done $0x0  }
0x23c: {  	[sflag:s0] =	ssyncadd.s32 $0xFFFFF800  }
0x23d: {  	_ =	swait.ge [sflag:s0], $0x800  }
0x23e: {  	[sflag:s0] =	ssyncset.done $0x0  }
0x23f: {  	[sflag:s0] =	ssyncadd.s32 $0xFFFFF800  }
0x240: {  	_ =	swait.ge [sflag:s0], $0x800  }
0x241: {  	[sflag:s0] =	ssyncset.done $0x0  }
0x242: {  	[sflag:s0] =	ssyncadd.s32 $0xFFFFF800  }
0x243: {  	_ =	swait.ge [sflag:s0], $0x800  }
0x244: {  	[sflag:s0] =	ssyncset.done $0x0  }
0x245: {  	[sflag:s0] =	ssyncadd.s32 $0xFFFFF800  }
0x246: {  	_ =	swait.ge [sflag:s0], $0x800  }
0x247: {  	[sflag:s0] =	ssyncset.done $0x0  }
0x248: {  	[sflag:s0] =	ssyncadd.s32 $0xFFFFF800  }
0x249: {  	_ =	swait.ge [sflag:s0], $0x800  }
0x24a: {  	[sflag:s0] =	ssyncset.done $0x0  }
0x24b: {  	[sflag:s0] =	ssyncadd.s32 $0xFFFFF800  }
0x24c: {  	_ =	swait.ge [sflag:s0], $0x800  }
0x24d: {  	[sflag:s0] =	ssyncset.done $0x0  }
0x24e: {  	[sflag:s0] =	ssyncadd.s32 $0xFFFFF800  }
0x24f: {  	_ =	swait.ge [sflag:s0], $0x800  }
0x250: {  	[sflag:s0] =	ssyncset.done $0x0  }
0x251: {  	s2 =	simm.s32 $0x6;
	[sflag:s0] =	ssyncadd.s32 $0xFFFFF800  }
0x252: {  	_ =	swait.ge [sflag:s2], $0x800  }
0x253: {  	[sflag:s2] =	ssyncset.done $0x0  }
0x254: {  	[sflag:s2] =	ssyncadd.s32 $0xFFFFF800  }
0x255: {  	_ =	swait.ge [sflag:s2], $0x800  }
0x256: {  	[sflag:s2] =	ssyncset.done $0x0  }
0x257: {  	[sflag:s2] =	ssyncadd.s32 $0xFFFFF800  }
0x258: {  	_ =	swait.ge [sflag:s2], $0x800  }
0x259: {  	[sflag:s2] =	ssyncset.done $0x0  }
0x25a: {  	[sflag:s2] =	ssyncadd.s32 $0xFFFFF800  }
0x25b: {  	_ =	swait.ge [sflag:s2], $0x800  }
0x25c: {  	[sflag:s2] =	ssyncset.done $0x0  }
0x25d: {  	[sflag:s2] =	ssyncadd.s32 $0xFFFFF800  }
0x25e: {  	_ =	swait.ge [sflag:s2], $0x800  }
0x25f: {  	[sflag:s2] =	ssyncset.done $0x0  }
0x260: {  	[sflag:s2] =	ssyncadd.s32 $0xFFFFF800  }
0x261: {  	_ =	swait.ge [sflag:s2], $0x800  }
0x262: {  	[sflag:s2] =	ssyncset.done $0x0  }
0x263: {  	[sflag:s2] =	ssyncadd.s32 $0xFFFFF800  }
0x264: {  	_ =	swait.ge [sflag:s2], $0x800  }
0x265: {  	[sflag:s2] =	ssyncset.done $0x0  }
0x266: {  	[sflag:s2] =	ssyncadd.s32 $0xFFFFF800  }
0x267: {  	_ =	swait.ge [sflag:s2], $0x800  }
0x268: {  	s5 =	rddreg [dreg:$0x7]  }
0x269: {  	s31 =	rddreg [dreg:$0x6];
	s5 =	sadd.s32 $0x1, s5  }
0x26a: {  	p0 =	sne.s32 s5, s31  }
.Ltmp5:
0x26b: {  	_ = 	snop;
	(pc) =	sbr.rel @p0 .LBB2_1-.Ltmp5, $3  }
0x26c: {  	_ =	sdelay $0x1  }
0x26d: {  	[sflag:s2] =	ssyncset.done $0x0  }
0x26e: {  	[sflag:s2] =	ssyncadd.s32 $0xFFFFF800  }
0x26f: {  	_ =	sfence.sel $0x180000  }
0x270: {  	[bflag:$0x0] =	sbarrier.arrive $0xFFFF  }
0x271: {  	_ =	strace $0x9000004A  }
0x272: {  	s0 =	stileid.u32;
	[bflag:$0x2] =	sbarrier.arrive $0xFFFF  }
0x273: {  	p0 =	sne.s32 s0, $0x0;
	s0 =	rddreg [dreg:$0x1]  }
0x274: {  	s0 =	sadd.s32 @!p0 $0x100000, s0  }
0x275: {  	[sflag:s0] =	ssyncadd.tile.s32 @!p0 $0x1;
	_ =	shalt  }
.Lfunc_end2:
_tile_overlayer_lowered:
.L_overlay_start_2:
0x276: {  	(tag) =	ssettag $0x2  }
0x277: {  	s0 =	rddreg [dreg:$0x0];
	s2 =	stileid.u32  }
0x278: {  	s1 =	rddreg [dreg:$0x1];
	p0 =	sne.s32 s2, $0x0  }
0x279: {  	s3 =	rddreg [dreg:$0x2];
	[bflag:$0x3] =	sbarrier.arrive $0xFFFF;
	s2 =	simm.s32 @!p0 $0x1C07  }
0x27a: {  	[timem:s3], [sflag:s2] =	dma.local @!p0 [hbm:s0], s1  }
0x27b: {  	s0 =	simm.s32 @!p0 $0x7  }
0x27c: {  	_ =	swait.ge @!p0 [sflag:s0], s1  }
0x27d: {  	s1 =	ssub.s32 @!p0 $0x0, s1;
	[sflag:s0] =	ssyncset.done @!p0 $0x0  }
0x27e: {  	[sflag:s0] =	ssyncadd.s32 @!p0 s1  }
0x27f: {  	[bflag:$0x3] =	sbarrier.arrive $0xFFFF  }
0x280: {  	_ =	shalt  }

// kernel: kernel.9.cloned.1.call-start
scs
__scs_entry_jumppad:
0x0: {  	(pc) =	sbr.rel $0x88, $3  }
0x1: {  	(tag) =	ssettag $0x0;
	lr =	simm.s32 $0x1  }
0x2: {  	[smem:$0x3F91] =	sst lr;
	_ =	strace $0xD0000000  }
0x3: {  	_ = 	snop  }
0x4: {  	_ = 	snop  }
0x5: {  	_ = 	snop  }
0x6: {  	_ = 	snop  }
0x7: {  	_ = 	snop  }
__scs_overlays_trampoline_lowered:
0x8: {  	[smem:$0x3FA0] =	sst s0  }
0x9: {  	[smem:$0x3FA1] =	sst s1  }
0xa: {  	[smem:$0x3FA2] =	sst s2  }
0xb: {  	[smem:$0x3FA3] =	sst s3  }
0xc: {  	[smem:$0x3FA4] =	sst s4  }
0xd: {  	[smem:$0x3FA5] =	sst s5  }
0xe: {  	[smem:$0x3FA6] =	sst s6  }
0xf: {  	[smem:$0x3FA7] =	sst s7  }
0x10: {  	[smem:$0x3FA8] =	sst s8  }
0x11: {  	[smem:$0x3FA9] =	sst s9;
	s0 =	simm.s32 @!p0 $0x0  }
0x12: {  	s1 =	sld [smem:$0x3F8F];
	s0 =	simm.s32 @p0 $0x1  }
0x13: {  	[smem:$0x3FAA] =	sst s0;
	s0 =	simm.s32 @!p1 $0x0  }
0x14: {  	s2 =	sld [smem:$0x3F8E];
	s0 =	simm.s32 @p1 $0x1  }
0x15: {  	[smem:$0x3FAB] =	sst s0;
	s0 =	simm.s32 @!p2 $0x0  }
0x16: {  	s3 =	sld [smem:$0x3FDB];
	s0 =	simm.s32 @p2 $0x1  }
0x17: {  	s4 =	simm.s32 $0x1BF5;
	[smem:$0x3FAD] =	sst s0  }
0x18: {  	s0 =	sld [smem:$0x3F90];
	_ =	swait.ge [sflag:s4], $0x0  }
0x19: {  	s7 =	sld [smem:$0x3F91]  }
0x1a: {  	s8 =	sadd.s32 $0xFFFFE003, lr  }
0x1b: {  	s9 =	sadd.s32 $0xFFFFFEF7, lr;
	s5 =	simm.s32 $0xFFFFFFFF;
	p2 =	slt.u32 s8, $0xFFFFF086  }
0x1c: {  	p1 =	slt.u32 s9, $0xF7A;
	s5 =	simm.s32 @!p2 $0x0  }
0x1d: {  	s5 =	simm.s32 @p1 $0x1;
	p0 =	seq.s32 s7, s2  }
0x1e: {  	s7 =	smul.u32 @!p0 $0xF7A, s2;
	p2 =	seq.s32 @!p0 s5, $0x0  }
0x1f: {  	s9 =	smul.u32 $0xF7A, s1;
	s8 =	simm.s32 @!p0 $0x1BF5;
	p2 =	por !p2, p0  }
0x20: {  	[sflag:s8] =	ssyncset.s32 @!p0 $0xFFFFF086;
	s6 =	sadd.s32 @!p0 s3, s7;
	s7 =	simm.s32 @!p0 $0x108  }
0x21: {  	s3 =	sadd.s32 s3, s9;
	s6 =	sadd.s32 @!p0 $0x88, s6;
	s7 =	simm.s32 @p2 $0x1082  }
0x22: {  	[simem:s7], [sflag:s8] =	dma.local @!p0 [hbm:s6], $0xF7A  }
0x23: {  	s9 =	sor.u32 $0xD0000000, s2;
	s6 =	simm.s32 $0x108;
	_ =	swait.ge @!p0 [sflag:s8], $0x0  }
0x24: {  	s3 =	sadd.s32 $0x88, s3;
	s6 =	simm.s32 @!p1 $0x1082;
	[sflag:s4] =	ssyncset.s32 $0xFFFFF086  }
0x25: {  	[simem:s6], [sflag:s4] =	dma.local [hbm:s3], $0xF7A  }
0x26: {  	[smem:$0x3F91] =	sst s1;
	(tag) =	ssettag s2;
	_ =	strace s9  }
0x27: {  	s1 =	sld [smem:$0x3FA1]  }
0x28: {  	s2 =	sld [smem:$0x3FA2]  }
0x29: {  	s4 =	sld [smem:$0x3FA4]  }
0x2a: {  	p0 =	seq.s32 s5, $0x0;
	s5 =	sld [smem:$0x3FA5]  }
0x2b: {  	s6 =	sld [smem:$0x3FA6]  }
0x2c: {  	s7 =	sld [smem:$0x3FA7]  }
0x2d: {  	s3 =	simm.s32 $0x108;
	s8 =	sld [smem:$0x3FA8]  }
0x2e: {  	s3 =	simm.s32 @!p0 $0x1082;
	s9 =	sld [smem:$0x3FA9]  }
0x2f: {  	lr =	sadd.s32 s0, s3;
	s0 =	sld [smem:$0x3FA0]  }
0x30: {  	s3 =	sld [smem:$0x3FA3]  }
0x31: {  	[smem:$0x3FAC] =	sst s10  }
0x32: {  	s10 =	sld [smem:$0x3FAA];
	_ =	sdelay $0x3  }
0x33: {  	p0 =	seq.s32 s10, $0x1;
	s10 =	sld [smem:$0x3FAC];
	_ =	sdelay $0x3  }
0x34: {  	[smem:$0x3FAC] =	sst s10  }
0x35: {  	s10 =	sld [smem:$0x3FAB];
	_ =	sdelay $0x3  }
0x36: {  	p1 =	seq.s32 s10, $0x1;
	s10 =	sld [smem:$0x3FAC];
	_ =	sdelay $0x3  }
0x37: {  	[smem:$0x3FAC] =	sst s10  }
0x38: {  	s10 =	sld [smem:$0x3FAD]  }
0x39: {  	_ = 	snop;
	(pc) =	sbr.ind lr, $3  }
0x3a: {  	_ = 	snop  }
0x3b: {  	_ = 	snop  }
0x3c: {  	p2 =	seq.s32 s10, $0x1;
	s10 =	sld [smem:$0x3FAC]  }
0x3d: {  	_ =	shalt  }
0x3e: {  	_ =	shalt  }
0x3f: {  	_ =	shalt  }
0x40: {  	_ =	shalt  }
0x41: {  	_ =	shalt  }
0x42: {  	_ =	shalt  }
0x43: {  	_ =	shalt  }
0x44: {  	_ =	shalt  }
0x45: {  	_ =	shalt  }
0x46: {  	_ =	shalt  }
0x47: {  	_ =	shalt  }
0x48: {  	_ =	shalt  }
0x49: {  	_ =	shalt  }
0x4a: {  	_ =	shalt  }
0x4b: {  	_ =	shalt  }
0x4c: {  	_ =	shalt  }
0x4d: {  	_ =	shalt  }
0x4e: {  	_ =	shalt  }
0x4f: {  	_ =	shalt  }
0x50: {  	_ =	shalt  }
0x51: {  	_ =	shalt  }
0x52: {  	_ =	shalt  }
0x53: {  	_ =	shalt  }
0x54: {  	_ =	shalt  }
0x55: {  	_ =	shalt  }
0x56: {  	_ =	shalt  }
0x57: {  	_ =	shalt  }
0x58: {  	_ =	shalt  }
0x59: {  	_ =	shalt  }
0x5a: {  	_ =	shalt  }
0x5b: {  	_ =	shalt  }
0x5c: {  	_ =	shalt  }
0x5d: {  	_ =	shalt  }
0x5e: {  	_ =	shalt  }
0x5f: {  	_ =	shalt  }
0x60: {  	_ =	shalt  }
0x61: {  	_ =	shalt  }
0x62: {  	_ =	shalt  }
0x63: {  	_ =	shalt  }
0x64: {  	_ =	shalt  }
0x65: {  	_ =	shalt  }
0x66: {  	_ =	shalt  }
0x67: {  	_ =	shalt  }
0x68: {  	_ =	shalt  }
0x69: {  	_ =	shalt  }
0x6a: {  	_ =	shalt  }
0x6b: {  	_ =	shalt  }
0x6c: {  	_ =	shalt  }
0x6d: {  	_ =	shalt  }
0x6e: {  	_ =	shalt  }
0x6f: {  	_ =	shalt  }
0x70: {  	_ =	shalt  }
0x71: {  	_ =	shalt  }
0x72: {  	_ =	shalt  }
0x73: {  	_ =	shalt  }
0x74: {  	_ =	shalt  }
0x75: {  	_ =	shalt  }
0x76: {  	_ =	shalt  }
0x77: {  	_ =	shalt  }
0x78: {  	_ =	shalt  }
0x79: {  	_ =	shalt  }
0x7a: {  	_ =	shalt  }
0x7b: {  	_ =	shalt  }
0x7c: {  	_ =	shalt  }
0x7d: {  	_ =	shalt  }
0x7e: {  	_ =	shalt  }
0x7f: {  	_ =	shalt  }
0x80: {  	_ =	shalt  }
0x81: {  	_ =	shalt  }
0x82: {  	_ =	shalt  }
0x83: {  	_ =	shalt  }
0x84: {  	_ =	shalt  }
0x85: {  	_ =	shalt  }
0x86: {  	_ =	shalt  }
0x87: {  	_ =	shalt  }
.Lfunc_end0:
.L_simem_size_0:
called_computation.1_lowered:
.L_overlay_start_0:
0x88: {  	s2 =	sld [smem:$0x3FD9]  }
0x89: {  	s3 =	sld [smem:$0x3FFE];
	_ =	sdelay $0x1  }
0x8a: {  	s1 =	srdreg.scid  }
0x8b: {  	s0 =	sand.u32 $0x1, s1  }
0x8c: {  	s16 =	sshll.u32 s0, $0xA;
	s2 =	sadd.s32 s3, s2  }
0x8d: {  	s2 =	sadd.s32 s2, s16  }
0x8e: {  	[smem:$0x3FB8] =	sst s2  }
0x8f: {  	_ = 	snop  }
0x90: {  	(tm) =	ssettm $0x1  }
0x91: {  	s17 =	sld [smem:$0x3FFB];
	_ =	sdelay $0x3  }
0x92: {  	_ =	strace s17  }
0x93: {  	s2 =	sld [smem:$0x3FFC];
	_ =	sdelay $0x3  }
0x94: {  	_ =	strace s2  }
0x95: {  	s2 =	sld [smem:$0x3FFD];
	_ =	sdelay $0x3  }
0x96: {  	_ =	strace s2  }
0x97: {  	_ =	strace $0x8FFFFFFF  }
0x98: {  	s18 =	sld [smem:$0x3FDB];
	_ =	sdelay $0x1  }
0x99: {  	s19 =	simm.s32 $_scs_section_size  }
0x9a: {  	s4 =	simm.s32 $_size__tile_overlayer_lowered;
	s5 =	simm.s32 $_tile_overlayer_lowered  }
0x9b: {  	s22 =	simm.s32 $0x1BFF;
	s21 =	sshll.u32 s5, $0x1;
	s2 =	sadd.s32 s19, s18  }
0x9c: {  	s6 =	simm.s32 $0x0;
	s20 =	sshll.u32 s4, $0x1;
	s4 =	sadd.s32 s21, s2  }
0x9d: {  	[timem:s6], [sflag:s22] =	dma.local [hbm:s4], s20  }
0x9e: {  	_ =	swait.ge [sflag:s22], s20  }
0x9f: {  	s3 =	ssub.s32 $0x0, s20;
	[sflag:s22] =	ssyncset.done $0x0  }
0xa0: {  	[sflag:s22] =	ssyncadd.s32 s3;
	_ =	sdelay $0x1  }
0xa1: {  	s23 =	simm.s32 $0x1B8B  }
0xa2: {  	_ =	swait.ge [sflag:s23], $0x1  }
0xa3: {  	[sflag:s23] =	ssyncset.done $0x0  }
0xa4: {  	s25 =	simm.s32 $0x1B8E;
	s24 =	sld [smem:$0x3FFE];
	[sflag:s23] =	ssyncadd.s32 $0xFFFFFFFF  }
0xa5: {  	s26 =	simm.s32 $execute0_lowered;
	[smem:$0x3FD2] =	sst s25  }
0xa6: {  	s4 =	sshll.u32 s26, $0x1;
	_ =	strace $0x80000046;
	[dreg:$0x1] =	wrdreg $0xFFFFFFFF  }
0xa7: {  	s28 =	simm.s32 $_size_execute0_lowered;
	s2 =	sadd.s32 s2, s4;
	[dreg:$0x0] =	wrdreg $0x0  }
0xa8: {  	s4 =	sshll.u32 s28, $0x1;
	[dreg:$0x2] =	wrdreg s2  }
0xa9: {  	[dreg:$0x3] =	wrdreg s4  }
0xaa: {  	[dreg:$0x4] =	wrdreg $0xC0  }
0xab: {  	_ =	task [dreg:s6], $0x5FFFF  }
0xac: {  	[dreg:$0x1] =	wrdreg $0xFFFFFFFF  }
0xad: {  	[dreg:$0x0] =	wrdreg $0x60  }
0xae: {  	[dreg:$0x2] =	wrdreg s24  }
0xaf: {  	[dreg:$0x3] =	wrdreg $0xA  }
0xb0: {  	_ =	task.clear_ibuf [dreg:s6], $0x4FFFF;
	_ =	strace $0x90000046  }
0xb1: {  	s29 =	simm.s32 $0xA;
	_ =	strace $0x80000048  }
0xb2: {  	_ =	swait.ge [sflag:s29], $0x1  }
0xb3: {  	[sflag:s29] =	ssyncadd.s32 $0xFFFFFFFF  }
0xb4: {  	_ =	strace $0x90000048  }
0xb5: {  	_ =	sfence  }
0xb6: {  	s30 =	sld [smem:$0x0];
	_ =	sdelay $0x2  }
0xb7: {  	s31 =	sshll.u32 s1, $0xD;
	s1 =	sshrl.u32 s1, $0x2  }
0xb8: {  	s3 =	sand.u32 $0x4000, s31;
	s1 =	sadd.s32 s1, s30  }
0xb9: {  	s0 =	sor.u32 s3, s0;
	s1 =	sshll.u32 s1, $0x11  }
0xba: {  	s0 =	sor.u32 s1, s0  }
0xbb: {  	s0 =	sadd.s32 $0x8F2B, s0  }
0xbc: {  	[sflag:s0] =	ssyncadd.remote.s32 $0x1  }
0xbd: {  	_ =	sfence.sel $0xFFFF  }
0xbe: {  	[dreg:$0x0] =	wrdreg $0xFFFFFFFF;
	(pc) =	sbr.abs _section_cstart, $3  }
0xbf: {  	[dreg:$0x1] =	wrdreg $0xFFFFFFFF  }
0xc0: {  	_ =	task.clear_ibuf [dreg:s6], $0x2FFFF;
	_ =	strace $0x9FFFFFFF  }
0xc1: {  	(tm) =	ssettm $0x7FFFFFFF  }
tec
execute0_lowered:
.L_overlay_start_1:
0x0: {  	(tag) =	ssettag $0x1  }
0x1: {  	s0 =	rddreg [dreg:$0x0]  }
0x2: {  	s1 =	simm.s32 $0x0;
	s2 =	srdreg.scid;
	s3 =	stileid.u32  }
0x3: {  	s28 =	simm.s32 $0xC800;
	s29 =	simm.s32 $0xD000;
	s30 =	simm.s32 $0xD800  }
0x4: {  	[smem:$0x7FF] =	sst s1;
	s4 =	sadd.s32 $0x3200, s0;
	s2 =	sand.u32 $0x1, s2  }
0x5: {  	s3 =	sshll.u32 s3, $0x7;
	s6 =	sadd.s32 $0x13200, s0;
	s10 =	sadd.s32 $0x3B200, s0  }
0x6: {  	s11 =	sadd.s32 $0x43200, s0;
	s12 =	sadd.s32 $0x4B200, s0;
	s13 =	sadd.s32 $0x53200, s0  }
0x7: {  	s14 =	sadd.s32 $0x5B200, s0;
	s15 =	sadd.s32 $0x63200, s0;
	s16 =	sadd.s32 $0x6B200, s0  }
0x8: {  	_ =	strace $0x80000047;
	s5 =	ssub.s32 $0x2, s2;
	s2 =	sshll.u32 s2, $0x6  }
0x9: {  	s7 =	sshrl.u32 s5, $0x1;
	s2 =	sor.u32 s2, s3;
	s3 =	sadd.s32 $0x33200, s0  }
0xa: {  	s5 =	ssub.s32 s5, s7;
	s19 =	sshrl.u32 s2, $0x3;
	s8 =	sshll.u32 s2, $0x5  }
0xb: {  	s9 =	sshll.u32 s2, $0x6;
	s22 =	sor.u32 $0x20, s2;
	s25 =	sor.u32 $0x30, s2  }
0xc: {  	s7 =	sor.u32 $0x2, s19;
	s8 =	sadd.s32 s4, s8;
	s20 =	sadd.s32 s6, s9  }
0xd: {  	s23 =	sshll.u32 s22, $0x5;
	s24 =	sshll.u32 s22, $0x6;
	s26 =	sshll.u32 s25, $0x5  }
0xe: {  	s31 =	smax.u32 s5, $0x1;
	s22 =	simm.s32 $0x2;
	[dreg:$0x2] =	wrdreg s8  }
0xf: {  	s19 =	simm.s32 $0xC000;
	s5 =	simm.s32 $0x0;
	[dreg:$0x3] =	wrdreg s20  }
0x10: {  	s21 =	sshll.u32 s7, $0x8;
	s7 =	sshll.u32 s7, $0x9;
	s9 =	sadd.s32 s6, s24  }
0x11: {  	s17 =	sadd.s32 s4, s26;
	[dreg:$0x6] =	wrdreg s31;
	s8 =	sadd.s32 s4, s21  }
0x12: {  	s20 =	sshll.u32 s2, $0x4;
	s7 =	sadd.s32 s6, s7;
	[dreg:$0x4] =	wrdreg s8  }
0x13: {  	s24 =	simm.s32 $0x1;
	s26 =	simm.s32 $0x6000;
	[dreg:$0x5] =	wrdreg s7  }
0x14: {  	v0 =	vimm.f32 $0.0e+00;
	s8 =	sadd.s32 s4, s23;
	s7 =	sshll.u32 s25, $0x6;
	s25 =	simm.s32 $0x3  }
0x15: {  	v1 =	vimm.f32 $1.000000000e+00;
	vm0 =	vcmask $0x3F20;
	v2 =	vimm.f32 $4.096000000e+03;
	s23 =	simm.s32 $0x4;
	s4 =	simm.s32 $0xA000;
	s18 =	sadd.s32 s6, s7  }
.LBB2_1:
0x16: {  	[dreg:$0x7] =	wrdreg s5  }
0x17: {  	s0 =	rddreg [dreg:$0x2]  }
0x18: {  	s21 =	rddreg [dreg:$0x3]  }
0x19: {  	[tilespmem:s1], [sflag:$0x1] =	stream.linear.gather [hbm4b:s0+s1], $0x1000, $0x38;
	[tilespmem:$0xE000] =	vst v63  }
0x1a: {  	s2 =	simm.s32 $0x2000;
	s5 =	rddreg [dreg:$0x4]  }
0x1b: {  	[tilespmem:s2], [sflag:$0x3] =	stream.linear.gather [hbm4b:s21+s1], $0x2000, $0x38;
	[tilespmem:$0xE000] =	vst v63  }
0x1c: {  	s6 =	simm.s32 $0x1000;
	s7 =	rddreg [dreg:$0x5]  }
0x1d: {  	[tilespmem:s6], [sflag:$0x2] =	stream.linear.gather [hbm4b:s5+s1], $0x1000, $0x38;
	[tilespmem:$0xE000] =	vst v63  }
0x1e: {  	p1 =	por $0x1, $0x1;
	s31 =	simm.s32 $0x0;
	s21 =	simm.s32 $0x4000  }
0x1f: {  	[tilespmem:s21], [sflag:$0x4] =	stream.linear.gather [hbm4b:s7+s1], $0x2000, $0x38;
	[tilespmem:$0xE000] =	vst v63  }
.LBB2_2:
0x20: {  	s0 =	simm.s32 @!p1 $0x5  }
0x21: {  	_ =	swait.ge @!p1 [sflag:s0], $0x800  }
0x22: {  	[sflag:s0] =	ssyncset.done @!p1 $0x0  }
0x23: {  	[sflag:s0] =	ssyncadd.s32 @!p1 $0xFFFFF800  }
0x24: {  	_ =	swait.ge @!p1 [sflag:s0], $0x800  }
0x25: {  	[sflag:s0] =	ssyncset.done @!p1 $0x0  }
0x26: {  	[sflag:s0] =	ssyncadd.s32 @!p1 $0xFFFFF800  }
0x27: {  	_ =	swait.ge @!p1 [sflag:s0], $0x800  }
0x28: {  	[sflag:s0] =	ssyncset.done @!p1 $0x0  }
0x29: {  	[sflag:s0] =	ssyncadd.s32 @!p1 $0xFFFFF800  }
0x2a: {  	_ =	swait.ge @!p1 [sflag:s0], $0x800  }
0x2b: {  	[sflag:s0] =	ssyncset.done @!p1 $0x0  }
0x2c: {  	[sflag:s0] =	ssyncadd.s32 @!p1 $0xFFFFF800  }
0x2d: {  	_ =	swait.ge @!p1 [sflag:s0], $0x800  }
0x2e: {  	[sflag:s0] =	ssyncset.done @!p1 $0x0  }
0x2f: {  	[sflag:s0] =	ssyncadd.s32 @!p1 $0xFFFFF800  }
0x30: {  	_ =	swait.ge @!p1 [sflag:s0], $0x800  }
0x31: {  	[sflag:s0] =	ssyncset.done @!p1 $0x0  }
0x32: {  	[sflag:s0] =	ssyncadd.s32 @!p1 $0xFFFFF800  }
0x33: {  	_ =	swait.ge @!p1 [sflag:s0], $0x800  }
0x34: {  	[sflag:s0] =	ssyncset.done @!p1 $0x0  }
0x35: {  	[sflag:s0] =	ssyncadd.s32 @!p1 $0xFFFFF800  }
0x36: {  	_ =	swait.ge @!p1 [sflag:s0], $0x800  }
0x37: {  	p0 =	por p1, p1;
	[sflag:s0] =	ssyncset.done @!p1 $0x0  }
0x38: {  	s2 =	simm.s32 $0x400;
	[sflag:s0] =	ssyncadd.s32 @!p1 $0xFFFFF800;
	s0 =	simm.s32 $0x0  }
.LBB2_3:
0x39: {  	p1 =	sne.s32 s2, $0xFC00;
	[tilespmem:s0+$0x60F0] =	vst v0  }
0x3a: {  	[tilespmem:s0+$0x6000] =	vst v0  }
0x3b: {  	[tilespmem:s0+$0x6010] =	vst v0  }
0x3c: {  	[tilespmem:s0+$0x6020] =	vst v0  }
0x3d: {  	[tilespmem:s0+$0x6030] =	vst v0  }
0x3e: {  	[tilespmem:s0+$0x6040] =	vst v0  }
0x3f: {  	[tilespmem:s0+$0x6050] =	vst v0  }
0x40: {  	[tilespmem:s0+$0x6060] =	vst v0  }
0x41: {  	[tilespmem:s0+$0x6070] =	vst v0  }
0x42: {  	[tilespmem:s0+$0x6080] =	vst v0  }
0x43: {  	[tilespmem:s0+$0x6090] =	vst v0  }
.Ltmp0:
0x44: {  	[tilespmem:s0+$0x60A0] =	vst v0;
	(pc) =	sbr.rel @p1 .LBB2_3-.Ltmp0, $4  }
0x45: {  	[tilespmem:s0+$0x60B0] =	vst v0  }
0x46: {  	[tilespmem:s0+$0x60C0] =	vst v0  }
0x47: {  	[tilespmem:s0+$0x60D0] =	vst v0  }
0x48: {  	[tilespmem:s0+$0x60E0] =	vst v0;
	s0 =	sshra.s32 s2, $0x2;
	s2 =	sadd.s32 $0x400, s2  }
0x49: {  	[tilespmem:s0+$0x60F0] =	vst v0  }
0x4a: {  	[tilespmem:s0+$0x6000] =	vst v0  }
0x4b: {  	[tilespmem:s0+$0x6010] =	vst v0  }
0x4c: {  	[tilespmem:s0+$0x6020] =	vst v0  }
0x4d: {  	[tilespmem:s0+$0x6030] =	vst v0  }
0x4e: {  	[tilespmem:s0+$0x6040] =	vst v0  }
0x4f: {  	[tilespmem:s0+$0x6050] =	vst v0  }
0x50: {  	[tilespmem:s0+$0x6060] =	vst v0  }
0x51: {  	[tilespmem:s0+$0x6070] =	vst v0  }
0x52: {  	[tilespmem:s0+$0x6080] =	vst v0  }
0x53: {  	[tilespmem:s0+$0x6090] =	vst v0  }
0x54: {  	[tilespmem:s0+$0x60A0] =	vst v0  }
0x55: {  	[tilespmem:s0+$0x60B0] =	vst v0  }
0x56: {  	[tilespmem:s0+$0x60C0] =	vst v0  }
0x57: {  	[tilespmem:s0+$0x60D0] =	vst v0  }
0x58: {  	[tilespmem:s0+$0x60E0] =	vst v0  }
0x59: {  	_ =	swait.ge [sflag:s24], $0x1000  }
0x5a: {  	[sflag:s24] =	ssyncset.done $0x0  }
0x5b: {  	[sflag:s24] =	ssyncadd.s32 $0xFFFFF000  }
0x5c: {  	s0 =	simm.s32 $0x0;
	s2 =	simm.s32 $0x0;
	_ =	swait.ge [sflag:s25], $0x2000  }
0x5d: {  	s5 =	sand.u32 $0x380, s0;
	s2 =	sand.u32 $0x3FFFF800, s2;
	[sflag:s25] =	ssyncset.done $0x0  }
0x5e: {  	s2 =	sor.u32 s5, s2;
	[sflag:s25] =	ssyncadd.s32 $0xFFFFE000  }
0x5f: {  	v3 =	vld [tilespmem:s2+$0x10]  }
0x60: {  	v4 =	vld [tilespmem:s2+$0x0]  }
0x61: {  	v5 =	vld [tilespmem:s2+$0x20]  }
0x62: {  	v6 =	vld [tilespmem:s2+$0x438]  }
0x63: {  	v9 =	vld [tilespmem:s2+$0x430]  }
0x64: {  	v12 =	vld [tilespmem:s2+$0x50]  }
0x65: {  	v16 =	vld [tilespmem:s2+$0x420]  }
0x66: {  	v18 =	vld [tilespmem:s2+$0x70]  }
0x67: {  	v19 =	vld [tilespmem:s2+$0x400]  }
0x68: {  	v10 =	vshll.u32 v3, $0x4;
	v11 =	vshll.u32 v4, $0x4  }
0x69: {  	v13 =	vand.u32 $0x7F, v5;
	v3 =	vand.u32 $0x7F, v3;
	v14 =	vand.u32 $0x7F, v6  }
0x6a: {  	v4 =	vand.u32 $0x7F, v4;
	v5 =	vshll.u32 v5, $0x4;
	v20 =	vshll.u32 v9, $0x4  }
0x6b: {  	v7 =	vld [tilespmem:s2+$0x30];
	v21 =	vshll.u32 v12, $0x4;
	v12 =	vand.u32 $0x7F, v12;
	v22 =	vshll.u32 v18, $0x4  }
0x6c: {  	v8 =	vld [tilespmem:s2+$0x40];
	v23 =	vand.u32 $0x7F, v19;
	v24 =	vshll.u32 v16, $0x4;
	v18 =	vand.u32 $0x7F, v18  }
0x6d: {  	v16 =	vand.u32 $0x7F, v16;
	v9 =	vand.u32 $0x7F, v9;
	v6 =	vshll.u32 v6, $0x4  }
0x6e: {  	v17 =	vld [tilespmem:s2+$0x410];
	v10 =	vand.u32 $0x3800, v10;
	v11 =	vand.u32 $0x3800, v11;
	v5 =	vand.u32 $0x3800, v5  }
0x6f: {  	v22 =	vand.u32 $0x3800, v22;
	v21 =	vand.u32 $0x3800, v21;
	v24 =	vand.u32 $0x3800, v24  }
0x70: {  	v20 =	vand.u32 $0x3800, v20;
	v6 =	vand.u32 $0x3800, v6;
	v3 =	vor.u32 v10, v3  }
0x71: {  	v10 =	vshll.u32 v7, $0x4;
	v4 =	vor.u32 v11, v4;
	v11 =	vshll.u32 v8, $0x4  }
0x72: {  	s21 =	simm.s32 $0x0;
	v15 =	vld [tilespmem:s2+$0x60];
	v7 =	vand.u32 $0x7F, v7;
	v8 =	vand.u32 $0x7F, v8;
	v5 =	vor.u32 v5, v13  }
0x73: {  	s2 =	sand.u32 $0xFFFFF000, s21;
	v13 =	vshll.u32 v17, $0x4;
	v18 =	vor.u32 v22, v18;
	v17 =	vand.u32 $0x7F, v17  }
0x74: {  	s5 =	sor.u32 s5, s2;
	v12 =	vor.u32 v21, v12;
	v16 =	vor.u32 v24, v16;
	v9 =	vor.u32 v20, v9  }
0x75: {  	v62 =	vld [tilespmem:s5+$0x2000];
	v6 =	vor.u32 v6, v14;
	v3 =	vor.u32 s0, v3;
	v10 =	vand.u32 $0x3800, v10  }
0x76: {  	v22 =	vld [tilespmem:s5+$0x2050];
	v11 =	vand.u32 $0x3800, v11;
	v4 =	vor.u32 s0, v4;
	v5 =	vor.u32 s0, v5  }
0x77: {  	v21 =	vld [tilespmem:s5+$0x2010];
	v13 =	vand.u32 $0x3800, v13;
	v7 =	vor.u32 v10, v7;
	v10 =	vshll.u32 v15, $0x4  }
0x78: {  	v15 =	vand.u32 $0x7F, v15;
	v8 =	vor.u32 v11, v8;
	v11 =	vld [tilespmem:s5+$0x2040];
	v13 =	vor.u32 v13, v17  }
0x79: {  	v17 =	vshll.u32 v19, $0x4;
	v19 =	vld [tilespmem:s5+$0x2030];
	v10 =	vand.u32 $0x3800, v10;
	v7 =	vor.u32 s0, v7  }
0x7a: {  	v8 =	vor.u32 s0, v8;
	v10 =	vor.u32 v10, v15;
	v15 =	vand.u32 $0x3800, v17;
	v17 =	vld [tilespmem:s5+$0x2020]  }
0x7b: {  	v18 =	vor.u32 s0, v18;
	v9 =	vor.u32 s0, v9;
	[tilespmem:v4+s26+$0x0] =	vst.idx.add.f32.msk $0xffff, v1;
	v4 =	vor.u32 s0, v12  }
0x7c: {  	v6 =	vor.u32 s0, v6;
	v10 =	vor.u32 s0, v10;
	v15 =	vor.u32 v15, v23;
	[tilespmem:v3+s26+$0x0] =	vst.idx.add.f32.msk $0xffff, v1  }
0x7d: {  	v13 =	vor.u32 s0, v13;
	v14 =	vshll.u32 v22, $0x4;
	v12 =	vor.u32 s0, v15;
	[tilespmem:v5+s26+$0x0] =	vst.idx.add.f32.msk $0xffff, v1  }
0x7e: {  	v3 =	vshll.u32 v11, $0x4;
	v15 =	vshll.u32 v19, $0x4;
	v11 =	vand.u32 $0x7F, v11;
	[tilespmem:v7+s26+$0x0] =	vst.idx.add.f32.msk $0xffff, v1  }
0x7f: {  	v5 =	vand.u32 $0x3800, v14;
	v14 =	vshll.u32 v17, $0x4;
	v7 =	vand.u32 $0x7F, v19;
	[tilespmem:v8+s26+$0x0] =	vst.idx.add.f32.msk $0xffff, v1  }
0x80: {  	v8 =	vand.u32 $0x3800, v14;
	v14 =	vshll.u32 v62, $0x4;
	[tilespmem:v4+s26+$0x0] =	vst.idx.add.f32.msk $0xffff, v1;
	v4 =	vor.u32 s0, v16  }
0x81: {  	v19 =	vshll.u32 v21, $0x4;
	v14 =	vand.u32 $0x3800, v14;
	v16 =	vand.u32 $0x7F, v62;
	[tilespmem:v10+s26+$0x0] =	vst.idx.add.f32.msk $0xffff, v1  }
0x82: {  	v10 =	vand.u32 $0x3800, v19;
	v19 =	vand.u32 $0x7F, v21;
	v14 =	vor.u32 v14, v16;
	[tilespmem:v18+s26+$0x0] =	vst.idx.add.f32.msk $0xffff, v1  }
0x83: {  	v16 =	vand.u32 $0x7F, v17;
	v10 =	vor.u32 v10, v19;
	[tilespmem:v12+s26+$0x0] =	vst.idx.add.f32.msk $0xffff, v1;
	v12 =	vor.u32 s0, v14  }
0x84: {  	v15 =	vand.u32 $0x3800, v15;
	v8 =	vor.u32 v8, v16;
	v10 =	vor.u32 s0, v10;
	[tilespmem:v13+s26+$0x0] =	vst.idx.add.f32.msk $0xffff, v1  }
0x85: {  	v3 =	vand.u32 $0x3800, v3;
	v7 =	vor.u32 v15, v7;
	[tilespmem:v4+s26+$0x0] =	vst.idx.add.f32.msk $0xffff, v1;
	v4 =	vor.u32 s0, v8  }
0x86: {  	v3 =	vor.u32 v3, v11;
	v7 =	vor.u32 s0, v7;
	v8 =	vand.u32 $0x7F, v22;
	[tilespmem:v9+s26+$0x0] =	vst.idx.add.f32.msk $0xffff, v1  }
0x87: {  	v3 =	vor.u32 s0, v3;
	v5 =	vor.u32 v5, v8;
	[tilespmem:v6+s26+$0x0] =	vst.idx.add.f32.msk vm0, v1  }
0x88: {  	v5 =	vor.u32 s0, v5;
	[tilespmem:v12+s26+$0x0] =	vst.idx.add.f32.msk $0xffff, v2  }
0x89: {  	[tilespmem:v10+s26+$0x0] =	vst.idx.add.f32.msk $0xffff, v2  }
0x8a: {  	[tilespmem:v4+s26+$0x0] =	vst.idx.add.f32.msk $0xffff, v2  }
0x8b: {  	[tilespmem:v7+s26+$0x0] =	vst.idx.add.f32.msk $0xffff, v2  }
0x8c: {  	[tilespmem:v3+s26+$0x0] =	vst.idx.add.f32.msk $0xffff, v2  }
0x8d: {  	[tilespmem:v5+s26+$0x0] =	vst.idx.add.f32.msk $0xffff, v2  }
0x8e: {  	v5 =	vld [tilespmem:s5+$0x2820]  }
0x8f: {  	v6 =	vld [tilespmem:s5+$0x2070]  }
0x90: {  	v3 =	vld [tilespmem:s5+$0x2830]  }
0x91: {  	v7 =	vld [tilespmem:s5+$0x2810]  }
0x92: {  	v8 =	vld [tilespmem:s5+$0x2800]  }
0x93: {  	v10 =	vld [tilespmem:s5+$0x2470]  }
0x94: {  	v11 =	vld [tilespmem:s5+$0x2460]  }
0x95: {  	v16 =	vld [tilespmem:s5+$0x2400];
	v4 =	vshll.u32 v5, $0x4  }
0x96: {  	v9 =	vshll.u32 v6, $0x4;
	v5 =	vand.u32 $0x7F, v5;
	v14 =	vand.u32 $0x7F, v6  }
0x97: {  	v12 =	vld [tilespmem:s5+$0x2060];
	v6 =	vshll.u32 v3, $0x4;
	v13 =	vshll.u32 v7, $0x4;
	v7 =	vand.u32 $0x7F, v7  }
0x98: {  	v15 =	vshll.u32 v8, $0x4;
	v22 =	vand.u32 $0x7F, v8;
	v8 =	vshll.u32 v10, $0x4  }
0x99: {  	v10 =	vand.u32 $0x7F, v10;
	v17 =	vshll.u32 v11, $0x4;
	v11 =	vand.u32 $0x7F, v11  }
0x9a: {  	v63 =	vshll.u32 v16, $0x4;
	v16 =	vand.u32 $0x7F, v16;
	v9 =	vand.u32 $0x3800, v9  }
0x9b: {  	v4 =	vand.u32 $0x3800, v4;
	v23 =	vand.u32 $0x3800, v15;
	v9 =	vor.u32 v9, v14;
	v14 =	vld [tilespmem:s5+$0x2410]  }
0x9c: {  	v18 =	vld [tilespmem:s5+$0x2440];
	v20 =	vand.u32 $0x3800, v8;
	v8 =	vshll.u32 v12, $0x4;
	v17 =	vand.u32 $0x3800, v17  }
0x9d: {  	v19 =	vld [tilespmem:s5+$0x2430];
	v12 =	vand.u32 $0x7F, v12;
	v21 =	vand.u32 $0x3800, v8;
	v8 =	vor.u32 v17, v11  }
0x9e: {  	v15 =	vld [tilespmem:s5+$0x2420];
	v11 =	vand.u32 $0x3800, v63;
	v10 =	vor.u32 v20, v10;
	v21 =	vor.u32 v21, v12  }
0x9f: {  	v20 =	vld [tilespmem:s5+$0x2C00];
	v9 =	vor.u32 s0, v9;
	v11 =	vor.u32 v11, v16;
	v21 =	vor.u32 s0, v21  }
0xa0: {  	s21 =	simm.s32 $0x1;
	s2 =	simm.s32 $0x0;
	v12 =	vld [tilespmem:s5+$0x2840];
	v16 =	vor.u32 s0, v11;
	v11 =	vor.u32 v23, v22;
	v17 =	vand.u32 $0x7F, v14  }
.LBB2_5:
0xa1: {  	p1 =	sne.s32 s21, $0xF  }
0xa2: {  	v22 =	vld [tilespmem:s5+$0x2870];
	v23 =	vand.u32 $0x7F, v19;
	v24 =	vshll.u32 v18, $0x4;
	v13 =	vand.u32 $0x3800, v13;
	s0 =	sadd.s32 $0x80, s0;
	s6 =	smov.u32 s21;
	s21 =	sadd.s32 $0x1, s21  }
0xa3: {  	v14 =	vshll.u32 v14, $0x4;
	v26 =	vshll.u32 v15, $0x4;
	v18 =	vand.u32 $0x7F, v18;
	v25 =	vld [tilespmem:s5+$0x2860]  }
0xa4: {  	v15 =	vand.u32 $0x7F, v15;
	v19 =	vshll.u32 v19, $0x4;
	v26 =	vand.u32 $0x3800, v26;
	v27 =	vld [tilespmem:s5+$0x2850]  }
0xa5: {  	v19 =	vand.u32 $0x3800, v19;
	v15 =	vor.u32 v26, v15;
	v28 =	vld [tilespmem:s5+$0x2450];
	v29 =	vand.u32 $0x7F, v12  }
0xa6: {  	v19 =	vor.u32 v19, v23;
	v15 =	vor.u32 s2, v15;
	v26 =	vand.u32 $0x7F, v20;
	[tilespmem:v21+s26+$0x0] =	vst.idx.add.f32.msk $0xffff, v2  }
0xa7: {  	v14 =	vand.u32 $0x3800, v14;
	v20 =	vshll.u32 v20, $0x4;
	[tilespmem:v9+s26+$0x0] =	vst.idx.add.f32.msk $0xffff, v2;
	v9 =	vor.u32 s2, v19  }
0xa8: {  	v14 =	vor.u32 v14, v17;
	v19 =	vshll.u32 v25, $0x4;
	v21 =	vand.u32 $0x7F, v25;
	[tilespmem:v16+s26+$0x0] =	vst.idx.add.f32.msk $0xffff, v2  }
0xa9: {  	v14 =	vor.u32 s2, v14;
	v17 =	vand.u32 $0x3800, v20;
	v16 =	vand.u32 $0x7F, v27  }
0xaa: {  	v20 =	vand.u32 $0x3800, v24;
	v24 =	vshll.u32 v27, $0x4;
	v23 =	vshll.u32 v28, $0x4  }
0xab: {  	v19 =	vand.u32 $0x3800, v19;
	v25 =	vand.u32 $0x7F, v28;
	v23 =	vand.u32 $0x3800, v23  }
0xac: {  	v18 =	vor.u32 v20, v18;
	v19 =	vor.u32 v19, v21;
	v20 =	vor.u32 v23, v25  }
0xad: {  	v12 =	vshll.u32 v12, $0x4;
	v18 =	vor.u32 s2, v18;
	v20 =	vor.u32 s2, v20  }
0xae: {  	v8 =	vor.u32 s2, v8;
	v12 =	vand.u32 $0x3800, v12;
	v21 =	vand.u32 $0x3800, v24;
	[tilespmem:v14+s26+$0x0] =	vst.idx.add.f32.msk $0xffff, v2  }
0xaf: {  	v10 =	vor.u32 s2, v10;
	v12 =	vor.u32 v12, v29;
	v14 =	vor.u32 v21, v16;
	[tilespmem:v15+s26+$0x0] =	vst.idx.add.f32.msk $0xffff, v2  }
0xb0: {  	v7 =	vor.u32 v13, v7;
	v15 =	vshll.u32 v22, $0x4;
	[tilespmem:v9+s26+$0x0] =	vst.idx.add.f32.msk $0xffff, v2;
	v9 =	vor.u32 s2, v11  }
0xb1: {  	v6 =	vand.u32 $0x3800, v6;
	v3 =	vand.u32 $0x7F, v3;
	v11 =	vor.u32 v17, v26  }
0xb2: {  	v4 =	vor.u32 v4, v5;
	v3 =	vor.u32 v6, v3;
	v7 =	vor.u32 s2, v7;
	[tilespmem:v18+s26+$0x0] =	vst.idx.add.f32.msk $0xffff, v2  }
0xb3: {  	v4 =	vor.u32 s2, v4;
	[tilespmem:v20+s26+$0x0] =	vst.idx.add.f32.msk $0xffff, v2  }
0xb4: {  	v3 =	vor.u32 s2, v3;
	[tilespmem:v8+s26+$0x0] =	vst.idx.add.f32.msk $0xffff, v2  }
0xb5: {  	v6 =	vand.u32 $0x7F, v22;
	v5 =	vand.u32 $0x3800, v15;
	v8 =	vor.u32 s2, v12;
	[tilespmem:v10+s26+$0x0] =	vst.idx.add.f32.msk $0xffff, v2  }
0xb6: {  	v5 =	vor.u32 v5, v6;
	v10 =	vor.u32 s2, v19;
	[tilespmem:v9+s26+$0x0] =	vst.idx.add.f32.msk $0xffff, v2;
	v9 =	vor.u32 s2, v14  }
0xb7: {  	v5 =	vor.u32 s2, v5;
	[tilespmem:v7+s26+$0x0] =	vst.idx.add.f32.msk $0xffff, v2  }
0xb8: {  	[tilespmem:v4+s26+$0x0] =	vst.idx.add.f32.msk $0xffff, v2  }
0xb9: {  	[tilespmem:v3+s26+$0x0] =	vst.idx.add.f32.msk $0xffff, v2;
	v3 =	vor.u32 s2, v11;
	s2 =	smov.u32 s0  }
0xba: {  	[tilespmem:v8+s26+$0x0] =	vst.idx.add.f32.msk $0xffff, v2  }
0xbb: {  	[tilespmem:v9+s26+$0x0] =	vst.idx.add.f32.msk $0xffff, v2  }
0xbc: {  	s7 =	sshll.u32 s6, $0x8;
	[tilespmem:v10+s26+$0x0] =	vst.idx.add.f32.msk $0xffff, v2  }
0xbd: {  	s7 =	sand.u32 $0x3FFFF800, s7;
	s5 =	sand.u32 $0x380, s0;
	[tilespmem:v5+s26+$0x0] =	vst.idx.add.f32.msk $0xffff, v2  }
0xbe: {  	s7 =	sor.u32 s5, s7;
	[tilespmem:v3+s26+$0x0] =	vst.idx.add.f32.msk $0xffff, v2  }
0xbf: {  	v3 =	vld [tilespmem:s7+$0x20]  }
0xc0: {  	v4 =	vld [tilespmem:s7+$0x10]  }
0xc1: {  	v5 =	vld [tilespmem:s7+$0x0]  }
0xc2: {  	v6 =	vld [tilespmem:s7+$0x438]  }
0xc3: {  	v7 =	vld [tilespmem:s7+$0x30]  }
0xc4: {  	v8 =	vld [tilespmem:s7+$0x430]  }
0xc5: {  	v9 =	vld [tilespmem:s7+$0x40];
	v10 =	vshll.u32 v4, $0x4  }
0xc6: {  	v13 =	vand.u32 $0x7F, v3;
	v11 =	vld [tilespmem:s7+$0x50];
	v12 =	vshll.u32 v5, $0x4;
	v10 =	vand.u32 $0x3800, v10  }
0xc7: {  	v4 =	vand.u32 $0x7F, v4;
	v14 =	vld [tilespmem:s7+$0x420];
	v12 =	vand.u32 $0x3800, v12;
	v15 =	vand.u32 $0x7F, v6  }
0xc8: {  	v3 =	vshll.u32 v3, $0x4;
	v5 =	vand.u32 $0x7F, v5;
	v4 =	vor.u32 v10, v4;
	v16 =	vld [tilespmem:s7+$0x60]  }
0xc9: {  	v17 =	vshll.u32 v7, $0x4;
	v5 =	vor.u32 v12, v5;
	v4 =	vor.u32 s0, v4;
	v10 =	vld [tilespmem:s7+$0x410]  }
0xca: {  	v7 =	vand.u32 $0x7F, v7;
	v17 =	vand.u32 $0x3800, v17;
	v12 =	vld [tilespmem:s7+$0x70];
	v18 =	vshll.u32 v9, $0x4  }
0xcb: {  	v20 =	vshll.u32 v8, $0x4;
	v5 =	vor.u32 s0, v5;
	v19 =	vld [tilespmem:s7+$0x400];
	v18 =	vand.u32 $0x3800, v18  }
0xcc: {  	v3 =	vand.u32 $0x3800, v3;
	v9 =	vand.u32 $0x7F, v9;
	v7 =	vor.u32 v17, v7  }
0xcd: {  	v3 =	vor.u32 v3, v13;
	v17 =	vshll.u32 v11, $0x4;
	v21 =	vshll.u32 v16, $0x4  }
0xce: {  	v3 =	vor.u32 s0, v3;
	v13 =	vand.u32 $0x3800, v21;
	v21 =	vshll.u32 v10, $0x4  }
0xcf: {  	v11 =	vand.u32 $0x7F, v11;
	v16 =	vand.u32 $0x7F, v16;
	v21 =	vand.u32 $0x3800, v21  }
0xd0: {  	s6 =	sshll.u32 s6, $0xB;
	v24 =	vshll.u32 v14, $0x4;
	v22 =	vshll.u32 v12, $0x4;
	v23 =	vand.u32 $0x7F, v19  }
0xd1: {  	s6 =	sshra.s32 s6, $0x2;
	v14 =	vand.u32 $0x7F, v14;
	v12 =	vand.u32 $0x7F, v12;
	v22 =	vand.u32 $0x3800, v22  }
0xd2: {  	s6 =	sand.u32 $0xFFFFF000, s6;
	v17 =	vand.u32 $0x3800, v17;
	v24 =	vand.u32 $0x3800, v24;
	v12 =	vor.u32 v22, v12  }
0xd3: {  	s5 =	sor.u32 s5, s6;
	v11 =	vor.u32 v17, v11;
	v10 =	vand.u32 $0x7F, v10;
	v12 =	vor.u32 s0, v12  }
0xd4: {  	v9 =	vor.u32 v18, v9;
	v14 =	vor.u32 v24, v14;
	v10 =	vor.u32 v21, v10;
	v17 =	vld [tilespmem:s5+$0x2050]  }
0xd5: {  	v13 =	vor.u32 v13, v16;
	v19 =	vshll.u32 v19, $0x4;
	v10 =	vor.u32 s0, v10;
	v18 =	vld [tilespmem:s5+$0x2040]  }
0xd6: {  	v7 =	vor.u32 s0, v7;
	v13 =	vor.u32 s0, v13;
	v19 =	vand.u32 $0x3800, v19;
	v16 =	vld [tilespmem:s5+$0x2030]  }
0xd7: {  	v6 =	vshll.u32 v6, $0x4;
	v8 =	vand.u32 $0x7F, v8;
	v20 =	vand.u32 $0x3800, v20;
	v21 =	vld [tilespmem:s5+$0x2020]  }
0xd8: {  	v6 =	vand.u32 $0x3800, v6;
	v8 =	vor.u32 v20, v8;
	v19 =	vor.u32 v19, v23;
	v22 =	vld [tilespmem:s5+$0x2010]  }
0xd9: {  	v6 =	vor.u32 v6, v15;
	v9 =	vor.u32 s0, v9;
	v19 =	vor.u32 s0, v19;
	v20 =	vld [tilespmem:s5+$0x2000]  }
0xda: {  	v23 =	vshll.u32 v17, $0x4;
	v15 =	vshll.u32 v18, $0x4;
	[tilespmem:v5+s26+$0x0] =	vst.idx.add.f32.msk $0xffff, v1;
	v5 =	vor.u32 s0, v11  }
0xdb: {  	v23 =	vand.u32 $0x3800, v23;
	v11 =	vshll.u32 v16, $0x4;
	[tilespmem:v4+s26+$0x0] =	vst.idx.add.f32.msk $0xffff, v1;
	v4 =	vor.u32 s0, v8  }
0xdc: {  	v16 =	vand.u32 $0x7F, v16;
	v8 =	vshll.u32 v21, $0x4;
	[tilespmem:v3+s26+$0x0] =	vst.idx.add.f32.msk $0xffff, v1;
	v3 =	vor.u32 s0, v6  }
0xdd: {  	v11 =	vand.u32 $0x3800, v11;
	v6 =	vshll.u32 v22, $0x4;
	v8 =	vand.u32 $0x3800, v8;
	[tilespmem:v7+s26+$0x0] =	vst.idx.add.f32.msk $0xffff, v1  }
0xde: {  	v22 =	vand.u32 $0x7F, v22;
	v7 =	vshll.u32 v20, $0x4;
	v6 =	vand.u32 $0x3800, v6;
	[tilespmem:v9+s26+$0x0] =	vst.idx.add.f32.msk $0xffff, v1  }
0xdf: {  	v9 =	vand.u32 $0x7F, v20;
	v7 =	vand.u32 $0x3800, v7;
	[tilespmem:v5+s26+$0x0] =	vst.idx.add.f32.msk $0xffff, v1;
	v5 =	vor.u32 s0, v14  }
0xe0: {  	v14 =	vand.u32 $0x7F, v21;
	v6 =	vor.u32 v6, v22;
	[tilespmem:v13+s26+$0x0] =	vst.idx.add.f32.msk $0xffff, v1;
	v7 =	vor.u32 v7, v9  }
0xe1: {  	v11 =	vor.u32 v11, v16;
	v9 =	vand.u32 $0x7F, v17;
	v8 =	vor.u32 v8, v14;
	[tilespmem:v12+s26+$0x0] =	vst.idx.add.f32.msk $0xffff, v1  }
0xe2: {  	v7 =	vor.u32 s0, v7;
	v9 =	vor.u32 v23, v9;
	[tilespmem:v19+s26+$0x0] =	vst.idx.add.f32.msk $0xffff, v1  }
0xe3: {  	v6 =	vor.u32 s0, v6;
	[tilespmem:v10+s26+$0x0] =	vst.idx.add.f32.msk $0xffff, v1  }
0xe4: {  	v12 =	vand.u32 $0x7F, v18;
	v10 =	vand.u32 $0x3800, v15;
	[tilespmem:v5+s26+$0x0] =	vst.idx.add.f32.msk $0xffff, v1;
	v5 =	vor.u32 s0, v8  }
0xe5: {  	v8 =	vor.u32 v10, v12;
	[tilespmem:v4+s26+$0x0] =	vst.idx.add.f32.msk $0xffff, v1;
	v4 =	vor.u32 s0, v11  }
0xe6: {  	[tilespmem:v3+s26+$0x0] =	vst.idx.add.f32.msk vm0, v1;
	v3 =	vor.u32 s0, v8  }
0xe7: {  	[tilespmem:v7+s26+$0x0] =	vst.idx.add.f32.msk $0xffff, v2;
	v7 =	vor.u32 s0, v9  }
0xe8: {  	[tilespmem:v6+s26+$0x0] =	vst.idx.add.f32.msk $0xffff, v2  }
0xe9: {  	[tilespmem:v5+s26+$0x0] =	vst.idx.add.f32.msk $0xffff, v2  }
0xea: {  	[tilespmem:v4+s26+$0x0] =	vst.idx.add.f32.msk $0xffff, v2  }
0xeb: {  	[tilespmem:v3+s26+$0x0] =	vst.idx.add.f32.msk $0xffff, v2  }
0xec: {  	[tilespmem:v7+s26+$0x0] =	vst.idx.add.f32.msk $0xffff, v2  }
0xed: {  	v5 =	vld [tilespmem:s5+$0x2820]  }
0xee: {  	v6 =	vld [tilespmem:s5+$0x2070]  }
0xef: {  	v3 =	vld [tilespmem:s5+$0x2830]  }
0xf0: {  	v7 =	vld [tilespmem:s5+$0x2810]  }
0xf1: {  	v8 =	vld [tilespmem:s5+$0x2800]  }
0xf2: {  	v10 =	vld [tilespmem:s5+$0x2470];
	v4 =	vshll.u32 v5, $0x4  }
0xf3: {  	v5 =	vand.u32 $0x7F, v5;
	v11 =	vld [tilespmem:s5+$0x2460];
	v9 =	vshll.u32 v6, $0x4;
	v4 =	vand.u32 $0x3800, v4  }
0xf4: {  	v14 =	vand.u32 $0x7F, v6;
	v12 =	vld [tilespmem:s5+$0x2060];
	v9 =	vand.u32 $0x3800, v9;
	v6 =	vshll.u32 v3, $0x4  }
0xf5: {  	v16 =	vld [tilespmem:s5+$0x2400];
	v13 =	vshll.u32 v7, $0x4;
	v7 =	vand.u32 $0x7F, v7;
	v9 =	vor.u32 v9, v14  }
0xf6: {  	v14 =	vld [tilespmem:s5+$0x2410];
	v17 =	vshll.u32 v8, $0x4;
	v22 =	vand.u32 $0x7F, v8;
	v9 =	vor.u32 s0, v9  }
0xf7: {  	v15 =	vld [tilespmem:s5+$0x2420];
	v8 =	vshll.u32 v10, $0x4;
	v10 =	vand.u32 $0x7F, v10;
	v23 =	vand.u32 $0x3800, v17  }
0xf8: {  	v18 =	vld [tilespmem:s5+$0x2440];
	v17 =	vshll.u32 v11, $0x4;
	v11 =	vand.u32 $0x7F, v11;
	v20 =	vand.u32 $0x3800, v8  }
.Ltmp1:
0xf9: {  	v19 =	vld [tilespmem:s5+$0x2430];
	v8 =	vshll.u32 v12, $0x4;
	v12 =	vand.u32 $0x7F, v12;
	v17 =	vand.u32 $0x3800, v17;
	(pc) =	sbr.rel @p1 .LBB2_5-.Ltmp1, $4  }
0xfa: {  	v21 =	vand.u32 $0x3800, v8;
	v24 =	vshll.u32 v16, $0x4;
	v8 =	vor.u32 v17, v11  }
0xfb: {  	v16 =	vand.u32 $0x7F, v16;
	v11 =	vand.u32 $0x3800, v24;
	v21 =	vor.u32 v21, v12  }
0xfc: {  	v10 =	vor.u32 v20, v10;
	v17 =	vand.u32 $0x7F, v14;
	v12 =	vld [tilespmem:s5+$0x2840];
	v11 =	vor.u32 v11, v16  }
0xfd: {  	v21 =	vor.u32 s0, v21;
	v20 =	vld [tilespmem:s5+$0x2C00];
	v16 =	vor.u32 s0, v11;
	v11 =	vor.u32 v23, v22  }
0xfe: {  	v22 =	vand.u32 $0x7F, v19  }
0xff: {  	v23 =	vshll.u32 v18, $0x4;
	v13 =	vand.u32 $0x3800, v13;
	v14 =	vshll.u32 v14, $0x4  }
0x100: {  	v24 =	vshll.u32 v15, $0x4;
	v42 =	vand.u32 $0x7F, v18;
	v43 =	vshll.u32 v19, $0x4;
	v25 =	vld [tilespmem:s5+$0x2450]  }
0x101: {  	v44 =	vand.u32 $0x7F, v15;
	v8 =	vor.u32 s2, v8;
	v10 =	vor.u32 s2, v10  }
0x102: {  	v11 =	vor.u32 s2, v11;
	v24 =	vand.u32 $0x3800, v24;
	v14 =	vand.u32 $0x3800, v14  }
0x103: {  	v26 =	vld [tilespmem:s5+$0x2860];
	v19 =	vand.u32 $0x3800, v43;
	v49 =	vand.u32 $0x3800, v23;
	v14 =	vor.u32 v14, v17  }
0x104: {  	v45 =	vld [tilespmem:s5+$0x2850];
	v15 =	vor.u32 v24, v44;
	v46 =	vor.u32 v19, v22;
	v14 =	vor.u32 s2, v14  }
0x105: {  	v48 =	vld [tilespmem:s5+$0x2870];
	v18 =	vor.u32 v49, v42;
	v15 =	vor.u32 s2, v15;
	v50 =	vshll.u32 v25, $0x4  }
0x106: {  	[tilespmem:v21+s26+$0x0] =	vst.idx.add.f32.msk $0xffff, v2;
	v17 =	vor.u32 s2, v46;
	v52 =	vand.u32 $0x7F, v25;
	v51 =	vand.u32 $0x3800, v50  }
0x107: {  	v6 =	vand.u32 $0x3800, v6;
	[tilespmem:v9+s26+$0x0] =	vst.idx.add.f32.msk $0xffff, v2;
	v18 =	vor.u32 s2, v18;
	v21 =	vor.u32 v51, v52  }
0x108: {  	v3 =	vand.u32 $0x7F, v3;
	v4 =	vor.u32 v4, v5;
	[tilespmem:v16+s26+$0x0] =	vst.idx.add.f32.msk $0xffff, v2;
	v21 =	vor.u32 s2, v21  }
0x109: {  	v7 =	vor.u32 v13, v7;
	v3 =	vor.u32 v6, v3;
	v4 =	vor.u32 s2, v4;
	[tilespmem:v14+s26+$0x0] =	vst.idx.add.f32.msk $0xffff, v2  }
0x10a: {  	v7 =	vor.u32 s2, v7;
	v3 =	vor.u32 s2, v3;
	v27 =	vand.u32 $0x7F, v12;
	[tilespmem:v15+s26+$0x0] =	vst.idx.add.f32.msk $0xffff, v2  }
0x10b: {  	v57 =	vshll.u32 v12, $0x4;
	v28 =	vand.u32 $0x7F, v20;
	v47 =	vshll.u32 v20, $0x4;
	[tilespmem:v17+s26+$0x0] =	vst.idx.add.f32.msk $0xffff, v2  }
0x10c: {  	v58 =	vand.u32 $0x3800, v57;
	v53 =	vshll.u32 v26, $0x4;
	v54 =	vand.u32 $0x7F, v26;
	[tilespmem:v18+s26+$0x0] =	vst.idx.add.f32.msk $0xffff, v2  }
0x10d: {  	v55 =	vand.u32 $0x7F, v45;
	v56 =	vshll.u32 v45, $0x4;
	v5 =	vor.u32 v58, v27;
	[tilespmem:v21+s26+$0x0] =	vst.idx.add.f32.msk $0xffff, v2  }
0x10e: {  	v60 =	vshll.u32 v48, $0x4;
	v61 =	vand.u32 $0x7F, v48;
	v59 =	vand.u32 $0x3800, v56;
	[tilespmem:v8+s26+$0x0] =	vst.idx.add.f32.msk $0xffff, v2  }
0x10f: {  	v9 =	vand.u32 $0x3800, v53;
	v5 =	vor.u32 s2, v5;
	v6 =	vor.u32 v59, v55;
	[tilespmem:v10+s26+$0x0] =	vst.idx.add.f32.msk $0xffff, v2  }
0x110: {  	v9 =	vor.u32 v9, v54;
	v6 =	vor.u32 s2, v6;
	v8 =	vand.u32 $0x3800, v60;
	[tilespmem:v11+s26+$0x0] =	vst.idx.add.f32.msk $0xffff, v2  }
0x111: {  	v62 =	vand.u32 $0x3800, v47;
	v9 =	vor.u32 s2, v9;
	v8 =	vor.u32 v8, v61;
	[tilespmem:v7+s26+$0x0] =	vst.idx.add.f32.msk $0xffff, v2  }
0x112: {  	v63 =	vor.u32 v62, v28;
	v8 =	vor.u32 s2, v8;
	[tilespmem:v4+s26+$0x0] =	vst.idx.add.f32.msk $0xffff, v2  }
0x113: {  	[tilespmem:v3+s26+$0x0] =	vst.idx.add.f32.msk $0xffff, v2;
	v3 =	vor.u32 s2, v63  }
0x114: {  	[tilespmem:v5+s26+$0x0] =	vst.idx.add.f32.msk $0xffff, v2  }
0x115: {  	[tilespmem:v6+s26+$0x0] =	vst.idx.add.f32.msk $0xffff, v2  }
0x116: {  	[tilespmem:v9+s26+$0x0] =	vst.idx.add.f32.msk $0xffff, v2  }
0x117: {  	[tilespmem:v8+s26+$0x0] =	vst.idx.add.f32.msk $0xffff, v2  }
0x118: {  	s0 =	simm.s32 @p0 $0x0;
	[tilespmem:v3+s26+$0x0] =	vst.idx.add.f32.msk $0xffff, v2  }
0x119: {  	[tilespmem:s0], [sflag:$0x1] =	stream.linear.gather @p0 [hbm4b:s8+s0], $0x1000, $0x38;
	[tilespmem:$0xE000] =	vst v63  }
0x11a: {  	s31 =	sor.u32 s20, s31;
	s2 =	simm.s32 @p0 $0x2000  }
0x11b: {  	[tilespmem:s2], [sflag:$0x3] =	stream.linear.gather @p0 [hbm4b:s9+s0], $0x2000, $0x38;
	[tilespmem:$0xE000] =	vst v63  }
0x11c: {  	s6 =	sadd.s32 s3, s31  }
0x11d: {  	[hbm4b:s6+s1] =	stream.linear.scatter [tilespmem:s26], [sflag:$0x5], $0x800, $0x38;
	[tilespmem:$0xE000] =	vst v63  }
0x11e: {  	s21 =	simm.s32 $0x6800;
	s7 =	sadd.s32 s31, s10  }
0x11f: {  	[hbm4b:s7+s1] =	stream.linear.scatter [tilespmem:s21], [sflag:$0x5], $0x800, $0x38;
	[tilespmem:$0xE000] =	vst v63  }
0x120: {  	s5 =	sadd.s32 s31, s11;
	s6 =	simm.s32 $0x7000  }
0x121: {  	[hbm4b:s5+s1] =	stream.linear.scatter [tilespmem:s6], [sflag:$0x5], $0x800, $0x38;
	[tilespmem:$0xE000] =	vst v63  }
0x122: {  	s7 =	sadd.s32 s31, s12;
	s21 =	simm.s32 $0x7800  }
0x123: {  	[hbm4b:s7+s1] =	stream.linear.scatter [tilespmem:s21], [sflag:$0x5], $0x800, $0x38;
	[tilespmem:$0xE000] =	vst v63  }
0x124: {  	s5 =	sadd.s32 s31, s13;
	s6 =	simm.s32 $0x8000  }
0x125: {  	[hbm4b:s5+s1] =	stream.linear.scatter [tilespmem:s6], [sflag:$0x5], $0x800, $0x38;
	[tilespmem:$0xE000] =	vst v63  }
0x126: {  	s7 =	sadd.s32 s31, s14;
	s21 =	simm.s32 $0x8800  }
0x127: {  	[hbm4b:s7+s1] =	stream.linear.scatter [tilespmem:s21], [sflag:$0x5], $0x800, $0x38;
	[tilespmem:$0xE000] =	vst v63  }
0x128: {  	s5 =	sadd.s32 s31, s15;
	s6 =	simm.s32 $0x9000  }
0x129: {  	[hbm4b:s5+s1] =	stream.linear.scatter [tilespmem:s6], [sflag:$0x5], $0x800, $0x38;
	[tilespmem:$0xE000] =	vst v63  }
0x12a: {  	s0 =	simm.s32 @!p0 $0x6;
	s7 =	sadd.s32 s31, s16;
	s21 =	simm.s32 $0x9800  }
0x12b: {  	[hbm4b:s7+s1] =	stream.linear.scatter [tilespmem:s21], [sflag:$0x5], $0x800, $0x38;
	[tilespmem:$0xE000] =	vst v63  }
0x12c: {  	_ =	swait.ge @!p0 [sflag:s0], $0x800  }
0x12d: {  	[sflag:s0] =	ssyncset.done @!p0 $0x0  }
0x12e: {  	[sflag:s0] =	ssyncadd.s32 @!p0 $0xFFFFF800  }
0x12f: {  	_ =	swait.ge @!p0 [sflag:s0], $0x800  }
0x130: {  	[sflag:s0] =	ssyncset.done @!p0 $0x0  }
0x131: {  	[sflag:s0] =	ssyncadd.s32 @!p0 $0xFFFFF800  }
0x132: {  	_ =	swait.ge @!p0 [sflag:s0], $0x800  }
0x133: {  	[sflag:s0] =	ssyncset.done @!p0 $0x0  }
0x134: {  	[sflag:s0] =	ssyncadd.s32 @!p0 $0xFFFFF800  }
0x135: {  	_ =	swait.ge @!p0 [sflag:s0], $0x800  }
0x136: {  	[sflag:s0] =	ssyncset.done @!p0 $0x0  }
0x137: {  	[sflag:s0] =	ssyncadd.s32 @!p0 $0xFFFFF800  }
0x138: {  	_ =	swait.ge @!p0 [sflag:s0], $0x800  }
0x139: {  	[sflag:s0] =	ssyncset.done @!p0 $0x0  }
0x13a: {  	[sflag:s0] =	ssyncadd.s32 @!p0 $0xFFFFF800  }
0x13b: {  	_ =	swait.ge @!p0 [sflag:s0], $0x800  }
0x13c: {  	[sflag:s0] =	ssyncset.done @!p0 $0x0  }
0x13d: {  	[sflag:s0] =	ssyncadd.s32 @!p0 $0xFFFFF800  }
0x13e: {  	_ =	swait.ge @!p0 [sflag:s0], $0x800  }
0x13f: {  	[sflag:s0] =	ssyncset.done @!p0 $0x0  }
0x140: {  	[sflag:s0] =	ssyncadd.s32 @!p0 $0xFFFFF800  }
0x141: {  	_ =	swait.ge @!p0 [sflag:s0], $0x800  }
0x142: {  	[sflag:s0] =	ssyncset.done @!p0 $0x0  }
0x143: {  	s2 =	simm.s32 $0x400;
	[sflag:s0] =	ssyncadd.s32 @!p0 $0xFFFFF800;
	s0 =	simm.s32 $0x0  }
.LBB2_7:
0x144: {  	p1 =	sne.s32 s2, $0xFC00;
	[tilespmem:s0+$0xA0F0] =	vst v0  }
0x145: {  	[tilespmem:s0+$0xA000] =	vst v0  }
0x146: {  	[tilespmem:s0+$0xA010] =	vst v0  }
0x147: {  	[tilespmem:s0+$0xA020] =	vst v0  }
0x148: {  	[tilespmem:s0+$0xA030] =	vst v0  }
0x149: {  	[tilespmem:s0+$0xA040] =	vst v0  }
0x14a: {  	[tilespmem:s0+$0xA050] =	vst v0  }
0x14b: {  	[tilespmem:s0+$0xA060] =	vst v0  }
0x14c: {  	[tilespmem:s0+$0xA070] =	vst v0  }
0x14d: {  	[tilespmem:s0+$0xA080] =	vst v0  }
0x14e: {  	[tilespmem:s0+$0xA090] =	vst v0  }
.Ltmp2:
0x14f: {  	[tilespmem:s0+$0xA0A0] =	vst v0;
	(pc) =	sbr.rel @p1 .LBB2_7-.Ltmp2, $4  }
0x150: {  	[tilespmem:s0+$0xA0B0] =	vst v0  }
0x151: {  	[tilespmem:s0+$0xA0C0] =	vst v0  }
0x152: {  	[tilespmem:s0+$0xA0D0] =	vst v0  }
0x153: {  	[tilespmem:s0+$0xA0E0] =	vst v0;
	s0 =	sshra.s32 s2, $0x2;
	s2 =	sadd.s32 $0x400, s2  }
0x154: {  	[tilespmem:s0+$0xA0F0] =	vst v0  }
0x155: {  	[tilespmem:s0+$0xA000] =	vst v0  }
0x156: {  	[tilespmem:s0+$0xA010] =	vst v0  }
0x157: {  	[tilespmem:s0+$0xA020] =	vst v0  }
0x158: {  	[tilespmem:s0+$0xA030] =	vst v0  }
0x159: {  	[tilespmem:s0+$0xA040] =	vst v0  }
0x15a: {  	[tilespmem:s0+$0xA050] =	vst v0  }
0x15b: {  	[tilespmem:s0+$0xA060] =	vst v0  }
0x15c: {  	[tilespmem:s0+$0xA070] =	vst v0  }
0x15d: {  	[tilespmem:s0+$0xA080] =	vst v0  }
0x15e: {  	[tilespmem:s0+$0xA090] =	vst v0  }
0x15f: {  	[tilespmem:s0+$0xA0A0] =	vst v0  }
0x160: {  	[tilespmem:s0+$0xA0B0] =	vst v0  }
0x161: {  	[tilespmem:s0+$0xA0C0] =	vst v0  }
0x162: {  	[tilespmem:s0+$0xA0D0] =	vst v0  }
0x163: {  	[tilespmem:s0+$0xA0E0] =	vst v0  }
0x164: {  	_ =	swait.ge [sflag:s22], $0x1000  }
0x165: {  	[sflag:s22] =	ssyncset.done $0x0  }
0x166: {  	[sflag:s22] =	ssyncadd.s32 $0xFFFFF000  }
0x167: {  	s0 =	simm.s32 $0x0;
	s2 =	simm.s32 $0x0;
	_ =	swait.ge [sflag:s23], $0x2000  }
0x168: {  	s5 =	sand.u32 $0x380, s0;
	s2 =	sand.u32 $0x3FFFF800, s2;
	[sflag:s23] =	ssyncset.done $0x0  }
0x169: {  	s2 =	sor.u32 s5, s2;
	[sflag:s23] =	ssyncadd.s32 $0xFFFFE000  }
0x16a: {  	v3 =	vld [tilespmem:s2+$0x1010]  }
0x16b: {  	v4 =	vld [tilespmem:s2+$0x1000]  }
0x16c: {  	v5 =	vld [tilespmem:s2+$0x1020]  }
0x16d: {  	v6 =	vld [tilespmem:s2+$0x1438]  }
0x16e: {  	v9 =	vld [tilespmem:s2+$0x1430]  }
0x16f: {  	v12 =	vld [tilespmem:s2+$0x1050]  }
0x170: {  	v16 =	vld [tilespmem:s2+$0x1420]  }
0x171: {  	v18 =	vld [tilespmem:s2+$0x1070]  }
0x172: {  	v19 =	vld [tilespmem:s2+$0x1400]  }
0x173: {  	v10 =	vshll.u32 v3, $0x4;
	v11 =	vshll.u32 v4, $0x4  }
0x174: {  	v13 =	vand.u32 $0x7F, v5;
	v3 =	vand.u32 $0x7F, v3;
	v14 =	vand.u32 $0x7F, v6  }
0x175: {  	v4 =	vand.u32 $0x7F, v4;
	v5 =	vshll.u32 v5, $0x4;
	v20 =	vshll.u32 v9, $0x4  }
0x176: {  	v7 =	vld [tilespmem:s2+$0x1030];
	v21 =	vshll.u32 v12, $0x4;
	v12 =	vand.u32 $0x7F, v12;
	v22 =	vshll.u32 v18, $0x4  }
0x177: {  	v8 =	vld [tilespmem:s2+$0x1040];
	v23 =	vand.u32 $0x7F, v19;
	v24 =	vshll.u32 v16, $0x4;
	v18 =	vand.u32 $0x7F, v18  }
0x178: {  	v16 =	vand.u32 $0x7F, v16;
	v9 =	vand.u32 $0x7F, v9;
	v6 =	vshll.u32 v6, $0x4  }
0x179: {  	v17 =	vld [tilespmem:s2+$0x1410];
	v10 =	vand.u32 $0x3800, v10;
	v11 =	vand.u32 $0x3800, v11;
	v5 =	vand.u32 $0x3800, v5  }
0x17a: {  	v22 =	vand.u32 $0x3800, v22;
	v21 =	vand.u32 $0x3800, v21;
	v24 =	vand.u32 $0x3800, v24  }
0x17b: {  	v20 =	vand.u32 $0x3800, v20;
	v6 =	vand.u32 $0x3800, v6;
	v3 =	vor.u32 v10, v3  }
0x17c: {  	v10 =	vshll.u32 v7, $0x4;
	v4 =	vor.u32 v11, v4;
	v11 =	vshll.u32 v8, $0x4  }
0x17d: {  	s21 =	simm.s32 $0x0;
	v15 =	vld [tilespmem:s2+$0x1060];
	v7 =	vand.u32 $0x7F, v7;
	v8 =	vand.u32 $0x7F, v8;
	v5 =	vor.u32 v5, v13  }
0x17e: {  	s2 =	sand.u32 $0xFFFFF000, s21;
	v13 =	vshll.u32 v17, $0x4;
	v18 =	vor.u32 v22, v18;
	v17 =	vand.u32 $0x7F, v17  }
0x17f: {  	s5 =	sor.u32 s5, s2;
	v12 =	vor.u32 v21, v12;
	v16 =	vor.u32 v24, v16;
	v9 =	vor.u32 v20, v9  }
0x180: {  	v62 =	vld [tilespmem:s5+$0x4000];
	v6 =	vor.u32 v6, v14;
	v3 =	vor.u32 s0, v3;
	v10 =	vand.u32 $0x3800, v10  }
0x181: {  	v22 =	vld [tilespmem:s5+$0x4050];
	v11 =	vand.u32 $0x3800, v11;
	v4 =	vor.u32 s0, v4;
	v5 =	vor.u32 s0, v5  }
0x182: {  	v21 =	vld [tilespmem:s5+$0x4010];
	v13 =	vand.u32 $0x3800, v13;
	v7 =	vor.u32 v10, v7;
	v10 =	vshll.u32 v15, $0x4  }
0x183: {  	v15 =	vand.u32 $0x7F, v15;
	v8 =	vor.u32 v11, v8;
	v11 =	vld [tilespmem:s5+$0x4040];
	v13 =	vor.u32 v13, v17  }
0x184: {  	v17 =	vshll.u32 v19, $0x4;
	v19 =	vld [tilespmem:s5+$0x4030];
	v10 =	vand.u32 $0x3800, v10;
	v7 =	vor.u32 s0, v7  }
0x185: {  	v8 =	vor.u32 s0, v8;
	v10 =	vor.u32 v10, v15;
	v15 =	vand.u32 $0x3800, v17;
	v17 =	vld [tilespmem:s5+$0x4020]  }
0x186: {  	v18 =	vor.u32 s0, v18;
	v9 =	vor.u32 s0, v9;
	[tilespmem:v4+s4+$0x0] =	vst.idx.add.f32.msk $0xffff, v1;
	v4 =	vor.u32 s0, v12  }
0x187: {  	v6 =	vor.u32 s0, v6;
	v10 =	vor.u32 s0, v10;
	v15 =	vor.u32 v15, v23;
	[tilespmem:v3+s4+$0x0] =	vst.idx.add.f32.msk $0xffff, v1  }
0x188: {  	v13 =	vor.u32 s0, v13;
	v14 =	vshll.u32 v22, $0x4;
	v12 =	vor.u32 s0, v15;
	[tilespmem:v5+s4+$0x0] =	vst.idx.add.f32.msk $0xffff, v1  }
0x189: {  	v3 =	vshll.u32 v11, $0x4;
	v15 =	vshll.u32 v19, $0x4;
	v11 =	vand.u32 $0x7F, v11;
	[tilespmem:v7+s4+$0x0] =	vst.idx.add.f32.msk $0xffff, v1  }
0x18a: {  	v5 =	vand.u32 $0x3800, v14;
	v14 =	vshll.u32 v17, $0x4;
	v7 =	vand.u32 $0x7F, v19;
	[tilespmem:v8+s4+$0x0] =	vst.idx.add.f32.msk $0xffff, v1  }
0x18b: {  	v8 =	vand.u32 $0x3800, v14;
	v14 =	vshll.u32 v62, $0x4;
	[tilespmem:v4+s4+$0x0] =	vst.idx.add.f32.msk $0xffff, v1;
	v4 =	vor.u32 s0, v16  }
0x18c: {  	v19 =	vshll.u32 v21, $0x4;
	v14 =	vand.u32 $0x3800, v14;
	v16 =	vand.u32 $0x7F, v62;
	[tilespmem:v10+s4+$0x0] =	vst.idx.add.f32.msk $0xffff, v1  }
0x18d: {  	v10 =	vand.u32 $0x3800, v19;
	v19 =	vand.u32 $0x7F, v21;
	v14 =	vor.u32 v14, v16;
	[tilespmem:v18+s4+$0x0] =	vst.idx.add.f32.msk $0xffff, v1  }
0x18e: {  	v16 =	vand.u32 $0x7F, v17;
	v10 =	vor.u32 v10, v19;
	[tilespmem:v12+s4+$0x0] =	vst.idx.add.f32.msk $0xffff, v1;
	v12 =	vor.u32 s0, v14  }
0x18f: {  	v15 =	vand.u32 $0x3800, v15;
	v8 =	vor.u32 v8, v16;
	v10 =	vor.u32 s0, v10;
	[tilespmem:v13+s4+$0x0] =	vst.idx.add.f32.msk $0xffff, v1  }
0x190: {  	v3 =	vand.u32 $0x3800, v3;
	v7 =	vor.u32 v15, v7;
	[tilespmem:v4+s4+$0x0] =	vst.idx.add.f32.msk $0xffff, v1;
	v4 =	vor.u32 s0, v8  }
0x191: {  	v3 =	vor.u32 v3, v11;
	v7 =	vor.u32 s0, v7;
	v8 =	vand.u32 $0x7F, v22;
	[tilespmem:v9+s4+$0x0] =	vst.idx.add.f32.msk $0xffff, v1  }
0x192: {  	v3 =	vor.u32 s0, v3;
	v5 =	vor.u32 v5, v8;
	[tilespmem:v6+s4+$0x0] =	vst.idx.add.f32.msk vm0, v1  }
0x193: {  	v5 =	vor.u32 s0, v5;
	[tilespmem:v12+s4+$0x0] =	vst.idx.add.f32.msk $0xffff, v2  }
0x194: {  	[tilespmem:v10+s4+$0x0] =	vst.idx.add.f32.msk $0xffff, v2  }
0x195: {  	[tilespmem:v4+s4+$0x0] =	vst.idx.add.f32.msk $0xffff, v2  }
0x196: {  	[tilespmem:v7+s4+$0x0] =	vst.idx.add.f32.msk $0xffff, v2  }
0x197: {  	[tilespmem:v3+s4+$0x0] =	vst.idx.add.f32.msk $0xffff, v2  }
0x198: {  	[tilespmem:v5+s4+$0x0] =	vst.idx.add.f32.msk $0xffff, v2  }
0x199: {  	v5 =	vld [tilespmem:s5+$0x4820]  }
0x19a: {  	v6 =	vld [tilespmem:s5+$0x4070]  }
0x19b: {  	v3 =	vld [tilespmem:s5+$0x4830]  }
0x19c: {  	v7 =	vld [tilespmem:s5+$0x4810]  }
0x19d: {  	v8 =	vld [tilespmem:s5+$0x4800]  }
0x19e: {  	v10 =	vld [tilespmem:s5+$0x4470]  }
0x19f: {  	v11 =	vld [tilespmem:s5+$0x4460]  }
0x1a0: {  	v16 =	vld [tilespmem:s5+$0x4400];
	v4 =	vshll.u32 v5, $0x4  }
0x1a1: {  	v9 =	vshll.u32 v6, $0x4;
	v5 =	vand.u32 $0x7F, v5;
	v14 =	vand.u32 $0x7F, v6  }
0x1a2: {  	v12 =	vld [tilespmem:s5+$0x4060];
	v6 =	vshll.u32 v3, $0x4;
	v13 =	vshll.u32 v7, $0x4;
	v7 =	vand.u32 $0x7F, v7  }
0x1a3: {  	v15 =	vshll.u32 v8, $0x4;
	v22 =	vand.u32 $0x7F, v8;
	v8 =	vshll.u32 v10, $0x4  }
0x1a4: {  	v10 =	vand.u32 $0x7F, v10;
	v17 =	vshll.u32 v11, $0x4;
	v11 =	vand.u32 $0x7F, v11  }
0x1a5: {  	v63 =	vshll.u32 v16, $0x4;
	v16 =	vand.u32 $0x7F, v16;
	v9 =	vand.u32 $0x3800, v9  }
0x1a6: {  	v4 =	vand.u32 $0x3800, v4;
	v23 =	vand.u32 $0x3800, v15;
	v9 =	vor.u32 v9, v14;
	v14 =	vld [tilespmem:s5+$0x4410]  }
0x1a7: {  	v18 =	vld [tilespmem:s5+$0x4440];
	v20 =	vand.u32 $0x3800, v8;
	v8 =	vshll.u32 v12, $0x4;
	v17 =	vand.u32 $0x3800, v17  }
0x1a8: {  	v19 =	vld [tilespmem:s5+$0x4430];
	v12 =	vand.u32 $0x7F, v12;
	v21 =	vand.u32 $0x3800, v8;
	v8 =	vor.u32 v17, v11  }
0x1a9: {  	v15 =	vld [tilespmem:s5+$0x4420];
	v11 =	vand.u32 $0x3800, v63;
	v10 =	vor.u32 v20, v10;
	v21 =	vor.u32 v21, v12  }
0x1aa: {  	v20 =	vld [tilespmem:s5+$0x4C00];
	v9 =	vor.u32 s0, v9;
	v11 =	vor.u32 v11, v16;
	v21 =	vor.u32 s0, v21  }
0x1ab: {  	s21 =	simm.s32 $0x1;
	s2 =	simm.s32 $0x0;
	v12 =	vld [tilespmem:s5+$0x4840];
	v16 =	vor.u32 s0, v11;
	v11 =	vor.u32 v23, v22;
	v17 =	vand.u32 $0x7F, v14  }
.LBB2_9:
0x1ac: {  	p1 =	sne.s32 s21, $0xF  }
0x1ad: {  	v22 =	vld [tilespmem:s5+$0x4870];
	v23 =	vand.u32 $0x7F, v19;
	v24 =	vshll.u32 v18, $0x4;
	v13 =	vand.u32 $0x3800, v13;
	s0 =	sadd.s32 $0x80, s0;
	s6 =	smov.u32 s21;
	s21 =	sadd.s32 $0x1, s21  }
0x1ae: {  	v14 =	vshll.u32 v14, $0x4;
	v26 =	vshll.u32 v15, $0x4;
	v18 =	vand.u32 $0x7F, v18;
	v25 =	vld [tilespmem:s5+$0x4860]  }
0x1af: {  	v15 =	vand.u32 $0x7F, v15;
	v19 =	vshll.u32 v19, $0x4;
	v26 =	vand.u32 $0x3800, v26;
	v27 =	vld [tilespmem:s5+$0x4850]  }
0x1b0: {  	v19 =	vand.u32 $0x3800, v19;
	v15 =	vor.u32 v26, v15;
	v28 =	vld [tilespmem:s5+$0x4450];
	v29 =	vand.u32 $0x7F, v12  }
0x1b1: {  	v19 =	vor.u32 v19, v23;
	v15 =	vor.u32 s2, v15;
	v26 =	vand.u32 $0x7F, v20;
	[tilespmem:v21+s4+$0x0] =	vst.idx.add.f32.msk $0xffff, v2  }
0x1b2: {  	v14 =	vand.u32 $0x3800, v14;
	v20 =	vshll.u32 v20, $0x4;
	[tilespmem:v9+s4+$0x0] =	vst.idx.add.f32.msk $0xffff, v2;
	v9 =	vor.u32 s2, v19  }
0x1b3: {  	v14 =	vor.u32 v14, v17;
	v19 =	vshll.u32 v25, $0x4;
	v21 =	vand.u32 $0x7F, v25;
	[tilespmem:v16+s4+$0x0] =	vst.idx.add.f32.msk $0xffff, v2  }
0x1b4: {  	v14 =	vor.u32 s2, v14;
	v17 =	vand.u32 $0x3800, v20;
	v16 =	vand.u32 $0x7F, v27  }
0x1b5: {  	v20 =	vand.u32 $0x3800, v24;
	v24 =	vshll.u32 v27, $0x4;
	v23 =	vshll.u32 v28, $0x4  }
0x1b6: {  	v19 =	vand.u32 $0x3800, v19;
	v25 =	vand.u32 $0x7F, v28;
	v23 =	vand.u32 $0x3800, v23  }
0x1b7: {  	v18 =	vor.u32 v20, v18;
	v19 =	vor.u32 v19, v21;
	v20 =	vor.u32 v23, v25  }
0x1b8: {  	v12 =	vshll.u32 v12, $0x4;
	v18 =	vor.u32 s2, v18;
	v20 =	vor.u32 s2, v20  }
0x1b9: {  	v8 =	vor.u32 s2, v8;
	v12 =	vand.u32 $0x3800, v12;
	v21 =	vand.u32 $0x3800, v24;
	[tilespmem:v14+s4+$0x0] =	vst.idx.add.f32.msk $0xffff, v2  }
0x1ba: {  	v10 =	vor.u32 s2, v10;
	v12 =	vor.u32 v12, v29;
	v14 =	vor.u32 v21, v16;
	[tilespmem:v15+s4+$0x0] =	vst.idx.add.f32.msk $0xffff, v2  }
0x1bb: {  	v7 =	vor.u32 v13, v7;
	v15 =	vshll.u32 v22, $0x4;
	[tilespmem:v9+s4+$0x0] =	vst.idx.add.f32.msk $0xffff, v2;
	v9 =	vor.u32 s2, v11  }
0x1bc: {  	v6 =	vand.u32 $0x3800, v6;
	v3 =	vand.u32 $0x7F, v3;
	v11 =	vor.u32 v17, v26  }
0x1bd: {  	v4 =	vor.u32 v4, v5;
	v3 =	vor.u32 v6, v3;
	v7 =	vor.u32 s2, v7;
	[tilespmem:v18+s4+$0x0] =	vst.idx.add.f32.msk $0xffff, v2  }
0x1be: {  	v4 =	vor.u32 s2, v4;
	[tilespmem:v20+s4+$0x0] =	vst.idx.add.f32.msk $0xffff, v2  }
0x1bf: {  	v3 =	vor.u32 s2, v3;
	[tilespmem:v8+s4+$0x0] =	vst.idx.add.f32.msk $0xffff, v2  }
0x1c0: {  	v6 =	vand.u32 $0x7F, v22;
	v5 =	vand.u32 $0x3800, v15;
	v8 =	vor.u32 s2, v12;
	[tilespmem:v10+s4+$0x0] =	vst.idx.add.f32.msk $0xffff, v2  }
0x1c1: {  	v5 =	vor.u32 v5, v6;
	v10 =	vor.u32 s2, v19;
	[tilespmem:v9+s4+$0x0] =	vst.idx.add.f32.msk $0xffff, v2;
	v9 =	vor.u32 s2, v14  }
0x1c2: {  	v5 =	vor.u32 s2, v5;
	[tilespmem:v7+s4+$0x0] =	vst.idx.add.f32.msk $0xffff, v2  }
0x1c3: {  	[tilespmem:v4+s4+$0x0] =	vst.idx.add.f32.msk $0xffff, v2  }
0x1c4: {  	[tilespmem:v3+s4+$0x0] =	vst.idx.add.f32.msk $0xffff, v2;
	v3 =	vor.u32 s2, v11;
	s2 =	smov.u32 s0  }
0x1c5: {  	[tilespmem:v8+s4+$0x0] =	vst.idx.add.f32.msk $0xffff, v2  }
0x1c6: {  	[tilespmem:v9+s4+$0x0] =	vst.idx.add.f32.msk $0xffff, v2  }
0x1c7: {  	s7 =	sshll.u32 s6, $0x8;
	[tilespmem:v10+s4+$0x0] =	vst.idx.add.f32.msk $0xffff, v2  }
0x1c8: {  	s7 =	sand.u32 $0x3FFFF800, s7;
	s5 =	sand.u32 $0x380, s0;
	[tilespmem:v5+s4+$0x0] =	vst.idx.add.f32.msk $0xffff, v2  }
0x1c9: {  	s7 =	sor.u32 s5, s7;
	[tilespmem:v3+s4+$0x0] =	vst.idx.add.f32.msk $0xffff, v2  }
0x1ca: {  	v3 =	vld [tilespmem:s7+$0x1020]  }
0x1cb: {  	v4 =	vld [tilespmem:s7+$0x1010]  }
0x1cc: {  	v5 =	vld [tilespmem:s7+$0x1000]  }
0x1cd: {  	v6 =	vld [tilespmem:s7+$0x1438]  }
0x1ce: {  	v7 =	vld [tilespmem:s7+$0x1030]  }
0x1cf: {  	v8 =	vld [tilespmem:s7+$0x1430]  }
0x1d0: {  	v9 =	vld [tilespmem:s7+$0x1040];
	v10 =	vshll.u32 v4, $0x4  }
0x1d1: {  	v13 =	vand.u32 $0x7F, v3;
	v11 =	vld [tilespmem:s7+$0x1050];
	v12 =	vshll.u32 v5, $0x4;
	v10 =	vand.u32 $0x3800, v10  }
0x1d2: {  	v4 =	vand.u32 $0x7F, v4;
	v14 =	vld [tilespmem:s7+$0x1420];
	v12 =	vand.u32 $0x3800, v12;
	v15 =	vand.u32 $0x7F, v6  }
0x1d3: {  	v3 =	vshll.u32 v3, $0x4;
	v5 =	vand.u32 $0x7F, v5;
	v4 =	vor.u32 v10, v4;
	v16 =	vld [tilespmem:s7+$0x1060]  }
0x1d4: {  	v17 =	vshll.u32 v7, $0x4;
	v5 =	vor.u32 v12, v5;
	v4 =	vor.u32 s0, v4;
	v10 =	vld [tilespmem:s7+$0x1410]  }
0x1d5: {  	v7 =	vand.u32 $0x7F, v7;
	v17 =	vand.u32 $0x3800, v17;
	v12 =	vld [tilespmem:s7+$0x1070];
	v18 =	vshll.u32 v9, $0x4  }
0x1d6: {  	v20 =	vshll.u32 v8, $0x4;
	v5 =	vor.u32 s0, v5;
	v19 =	vld [tilespmem:s7+$0x1400];
	v18 =	vand.u32 $0x3800, v18  }
0x1d7: {  	v3 =	vand.u32 $0x3800, v3;
	v9 =	vand.u32 $0x7F, v9;
	v7 =	vor.u32 v17, v7  }
0x1d8: {  	v3 =	vor.u32 v3, v13;
	v17 =	vshll.u32 v11, $0x4;
	v21 =	vshll.u32 v16, $0x4  }
0x1d9: {  	v3 =	vor.u32 s0, v3;
	v13 =	vand.u32 $0x3800, v21;
	v21 =	vshll.u32 v10, $0x4  }
0x1da: {  	v11 =	vand.u32 $0x7F, v11;
	v16 =	vand.u32 $0x7F, v16;
	v21 =	vand.u32 $0x3800, v21  }
0x1db: {  	s6 =	sshll.u32 s6, $0xB;
	v24 =	vshll.u32 v14, $0x4;
	v22 =	vshll.u32 v12, $0x4;
	v23 =	vand.u32 $0x7F, v19  }
0x1dc: {  	s6 =	sshra.s32 s6, $0x2;
	v14 =	vand.u32 $0x7F, v14;
	v12 =	vand.u32 $0x7F, v12;
	v22 =	vand.u32 $0x3800, v22  }
0x1dd: {  	s6 =	sand.u32 $0xFFFFF000, s6;
	v17 =	vand.u32 $0x3800, v17;
	v24 =	vand.u32 $0x3800, v24;
	v12 =	vor.u32 v22, v12  }
0x1de: {  	s5 =	sor.u32 s5, s6;
	v11 =	vor.u32 v17, v11;
	v10 =	vand.u32 $0x7F, v10;
	v12 =	vor.u32 s0, v12  }
0x1df: {  	v9 =	vor.u32 v18, v9;
	v14 =	vor.u32 v24, v14;
	v10 =	vor.u32 v21, v10;
	v17 =	vld [tilespmem:s5+$0x4050]  }
0x1e0: {  	v13 =	vor.u32 v13, v16;
	v19 =	vshll.u32 v19, $0x4;
	v10 =	vor.u32 s0, v10;
	v18 =	vld [tilespmem:s5+$0x4040]  }
0x1e1: {  	v7 =	vor.u32 s0, v7;
	v13 =	vor.u32 s0, v13;
	v19 =	vand.u32 $0x3800, v19;
	v16 =	vld [tilespmem:s5+$0x4030]  }
0x1e2: {  	v6 =	vshll.u32 v6, $0x4;
	v8 =	vand.u32 $0x7F, v8;
	v20 =	vand.u32 $0x3800, v20;
	v21 =	vld [tilespmem:s5+$0x4020]  }
0x1e3: {  	v6 =	vand.u32 $0x3800, v6;
	v8 =	vor.u32 v20, v8;
	v19 =	vor.u32 v19, v23;
	v22 =	vld [tilespmem:s5+$0x4010]  }
0x1e4: {  	v6 =	vor.u32 v6, v15;
	v9 =	vor.u32 s0, v9;
	v19 =	vor.u32 s0, v19;
	v20 =	vld [tilespmem:s5+$0x4000]  }
0x1e5: {  	v23 =	vshll.u32 v17, $0x4;
	v15 =	vshll.u32 v18, $0x4;
	[tilespmem:v5+s4+$0x0] =	vst.idx.add.f32.msk $0xffff, v1;
	v5 =	vor.u32 s0, v11  }
0x1e6: {  	v23 =	vand.u32 $0x3800, v23;
	v11 =	vshll.u32 v16, $0x4;
	[tilespmem:v4+s4+$0x0] =	vst.idx.add.f32.msk $0xffff, v1;
	v4 =	vor.u32 s0, v8  }
0x1e7: {  	v16 =	vand.u32 $0x7F, v16;
	v8 =	vshll.u32 v21, $0x4;
	[tilespmem:v3+s4+$0x0] =	vst.idx.add.f32.msk $0xffff, v1;
	v3 =	vor.u32 s0, v6  }
0x1e8: {  	v11 =	vand.u32 $0x3800, v11;
	v6 =	vshll.u32 v22, $0x4;
	v8 =	vand.u32 $0x3800, v8;
	[tilespmem:v7+s4+$0x0] =	vst.idx.add.f32.msk $0xffff, v1  }
0x1e9: {  	v22 =	vand.u32 $0x7F, v22;
	v7 =	vshll.u32 v20, $0x4;
	v6 =	vand.u32 $0x3800, v6;
	[tilespmem:v9+s4+$0x0] =	vst.idx.add.f32.msk $0xffff, v1  }
0x1ea: {  	v9 =	vand.u32 $0x7F, v20;
	v7 =	vand.u32 $0x3800, v7;
	[tilespmem:v5+s4+$0x0] =	vst.idx.add.f32.msk $0xffff, v1;
	v5 =	vor.u32 s0, v14  }
0x1eb: {  	v14 =	vand.u32 $0x7F, v21;
	v6 =	vor.u32 v6, v22;
	[tilespmem:v13+s4+$0x0] =	vst.idx.add.f32.msk $0xffff, v1;
	v7 =	vor.u32 v7, v9  }
0x1ec: {  	v11 =	vor.u32 v11, v16;
	v9 =	vand.u32 $0x7F, v17;
	v8 =	vor.u32 v8, v14;
	[tilespmem:v12+s4+$0x0] =	vst.idx.add.f32.msk $0xffff, v1  }
0x1ed: {  	v7 =	vor.u32 s0, v7;
	v9 =	vor.u32 v23, v9;
	[tilespmem:v19+s4+$0x0] =	vst.idx.add.f32.msk $0xffff, v1  }
0x1ee: {  	v6 =	vor.u32 s0, v6;
	[tilespmem:v10+s4+$0x0] =	vst.idx.add.f32.msk $0xffff, v1  }
0x1ef: {  	v12 =	vand.u32 $0x7F, v18;
	v10 =	vand.u32 $0x3800, v15;
	[tilespmem:v5+s4+$0x0] =	vst.idx.add.f32.msk $0xffff, v1;
	v5 =	vor.u32 s0, v8  }
0x1f0: {  	v8 =	vor.u32 v10, v12;
	[tilespmem:v4+s4+$0x0] =	vst.idx.add.f32.msk $0xffff, v1;
	v4 =	vor.u32 s0, v11  }
0x1f1: {  	[tilespmem:v3+s4+$0x0] =	vst.idx.add.f32.msk vm0, v1;
	v3 =	vor.u32 s0, v8  }
0x1f2: {  	[tilespmem:v7+s4+$0x0] =	vst.idx.add.f32.msk $0xffff, v2;
	v7 =	vor.u32 s0, v9  }
0x1f3: {  	[tilespmem:v6+s4+$0x0] =	vst.idx.add.f32.msk $0xffff, v2  }
0x1f4: {  	[tilespmem:v5+s4+$0x0] =	vst.idx.add.f32.msk $0xffff, v2  }
0x1f5: {  	[tilespmem:v4+s4+$0x0] =	vst.idx.add.f32.msk $0xffff, v2  }
0x1f6: {  	[tilespmem:v3+s4+$0x0] =	vst.idx.add.f32.msk $0xffff, v2  }
0x1f7: {  	[tilespmem:v7+s4+$0x0] =	vst.idx.add.f32.msk $0xffff, v2  }
0x1f8: {  	v5 =	vld [tilespmem:s5+$0x4820]  }
0x1f9: {  	v6 =	vld [tilespmem:s5+$0x4070]  }
0x1fa: {  	v3 =	vld [tilespmem:s5+$0x4830]  }
0x1fb: {  	v7 =	vld [tilespmem:s5+$0x4810]  }
0x1fc: {  	v8 =	vld [tilespmem:s5+$0x4800]  }
0x1fd: {  	v10 =	vld [tilespmem:s5+$0x4470];
	v4 =	vshll.u32 v5, $0x4  }
0x1fe: {  	v5 =	vand.u32 $0x7F, v5;
	v11 =	vld [tilespmem:s5+$0x4460];
	v9 =	vshll.u32 v6, $0x4;
	v4 =	vand.u32 $0x3800, v4  }
0x1ff: {  	v14 =	vand.u32 $0x7F, v6;
	v12 =	vld [tilespmem:s5+$0x4060];
	v9 =	vand.u32 $0x3800, v9;
	v6 =	vshll.u32 v3, $0x4  }
0x200: {  	v16 =	vld [tilespmem:s5+$0x4400];
	v13 =	vshll.u32 v7, $0x4;
	v7 =	vand.u32 $0x7F, v7;
	v9 =	vor.u32 v9, v14  }
0x201: {  	v14 =	vld [tilespmem:s5+$0x4410];
	v17 =	vshll.u32 v8, $0x4;
	v22 =	vand.u32 $0x7F, v8;
	v9 =	vor.u32 s0, v9  }
0x202: {  	v15 =	vld [tilespmem:s5+$0x4420];
	v8 =	vshll.u32 v10, $0x4;
	v10 =	vand.u32 $0x7F, v10;
	v23 =	vand.u32 $0x3800, v17  }
0x203: {  	v18 =	vld [tilespmem:s5+$0x4440];
	v17 =	vshll.u32 v11, $0x4;
	v11 =	vand.u32 $0x7F, v11;
	v20 =	vand.u32 $0x3800, v8  }
.Ltmp3:
0x204: {  	v19 =	vld [tilespmem:s5+$0x4430];
	v8 =	vshll.u32 v12, $0x4;
	v12 =	vand.u32 $0x7F, v12;
	v17 =	vand.u32 $0x3800, v17;
	(pc) =	sbr.rel @p1 .LBB2_9-.Ltmp3, $4  }
0x205: {  	v21 =	vand.u32 $0x3800, v8;
	v24 =	vshll.u32 v16, $0x4;
	v8 =	vor.u32 v17, v11  }
0x206: {  	v16 =	vand.u32 $0x7F, v16;
	v11 =	vand.u32 $0x3800, v24;
	v21 =	vor.u32 v21, v12  }
0x207: {  	v10 =	vor.u32 v20, v10;
	v17 =	vand.u32 $0x7F, v14;
	v12 =	vld [tilespmem:s5+$0x4840];
	v11 =	vor.u32 v11, v16  }
0x208: {  	v21 =	vor.u32 s0, v21;
	v20 =	vld [tilespmem:s5+$0x4C00];
	v16 =	vor.u32 s0, v11;
	v11 =	vor.u32 v23, v22  }
0x209: {  	v22 =	vand.u32 $0x7F, v19  }
0x20a: {  	v23 =	vshll.u32 v18, $0x4;
	v13 =	vand.u32 $0x3800, v13;
	v14 =	vshll.u32 v14, $0x4  }
0x20b: {  	v24 =	vshll.u32 v15, $0x4;
	v42 =	vand.u32 $0x7F, v18;
	v43 =	vshll.u32 v19, $0x4;
	v25 =	vld [tilespmem:s5+$0x4450]  }
0x20c: {  	v44 =	vand.u32 $0x7F, v15;
	v8 =	vor.u32 s2, v8;
	v10 =	vor.u32 s2, v10  }
0x20d: {  	v11 =	vor.u32 s2, v11;
	v24 =	vand.u32 $0x3800, v24;
	v14 =	vand.u32 $0x3800, v14  }
0x20e: {  	v26 =	vld [tilespmem:s5+$0x4860];
	v19 =	vand.u32 $0x3800, v43;
	v49 =	vand.u32 $0x3800, v23;
	v14 =	vor.u32 v14, v17  }
0x20f: {  	v45 =	vld [tilespmem:s5+$0x4850];
	v15 =	vor.u32 v24, v44;
	v46 =	vor.u32 v19, v22;
	v14 =	vor.u32 s2, v14  }
0x210: {  	v48 =	vld [tilespmem:s5+$0x4870];
	v18 =	vor.u32 v49, v42;
	v15 =	vor.u32 s2, v15;
	v50 =	vshll.u32 v25, $0x4  }
0x211: {  	[tilespmem:v21+s4+$0x0] =	vst.idx.add.f32.msk $0xffff, v2;
	v17 =	vor.u32 s2, v46;
	v52 =	vand.u32 $0x7F, v25;
	v51 =	vand.u32 $0x3800, v50  }
0x212: {  	v6 =	vand.u32 $0x3800, v6;
	[tilespmem:v9+s4+$0x0] =	vst.idx.add.f32.msk $0xffff, v2;
	v18 =	vor.u32 s2, v18;
	v21 =	vor.u32 v51, v52  }
0x213: {  	v3 =	vand.u32 $0x7F, v3;
	v4 =	vor.u32 v4, v5;
	[tilespmem:v16+s4+$0x0] =	vst.idx.add.f32.msk $0xffff, v2;
	v21 =	vor.u32 s2, v21  }
0x214: {  	v7 =	vor.u32 v13, v7;
	v3 =	vor.u32 v6, v3;
	v4 =	vor.u32 s2, v4;
	[tilespmem:v14+s4+$0x0] =	vst.idx.add.f32.msk $0xffff, v2  }
0x215: {  	v7 =	vor.u32 s2, v7;
	v3 =	vor.u32 s2, v3;
	v27 =	vand.u32 $0x7F, v12;
	[tilespmem:v15+s4+$0x0] =	vst.idx.add.f32.msk $0xffff, v2  }
0x216: {  	v57 =	vshll.u32 v12, $0x4;
	v28 =	vand.u32 $0x7F, v20;
	v47 =	vshll.u32 v20, $0x4;
	[tilespmem:v17+s4+$0x0] =	vst.idx.add.f32.msk $0xffff, v2  }
0x217: {  	v58 =	vand.u32 $0x3800, v57;
	v53 =	vshll.u32 v26, $0x4;
	v54 =	vand.u32 $0x7F, v26;
	[tilespmem:v18+s4+$0x0] =	vst.idx.add.f32.msk $0xffff, v2  }
0x218: {  	v55 =	vand.u32 $0x7F, v45;
	v56 =	vshll.u32 v45, $0x4;
	v5 =	vor.u32 v58, v27;
	[tilespmem:v21+s4+$0x0] =	vst.idx.add.f32.msk $0xffff, v2  }
0x219: {  	v60 =	vshll.u32 v48, $0x4;
	v61 =	vand.u32 $0x7F, v48;
	v59 =	vand.u32 $0x3800, v56;
	[tilespmem:v8+s4+$0x0] =	vst.idx.add.f32.msk $0xffff, v2  }
0x21a: {  	v9 =	vand.u32 $0x3800, v53;
	v5 =	vor.u32 s2, v5;
	v6 =	vor.u32 v59, v55;
	[tilespmem:v10+s4+$0x0] =	vst.idx.add.f32.msk $0xffff, v2  }
0x21b: {  	v9 =	vor.u32 v9, v54;
	v6 =	vor.u32 s2, v6;
	v8 =	vand.u32 $0x3800, v60;
	[tilespmem:v11+s4+$0x0] =	vst.idx.add.f32.msk $0xffff, v2  }
0x21c: {  	v62 =	vand.u32 $0x3800, v47;
	v9 =	vor.u32 s2, v9;
	v8 =	vor.u32 v8, v61;
	[tilespmem:v7+s4+$0x0] =	vst.idx.add.f32.msk $0xffff, v2  }
0x21d: {  	v63 =	vor.u32 v62, v28;
	v8 =	vor.u32 s2, v8;
	[tilespmem:v4+s4+$0x0] =	vst.idx.add.f32.msk $0xffff, v2  }
0x21e: {  	[tilespmem:v3+s4+$0x0] =	vst.idx.add.f32.msk $0xffff, v2;
	v3 =	vor.u32 s2, v63  }
0x21f: {  	[tilespmem:v5+s4+$0x0] =	vst.idx.add.f32.msk $0xffff, v2  }
0x220: {  	[tilespmem:v6+s4+$0x0] =	vst.idx.add.f32.msk $0xffff, v2  }
0x221: {  	[tilespmem:v9+s4+$0x0] =	vst.idx.add.f32.msk $0xffff, v2  }
0x222: {  	[tilespmem:v8+s4+$0x0] =	vst.idx.add.f32.msk $0xffff, v2  }
0x223: {  	s0 =	simm.s32 @p0 $0x0;
	s2 =	simm.s32 @p0 $0x1000;
	[tilespmem:v3+s4+$0x0] =	vst.idx.add.f32.msk $0xffff, v2  }
0x224: {  	[tilespmem:s2], [sflag:$0x2] =	stream.linear.gather @p0 [hbm4b:s17+s0], $0x1000, $0x38;
	[tilespmem:$0xE000] =	vst v63  }
0x225: {  	s2 =	simm.s32 @p0 $0x4000  }
0x226: {  	[tilespmem:s2], [sflag:$0x4] =	stream.linear.gather @p0 [hbm4b:s18+s0], $0x2000, $0x38;
	[tilespmem:$0xE000] =	vst v63  }
0x227: {  	s0 =	sor.u32 $0x100, s31  }
0x228: {  	s6 =	sadd.s32 s3, s0  }
0x229: {  	[hbm4b:s6+s1] =	stream.linear.scatter [tilespmem:s4], [sflag:$0x6], $0x800, $0x38;
	[tilespmem:$0xE000] =	vst v63  }
0x22a: {  	s21 =	simm.s32 $0xA800;
	s7 =	sadd.s32 s0, s10  }
0x22b: {  	[hbm4b:s7+s1] =	stream.linear.scatter [tilespmem:s21], [sflag:$0x6], $0x800, $0x38;
	[tilespmem:$0xE000] =	vst v63  }
0x22c: {  	s5 =	sadd.s32 s0, s11;
	s6 =	simm.s32 $0xB000  }
0x22d: {  	[hbm4b:s5+s1] =	stream.linear.scatter [tilespmem:s6], [sflag:$0x6], $0x800, $0x38;
	[tilespmem:$0xE000] =	vst v63  }
0x22e: {  	s7 =	sadd.s32 s0, s12;
	s21 =	simm.s32 $0xB800  }
0x22f: {  	[hbm4b:s7+s1] =	stream.linear.scatter [tilespmem:s21], [sflag:$0x6], $0x800, $0x38;
	[tilespmem:$0xE000] =	vst v63  }
0x230: {  	s6 =	sadd.s32 s0, s13  }
0x231: {  	[hbm4b:s6+s1] =	stream.linear.scatter [tilespmem:s19], [sflag:$0x6], $0x800, $0x38;
	[tilespmem:$0xE000] =	vst v63  }
0x232: {  	s7 =	sadd.s32 s0, s14  }
0x233: {  	[hbm4b:s7+s1] =	stream.linear.scatter [tilespmem:s28], [sflag:$0x6], $0x800, $0x38;
	[tilespmem:$0xE000] =	vst v63  }
.Ltmp4:
0x234: {  	_ = 	snop;
	(pc) =	sbr.rel @p0 .LBB2_2-.Ltmp4, $4  }
0x235: {  	s21 =	sadd.s32 s0, s15  }
0x236: {  	[hbm4b:s21+s1] =	stream.linear.scatter [tilespmem:s29], [sflag:$0x6], $0x800, $0x38;
	[tilespmem:$0xE000] =	vst v63  }
0x237: {  	p1 =	por $0x0, $0x0;
	s31 =	simm.s32 $0x200;
	s0 =	sadd.s32 s0, s16  }
0x238: {  	[hbm4b:s0+s1] =	stream.linear.scatter [tilespmem:s30], [sflag:$0x6], $0x800, $0x38;
	[tilespmem:$0xE000] =	vst v63  }
0x239: {  	s0 =	simm.s32 $0x5  }
0x23a: {  	_ =	swait.ge [sflag:s0], $0x800  }
0x23b: {  	[sflag:s0] =	ssyncset.done $0x0  }
0x23c: {  	[sflag:s0] =	ssyncadd.s32 $0xFFFFF800  }
0x23d: {  	_ =	swait.ge [sflag:s0], $0x800  }
0x23e: {  	[sflag:s0] =	ssyncset.done $0x0  }
0x23f: {  	[sflag:s0] =	ssyncadd.s32 $0xFFFFF800  }
0x240: {  	_ =	swait.ge [sflag:s0], $0x800  }
0x241: {  	[sflag:s0] =	ssyncset.done $0x0  }
0x242: {  	[sflag:s0] =	ssyncadd.s32 $0xFFFFF800  }
0x243: {  	_ =	swait.ge [sflag:s0], $0x800  }
0x244: {  	[sflag:s0] =	ssyncset.done $0x0  }
0x245: {  	[sflag:s0] =	ssyncadd.s32 $0xFFFFF800  }
0x246: {  	_ =	swait.ge [sflag:s0], $0x800  }
0x247: {  	[sflag:s0] =	ssyncset.done $0x0  }
0x248: {  	[sflag:s0] =	ssyncadd.s32 $0xFFFFF800  }
0x249: {  	_ =	swait.ge [sflag:s0], $0x800  }
0x24a: {  	[sflag:s0] =	ssyncset.done $0x0  }
0x24b: {  	[sflag:s0] =	ssyncadd.s32 $0xFFFFF800  }
0x24c: {  	_ =	swait.ge [sflag:s0], $0x800  }
0x24d: {  	[sflag:s0] =	ssyncset.done $0x0  }
0x24e: {  	[sflag:s0] =	ssyncadd.s32 $0xFFFFF800  }
0x24f: {  	_ =	swait.ge [sflag:s0], $0x800  }
0x250: {  	[sflag:s0] =	ssyncset.done $0x0  }
0x251: {  	s2 =	simm.s32 $0x6;
	[sflag:s0] =	ssyncadd.s32 $0xFFFFF800  }
0x252: {  	_ =	swait.ge [sflag:s2], $0x800  }
0x253: {  	[sflag:s2] =	ssyncset.done $0x0  }
0x254: {  	[sflag:s2] =	ssyncadd.s32 $0xFFFFF800  }
0x255: {  	_ =	swait.ge [sflag:s2], $0x800  }
0x256: {  	[sflag:s2] =	ssyncset.done $0x0  }
0x257: {  	[sflag:s2] =	ssyncadd.s32 $0xFFFFF800  }
0x258: {  	_ =	swait.ge [sflag:s2], $0x800  }
0x259: {  	[sflag:s2] =	ssyncset.done $0x0  }
0x25a: {  	[sflag:s2] =	ssyncadd.s32 $0xFFFFF800  }
0x25b: {  	_ =	swait.ge [sflag:s2], $0x800  }
0x25c: {  	[sflag:s2] =	ssyncset.done $0x0  }
0x25d: {  	[sflag:s2] =	ssyncadd.s32 $0xFFFFF800  }
0x25e: {  	_ =	swait.ge [sflag:s2], $0x800  }
0x25f: {  	[sflag:s2] =	ssyncset.done $0x0  }
0x260: {  	[sflag:s2] =	ssyncadd.s32 $0xFFFFF800  }
0x261: {  	_ =	swait.ge [sflag:s2], $0x800  }
0x262: {  	[sflag:s2] =	ssyncset.done $0x0  }
0x263: {  	[sflag:s2] =	ssyncadd.s32 $0xFFFFF800  }
0x264: {  	_ =	swait.ge [sflag:s2], $0x800  }
0x265: {  	[sflag:s2] =	ssyncset.done $0x0  }
0x266: {  	[sflag:s2] =	ssyncadd.s32 $0xFFFFF800  }
0x267: {  	_ =	swait.ge [sflag:s2], $0x800  }
0x268: {  	s5 =	rddreg [dreg:$0x7]  }
0x269: {  	s31 =	rddreg [dreg:$0x6];
	s5 =	sadd.s32 $0x1, s5  }
0x26a: {  	p0 =	sne.s32 s5, s31  }
.Ltmp5:
0x26b: {  	_ = 	snop;
	(pc) =	sbr.rel @p0 .LBB2_1-.Ltmp5, $3  }
0x26c: {  	_ =	sdelay $0x1  }
0x26d: {  	[sflag:s2] =	ssyncset.done $0x0  }
0x26e: {  	[sflag:s2] =	ssyncadd.s32 $0xFFFFF800  }
0x26f: {  	_ =	sfence.sel $0x180000  }
0x270: {  	[bflag:$0x0] =	sbarrier.arrive $0xFFFF  }
0x271: {  	_ =	strace $0x90000047  }
0x272: {  	s0 =	stileid.u32;
	[bflag:$0x2] =	sbarrier.arrive $0xFFFF  }
0x273: {  	p0 =	sne.s32 s0, $0x0;
	s0 =	rddreg [dreg:$0x1]  }
0x274: {  	s0 =	sadd.s32 @!p0 $0x100000, s0  }
0x275: {  	[sflag:s0] =	ssyncadd.tile.s32 @!p0 $0x1;
	_ =	shalt  }
.Lfunc_end2:
_tile_overlayer_lowered:
.L_overlay_start_2:
0x276: {  	(tag) =	ssettag $0x2  }
0x277: {  	s0 =	rddreg [dreg:$0x0];
	s2 =	stileid.u32  }
0x278: {  	s1 =	rddreg [dreg:$0x1];
	p0 =	sne.s32 s2, $0x0  }
0x279: {  	s3 =	rddreg [dreg:$0x2];
	[bflag:$0x3] =	sbarrier.arrive $0xFFFF;
	s2 =	simm.s32 @!p0 $0x1C07  }
0x27a: {  	[timem:s3], [sflag:s2] =	dma.local @!p0 [hbm:s0], s1  }
0x27b: {  	s0 =	simm.s32 @!p0 $0x7  }
0x27c: {  	_ =	swait.ge @!p0 [sflag:s0], s1  }
0x27d: {  	s1 =	ssub.s32 @!p0 $0x0, s1;
	[sflag:s0] =	ssyncset.done @!p0 $0x0  }
0x27e: {  	[sflag:s0] =	ssyncadd.s32 @!p0 s1  }
0x27f: {  	[bflag:$0x3] =	sbarrier.arrive $0xFFFF  }
0x280: {  	_ =	shalt  }

</sc_bundles>
